<compile_context>
chip_gen: v7x
topology: tpu7x:2x2x1
jax: 0.10.2.dev20260603
libtpu: 0.0.44.dev20260713+nightly
codegen_flags: <defaults>
</compile_context>

<pallas_src>
import jax
import jax.numpy as jnp
from jax import lax
from jax.experimental import pallas as pl
from jax.experimental.pallas import tpu as pltpu
from jax.experimental.pallas import tpu_sc as plsc

N_NODES = 10000
N_EDGES = 320000
D_FEAT = 128
DH = 64
CHUNK = 128
NS = 16
NC = 2
NPAD = 10240
BLK = 80
NBLK = NPAD // BLK
NOUT = N_NODES // BLK
GSZ = 16
NBUF = 4
GROUPS = 10
CPT = GSZ * GROUPS
NCHUNKS = CPT * NS
E_PAD = NCHUNKS * CHUNK


def _gin_body(node, idx2, eps, out, tbl, acc, rows,
              pidx2, epsv, gs0, gs1, gs2, gs3, ss0, ss1, ss2, ss3,
              is0, is1):
    c = lax.axis_index("c")
    s = lax.axis_index("s")
    gsems = (gs0, gs1, gs2, gs3)
    ssems = (ss0, ss1, ss2, ss3)
    isems = (is0, is1)
    col0 = pl.multiple_of(c * DH, DH)

    def idx_load(j0, par):
        pltpu.async_copy(idx2.at[pl.ds(j0, GSZ)], pidx2.at[par], isems[par])

    def idx_wait(par):
        pltpu.make_async_copy(idx2.at[pl.ds(0, GSZ)], pidx2.at[par],
                              isems[par]).wait()

    idx_load(s * CPT, 0)

    pltpu.sync_copy(eps, epsv)
    scale = epsv[...] + 1.0

    KPT = NBLK // NS

    def srow(slot):
        def body(r, carry):
            for c4 in range(DH // 16):
                dsl = pl.ds(c4 * 16, 16)
                rows[slot, r, dsl] = rows[slot, r, dsl] * scale
            return carry
        return body

    def stage_read(k, slot):
        blk = s + NS * k
        off = blk * BLK

        @pl.when(blk < NOUT)
        def _():
            pltpu.async_copy(node.at[pl.ds(off, BLK), pl.ds(col0, DH)],
                             rows.at[slot, pl.ds(0, BLK)], gsems[slot])

    def stage_wait(k, slot):
        @pl.when(s + NS * k < NOUT)
        def _():
            pltpu.make_async_copy(node.at[pl.ds(0, BLK), pl.ds(col0, DH)],
                                  rows.at[slot, pl.ds(0, BLK)],
                                  gsems[slot]).wait()

    stage_read(0, 0)
    for k in range(KPT):
        slot = k % 2
        blk = s + NS * k
        off = blk * BLK
        stage_wait(k, slot)
        if k + 1 < KPT:
            stage_read(k + 1, 1 - slot)

        @pl.when(blk < NOUT)
        def _():
            pltpu.sync_copy(rows.at[slot, pl.ds(0, BLK)],
                            tbl.at[pl.ds(off, BLK)])
            lax.fori_loop(0, BLK, srow(slot), 0)
            pltpu.sync_copy(rows.at[slot, pl.ds(0, BLK)],
                            acc.at[pl.ds(off, BLK)])

    plsc.subcore_barrier()

    def wait_scatter(slot, par):
        pltpu.make_async_copy(rows.at[slot], acc.at[pidx2.at[0, 0, 1]],
                              ssems[slot]).wait()

    def pair(gg, carry):
        for par in range(2):
            g = gg * 2 + par
            idx_wait(par)
            jn = jnp.minimum(s * CPT + (g + 1) * GSZ, NCHUNKS - GSZ)
            gcp = {}
            for q in range(GSZ):
                slot = q % NBUF
                if q < NBUF and par == 0:
                    @pl.when(gg >= 1)
                    def _():
                        wait_scatter(slot, par)
                else:
                    wait_scatter(slot, par)
                if q == NBUF:
                    idx_load(jn, 1 - par)
                gcp[q] = pltpu.async_copy(
                    tbl.at[pidx2.at[par, q, 0]], rows.at[slot], gsems[slot])
                if q >= 1:
                    p = q - 1
                    gcp[p].wait()
                    pltpu.async_copy(
                        rows.at[p % NBUF], acc.at[pidx2.at[par, p, 1]],
                        ssems[p % NBUF], add=True)
            gcp[GSZ - 1].wait()
            pltpu.async_copy(
                rows.at[(GSZ - 1) % NBUF], acc.at[pidx2.at[par, GSZ - 1, 1]],
                ssems[(GSZ - 1) % NBUF], add=True)
        return carry

    lax.fori_loop(0, GROUPS // 2, pair, 0)
    for slot in range(NBUF):
        wait_scatter(slot, 0)
    idx_wait(0)
    plsc.subcore_barrier()

    for k in range(NBLK // NS):
        blk = s + NS * k
        off = blk * BLK

        @pl.when(blk < NOUT)
        def _():
            pltpu.async_copy(acc.at[pl.ds(off, BLK)],
                             out.at[pl.ds(off, BLK), pl.ds(col0, DH)],
                             ssems[k % NBUF])

    for k in range(NBLK // NS):
        blk = s + NS * k
        off = blk * BLK

        @pl.when(blk < NOUT)
        def _():
            pltpu.make_async_copy(acc.at[pl.ds(off, BLK)],
                                  out.at[pl.ds(off, BLK), pl.ds(col0, DH)],
                                  ssems[k % NBUF]).wait()


def kernel(node, edge_index, eps_k):
    epad = E_PAD - N_EDGES
    srcp = jnp.concatenate(
        [edge_index[1],
         jnp.full((epad,), N_NODES, jnp.int32)]).reshape(NCHUNKS, CHUNK)
    dst3 = jnp.concatenate(
        [edge_index[0],
         jnp.full((epad,), NPAD - 1, jnp.int32)]).reshape(NCHUNKS, CHUNK)
    idx2 = jnp.stack([srcp, dst3], axis=1)
    eps = jnp.broadcast_to(jnp.reshape(eps_k.astype(jnp.float32), (1,)), (16,))

    mesh = plsc.VectorSubcoreMesh(core_axis_name="c", subcore_axis_name="s")
    run = pl.kernel(
        _gin_body,
        out_type=jax.ShapeDtypeStruct((N_NODES, D_FEAT), jnp.float32),
        mesh=mesh,
        compiler_params=pltpu.CompilerParams(use_tc_tiling_on_sc=False),
        scratch_types=[
            pltpu.VMEM_SHARED((NPAD, DH), jnp.float32),
            pltpu.VMEM_SHARED((NPAD, DH), jnp.float32),
            pltpu.VMEM((NBUF, CHUNK, DH), jnp.float32),
            pltpu.VMEM((2, GSZ, 2, CHUNK), jnp.int32),
            pltpu.VMEM((16,), jnp.float32),
        ] + [pltpu.SemaphoreType.DMA] * 10,
    )
    return run(node, idx2, eps)

# --- scband reference (transcript-rebuilt; emitter-appended) ---
"""Pipeline reference for scband-gin-24953759989866 (READ-ONLY COPY).

The authoritative reference and input builder live on the scoring server;
editing this copy changes nothing except your own understanding.
"""

import jax, jax.numpy as jnp
import numpy as np

N_NODES = 10000
N_EDGES = 320000
D_FEAT = 128

def setup_inputs(seed: int = 0) -> dict:
    key = jax.random.key(seed)
    k1, k2 = jax.random.split(key)
    node = jax.random.normal(k1, (N_NODES, D_FEAT), dtype=jnp.float32)
    edge_index = jax.random.randint(k2, (2, N_EDGES), 0, N_NODES, dtype=jnp.int64 if jax.config.jax_enable_x64 else jnp.int32).astype(jnp.int32)
    # epsilon_k weight (initializer='zeros', scalar)
    eps_k = jnp.zeros((), dtype=jnp.float32)
    return {"node": node, "edge_index": edge_index, "eps_k": eps_k}

def reference(node, edge_index, eps_k):
    # GatherNodesOutgoing: gather sending-node features at edge_index[1]
    ed = jnp.take(node, edge_index[1], axis=0)  # (M, F)
    # AggregateLocalEdges with scatter_sum: pool edge messages to receiving nodes edge_index[0]
    nu = jax.ops.segment_sum(ed, edge_index[0], num_segments=N_NODES)  # (N, F)
    # (1 + eps) * node + aggregated neighbors
    no = (jnp.asarray(1.0, dtype=eps_k.dtype) + eps_k) * node
    out = no + nu
    return out

if __name__ == "__main__":
    import jax
    _d = setup_inputs()
    print(jax.jit(kernel)(*tuple(_d.values())))

</pallas_src>

<mosaic_0001>
#map = affine_map<(d0, d1) -> (0, 0)>
#map1 = affine_map<(d0, d1) -> (0, 0, 0)>
#map2 = affine_map<(d0, d1) -> (0)>
module attributes {stable_mosaic.version = 14 : i64} {
  func.func @_gin_body(%arg0: i32, %arg1: i32, %arg2: memref<10000x128xf32, #tpu.memory_space<hbm>>, %arg3: memref<2560x2x128xi32, #tpu.memory_space<hbm>>, %arg4: memref<16xf32, #tpu.memory_space<hbm>>, %arg5: memref<10000x128xf32, #tpu.memory_space<hbm>>, %arg6: memref<10240x64xf32, #tpu.memory_space<vmem_shared>>, %arg7: memref<10240x64xf32, #tpu.memory_space<vmem_shared>>, %arg8: memref<4x128x64xf32, #tpu.memory_space<vmem>>, %arg9: memref<2x16x2x128xi32, #tpu.memory_space<vmem>>, %arg10: memref<16xf32, #tpu.memory_space<vmem>>, %arg11: memref<!tpu.dma_semaphore, #tpu.memory_space<semaphore_mem>>, %arg12: memref<!tpu.dma_semaphore, #tpu.memory_space<semaphore_mem>>, %arg13: memref<!tpu.dma_semaphore, #tpu.memory_space<semaphore_mem>>, %arg14: memref<!tpu.dma_semaphore, #tpu.memory_space<semaphore_mem>>, %arg15: memref<!tpu.dma_semaphore, #tpu.memory_space<semaphore_mem>>, %arg16: memref<!tpu.dma_semaphore, #tpu.memory_space<semaphore_mem>>, %arg17: memref<!tpu.dma_semaphore, #tpu.memory_space<semaphore_mem>>, %arg18: memref<!tpu.dma_semaphore, #tpu.memory_space<semaphore_mem>>, %arg19: memref<!tpu.dma_semaphore, #tpu.memory_space<semaphore_mem>>, %arg20: memref<!tpu.dma_semaphore, #tpu.memory_space<semaphore_mem>>) attributes {dimension_semantics = [#tpu.dimension_semantics<core_parallel>, #tpu.dimension_semantics<subcore_parallel>], iteration_bounds = array<i64: 2, 16>, scalar_prefetch = 0 : i64, scratch_operands = 15 : i64, tpu.core_type = #tpu.core_type<sc_vector_subcore>, window_params = [{transform_indices = #map}, {transform_indices = #map1}, {transform_indices = #map2}, {transform_indices = #map}]} {
    %mul3A = arith.constant 64 : i32
    %mul3A_0 = arith.muli %arg0, %mul3A : i32
    %multiple_of3A = tpu.assume_multiple %mul3A_0, 64 : i32
    %mul3A_1 = arith.constant 160 : i32
    %mul3A_2 = arith.muli %arg1, %mul3A_1 : i32
    %dma_start3A = arith.constant 0 : i32
    %dma_start3A_3 = arith.constant 0 : i32
    %dma_start3A_4 = arith.constant 0 : i32
    %dma_start3A_5 = arith.constant 0 : i32
    %dma_start3A_6 = tpu.memref_slice %arg9[%dma_start3A, %dma_start3A_3, %dma_start3A_4, %dma_start3A_5] : memref<2x16x2x128xi32, #tpu.memory_space<vmem>> -> memref<1x16x2x128xi32, #tpu.memory_space<vmem>>
    %dma_start3A_7 = tpu.memref_squeeze %dma_start3A_6 : memref<1x16x2x128xi32, #tpu.memory_space<vmem>> -> memref<16x2x128xi32, #tpu.memory_space<vmem>>
    %dma_start3A_8 = arith.constant 0 : i32
    %dma_start3A_9 = arith.constant 0 : i32
    %dma_start3A_10 = tpu.memref_slice %arg3[%mul3A_2, %dma_start3A_8, %dma_start3A_9] : memref<2560x2x128xi32, #tpu.memory_space<hbm>> -> memref<16x2x128xi32, #tpu.memory_space<hbm>>
    %dma_start3A_11 = arith.constant 0 : i32
    %dma_start3A_12 = arith.constant 0 : i32
    %dma_start3A_13 = arith.constant 0 : i32
    %dma_start3A_14 = tpu.memref_slice %arg9[%dma_start3A, %dma_start3A_11, %dma_start3A_12, %dma_start3A_13] : memref<2x16x2x128xi32, #tpu.memory_space<vmem>> -> memref<1x16x2x128xi32, #tpu.memory_space<vmem>>
    %dma_start3A_15 = tpu.memref_squeeze %dma_start3A_14 : memref<1x16x2x128xi32, #tpu.memory_space<vmem>> -> memref<16x2x128xi32, #tpu.memory_space<vmem>>
    %dma_start3A_16 = arith.constant 0 : i32
    %dma_start3A_17 = arith.constant 0 : i32
    %dma_start3A_18 = tpu.memref_slice %arg3[%mul3A_2, %dma_start3A_16, %dma_start3A_17] : memref<2560x2x128xi32, #tpu.memory_space<hbm>> -> memref<16x2x128xi32, #tpu.memory_space<hbm>>
    tpu.enqueue_dma source(%dma_start3A_18 : memref<16x2x128xi32, #tpu.memory_space<hbm>>) target(%dma_start3A_15 : memref<16x2x128xi32, #tpu.memory_space<vmem>>) target_semaphore(%arg19 : memref<!tpu.dma_semaphore, #tpu.memory_space<semaphore_mem>>)
    "tpu.region"() ({
      %run_scoped3A = tpu.sem_alloc : memref<!tpu.dma_semaphore, #tpu.memory_space<semaphore_mem>>
      tpu.enqueue_dma source(%arg4 : memref<16xf32, #tpu.memory_space<hbm>>) target(%arg10 : memref<16xf32, #tpu.memory_space<vmem>>) target_semaphore(%run_scoped3A : memref<!tpu.dma_semaphore, #tpu.memory_space<semaphore_mem>>)
      tpu.wait_dma2 semaphore(%run_scoped3A : memref<!tpu.dma_semaphore, #tpu.memory_space<semaphore_mem>>) src(%arg4 : memref<16xf32, #tpu.memory_space<hbm>>) dst(%arg10 : memref<16xf32, #tpu.memory_space<vmem>>)
      tpu.yield
    }) : () -> ()
    %get3A = arith.constant 0 : index
    %get3A_19 = tpu.vector_load %arg10[%get3A] {strides = array<i32>} : memref<16xf32, #tpu.memory_space<vmem>>, vector<16xf32>,
    %get3A_20 = vector.shape_cast %get3A_19 : vector<16xf32> to vector<16xf32>
    %add3A = arith.constant 1.000000e+00 : f32
    %add3A_21 = vector.broadcast %add3A : f32 to vector<16xf32>
    %add3A_22 = arith.addf %get3A_20, %add3A_21 : vector<16xf32>
    %add3A_23 = arith.constant 0 : i32
    %add3A_24 = arith.addi %arg1, %add3A_23 : i32
    %mul3A_25 = arith.constant 80 : i32
    %mul3A_26 = arith.muli %add3A_24, %mul3A_25 : i32
    %lt3A = arith.constant 125 : i32
    %lt3A_27 = arith.cmpi slt, %add3A_24, %lt3A : i32
    %convert_element_type3A = arith.extui %lt3A_27 : i1 to i32
    %cond3A = arith.constant 0 : i32
    %cond3A_28 = arith.cmpi ne, %convert_element_type3A, %cond3A : i32
    scf.if %cond3A_28 {
      %dma_start3A_444 = arith.constant 0 : i32
      %dma_start3A_445 = arith.constant 0 : i32
      %dma_start3A_446 = arith.constant 0 : i32
      %dma_start3A_447 = tpu.memref_slice %arg8[%dma_start3A_444, %dma_start3A_445, %dma_start3A_446] : memref<4x128x64xf32, #tpu.memory_space<vmem>> -> memref<1x80x64xf32, #tpu.memory_space<vmem>>
      %dma_start3A_448 = tpu.memref_squeeze %dma_start3A_447 : memref<1x80x64xf32, #tpu.memory_space<vmem>> -> memref<80x64xf32, #tpu.memory_space<vmem>>
      %dma_start3A_449 = tpu.memref_slice %arg2[%mul3A_26, %multiple_of3A] : memref<10000x128xf32, #tpu.memory_space<hbm>> -> memref<80x64xf32, #tpu.memory_space<hbm>>
      %dma_start3A_450 = arith.constant 0 : i32
      %dma_start3A_451 = arith.constant 0 : i32
      %dma_start3A_452 = tpu.memref_slice %arg8[%dma_start3A_444, %dma_start3A_450, %dma_start3A_451] : memref<4x128x64xf32, #tpu.memory_space<vmem>> -> memref<1x80x64xf32, #tpu.memory_space<vmem>>
      %dma_start3A_453 = tpu.memref_squeeze %dma_start3A_452 : memref<1x80x64xf32, #tpu.memory_space<vmem>> -> memref<80x64xf32, #tpu.memory_space<vmem>>
      %dma_start3A_454 = tpu.memref_slice %arg2[%mul3A_26, %multiple_of3A] : memref<10000x128xf32, #tpu.memory_space<hbm>> -> memref<80x64xf32, #tpu.memory_space<hbm>>
      tpu.enqueue_dma source(%dma_start3A_454 : memref<80x64xf32, #tpu.memory_space<hbm>>) target(%dma_start3A_453 : memref<80x64xf32, #tpu.memory_space<vmem>>) target_semaphore(%arg11 : memref<!tpu.dma_semaphore, #tpu.memory_space<semaphore_mem>>)
    } else {
    }
    %add3A_29 = arith.constant 0 : i32
    %add3A_30 = arith.addi %arg1, %add3A_29 : i32
    %mul3A_31 = arith.constant 80 : i32
    %mul3A_32 = arith.muli %add3A_30, %mul3A_31 : i32
    %add3A_33 = arith.constant 0 : i32
    %add3A_34 = arith.addi %arg1, %add3A_33 : i32
    %lt3A_35 = arith.constant 125 : i32
    %lt3A_36 = arith.cmpi slt, %add3A_34, %lt3A_35 : i32
    %convert_element_type3A_37 = arith.extui %lt3A_36 : i1 to i32
    %cond3A_38 = arith.constant 0 : i32
    %cond3A_39 = arith.cmpi ne, %convert_element_type3A_37, %cond3A_38 : i32
    scf.if %cond3A_39 {
      %dma_wait3A_444 = arith.constant 0 : i32
      %dma_wait3A_445 = arith.constant 0 : i32
      %dma_wait3A_446 = arith.constant 0 : i32
      %dma_wait3A_447 = tpu.memref_slice %arg8[%dma_wait3A_444, %dma_wait3A_445, %dma_wait3A_446] : memref<4x128x64xf32, #tpu.memory_space<vmem>> -> memref<1x80x64xf32, #tpu.memory_space<vmem>>
      %dma_wait3A_448 = tpu.memref_squeeze %dma_wait3A_447 : memref<1x80x64xf32, #tpu.memory_space<vmem>> -> memref<80x64xf32, #tpu.memory_space<vmem>>
      %dma_wait3A_449 = arith.constant 0 : i32
      %dma_wait3A_450 = tpu.memref_slice %arg2[%dma_wait3A_449, %multiple_of3A] : memref<10000x128xf32, #tpu.memory_space<hbm>> -> memref<80x64xf32, #tpu.memory_space<hbm>>
      %dma_wait3A_451 = arith.constant 0 : i32
      %dma_wait3A_452 = arith.constant 0 : i32
      %dma_wait3A_453 = tpu.memref_slice %arg8[%dma_wait3A_444, %dma_wait3A_451, %dma_wait3A_452] : memref<4x128x64xf32, #tpu.memory_space<vmem>> -> memref<1x80x64xf32, #tpu.memory_space<vmem>>
      %dma_wait3A_454 = tpu.memref_squeeze %dma_wait3A_453 : memref<1x80x64xf32, #tpu.memory_space<vmem>> -> memref<80x64xf32, #tpu.memory_space<vmem>>
      %dma_wait3A_455 = arith.constant 0 : i32
      %dma_wait3A_456 = tpu.memref_slice %arg2[%dma_wait3A_455, %multiple_of3A] : memref<10000x128xf32, #tpu.memory_space<hbm>> -> memref<80x64xf32, #tpu.memory_space<hbm>>
      tpu.wait_dma2 semaphore(%arg11 : memref<!tpu.dma_semaphore, #tpu.memory_space<semaphore_mem>>) src(%dma_wait3A_456 : memref<80x64xf32, #tpu.memory_space<hbm>>) dst(%dma_wait3A_454 : memref<80x64xf32, #tpu.memory_space<vmem>>)
    } else {
    }
    %add3A_40 = arith.constant 16 : i32
    %add3A_41 = arith.addi %arg1, %add3A_40 : i32
    %mul3A_42 = arith.constant 80 : i32
    %mul3A_43 = arith.muli %add3A_41, %mul3A_42 : i32
    %lt3A_44 = arith.constant 125 : i32
    %lt3A_45 = arith.cmpi slt, %add3A_41, %lt3A_44 : i32
    %convert_element_type3A_46 = arith.extui %lt3A_45 : i1 to i32
    %cond3A_47 = arith.constant 0 : i32
    %cond3A_48 = arith.cmpi ne, %convert_element_type3A_46, %cond3A_47 : i32
    scf.if %cond3A_48 {
      %dma_start3A_444 = arith.constant 1 : i32
      %dma_start3A_445 = arith.constant 0 : i32
      %dma_start3A_446 = arith.constant 0 : i32
      %dma_start3A_447 = tpu.memref_slice %arg8[%dma_start3A_444, %dma_start3A_445, %dma_start3A_446] : memref<4x128x64xf32, #tpu.memory_space<vmem>> -> memref<1x80x64xf32, #tpu.memory_space<vmem>>
      %dma_start3A_448 = tpu.memref_squeeze %dma_start3A_447 : memref<1x80x64xf32, #tpu.memory_space<vmem>> -> memref<80x64xf32, #tpu.memory_space<vmem>>
      %dma_start3A_449 = tpu.memref_slice %arg2[%mul3A_43, %multiple_of3A] : memref<10000x128xf32, #tpu.memory_space<hbm>> -> memref<80x64xf32, #tpu.memory_space<hbm>>
      %dma_start3A_450 = arith.constant 0 : i32
      %dma_start3A_451 = arith.constant 0 : i32
      %dma_start3A_452 = tpu.memref_slice %arg8[%dma_start3A_444, %dma_start3A_450, %dma_start3A_451] : memref<4x128x64xf32, #tpu.memory_space<vmem>> -> memref<1x80x64xf32, #tpu.memory_space<vmem>>
      %dma_start3A_453 = tpu.memref_squeeze %dma_start3A_452 : memref<1x80x64xf32, #tpu.memory_space<vmem>> -> memref<80x64xf32, #tpu.memory_space<vmem>>
      %dma_start3A_454 = tpu.memref_slice %arg2[%mul3A_43, %multiple_of3A] : memref<10000x128xf32, #tpu.memory_space<hbm>> -> memref<80x64xf32, #tpu.memory_space<hbm>>
      tpu.enqueue_dma source(%dma_start3A_454 : memref<80x64xf32, #tpu.memory_space<hbm>>) target(%dma_start3A_453 : memref<80x64xf32, #tpu.memory_space<vmem>>) target_semaphore(%arg12 : memref<!tpu.dma_semaphore, #tpu.memory_space<semaphore_mem>>)
    } else {
    }
    %lt3A_49 = arith.constant 125 : i32
    %lt3A_50 = arith.cmpi slt, %add3A_30, %lt3A_49 : i32
    %convert_element_type3A_51 = arith.extui %lt3A_50 : i1 to i32
    %cond3A_52 = arith.constant 0 : i32
    %cond3A_53 = arith.cmpi ne, %convert_element_type3A_51, %cond3A_52 : i32
    scf.if %cond3A_53 {
      %run_scoped3A = arith.constant 0 : i32
      "tpu.region"() ({
        %run_scoped3A_451 = tpu.sem_alloc : memref<!tpu.dma_semaphore, #tpu.memory_space<semaphore_mem>>
        %dma_start3A_452 = arith.constant 0 : i32
        %dma_start3A_453 = arith.constant 0 : i32
        %dma_start3A_454 = tpu.memref_slice %arg8[%run_scoped3A, %dma_start3A_452, %dma_start3A_453] : memref<4x128x64xf32, #tpu.memory_space<vmem>> -> memref<1x80x64xf32, #tpu.memory_space<vmem>>
        %dma_start3A_455 = tpu.memref_squeeze %dma_start3A_454 : memref<1x80x64xf32, #tpu.memory_space<vmem>> -> memref<80x64xf32, #tpu.memory_space<vmem>>
        %dma_start3A_456 = arith.constant 0 : i32
        %dma_start3A_457 = tpu.memref_slice %arg6[%mul3A_32, %dma_start3A_456] : memref<10240x64xf32, #tpu.memory_space<vmem_shared>> -> memref<80x64xf32, #tpu.memory_space<vmem_shared>>
        %dma_start3A_458 = arith.constant 0 : i32
        %dma_start3A_459 = tpu.memref_slice %arg6[%mul3A_32, %dma_start3A_458] : memref<10240x64xf32, #tpu.memory_space<vmem_shared>> -> memref<80x64xf32, #tpu.memory_space<vmem_shared>>
        %dma_start3A_460 = arith.constant 0 : i32
        %dma_start3A_461 = arith.constant 0 : i32
        %dma_start3A_462 = tpu.memref_slice %arg8[%run_scoped3A, %dma_start3A_460, %dma_start3A_461] : memref<4x128x64xf32, #tpu.memory_space<vmem>> -> memref<1x80x64xf32, #tpu.memory_space<vmem>>
        %dma_start3A_463 = tpu.memref_squeeze %dma_start3A_462 : memref<1x80x64xf32, #tpu.memory_space<vmem>> -> memref<80x64xf32, #tpu.memory_space<vmem>>
        tpu.enqueue_dma source(%dma_start3A_463 : memref<80x64xf32, #tpu.memory_space<vmem>>) target(%dma_start3A_459 : memref<80x64xf32, #tpu.memory_space<vmem_shared>>) target_semaphore(%run_scoped3A_451 : memref<!tpu.dma_semaphore, #tpu.memory_space<semaphore_mem>>)
        %dma_wait3A_464 = arith.constant 0 : i32
        %dma_wait3A_465 = arith.constant 0 : i32
        %dma_wait3A_466 = tpu.memref_slice %arg8[%run_scoped3A, %dma_wait3A_464, %dma_wait3A_465] : memref<4x128x64xf32, #tpu.memory_space<vmem>> -> memref<1x80x64xf32, #tpu.memory_space<vmem>>
        %dma_wait3A_467 = tpu.memref_squeeze %dma_wait3A_466 : memref<1x80x64xf32, #tpu.memory_space<vmem>> -> memref<80x64xf32, #tpu.memory_space<vmem>>
        %dma_wait3A_468 = arith.constant 0 : i32
        %dma_wait3A_469 = tpu.memref_slice %arg6[%mul3A_32, %dma_wait3A_468] : memref<10240x64xf32, #tpu.memory_space<vmem_shared>> -> memref<80x64xf32, #tpu.memory_space<vmem_shared>>
        %dma_wait3A_470 = arith.constant 0 : i32
        %dma_wait3A_471 = tpu.memref_slice %arg6[%mul3A_32, %dma_wait3A_470] : memref<10240x64xf32, #tpu.memory_space<vmem_shared>> -> memref<80x64xf32, #tpu.memory_space<vmem_shared>>
        %dma_wait3A_472 = arith.constant 0 : i32
        %dma_wait3A_473 = arith.constant 0 : i32
        %dma_wait3A_474 = tpu.memref_slice %arg8[%run_scoped3A, %dma_wait3A_472, %dma_wait3A_473] : memref<4x128x64xf32, #tpu.memory_space<vmem>> -> memref<1x80x64xf32, #tpu.memory_space<vmem>>
        %dma_wait3A_475 = tpu.memref_squeeze %dma_wait3A_474 : memref<1x80x64xf32, #tpu.memory_space<vmem>> -> memref<80x64xf32, #tpu.memory_space<vmem>>
        tpu.wait_dma2 semaphore(%run_scoped3A_451 : memref<!tpu.dma_semaphore, #tpu.memory_space<semaphore_mem>>) src(%dma_wait3A_475 : memref<80x64xf32, #tpu.memory_space<vmem>>) dst(%dma_wait3A_471 : memref<80x64xf32, #tpu.memory_space<vmem_shared>>)
        tpu.yield
      }) : () -> ()
      %scan3A_444 = arith.constant 0 : i32
      %scan3A_445 = arith.constant 0 : i32
      %scan3A_446 = arith.constant 80 : i32
      %scan3A_447 = arith.addi %scan3A_445, %scan3A_446 : i32
      %scan3A_448 = arith.constant 1 : i32
      scf.for %scan3A_451 = %scan3A_445 to %scan3A_447 step %scan3A_448  : i32 {
        %get3A_452 = arith.constant 0 : i32
        %get3A_453 = arith.index_cast %get3A_452 : i32 to index
        %get3A_454 = arith.index_cast %scan3A_451 : i32 to index
        %get3A_455 = arith.constant 0 : index
        %get3A_456 = tpu.vector_load %arg8[%get3A_453, %get3A_454, %get3A_455] {strides = array<i32>} : memref<4x128x64xf32, #tpu.memory_space<vmem>>, vector<1x1x16xf32>,
        %get3A_457 = vector.shape_cast %get3A_456 : vector<1x1x16xf32> to vector<16xf32>
        %mul3A_458 = arith.mulf %get3A_457, %add3A_22 : vector<16xf32>
        %swap3A = arith.constant 0 : i32
        %swap3A_459 = arith.index_cast %swap3A : i32 to index
        %swap3A_460 = arith.index_cast %scan3A_451 : i32 to index
        %swap3A_461 = arith.constant 0 : index
        %swap3A_462 = tpu.vector_load %arg8[%swap3A_459, %swap3A_460, %swap3A_461] {strides = array<i32>} : memref<4x128x64xf32, #tpu.memory_space<vmem>>, vector<1x1x16xf32>,
        %swap3A_463 = vector.shape_cast %swap3A_462 : vector<1x1x16xf32> to vector<16xf32>
        %swap3A_464 = vector.shape_cast %mul3A_458 : vector<16xf32> to vector<1x1x16xf32>
        tpu.vector_store %arg8[%swap3A_459, %swap3A_460, %swap3A_461], %swap3A_464 {strides = array<i32>} : memref<4x128x64xf32, #tpu.memory_space<vmem>>, vector<1x1x16xf32>,
        %get3A_465 = arith.constant 0 : i32
        %get3A_466 = arith.index_cast %get3A_465 : i32 to index
        %get3A_467 = arith.index_cast %scan3A_451 : i32 to index
        %get3A_468 = arith.constant 16 : index
        %get3A_469 = tpu.vector_load %arg8[%get3A_466, %get3A_467, %get3A_468] {strides = array<i32>} : memref<4x128x64xf32, #tpu.memory_space<vmem>>, vector<1x1x16xf32>,
        %get3A_470 = vector.shape_cast %get3A_469 : vector<1x1x16xf32> to vector<16xf32>
        %mul3A_471 = arith.mulf %get3A_470, %add3A_22 : vector<16xf32>
        %swap3A_472 = arith.constant 0 : i32
        %swap3A_473 = arith.index_cast %swap3A_472 : i32 to index
        %swap3A_474 = arith.index_cast %scan3A_451 : i32 to index
        %swap3A_475 = arith.constant 16 : index
        %swap3A_476 = tpu.vector_load %arg8[%swap3A_473, %swap3A_474, %swap3A_475] {strides = array<i32>} : memref<4x128x64xf32, #tpu.memory_space<vmem>>, vector<1x1x16xf32>,
        %swap3A_477 = vector.shape_cast %swap3A_476 : vector<1x1x16xf32> to vector<16xf32>
        %swap3A_478 = vector.shape_cast %mul3A_471 : vector<16xf32> to vector<1x1x16xf32>
        tpu.vector_store %arg8[%swap3A_473, %swap3A_474, %swap3A_475], %swap3A_478 {strides = array<i32>} : memref<4x128x64xf32, #tpu.memory_space<vmem>>, vector<1x1x16xf32>,
        %get3A_479 = arith.constant 0 : i32
        %get3A_480 = arith.index_cast %get3A_479 : i32 to index
        %get3A_481 = arith.index_cast %scan3A_451 : i32 to index
        %get3A_482 = arith.constant 32 : index
        %get3A_483 = tpu.vector_load %arg8[%get3A_480, %get3A_481, %get3A_482] {strides = array<i32>} : memref<4x128x64xf32, #tpu.memory_space<vmem>>, vector<1x1x16xf32>,
        %get3A_484 = vector.shape_cast %get3A_483 : vector<1x1x16xf32> to vector<16xf32>
        %mul3A_485 = arith.mulf %get3A_484, %add3A_22 : vector<16xf32>
        %swap3A_486 = arith.constant 0 : i32
        %swap3A_487 = arith.index_cast %swap3A_486 : i32 to index
        %swap3A_488 = arith.index_cast %scan3A_451 : i32 to index
        %swap3A_489 = arith.constant 32 : index
        %swap3A_490 = tpu.vector_load %arg8[%swap3A_487, %swap3A_488, %swap3A_489] {strides = array<i32>} : memref<4x128x64xf32, #tpu.memory_space<vmem>>, vector<1x1x16xf32>,
        %swap3A_491 = vector.shape_cast %swap3A_490 : vector<1x1x16xf32> to vector<16xf32>
        %swap3A_492 = vector.shape_cast %mul3A_485 : vector<16xf32> to vector<1x1x16xf32>
        tpu.vector_store %arg8[%swap3A_487, %swap3A_488, %swap3A_489], %swap3A_492 {strides = array<i32>} : memref<4x128x64xf32, #tpu.memory_space<vmem>>, vector<1x1x16xf32>,
        %get3A_493 = arith.constant 0 : i32
        %get3A_494 = arith.index_cast %get3A_493 : i32 to index
        %get3A_495 = arith.index_cast %scan3A_451 : i32 to index
        %get3A_496 = arith.constant 48 : index
        %get3A_497 = tpu.vector_load %arg8[%get3A_494, %get3A_495, %get3A_496] {strides = array<i32>} : memref<4x128x64xf32, #tpu.memory_space<vmem>>, vector<1x1x16xf32>,
        %get3A_498 = vector.shape_cast %get3A_497 : vector<1x1x16xf32> to vector<16xf32>
        %mul3A_499 = arith.mulf %get3A_498, %add3A_22 : vector<16xf32>
        %swap3A_500 = arith.constant 0 : i32
        %swap3A_501 = arith.index_cast %swap3A_500 : i32 to index
        %swap3A_502 = arith.index_cast %scan3A_451 : i32 to index
        %swap3A_503 = arith.constant 48 : index
        %swap3A_504 = tpu.vector_load %arg8[%swap3A_501, %swap3A_502, %swap3A_503] {strides = array<i32>} : memref<4x128x64xf32, #tpu.memory_space<vmem>>, vector<1x1x16xf32>,
        %swap3A_505 = vector.shape_cast %swap3A_504 : vector<1x1x16xf32> to vector<16xf32>
        %swap3A_506 = vector.shape_cast %mul3A_499 : vector<16xf32> to vector<1x1x16xf32>
        tpu.vector_store %arg8[%swap3A_501, %swap3A_502, %swap3A_503], %swap3A_506 {strides = array<i32>} : memref<4x128x64xf32, #tpu.memory_space<vmem>>, vector<1x1x16xf32>,
      }
      %scan3A_449 = arith.constant 80 : i32
      %run_scoped3A_450 = arith.constant 0 : i32
      "tpu.region"() ({
        %run_scoped3A_451 = tpu.sem_alloc : memref<!tpu.dma_semaphore, #tpu.memory_space<semaphore_mem>>
        %dma_start3A_452 = arith.constant 0 : i32
        %dma_start3A_453 = arith.constant 0 : i32
        %dma_start3A_454 = tpu.memref_slice %arg8[%run_scoped3A_450, %dma_start3A_452, %dma_start3A_453] : memref<4x128x64xf32, #tpu.memory_space<vmem>> -> memref<1x80x64xf32, #tpu.memory_space<vmem>>
        %dma_start3A_455 = tpu.memref_squeeze %dma_start3A_454 : memref<1x80x64xf32, #tpu.memory_space<vmem>> -> memref<80x64xf32, #tpu.memory_space<vmem>>
        %dma_start3A_456 = arith.constant 0 : i32
        %dma_start3A_457 = tpu.memref_slice %arg7[%mul3A_32, %dma_start3A_456] : memref<10240x64xf32, #tpu.memory_space<vmem_shared>> -> memref<80x64xf32, #tpu.memory_space<vmem_shared>>
        %dma_start3A_458 = arith.constant 0 : i32
        %dma_start3A_459 = tpu.memref_slice %arg7[%mul3A_32, %dma_start3A_458] : memref<10240x64xf32, #tpu.memory_space<vmem_shared>> -> memref<80x64xf32, #tpu.memory_space<vmem_shared>>
        %dma_start3A_460 = arith.constant 0 : i32
        %dma_start3A_461 = arith.constant 0 : i32
        %dma_start3A_462 = tpu.memref_slice %arg8[%run_scoped3A_450, %dma_start3A_460, %dma_start3A_461] : memref<4x128x64xf32, #tpu.memory_space<vmem>> -> memref<1x80x64xf32, #tpu.memory_space<vmem>>
        %dma_start3A_463 = tpu.memref_squeeze %dma_start3A_462 : memref<1x80x64xf32, #tpu.memory_space<vmem>> -> memref<80x64xf32, #tpu.memory_space<vmem>>
        tpu.enqueue_dma source(%dma_start3A_463 : memref<80x64xf32, #tpu.memory_space<vmem>>) target(%dma_start3A_459 : memref<80x64xf32, #tpu.memory_space<vmem_shared>>) target_semaphore(%run_scoped3A_451 : memref<!tpu.dma_semaphore, #tpu.memory_space<semaphore_mem>>)
        %dma_wait3A_464 = arith.constant 0 : i32
        %dma_wait3A_465 = arith.constant 0 : i32
        %dma_wait3A_466 = tpu.memref_slice %arg8[%run_scoped3A_450, %dma_wait3A_464, %dma_wait3A_465] : memref<4x128x64xf32, #tpu.memory_space<vmem>> -> memref<1x80x64xf32, #tpu.memory_space<vmem>>
        %dma_wait3A_467 = tpu.memref_squeeze %dma_wait3A_466 : memref<1x80x64xf32, #tpu.memory_space<vmem>> -> memref<80x64xf32, #tpu.memory_space<vmem>>
        %dma_wait3A_468 = arith.constant 0 : i32
        %dma_wait3A_469 = tpu.memref_slice %arg7[%mul3A_32, %dma_wait3A_468] : memref<10240x64xf32, #tpu.memory_space<vmem_shared>> -> memref<80x64xf32, #tpu.memory_space<vmem_shared>>
        %dma_wait3A_470 = arith.constant 0 : i32
        %dma_wait3A_471 = tpu.memref_slice %arg7[%mul3A_32, %dma_wait3A_470] : memref<10240x64xf32, #tpu.memory_space<vmem_shared>> -> memref<80x64xf32, #tpu.memory_space<vmem_shared>>
        %dma_wait3A_472 = arith.constant 0 : i32
        %dma_wait3A_473 = arith.constant 0 : i32
        %dma_wait3A_474 = tpu.memref_slice %arg8[%run_scoped3A_450, %dma_wait3A_472, %dma_wait3A_473] : memref<4x128x64xf32, #tpu.memory_space<vmem>> -> memref<1x80x64xf32, #tpu.memory_space<vmem>>
        %dma_wait3A_475 = tpu.memref_squeeze %dma_wait3A_474 : memref<1x80x64xf32, #tpu.memory_space<vmem>> -> memref<80x64xf32, #tpu.memory_space<vmem>>
        tpu.wait_dma2 semaphore(%run_scoped3A_451 : memref<!tpu.dma_semaphore, #tpu.memory_space<semaphore_mem>>) src(%dma_wait3A_475 : memref<80x64xf32, #tpu.memory_space<vmem>>) dst(%dma_wait3A_471 : memref<80x64xf32, #tpu.memory_space<vmem_shared>>)
        tpu.yield
      }) : () -> ()
    } else {
    }
    %add3A_54 = arith.constant 16 : i32
    %add3A_55 = arith.addi %arg1, %add3A_54 : i32
    %mul3A_56 = arith.constant 80 : i32
    %mul3A_57 = arith.muli %add3A_55, %mul3A_56 : i32
    %add3A_58 = arith.constant 16 : i32
    %add3A_59 = arith.addi %arg1, %add3A_58 : i32
    %lt3A_60 = arith.constant 125 : i32
    %lt3A_61 = arith.cmpi slt, %add3A_59, %lt3A_60 : i32
    %convert_element_type3A_62 = arith.extui %lt3A_61 : i1 to i32
    %cond3A_63 = arith.constant 0 : i32
    %cond3A_64 = arith.cmpi ne, %convert_element_type3A_62, %cond3A_63 : i32
    scf.if %cond3A_64 {
      %dma_wait3A_444 = arith.constant 1 : i32
      %dma_wait3A_445 = arith.constant 0 : i32
      %dma_wait3A_446 = arith.constant 0 : i32
      %dma_wait3A_447 = tpu.memref_slice %arg8[%dma_wait3A_444, %dma_wait3A_445, %dma_wait3A_446] : memref<4x128x64xf32, #tpu.memory_space<vmem>> -> memref<1x80x64xf32, #tpu.memory_space<vmem>>
      %dma_wait3A_448 = tpu.memref_squeeze %dma_wait3A_447 : memref<1x80x64xf32, #tpu.memory_space<vmem>> -> memref<80x64xf32, #tpu.memory_space<vmem>>
      %dma_wait3A_449 = arith.constant 0 : i32
      %dma_wait3A_450 = tpu.memref_slice %arg2[%dma_wait3A_449, %multiple_of3A] : memref<10000x128xf32, #tpu.memory_space<hbm>> -> memref<80x64xf32, #tpu.memory_space<hbm>>
      %dma_wait3A_451 = arith.constant 0 : i32
      %dma_wait3A_452 = arith.constant 0 : i32
      %dma_wait3A_453 = tpu.memref_slice %arg8[%dma_wait3A_444, %dma_wait3A_451, %dma_wait3A_452] : memref<4x128x64xf32, #tpu.memory_space<vmem>> -> memref<1x80x64xf32, #tpu.memory_space<vmem>>
      %dma_wait3A_454 = tpu.memref_squeeze %dma_wait3A_453 : memref<1x80x64xf32, #tpu.memory_space<vmem>> -> memref<80x64xf32, #tpu.memory_space<vmem>>
      %dma_wait3A_455 = arith.constant 0 : i32
      %dma_wait3A_456 = tpu.memref_slice %arg2[%dma_wait3A_455, %multiple_of3A] : memref<10000x128xf32, #tpu.memory_space<hbm>> -> memref<80x64xf32, #tpu.memory_space<hbm>>
      tpu.wait_dma2 semaphore(%arg12 : memref<!tpu.dma_semaphore, #tpu.memory_space<semaphore_mem>>) src(%dma_wait3A_456 : memref<80x64xf32, #tpu.memory_space<hbm>>) dst(%dma_wait3A_454 : memref<80x64xf32, #tpu.memory_space<vmem>>)
    } else {
    }
    %add3A_65 = arith.constant 32 : i32
    %add3A_66 = arith.addi %arg1, %add3A_65 : i32
    %mul3A_67 = arith.constant 80 : i32
    %mul3A_68 = arith.muli %add3A_66, %mul3A_67 : i32
    %lt3A_69 = arith.constant 125 : i32
    %lt3A_70 = arith.cmpi slt, %add3A_66, %lt3A_69 : i32
    %convert_element_type3A_71 = arith.extui %lt3A_70 : i1 to i32
    %cond3A_72 = arith.constant 0 : i32
    %cond3A_73 = arith.cmpi ne, %convert_element_type3A_71, %cond3A_72 : i32
    scf.if %cond3A_73 {
      %dma_start3A_444 = arith.constant 0 : i32
      %dma_start3A_445 = arith.constant 0 : i32
      %dma_start3A_446 = arith.constant 0 : i32
      %dma_start3A_447 = tpu.memref_slice %arg8[%dma_start3A_444, %dma_start3A_445, %dma_start3A_446] : memref<4x128x64xf32, #tpu.memory_space<vmem>> -> memref<1x80x64xf32, #tpu.memory_space<vmem>>
      %dma_start3A_448 = tpu.memref_squeeze %dma_start3A_447 : memref<1x80x64xf32, #tpu.memory_space<vmem>> -> memref<80x64xf32, #tpu.memory_space<vmem>>
      %dma_start3A_449 = tpu.memref_slice %arg2[%mul3A_68, %multiple_of3A] : memref<10000x128xf32, #tpu.memory_space<hbm>> -> memref<80x64xf32, #tpu.memory_space<hbm>>
      %dma_start3A_450 = arith.constant 0 : i32
      %dma_start3A_451 = arith.constant 0 : i32
      %dma_start3A_452 = tpu.memref_slice %arg8[%dma_start3A_444, %dma_start3A_450, %dma_start3A_451] : memref<4x128x64xf32, #tpu.memory_space<vmem>> -> memref<1x80x64xf32, #tpu.memory_space<vmem>>
      %dma_start3A_453 = tpu.memref_squeeze %dma_start3A_452 : memref<1x80x64xf32, #tpu.memory_space<vmem>> -> memref<80x64xf32, #tpu.memory_space<vmem>>
      %dma_start3A_454 = tpu.memref_slice %arg2[%mul3A_68, %multiple_of3A] : memref<10000x128xf32, #tpu.memory_space<hbm>> -> memref<80x64xf32, #tpu.memory_space<hbm>>
      tpu.enqueue_dma source(%dma_start3A_454 : memref<80x64xf32, #tpu.memory_space<hbm>>) target(%dma_start3A_453 : memref<80x64xf32, #tpu.memory_space<vmem>>) target_semaphore(%arg11 : memref<!tpu.dma_semaphore, #tpu.memory_space<semaphore_mem>>)
    } else {
    }
    %lt3A_74 = arith.constant 125 : i32
    %lt3A_75 = arith.cmpi slt, %add3A_55, %lt3A_74 : i32
    %convert_element_type3A_76 = arith.extui %lt3A_75 : i1 to i32
    %cond3A_77 = arith.constant 0 : i32
    %cond3A_78 = arith.cmpi ne, %convert_element_type3A_76, %cond3A_77 : i32
    scf.if %cond3A_78 {
      %run_scoped3A = arith.constant 1 : i32
      "tpu.region"() ({
        %run_scoped3A_451 = tpu.sem_alloc : memref<!tpu.dma_semaphore, #tpu.memory_space<semaphore_mem>>
        %dma_start3A_452 = arith.constant 0 : i32
        %dma_start3A_453 = arith.constant 0 : i32
        %dma_start3A_454 = tpu.memref_slice %arg8[%run_scoped3A, %dma_start3A_452, %dma_start3A_453] : memref<4x128x64xf32, #tpu.memory_space<vmem>> -> memref<1x80x64xf32, #tpu.memory_space<vmem>>
        %dma_start3A_455 = tpu.memref_squeeze %dma_start3A_454 : memref<1x80x64xf32, #tpu.memory_space<vmem>> -> memref<80x64xf32, #tpu.memory_space<vmem>>
        %dma_start3A_456 = arith.constant 0 : i32
        %dma_start3A_457 = tpu.memref_slice %arg6[%mul3A_57, %dma_start3A_456] : memref<10240x64xf32, #tpu.memory_space<vmem_shared>> -> memref<80x64xf32, #tpu.memory_space<vmem_shared>>
        %dma_start3A_458 = arith.constant 0 : i32
        %dma_start3A_459 = tpu.memref_slice %arg6[%mul3A_57, %dma_start3A_458] : memref<10240x64xf32, #tpu.memory_space<vmem_shared>> -> memref<80x64xf32, #tpu.memory_space<vmem_shared>>
        %dma_start3A_460 = arith.constant 0 : i32
        %dma_start3A_461 = arith.constant 0 : i32
        %dma_start3A_462 = tpu.memref_slice %arg8[%run_scoped3A, %dma_start3A_460, %dma_start3A_461] : memref<4x128x64xf32, #tpu.memory_space<vmem>> -> memref<1x80x64xf32, #tpu.memory_space<vmem>>
        %dma_start3A_463 = tpu.memref_squeeze %dma_start3A_462 : memref<1x80x64xf32, #tpu.memory_space<vmem>> -> memref<80x64xf32, #tpu.memory_space<vmem>>
        tpu.enqueue_dma source(%dma_start3A_463 : memref<80x64xf32, #tpu.memory_space<vmem>>) target(%dma_start3A_459 : memref<80x64xf32, #tpu.memory_space<vmem_shared>>) target_semaphore(%run_scoped3A_451 : memref<!tpu.dma_semaphore, #tpu.memory_space<semaphore_mem>>)
        %dma_wait3A_464 = arith.constant 0 : i32
        %dma_wait3A_465 = arith.constant 0 : i32
        %dma_wait3A_466 = tpu.memref_slice %arg8[%run_scoped3A, %dma_wait3A_464, %dma_wait3A_465] : memref<4x128x64xf32, #tpu.memory_space<vmem>> -> memref<1x80x64xf32, #tpu.memory_space<vmem>>
        %dma_wait3A_467 = tpu.memref_squeeze %dma_wait3A_466 : memref<1x80x64xf32, #tpu.memory_space<vmem>> -> memref<80x64xf32, #tpu.memory_space<vmem>>
        %dma_wait3A_468 = arith.constant 0 : i32
        %dma_wait3A_469 = tpu.memref_slice %arg6[%mul3A_57, %dma_wait3A_468] : memref<10240x64xf32, #tpu.memory_space<vmem_shared>> -> memref<80x64xf32, #tpu.memory_space<vmem_shared>>
        %dma_wait3A_470 = arith.constant 0 : i32
        %dma_wait3A_471 = tpu.memref_slice %arg6[%mul3A_57, %dma_wait3A_470] : memref<10240x64xf32, #tpu.memory_space<vmem_shared>> -> memref<80x64xf32, #tpu.memory_space<vmem_shared>>
        %dma_wait3A_472 = arith.constant 0 : i32
        %dma_wait3A_473 = arith.constant 0 : i32
        %dma_wait3A_474 = tpu.memref_slice %arg8[%run_scoped3A, %dma_wait3A_472, %dma_wait3A_473] : memref<4x128x64xf32, #tpu.memory_space<vmem>> -> memref<1x80x64xf32, #tpu.memory_space<vmem>>
        %dma_wait3A_475 = tpu.memref_squeeze %dma_wait3A_474 : memref<1x80x64xf32, #tpu.memory_space<vmem>> -> memref<80x64xf32, #tpu.memory_space<vmem>>
        tpu.wait_dma2 semaphore(%run_scoped3A_451 : memref<!tpu.dma_semaphore, #tpu.memory_space<semaphore_mem>>) src(%dma_wait3A_475 : memref<80x64xf32, #tpu.memory_space<vmem>>) dst(%dma_wait3A_471 : memref<80x64xf32, #tpu.memory_space<vmem_shared>>)
        tpu.yield
      }) : () -> ()
      %scan3A_444 = arith.constant 0 : i32
      %scan3A_445 = arith.constant 0 : i32
      %scan3A_446 = arith.constant 80 : i32
      %scan3A_447 = arith.addi %scan3A_445, %scan3A_446 : i32
      %scan3A_448 = arith.constant 1 : i32
      scf.for %scan3A_451 = %scan3A_445 to %scan3A_447 step %scan3A_448  : i32 {
        %get3A_452 = arith.constant 1 : i32
        %get3A_453 = arith.index_cast %get3A_452 : i32 to index
        %get3A_454 = arith.index_cast %scan3A_451 : i32 to index
        %get3A_455 = arith.constant 0 : index
        %get3A_456 = tpu.vector_load %arg8[%get3A_453, %get3A_454, %get3A_455] {strides = array<i32>} : memref<4x128x64xf32, #tpu.memory_space<vmem>>, vector<1x1x16xf32>,
        %get3A_457 = vector.shape_cast %get3A_456 : vector<1x1x16xf32> to vector<16xf32>
        %mul3A_458 = arith.mulf %get3A_457, %add3A_22 : vector<16xf32>
        %swap3A = arith.constant 1 : i32
        %swap3A_459 = arith.index_cast %swap3A : i32 to index
        %swap3A_460 = arith.index_cast %scan3A_451 : i32 to index
        %swap3A_461 = arith.constant 0 : index
        %swap3A_462 = tpu.vector_load %arg8[%swap3A_459, %swap3A_460, %swap3A_461] {strides = array<i32>} : memref<4x128x64xf32, #tpu.memory_space<vmem>>, vector<1x1x16xf32>,
        %swap3A_463 = vector.shape_cast %swap3A_462 : vector<1x1x16xf32> to vector<16xf32>
        %swap3A_464 = vector.shape_cast %mul3A_458 : vector<16xf32> to vector<1x1x16xf32>
        tpu.vector_store %arg8[%swap3A_459, %swap3A_460, %swap3A_461], %swap3A_464 {strides = array<i32>} : memref<4x128x64xf32, #tpu.memory_space<vmem>>, vector<1x1x16xf32>,
        %get3A_465 = arith.constant 1 : i32
        %get3A_466 = arith.index_cast %get3A_465 : i32 to index
        %get3A_467 = arith.index_cast %scan3A_451 : i32 to index
        %get3A_468 = arith.constant 16 : index
        %get3A_469 = tpu.vector_load %arg8[%get3A_466, %get3A_467, %get3A_468] {strides = array<i32>} : memref<4x128x64xf32, #tpu.memory_space<vmem>>, vector<1x1x16xf32>,
        %get3A_470 = vector.shape_cast %get3A_469 : vector<1x1x16xf32> to vector<16xf32>
        %mul3A_471 = arith.mulf %get3A_470, %add3A_22 : vector<16xf32>
        %swap3A_472 = arith.constant 1 : i32
        %swap3A_473 = arith.index_cast %swap3A_472 : i32 to index
        %swap3A_474 = arith.index_cast %scan3A_451 : i32 to index
        %swap3A_475 = arith.constant 16 : index
        %swap3A_476 = tpu.vector_load %arg8[%swap3A_473, %swap3A_474, %swap3A_475] {strides = array<i32>} : memref<4x128x64xf32, #tpu.memory_space<vmem>>, vector<1x1x16xf32>,
        %swap3A_477 = vector.shape_cast %swap3A_476 : vector<1x1x16xf32> to vector<16xf32>
        %swap3A_478 = vector.shape_cast %mul3A_471 : vector<16xf32> to vector<1x1x16xf32>
        tpu.vector_store %arg8[%swap3A_473, %swap3A_474, %swap3A_475], %swap3A_478 {strides = array<i32>} : memref<4x128x64xf32, #tpu.memory_space<vmem>>, vector<1x1x16xf32>,
        %get3A_479 = arith.constant 1 : i32
        %get3A_480 = arith.index_cast %get3A_479 : i32 to index
        %get3A_481 = arith.index_cast %scan3A_451 : i32 to index
        %get3A_482 = arith.constant 32 : index
        %get3A_483 = tpu.vector_load %arg8[%get3A_480, %get3A_481, %get3A_482] {strides = array<i32>} : memref<4x128x64xf32, #tpu.memory_space<vmem>>, vector<1x1x16xf32>,
        %get3A_484 = vector.shape_cast %get3A_483 : vector<1x1x16xf32> to vector<16xf32>
        %mul3A_485 = arith.mulf %get3A_484, %add3A_22 : vector<16xf32>
        %swap3A_486 = arith.constant 1 : i32
        %swap3A_487 = arith.index_cast %swap3A_486 : i32 to index
        %swap3A_488 = arith.index_cast %scan3A_451 : i32 to index
        %swap3A_489 = arith.constant 32 : index
        %swap3A_490 = tpu.vector_load %arg8[%swap3A_487, %swap3A_488, %swap3A_489] {strides = array<i32>} : memref<4x128x64xf32, #tpu.memory_space<vmem>>, vector<1x1x16xf32>,
        %swap3A_491 = vector.shape_cast %swap3A_490 : vector<1x1x16xf32> to vector<16xf32>
        %swap3A_492 = vector.shape_cast %mul3A_485 : vector<16xf32> to vector<1x1x16xf32>
        tpu.vector_store %arg8[%swap3A_487, %swap3A_488, %swap3A_489], %swap3A_492 {strides = array<i32>} : memref<4x128x64xf32, #tpu.memory_space<vmem>>, vector<1x1x16xf32>,
        %get3A_493 = arith.constant 1 : i32
        %get3A_494 = arith.index_cast %get3A_493 : i32 to index
        %get3A_495 = arith.index_cast %scan3A_451 : i32 to index
        %get3A_496 = arith.constant 48 : index
        %get3A_497 = tpu.vector_load %arg8[%get3A_494, %get3A_495, %get3A_496] {strides = array<i32>} : memref<4x128x64xf32, #tpu.memory_space<vmem>>, vector<1x1x16xf32>,
        %get3A_498 = vector.shape_cast %get3A_497 : vector<1x1x16xf32> to vector<16xf32>
        %mul3A_499 = arith.mulf %get3A_498, %add3A_22 : vector<16xf32>
        %swap3A_500 = arith.constant 1 : i32
        %swap3A_501 = arith.index_cast %swap3A_500 : i32 to index
        %swap3A_502 = arith.index_cast %scan3A_451 : i32 to index
        %swap3A_503 = arith.constant 48 : index
        %swap3A_504 = tpu.vector_load %arg8[%swap3A_501, %swap3A_502, %swap3A_503] {strides = array<i32>} : memref<4x128x64xf32, #tpu.memory_space<vmem>>, vector<1x1x16xf32>,
        %swap3A_505 = vector.shape_cast %swap3A_504 : vector<1x1x16xf32> to vector<16xf32>
        %swap3A_506 = vector.shape_cast %mul3A_499 : vector<16xf32> to vector<1x1x16xf32>
        tpu.vector_store %arg8[%swap3A_501, %swap3A_502, %swap3A_503], %swap3A_506 {strides = array<i32>} : memref<4x128x64xf32, #tpu.memory_space<vmem>>, vector<1x1x16xf32>,
      }
      %scan3A_449 = arith.constant 80 : i32
      %run_scoped3A_450 = arith.constant 1 : i32
      "tpu.region"() ({
        %run_scoped3A_451 = tpu.sem_alloc : memref<!tpu.dma_semaphore, #tpu.memory_space<semaphore_mem>>
        %dma_start3A_452 = arith.constant 0 : i32
        %dma_start3A_453 = arith.constant 0 : i32
        %dma_start3A_454 = tpu.memref_slice %arg8[%run_scoped3A_450, %dma_start3A_452, %dma_start3A_453] : memref<4x128x64xf32, #tpu.memory_space<vmem>> -> memref<1x80x64xf32, #tpu.memory_space<vmem>>
        %dma_start3A_455 = tpu.memref_squeeze %dma_start3A_454 : memref<1x80x64xf32, #tpu.memory_space<vmem>> -> memref<80x64xf32, #tpu.memory_space<vmem>>
        %dma_start3A_456 = arith.constant 0 : i32
        %dma_start3A_457 = tpu.memref_slice %arg7[%mul3A_57, %dma_start3A_456] : memref<10240x64xf32, #tpu.memory_space<vmem_shared>> -> memref<80x64xf32, #tpu.memory_space<vmem_shared>>
        %dma_start3A_458 = arith.constant 0 : i32
        %dma_start3A_459 = tpu.memref_slice %arg7[%mul3A_57, %dma_start3A_458] : memref<10240x64xf32, #tpu.memory_space<vmem_shared>> -> memref<80x64xf32, #tpu.memory_space<vmem_shared>>
        %dma_start3A_460 = arith.constant 0 : i32
        %dma_start3A_461 = arith.constant 0 : i32
        %dma_start3A_462 = tpu.memref_slice %arg8[%run_scoped3A_450, %dma_start3A_460, %dma_start3A_461] : memref<4x128x64xf32, #tpu.memory_space<vmem>> -> memref<1x80x64xf32, #tpu.memory_space<vmem>>
        %dma_start3A_463 = tpu.memref_squeeze %dma_start3A_462 : memref<1x80x64xf32, #tpu.memory_space<vmem>> -> memref<80x64xf32, #tpu.memory_space<vmem>>
        tpu.enqueue_dma source(%dma_start3A_463 : memref<80x64xf32, #tpu.memory_space<vmem>>) target(%dma_start3A_459 : memref<80x64xf32, #tpu.memory_space<vmem_shared>>) target_semaphore(%run_scoped3A_451 : memref<!tpu.dma_semaphore, #tpu.memory_space<semaphore_mem>>)
        %dma_wait3A_464 = arith.constant 0 : i32
        %dma_wait3A_465 = arith.constant 0 : i32
        %dma_wait3A_466 = tpu.memref_slice %arg8[%run_scoped3A_450, %dma_wait3A_464, %dma_wait3A_465] : memref<4x128x64xf32, #tpu.memory_space<vmem>> -> memref<1x80x64xf32, #tpu.memory_space<vmem>>
        %dma_wait3A_467 = tpu.memref_squeeze %dma_wait3A_466 : memref<1x80x64xf32, #tpu.memory_space<vmem>> -> memref<80x64xf32, #tpu.memory_space<vmem>>
        %dma_wait3A_468 = arith.constant 0 : i32
        %dma_wait3A_469 = tpu.memref_slice %arg7[%mul3A_57, %dma_wait3A_468] : memref<10240x64xf32, #tpu.memory_space<vmem_shared>> -> memref<80x64xf32, #tpu.memory_space<vmem_shared>>
        %dma_wait3A_470 = arith.constant 0 : i32
        %dma_wait3A_471 = tpu.memref_slice %arg7[%mul3A_57, %dma_wait3A_470] : memref<10240x64xf32, #tpu.memory_space<vmem_shared>> -> memref<80x64xf32, #tpu.memory_space<vmem_shared>>
        %dma_wait3A_472 = arith.constant 0 : i32
        %dma_wait3A_473 = arith.constant 0 : i32
        %dma_wait3A_474 = tpu.memref_slice %arg8[%run_scoped3A_450, %dma_wait3A_472, %dma_wait3A_473] : memref<4x128x64xf32, #tpu.memory_space<vmem>> -> memref<1x80x64xf32, #tpu.memory_space<vmem>>
        %dma_wait3A_475 = tpu.memref_squeeze %dma_wait3A_474 : memref<1x80x64xf32, #tpu.memory_space<vmem>> -> memref<80x64xf32, #tpu.memory_space<vmem>>
        tpu.wait_dma2 semaphore(%run_scoped3A_451 : memref<!tpu.dma_semaphore, #tpu.memory_space<semaphore_mem>>) src(%dma_wait3A_475 : memref<80x64xf32, #tpu.memory_space<vmem>>) dst(%dma_wait3A_471 : memref<80x64xf32, #tpu.memory_space<vmem_shared>>)
        tpu.yield
      }) : () -> ()
    } else {
    }
    %add3A_79 = arith.constant 32 : i32
    %add3A_80 = arith.addi %arg1, %add3A_79 : i32
    %mul3A_81 = arith.constant 80 : i32
    %mul3A_82 = arith.muli %add3A_80, %mul3A_81 : i32
    %add3A_83 = arith.constant 32 : i32
    %add3A_84 = arith.addi %arg1, %add3A_83 : i32
    %lt3A_85 = arith.constant 125 : i32
    %lt3A_86 = arith.cmpi slt, %add3A_84, %lt3A_85 : i32
    %convert_element_type3A_87 = arith.extui %lt3A_86 : i1 to i32
    %cond3A_88 = arith.constant 0 : i32
    %cond3A_89 = arith.cmpi ne, %convert_element_type3A_87, %cond3A_88 : i32
    scf.if %cond3A_89 {
      %dma_wait3A_444 = arith.constant 0 : i32
      %dma_wait3A_445 = arith.constant 0 : i32
      %dma_wait3A_446 = arith.constant 0 : i32
      %dma_wait3A_447 = tpu.memref_slice %arg8[%dma_wait3A_444, %dma_wait3A_445, %dma_wait3A_446] : memref<4x128x64xf32, #tpu.memory_space<vmem>> -> memref<1x80x64xf32, #tpu.memory_space<vmem>>
      %dma_wait3A_448 = tpu.memref_squeeze %dma_wait3A_447 : memref<1x80x64xf32, #tpu.memory_space<vmem>> -> memref<80x64xf32, #tpu.memory_space<vmem>>
      %dma_wait3A_449 = arith.constant 0 : i32
      %dma_wait3A_450 = tpu.memref_slice %arg2[%dma_wait3A_449, %multiple_of3A] : memref<10000x128xf32, #tpu.memory_space<hbm>> -> memref<80x64xf32, #tpu.memory_space<hbm>>
      %dma_wait3A_451 = arith.constant 0 : i32
      %dma_wait3A_452 = arith.constant 0 : i32
      %dma_wait3A_453 = tpu.memref_slice %arg8[%dma_wait3A_444, %dma_wait3A_451, %dma_wait3A_452] : memref<4x128x64xf32, #tpu.memory_space<vmem>> -> memref<1x80x64xf32, #tpu.memory_space<vmem>>
      %dma_wait3A_454 = tpu.memref_squeeze %dma_wait3A_453 : memref<1x80x64xf32, #tpu.memory_space<vmem>> -> memref<80x64xf32, #tpu.memory_space<vmem>>
      %dma_wait3A_455 = arith.constant 0 : i32
      %dma_wait3A_456 = tpu.memref_slice %arg2[%dma_wait3A_455, %multiple_of3A] : memref<10000x128xf32, #tpu.memory_space<hbm>> -> memref<80x64xf32, #tpu.memory_space<hbm>>
      tpu.wait_dma2 semaphore(%arg11 : memref<!tpu.dma_semaphore, #tpu.memory_space<semaphore_mem>>) src(%dma_wait3A_456 : memref<80x64xf32, #tpu.memory_space<hbm>>) dst(%dma_wait3A_454 : memref<80x64xf32, #tpu.memory_space<vmem>>)
    } else {
    }
    %add3A_90 = arith.constant 48 : i32
    %add3A_91 = arith.addi %arg1, %add3A_90 : i32
    %mul3A_92 = arith.constant 80 : i32
    %mul3A_93 = arith.muli %add3A_91, %mul3A_92 : i32
    %lt3A_94 = arith.constant 125 : i32
    %lt3A_95 = arith.cmpi slt, %add3A_91, %lt3A_94 : i32
    %convert_element_type3A_96 = arith.extui %lt3A_95 : i1 to i32
    %cond3A_97 = arith.constant 0 : i32
    %cond3A_98 = arith.cmpi ne, %convert_element_type3A_96, %cond3A_97 : i32
    scf.if %cond3A_98 {
      %dma_start3A_444 = arith.constant 1 : i32
      %dma_start3A_445 = arith.constant 0 : i32
      %dma_start3A_446 = arith.constant 0 : i32
      %dma_start3A_447 = tpu.memref_slice %arg8[%dma_start3A_444, %dma_start3A_445, %dma_start3A_446] : memref<4x128x64xf32, #tpu.memory_space<vmem>> -> memref<1x80x64xf32, #tpu.memory_space<vmem>>
      %dma_start3A_448 = tpu.memref_squeeze %dma_start3A_447 : memref<1x80x64xf32, #tpu.memory_space<vmem>> -> memref<80x64xf32, #tpu.memory_space<vmem>>
      %dma_start3A_449 = tpu.memref_slice %arg2[%mul3A_93, %multiple_of3A] : memref<10000x128xf32, #tpu.memory_space<hbm>> -> memref<80x64xf32, #tpu.memory_space<hbm>>
      %dma_start3A_450 = arith.constant 0 : i32
      %dma_start3A_451 = arith.constant 0 : i32
      %dma_start3A_452 = tpu.memref_slice %arg8[%dma_start3A_444, %dma_start3A_450, %dma_start3A_451] : memref<4x128x64xf32, #tpu.memory_space<vmem>> -> memref<1x80x64xf32, #tpu.memory_space<vmem>>
      %dma_start3A_453 = tpu.memref_squeeze %dma_start3A_452 : memref<1x80x64xf32, #tpu.memory_space<vmem>> -> memref<80x64xf32, #tpu.memory_space<vmem>>
      %dma_start3A_454 = tpu.memref_slice %arg2[%mul3A_93, %multiple_of3A] : memref<10000x128xf32, #tpu.memory_space<hbm>> -> memref<80x64xf32, #tpu.memory_space<hbm>>
      tpu.enqueue_dma source(%dma_start3A_454 : memref<80x64xf32, #tpu.memory_space<hbm>>) target(%dma_start3A_453 : memref<80x64xf32, #tpu.memory_space<vmem>>) target_semaphore(%arg12 : memref<!tpu.dma_semaphore, #tpu.memory_space<semaphore_mem>>)
    } else {
    }
    %lt3A_99 = arith.constant 125 : i32
    %lt3A_100 = arith.cmpi slt, %add3A_80, %lt3A_99 : i32
    %convert_element_type3A_101 = arith.extui %lt3A_100 : i1 to i32
    %cond3A_102 = arith.constant 0 : i32
    %cond3A_103 = arith.cmpi ne, %convert_element_type3A_101, %cond3A_102 : i32
    scf.if %cond3A_103 {
      %run_scoped3A = arith.constant 0 : i32
      "tpu.region"() ({
        %run_scoped3A_451 = tpu.sem_alloc : memref<!tpu.dma_semaphore, #tpu.memory_space<semaphore_mem>>
        %dma_start3A_452 = arith.constant 0 : i32
        %dma_start3A_453 = arith.constant 0 : i32
        %dma_start3A_454 = tpu.memref_slice %arg8[%run_scoped3A, %dma_start3A_452, %dma_start3A_453] : memref<4x128x64xf32, #tpu.memory_space<vmem>> -> memref<1x80x64xf32, #tpu.memory_space<vmem>>
        %dma_start3A_455 = tpu.memref_squeeze %dma_start3A_454 : memref<1x80x64xf32, #tpu.memory_space<vmem>> -> memref<80x64xf32, #tpu.memory_space<vmem>>
        %dma_start3A_456 = arith.constant 0 : i32
        %dma_start3A_457 = tpu.memref_slice %arg6[%mul3A_82, %dma_start3A_456] : memref<10240x64xf32, #tpu.memory_space<vmem_shared>> -> memref<80x64xf32, #tpu.memory_space<vmem_shared>>
        %dma_start3A_458 = arith.constant 0 : i32
        %dma_start3A_459 = tpu.memref_slice %arg6[%mul3A_82, %dma_start3A_458] : memref<10240x64xf32, #tpu.memory_space<vmem_shared>> -> memref<80x64xf32, #tpu.memory_space<vmem_shared>>
        %dma_start3A_460 = arith.constant 0 : i32
        %dma_start3A_461 = arith.constant 0 : i32
        %dma_start3A_462 = tpu.memref_slice %arg8[%run_scoped3A, %dma_start3A_460, %dma_start3A_461] : memref<4x128x64xf32, #tpu.memory_space<vmem>> -> memref<1x80x64xf32, #tpu.memory_space<vmem>>
        %dma_start3A_463 = tpu.memref_squeeze %dma_start3A_462 : memref<1x80x64xf32, #tpu.memory_space<vmem>> -> memref<80x64xf32, #tpu.memory_space<vmem>>
        tpu.enqueue_dma source(%dma_start3A_463 : memref<80x64xf32, #tpu.memory_space<vmem>>) target(%dma_start3A_459 : memref<80x64xf32, #tpu.memory_space<vmem_shared>>) target_semaphore(%run_scoped3A_451 : memref<!tpu.dma_semaphore, #tpu.memory_space<semaphore_mem>>)
        %dma_wait3A_464 = arith.constant 0 : i32
        %dma_wait3A_465 = arith.constant 0 : i32
        %dma_wait3A_466 = tpu.memref_slice %arg8[%run_scoped3A, %dma_wait3A_464, %dma_wait3A_465] : memref<4x128x64xf32, #tpu.memory_space<vmem>> -> memref<1x80x64xf32, #tpu.memory_space<vmem>>
        %dma_wait3A_467 = tpu.memref_squeeze %dma_wait3A_466 : memref<1x80x64xf32, #tpu.memory_space<vmem>> -> memref<80x64xf32, #tpu.memory_space<vmem>>
        %dma_wait3A_468 = arith.constant 0 : i32
        %dma_wait3A_469 = tpu.memref_slice %arg6[%mul3A_82, %dma_wait3A_468] : memref<10240x64xf32, #tpu.memory_space<vmem_shared>> -> memref<80x64xf32, #tpu.memory_space<vmem_shared>>
        %dma_wait3A_470 = arith.constant 0 : i32
        %dma_wait3A_471 = tpu.memref_slice %arg6[%mul3A_82, %dma_wait3A_470] : memref<10240x64xf32, #tpu.memory_space<vmem_shared>> -> memref<80x64xf32, #tpu.memory_space<vmem_shared>>
        %dma_wait3A_472 = arith.constant 0 : i32
        %dma_wait3A_473 = arith.constant 0 : i32
        %dma_wait3A_474 = tpu.memref_slice %arg8[%run_scoped3A, %dma_wait3A_472, %dma_wait3A_473] : memref<4x128x64xf32, #tpu.memory_space<vmem>> -> memref<1x80x64xf32, #tpu.memory_space<vmem>>
        %dma_wait3A_475 = tpu.memref_squeeze %dma_wait3A_474 : memref<1x80x64xf32, #tpu.memory_space<vmem>> -> memref<80x64xf32, #tpu.memory_space<vmem>>
        tpu.wait_dma2 semaphore(%run_scoped3A_451 : memref<!tpu.dma_semaphore, #tpu.memory_space<semaphore_mem>>) src(%dma_wait3A_475 : memref<80x64xf32, #tpu.memory_space<vmem>>) dst(%dma_wait3A_471 : memref<80x64xf32, #tpu.memory_space<vmem_shared>>)
        tpu.yield
      }) : () -> ()
      %scan3A_444 = arith.constant 0 : i32
      %scan3A_445 = arith.constant 0 : i32
      %scan3A_446 = arith.constant 80 : i32
      %scan3A_447 = arith.addi %scan3A_445, %scan3A_446 : i32
      %scan3A_448 = arith.constant 1 : i32
      scf.for %scan3A_451 = %scan3A_445 to %scan3A_447 step %scan3A_448  : i32 {
        %get3A_452 = arith.constant 0 : i32
        %get3A_453 = arith.index_cast %get3A_452 : i32 to index
        %get3A_454 = arith.index_cast %scan3A_451 : i32 to index
        %get3A_455 = arith.constant 0 : index
        %get3A_456 = tpu.vector_load %arg8[%get3A_453, %get3A_454, %get3A_455] {strides = array<i32>} : memref<4x128x64xf32, #tpu.memory_space<vmem>>, vector<1x1x16xf32>,
        %get3A_457 = vector.shape_cast %get3A_456 : vector<1x1x16xf32> to vector<16xf32>
        %mul3A_458 = arith.mulf %get3A_457, %add3A_22 : vector<16xf32>
        %swap3A = arith.constant 0 : i32
        %swap3A_459 = arith.index_cast %swap3A : i32 to index
        %swap3A_460 = arith.index_cast %scan3A_451 : i32 to index
        %swap3A_461 = arith.constant 0 : index
        %swap3A_462 = tpu.vector_load %arg8[%swap3A_459, %swap3A_460, %swap3A_461] {strides = array<i32>} : memref<4x128x64xf32, #tpu.memory_space<vmem>>, vector<1x1x16xf32>,
        %swap3A_463 = vector.shape_cast %swap3A_462 : vector<1x1x16xf32> to vector<16xf32>
        %swap3A_464 = vector.shape_cast %mul3A_458 : vector<16xf32> to vector<1x1x16xf32>
        tpu.vector_store %arg8[%swap3A_459, %swap3A_460, %swap3A_461], %swap3A_464 {strides = array<i32>} : memref<4x128x64xf32, #tpu.memory_space<vmem>>, vector<1x1x16xf32>,
        %get3A_465 = arith.constant 0 : i32
        %get3A_466 = arith.index_cast %get3A_465 : i32 to index
        %get3A_467 = arith.index_cast %scan3A_451 : i32 to index
        %get3A_468 = arith.constant 16 : index
        %get3A_469 = tpu.vector_load %arg8[%get3A_466, %get3A_467, %get3A_468] {strides = array<i32>} : memref<4x128x64xf32, #tpu.memory_space<vmem>>, vector<1x1x16xf32>,
        %get3A_470 = vector.shape_cast %get3A_469 : vector<1x1x16xf32> to vector<16xf32>
        %mul3A_471 = arith.mulf %get3A_470, %add3A_22 : vector<16xf32>
        %swap3A_472 = arith.constant 0 : i32
        %swap3A_473 = arith.index_cast %swap3A_472 : i32 to index
        %swap3A_474 = arith.index_cast %scan3A_451 : i32 to index
        %swap3A_475 = arith.constant 16 : index
        %swap3A_476 = tpu.vector_load %arg8[%swap3A_473, %swap3A_474, %swap3A_475] {strides = array<i32>} : memref<4x128x64xf32, #tpu.memory_space<vmem>>, vector<1x1x16xf32>,
        %swap3A_477 = vector.shape_cast %swap3A_476 : vector<1x1x16xf32> to vector<16xf32>
        %swap3A_478 = vector.shape_cast %mul3A_471 : vector<16xf32> to vector<1x1x16xf32>
        tpu.vector_store %arg8[%swap3A_473, %swap3A_474, %swap3A_475], %swap3A_478 {strides = array<i32>} : memref<4x128x64xf32, #tpu.memory_space<vmem>>, vector<1x1x16xf32>,
        %get3A_479 = arith.constant 0 : i32
        %get3A_480 = arith.index_cast %get3A_479 : i32 to index
        %get3A_481 = arith.index_cast %scan3A_451 : i32 to index
        %get3A_482 = arith.constant 32 : index
        %get3A_483 = tpu.vector_load %arg8[%get3A_480, %get3A_481, %get3A_482] {strides = array<i32>} : memref<4x128x64xf32, #tpu.memory_space<vmem>>, vector<1x1x16xf32>,
        %get3A_484 = vector.shape_cast %get3A_483 : vector<1x1x16xf32> to vector<16xf32>
        %mul3A_485 = arith.mulf %get3A_484, %add3A_22 : vector<16xf32>
        %swap3A_486 = arith.constant 0 : i32
        %swap3A_487 = arith.index_cast %swap3A_486 : i32 to index
        %swap3A_488 = arith.index_cast %scan3A_451 : i32 to index
        %swap3A_489 = arith.constant 32 : index
        %swap3A_490 = tpu.vector_load %arg8[%swap3A_487, %swap3A_488, %swap3A_489] {strides = array<i32>} : memref<4x128x64xf32, #tpu.memory_space<vmem>>, vector<1x1x16xf32>,
        %swap3A_491 = vector.shape_cast %swap3A_490 : vector<1x1x16xf32> to vector<16xf32>
        %swap3A_492 = vector.shape_cast %mul3A_485 : vector<16xf32> to vector<1x1x16xf32>
        tpu.vector_store %arg8[%swap3A_487, %swap3A_488, %swap3A_489], %swap3A_492 {strides = array<i32>} : memref<4x128x64xf32, #tpu.memory_space<vmem>>, vector<1x1x16xf32>,
        %get3A_493 = arith.constant 0 : i32
        %get3A_494 = arith.index_cast %get3A_493 : i32 to index
        %get3A_495 = arith.index_cast %scan3A_451 : i32 to index
        %get3A_496 = arith.constant 48 : index
        %get3A_497 = tpu.vector_load %arg8[%get3A_494, %get3A_495, %get3A_496] {strides = array<i32>} : memref<4x128x64xf32, #tpu.memory_space<vmem>>, vector<1x1x16xf32>,
        %get3A_498 = vector.shape_cast %get3A_497 : vector<1x1x16xf32> to vector<16xf32>
        %mul3A_499 = arith.mulf %get3A_498, %add3A_22 : vector<16xf32>
        %swap3A_500 = arith.constant 0 : i32
        %swap3A_501 = arith.index_cast %swap3A_500 : i32 to index
        %swap3A_502 = arith.index_cast %scan3A_451 : i32 to index
        %swap3A_503 = arith.constant 48 : index
        %swap3A_504 = tpu.vector_load %arg8[%swap3A_501, %swap3A_502, %swap3A_503] {strides = array<i32>} : memref<4x128x64xf32, #tpu.memory_space<vmem>>, vector<1x1x16xf32>,
        %swap3A_505 = vector.shape_cast %swap3A_504 : vector<1x1x16xf32> to vector<16xf32>
        %swap3A_506 = vector.shape_cast %mul3A_499 : vector<16xf32> to vector<1x1x16xf32>
        tpu.vector_store %arg8[%swap3A_501, %swap3A_502, %swap3A_503], %swap3A_506 {strides = array<i32>} : memref<4x128x64xf32, #tpu.memory_space<vmem>>, vector<1x1x16xf32>,
      }
      %scan3A_449 = arith.constant 80 : i32
      %run_scoped3A_450 = arith.constant 0 : i32
      "tpu.region"() ({
        %run_scoped3A_451 = tpu.sem_alloc : memref<!tpu.dma_semaphore, #tpu.memory_space<semaphore_mem>>
        %dma_start3A_452 = arith.constant 0 : i32
        %dma_start3A_453 = arith.constant 0 : i32
        %dma_start3A_454 = tpu.memref_slice %arg8[%run_scoped3A_450, %dma_start3A_452, %dma_start3A_453] : memref<4x128x64xf32, #tpu.memory_space<vmem>> -> memref<1x80x64xf32, #tpu.memory_space<vmem>>
        %dma_start3A_455 = tpu.memref_squeeze %dma_start3A_454 : memref<1x80x64xf32, #tpu.memory_space<vmem>> -> memref<80x64xf32, #tpu.memory_space<vmem>>
        %dma_start3A_456 = arith.constant 0 : i32
        %dma_start3A_457 = tpu.memref_slice %arg7[%mul3A_82, %dma_start3A_456] : memref<10240x64xf32, #tpu.memory_space<vmem_shared>> -> memref<80x64xf32, #tpu.memory_space<vmem_shared>>
        %dma_start3A_458 = arith.constant 0 : i32
        %dma_start3A_459 = tpu.memref_slice %arg7[%mul3A_82, %dma_start3A_458] : memref<10240x64xf32, #tpu.memory_space<vmem_shared>> -> memref<80x64xf32, #tpu.memory_space<vmem_shared>>
        %dma_start3A_460 = arith.constant 0 : i32
        %dma_start3A_461 = arith.constant 0 : i32
        %dma_start3A_462 = tpu.memref_slice %arg8[%run_scoped3A_450, %dma_start3A_460, %dma_start3A_461] : memref<4x128x64xf32, #tpu.memory_space<vmem>> -> memref<1x80x64xf32, #tpu.memory_space<vmem>>
        %dma_start3A_463 = tpu.memref_squeeze %dma_start3A_462 : memref<1x80x64xf32, #tpu.memory_space<vmem>> -> memref<80x64xf32, #tpu.memory_space<vmem>>
        tpu.enqueue_dma source(%dma_start3A_463 : memref<80x64xf32, #tpu.memory_space<vmem>>) target(%dma_start3A_459 : memref<80x64xf32, #tpu.memory_space<vmem_shared>>) target_semaphore(%run_scoped3A_451 : memref<!tpu.dma_semaphore, #tpu.memory_space<semaphore_mem>>)
        %dma_wait3A_464 = arith.constant 0 : i32
        %dma_wait3A_465 = arith.constant 0 : i32
        %dma_wait3A_466 = tpu.memref_slice %arg8[%run_scoped3A_450, %dma_wait3A_464, %dma_wait3A_465] : memref<4x128x64xf32, #tpu.memory_space<vmem>> -> memref<1x80x64xf32, #tpu.memory_space<vmem>>
        %dma_wait3A_467 = tpu.memref_squeeze %dma_wait3A_466 : memref<1x80x64xf32, #tpu.memory_space<vmem>> -> memref<80x64xf32, #tpu.memory_space<vmem>>
        %dma_wait3A_468 = arith.constant 0 : i32
        %dma_wait3A_469 = tpu.memref_slice %arg7[%mul3A_82, %dma_wait3A_468] : memref<10240x64xf32, #tpu.memory_space<vmem_shared>> -> memref<80x64xf32, #tpu.memory_space<vmem_shared>>
        %dma_wait3A_470 = arith.constant 0 : i32
        %dma_wait3A_471 = tpu.memref_slice %arg7[%mul3A_82, %dma_wait3A_470] : memref<10240x64xf32, #tpu.memory_space<vmem_shared>> -> memref<80x64xf32, #tpu.memory_space<vmem_shared>>
        %dma_wait3A_472 = arith.constant 0 : i32
        %dma_wait3A_473 = arith.constant 0 : i32
        %dma_wait3A_474 = tpu.memref_slice %arg8[%run_scoped3A_450, %dma_wait3A_472, %dma_wait3A_473] : memref<4x128x64xf32, #tpu.memory_space<vmem>> -> memref<1x80x64xf32, #tpu.memory_space<vmem>>
        %dma_wait3A_475 = tpu.memref_squeeze %dma_wait3A_474 : memref<1x80x64xf32, #tpu.memory_space<vmem>> -> memref<80x64xf32, #tpu.memory_space<vmem>>
        tpu.wait_dma2 semaphore(%run_scoped3A_451 : memref<!tpu.dma_semaphore, #tpu.memory_space<semaphore_mem>>) src(%dma_wait3A_475 : memref<80x64xf32, #tpu.memory_space<vmem>>) dst(%dma_wait3A_471 : memref<80x64xf32, #tpu.memory_space<vmem_shared>>)
        tpu.yield
      }) : () -> ()
    } else {
    }
    %add3A_104 = arith.constant 48 : i32
    %add3A_105 = arith.addi %arg1, %add3A_104 : i32
    %mul3A_106 = arith.constant 80 : i32
    %mul3A_107 = arith.muli %add3A_105, %mul3A_106 : i32
    %add3A_108 = arith.constant 48 : i32
    %add3A_109 = arith.addi %arg1, %add3A_108 : i32
    %lt3A_110 = arith.constant 125 : i32
    %lt3A_111 = arith.cmpi slt, %add3A_109, %lt3A_110 : i32
    %convert_element_type3A_112 = arith.extui %lt3A_111 : i1 to i32
    %cond3A_113 = arith.constant 0 : i32
    %cond3A_114 = arith.cmpi ne, %convert_element_type3A_112, %cond3A_113 : i32
    scf.if %cond3A_114 {
      %dma_wait3A_444 = arith.constant 1 : i32
      %dma_wait3A_445 = arith.constant 0 : i32
      %dma_wait3A_446 = arith.constant 0 : i32
      %dma_wait3A_447 = tpu.memref_slice %arg8[%dma_wait3A_444, %dma_wait3A_445, %dma_wait3A_446] : memref<4x128x64xf32, #tpu.memory_space<vmem>> -> memref<1x80x64xf32, #tpu.memory_space<vmem>>
      %dma_wait3A_448 = tpu.memref_squeeze %dma_wait3A_447 : memref<1x80x64xf32, #tpu.memory_space<vmem>> -> memref<80x64xf32, #tpu.memory_space<vmem>>
      %dma_wait3A_449 = arith.constant 0 : i32
      %dma_wait3A_450 = tpu.memref_slice %arg2[%dma_wait3A_449, %multiple_of3A] : memref<10000x128xf32, #tpu.memory_space<hbm>> -> memref<80x64xf32, #tpu.memory_space<hbm>>
      %dma_wait3A_451 = arith.constant 0 : i32
      %dma_wait3A_452 = arith.constant 0 : i32
      %dma_wait3A_453 = tpu.memref_slice %arg8[%dma_wait3A_444, %dma_wait3A_451, %dma_wait3A_452] : memref<4x128x64xf32, #tpu.memory_space<vmem>> -> memref<1x80x64xf32, #tpu.memory_space<vmem>>
      %dma_wait3A_454 = tpu.memref_squeeze %dma_wait3A_453 : memref<1x80x64xf32, #tpu.memory_space<vmem>> -> memref<80x64xf32, #tpu.memory_space<vmem>>
      %dma_wait3A_455 = arith.constant 0 : i32
      %dma_wait3A_456 = tpu.memref_slice %arg2[%dma_wait3A_455, %multiple_of3A] : memref<10000x128xf32, #tpu.memory_space<hbm>> -> memref<80x64xf32, #tpu.memory_space<hbm>>
      tpu.wait_dma2 semaphore(%arg12 : memref<!tpu.dma_semaphore, #tpu.memory_space<semaphore_mem>>) src(%dma_wait3A_456 : memref<80x64xf32, #tpu.memory_space<hbm>>) dst(%dma_wait3A_454 : memref<80x64xf32, #tpu.memory_space<vmem>>)
    } else {
    }
    %add3A_115 = arith.constant 64 : i32
    %add3A_116 = arith.addi %arg1, %add3A_115 : i32
    %mul3A_117 = arith.constant 80 : i32
    %mul3A_118 = arith.muli %add3A_116, %mul3A_117 : i32
    %lt3A_119 = arith.constant 125 : i32
    %lt3A_120 = arith.cmpi slt, %add3A_116, %lt3A_119 : i32
    %convert_element_type3A_121 = arith.extui %lt3A_120 : i1 to i32
    %cond3A_122 = arith.constant 0 : i32
    %cond3A_123 = arith.cmpi ne, %convert_element_type3A_121, %cond3A_122 : i32
    scf.if %cond3A_123 {
      %dma_start3A_444 = arith.constant 0 : i32
      %dma_start3A_445 = arith.constant 0 : i32
      %dma_start3A_446 = arith.constant 0 : i32
      %dma_start3A_447 = tpu.memref_slice %arg8[%dma_start3A_444, %dma_start3A_445, %dma_start3A_446] : memref<4x128x64xf32, #tpu.memory_space<vmem>> -> memref<1x80x64xf32, #tpu.memory_space<vmem>>
      %dma_start3A_448 = tpu.memref_squeeze %dma_start3A_447 : memref<1x80x64xf32, #tpu.memory_space<vmem>> -> memref<80x64xf32, #tpu.memory_space<vmem>>
      %dma_start3A_449 = tpu.memref_slice %arg2[%mul3A_118, %multiple_of3A] : memref<10000x128xf32, #tpu.memory_space<hbm>> -> memref<80x64xf32, #tpu.memory_space<hbm>>
      %dma_start3A_450 = arith.constant 0 : i32
      %dma_start3A_451 = arith.constant 0 : i32
      %dma_start3A_452 = tpu.memref_slice %arg8[%dma_start3A_444, %dma_start3A_450, %dma_start3A_451] : memref<4x128x64xf32, #tpu.memory_space<vmem>> -> memref<1x80x64xf32, #tpu.memory_space<vmem>>
      %dma_start3A_453 = tpu.memref_squeeze %dma_start3A_452 : memref<1x80x64xf32, #tpu.memory_space<vmem>> -> memref<80x64xf32, #tpu.memory_space<vmem>>
      %dma_start3A_454 = tpu.memref_slice %arg2[%mul3A_118, %multiple_of3A] : memref<10000x128xf32, #tpu.memory_space<hbm>> -> memref<80x64xf32, #tpu.memory_space<hbm>>
      tpu.enqueue_dma source(%dma_start3A_454 : memref<80x64xf32, #tpu.memory_space<hbm>>) target(%dma_start3A_453 : memref<80x64xf32, #tpu.memory_space<vmem>>) target_semaphore(%arg11 : memref<!tpu.dma_semaphore, #tpu.memory_space<semaphore_mem>>)
    } else {
    }
    %lt3A_124 = arith.constant 125 : i32
    %lt3A_125 = arith.cmpi slt, %add3A_105, %lt3A_124 : i32
    %convert_element_type3A_126 = arith.extui %lt3A_125 : i1 to i32
    %cond3A_127 = arith.constant 0 : i32
    %cond3A_128 = arith.cmpi ne, %convert_element_type3A_126, %cond3A_127 : i32
    scf.if %cond3A_128 {
      %run_scoped3A = arith.constant 1 : i32
      "tpu.region"() ({
        %run_scoped3A_451 = tpu.sem_alloc : memref<!tpu.dma_semaphore, #tpu.memory_space<semaphore_mem>>
        %dma_start3A_452 = arith.constant 0 : i32
        %dma_start3A_453 = arith.constant 0 : i32
        %dma_start3A_454 = tpu.memref_slice %arg8[%run_scoped3A, %dma_start3A_452, %dma_start3A_453] : memref<4x128x64xf32, #tpu.memory_space<vmem>> -> memref<1x80x64xf32, #tpu.memory_space<vmem>>
        %dma_start3A_455 = tpu.memref_squeeze %dma_start3A_454 : memref<1x80x64xf32, #tpu.memory_space<vmem>> -> memref<80x64xf32, #tpu.memory_space<vmem>>
        %dma_start3A_456 = arith.constant 0 : i32
        %dma_start3A_457 = tpu.memref_slice %arg6[%mul3A_107, %dma_start3A_456] : memref<10240x64xf32, #tpu.memory_space<vmem_shared>> -> memref<80x64xf32, #tpu.memory_space<vmem_shared>>
        %dma_start3A_458 = arith.constant 0 : i32
        %dma_start3A_459 = tpu.memref_slice %arg6[%mul3A_107, %dma_start3A_458] : memref<10240x64xf32, #tpu.memory_space<vmem_shared>> -> memref<80x64xf32, #tpu.memory_space<vmem_shared>>
        %dma_start3A_460 = arith.constant 0 : i32
        %dma_start3A_461 = arith.constant 0 : i32
        %dma_start3A_462 = tpu.memref_slice %arg8[%run_scoped3A, %dma_start3A_460, %dma_start3A_461] : memref<4x128x64xf32, #tpu.memory_space<vmem>> -> memref<1x80x64xf32, #tpu.memory_space<vmem>>
        %dma_start3A_463 = tpu.memref_squeeze %dma_start3A_462 : memref<1x80x64xf32, #tpu.memory_space<vmem>> -> memref<80x64xf32, #tpu.memory_space<vmem>>
        tpu.enqueue_dma source(%dma_start3A_463 : memref<80x64xf32, #tpu.memory_space<vmem>>) target(%dma_start3A_459 : memref<80x64xf32, #tpu.memory_space<vmem_shared>>) target_semaphore(%run_scoped3A_451 : memref<!tpu.dma_semaphore, #tpu.memory_space<semaphore_mem>>)
        %dma_wait3A_464 = arith.constant 0 : i32
        %dma_wait3A_465 = arith.constant 0 : i32
        %dma_wait3A_466 = tpu.memref_slice %arg8[%run_scoped3A, %dma_wait3A_464, %dma_wait3A_465] : memref<4x128x64xf32, #tpu.memory_space<vmem>> -> memref<1x80x64xf32, #tpu.memory_space<vmem>>
        %dma_wait3A_467 = tpu.memref_squeeze %dma_wait3A_466 : memref<1x80x64xf32, #tpu.memory_space<vmem>> -> memref<80x64xf32, #tpu.memory_space<vmem>>
        %dma_wait3A_468 = arith.constant 0 : i32
        %dma_wait3A_469 = tpu.memref_slice %arg6[%mul3A_107, %dma_wait3A_468] : memref<10240x64xf32, #tpu.memory_space<vmem_shared>> -> memref<80x64xf32, #tpu.memory_space<vmem_shared>>
        %dma_wait3A_470 = arith.constant 0 : i32
        %dma_wait3A_471 = tpu.memref_slice %arg6[%mul3A_107, %dma_wait3A_470] : memref<10240x64xf32, #tpu.memory_space<vmem_shared>> -> memref<80x64xf32, #tpu.memory_space<vmem_shared>>
        %dma_wait3A_472 = arith.constant 0 : i32
        %dma_wait3A_473 = arith.constant 0 : i32
        %dma_wait3A_474 = tpu.memref_slice %arg8[%run_scoped3A, %dma_wait3A_472, %dma_wait3A_473] : memref<4x128x64xf32, #tpu.memory_space<vmem>> -> memref<1x80x64xf32, #tpu.memory_space<vmem>>
        %dma_wait3A_475 = tpu.memref_squeeze %dma_wait3A_474 : memref<1x80x64xf32, #tpu.memory_space<vmem>> -> memref<80x64xf32, #tpu.memory_space<vmem>>
        tpu.wait_dma2 semaphore(%run_scoped3A_451 : memref<!tpu.dma_semaphore, #tpu.memory_space<semaphore_mem>>) src(%dma_wait3A_475 : memref<80x64xf32, #tpu.memory_space<vmem>>) dst(%dma_wait3A_471 : memref<80x64xf32, #tpu.memory_space<vmem_shared>>)
        tpu.yield
      }) : () -> ()
      %scan3A_444 = arith.constant 0 : i32
      %scan3A_445 = arith.constant 0 : i32
      %scan3A_446 = arith.constant 80 : i32
      %scan3A_447 = arith.addi %scan3A_445, %scan3A_446 : i32
      %scan3A_448 = arith.constant 1 : i32
      scf.for %scan3A_451 = %scan3A_445 to %scan3A_447 step %scan3A_448  : i32 {
        %get3A_452 = arith.constant 1 : i32
        %get3A_453 = arith.index_cast %get3A_452 : i32 to index
        %get3A_454 = arith.index_cast %scan3A_451 : i32 to index
        %get3A_455 = arith.constant 0 : index
        %get3A_456 = tpu.vector_load %arg8[%get3A_453, %get3A_454, %get3A_455] {strides = array<i32>} : memref<4x128x64xf32, #tpu.memory_space<vmem>>, vector<1x1x16xf32>,
        %get3A_457 = vector.shape_cast %get3A_456 : vector<1x1x16xf32> to vector<16xf32>
        %mul3A_458 = arith.mulf %get3A_457, %add3A_22 : vector<16xf32>
        %swap3A = arith.constant 1 : i32
        %swap3A_459 = arith.index_cast %swap3A : i32 to index
        %swap3A_460 = arith.index_cast %scan3A_451 : i32 to index
        %swap3A_461 = arith.constant 0 : index
        %swap3A_462 = tpu.vector_load %arg8[%swap3A_459, %swap3A_460, %swap3A_461] {strides = array<i32>} : memref<4x128x64xf32, #tpu.memory_space<vmem>>, vector<1x1x16xf32>,
        %swap3A_463 = vector.shape_cast %swap3A_462 : vector<1x1x16xf32> to vector<16xf32>
        %swap3A_464 = vector.shape_cast %mul3A_458 : vector<16xf32> to vector<1x1x16xf32>
        tpu.vector_store %arg8[%swap3A_459, %swap3A_460, %swap3A_461], %swap3A_464 {strides = array<i32>} : memref<4x128x64xf32, #tpu.memory_space<vmem>>, vector<1x1x16xf32>,
        %get3A_465 = arith.constant 1 : i32
        %get3A_466 = arith.index_cast %get3A_465 : i32 to index
        %get3A_467 = arith.index_cast %scan3A_451 : i32 to index
        %get3A_468 = arith.constant 16 : index
        %get3A_469 = tpu.vector_load %arg8[%get3A_466, %get3A_467, %get3A_468] {strides = array<i32>} : memref<4x128x64xf32, #tpu.memory_space<vmem>>, vector<1x1x16xf32>,
        %get3A_470 = vector.shape_cast %get3A_469 : vector<1x1x16xf32> to vector<16xf32>
        %mul3A_471 = arith.mulf %get3A_470, %add3A_22 : vector<16xf32>
        %swap3A_472 = arith.constant 1 : i32
        %swap3A_473 = arith.index_cast %swap3A_472 : i32 to index
        %swap3A_474 = arith.index_cast %scan3A_451 : i32 to index
        %swap3A_475 = arith.constant 16 : index
        %swap3A_476 = tpu.vector_load %arg8[%swap3A_473, %swap3A_474, %swap3A_475] {strides = array<i32>} : memref<4x128x64xf32, #tpu.memory_space<vmem>>, vector<1x1x16xf32>,
        %swap3A_477 = vector.shape_cast %swap3A_476 : vector<1x1x16xf32> to vector<16xf32>
        %swap3A_478 = vector.shape_cast %mul3A_471 : vector<16xf32> to vector<1x1x16xf32>
        tpu.vector_store %arg8[%swap3A_473, %swap3A_474, %swap3A_475], %swap3A_478 {strides = array<i32>} : memref<4x128x64xf32, #tpu.memory_space<vmem>>, vector<1x1x16xf32>,
        %get3A_479 = arith.constant 1 : i32
        %get3A_480 = arith.index_cast %get3A_479 : i32 to index
        %get3A_481 = arith.index_cast %scan3A_451 : i32 to index
        %get3A_482 = arith.constant 32 : index
        %get3A_483 = tpu.vector_load %arg8[%get3A_480, %get3A_481, %get3A_482] {strides = array<i32>} : memref<4x128x64xf32, #tpu.memory_space<vmem>>, vector<1x1x16xf32>,
        %get3A_484 = vector.shape_cast %get3A_483 : vector<1x1x16xf32> to vector<16xf32>
        %mul3A_485 = arith.mulf %get3A_484, %add3A_22 : vector<16xf32>
        %swap3A_486 = arith.constant 1 : i32
        %swap3A_487 = arith.index_cast %swap3A_486 : i32 to index
        %swap3A_488 = arith.index_cast %scan3A_451 : i32 to index
        %swap3A_489 = arith.constant 32 : index
        %swap3A_490 = tpu.vector_load %arg8[%swap3A_487, %swap3A_488, %swap3A_489] {strides = array<i32>} : memref<4x128x64xf32, #tpu.memory_space<vmem>>, vector<1x1x16xf32>,
        %swap3A_491 = vector.shape_cast %swap3A_490 : vector<1x1x16xf32> to vector<16xf32>
        %swap3A_492 = vector.shape_cast %mul3A_485 : vector<16xf32> to vector<1x1x16xf32>
        tpu.vector_store %arg8[%swap3A_487, %swap3A_488, %swap3A_489], %swap3A_492 {strides = array<i32>} : memref<4x128x64xf32, #tpu.memory_space<vmem>>, vector<1x1x16xf32>,
        %get3A_493 = arith.constant 1 : i32
        %get3A_494 = arith.index_cast %get3A_493 : i32 to index
        %get3A_495 = arith.index_cast %scan3A_451 : i32 to index
        %get3A_496 = arith.constant 48 : index
        %get3A_497 = tpu.vector_load %arg8[%get3A_494, %get3A_495, %get3A_496] {strides = array<i32>} : memref<4x128x64xf32, #tpu.memory_space<vmem>>, vector<1x1x16xf32>,
        %get3A_498 = vector.shape_cast %get3A_497 : vector<1x1x16xf32> to vector<16xf32>
        %mul3A_499 = arith.mulf %get3A_498, %add3A_22 : vector<16xf32>
        %swap3A_500 = arith.constant 1 : i32
        %swap3A_501 = arith.index_cast %swap3A_500 : i32 to index
        %swap3A_502 = arith.index_cast %scan3A_451 : i32 to index
        %swap3A_503 = arith.constant 48 : index
        %swap3A_504 = tpu.vector_load %arg8[%swap3A_501, %swap3A_502, %swap3A_503] {strides = array<i32>} : memref<4x128x64xf32, #tpu.memory_space<vmem>>, vector<1x1x16xf32>,
        %swap3A_505 = vector.shape_cast %swap3A_504 : vector<1x1x16xf32> to vector<16xf32>
        %swap3A_506 = vector.shape_cast %mul3A_499 : vector<16xf32> to vector<1x1x16xf32>
        tpu.vector_store %arg8[%swap3A_501, %swap3A_502, %swap3A_503], %swap3A_506 {strides = array<i32>} : memref<4x128x64xf32, #tpu.memory_space<vmem>>, vector<1x1x16xf32>,
      }
      %scan3A_449 = arith.constant 80 : i32
      %run_scoped3A_450 = arith.constant 1 : i32
      "tpu.region"() ({
        %run_scoped3A_451 = tpu.sem_alloc : memref<!tpu.dma_semaphore, #tpu.memory_space<semaphore_mem>>
        %dma_start3A_452 = arith.constant 0 : i32
        %dma_start3A_453 = arith.constant 0 : i32
        %dma_start3A_454 = tpu.memref_slice %arg8[%run_scoped3A_450, %dma_start3A_452, %dma_start3A_453] : memref<4x128x64xf32, #tpu.memory_space<vmem>> -> memref<1x80x64xf32, #tpu.memory_space<vmem>>
        %dma_start3A_455 = tpu.memref_squeeze %dma_start3A_454 : memref<1x80x64xf32, #tpu.memory_space<vmem>> -> memref<80x64xf32, #tpu.memory_space<vmem>>
        %dma_start3A_456 = arith.constant 0 : i32
        %dma_start3A_457 = tpu.memref_slice %arg7[%mul3A_107, %dma_start3A_456] : memref<10240x64xf32, #tpu.memory_space<vmem_shared>> -> memref<80x64xf32, #tpu.memory_space<vmem_shared>>
        %dma_start3A_458 = arith.constant 0 : i32
        %dma_start3A_459 = tpu.memref_slice %arg7[%mul3A_107, %dma_start3A_458] : memref<10240x64xf32, #tpu.memory_space<vmem_shared>> -> memref<80x64xf32, #tpu.memory_space<vmem_shared>>
        %dma_start3A_460 = arith.constant 0 : i32
        %dma_start3A_461 = arith.constant 0 : i32
        %dma_start3A_462 = tpu.memref_slice %arg8[%run_scoped3A_450, %dma_start3A_460, %dma_start3A_461] : memref<4x128x64xf32, #tpu.memory_space<vmem>> -> memref<1x80x64xf32, #tpu.memory_space<vmem>>
        %dma_start3A_463 = tpu.memref_squeeze %dma_start3A_462 : memref<1x80x64xf32, #tpu.memory_space<vmem>> -> memref<80x64xf32, #tpu.memory_space<vmem>>
        tpu.enqueue_dma source(%dma_start3A_463 : memref<80x64xf32, #tpu.memory_space<vmem>>) target(%dma_start3A_459 : memref<80x64xf32, #tpu.memory_space<vmem_shared>>) target_semaphore(%run_scoped3A_451 : memref<!tpu.dma_semaphore, #tpu.memory_space<semaphore_mem>>)
        %dma_wait3A_464 = arith.constant 0 : i32
        %dma_wait3A_465 = arith.constant 0 : i32
        %dma_wait3A_466 = tpu.memref_slice %arg8[%run_scoped3A_450, %dma_wait3A_464, %dma_wait3A_465] : memref<4x128x64xf32, #tpu.memory_space<vmem>> -> memref<1x80x64xf32, #tpu.memory_space<vmem>>
        %dma_wait3A_467 = tpu.memref_squeeze %dma_wait3A_466 : memref<1x80x64xf32, #tpu.memory_space<vmem>> -> memref<80x64xf32, #tpu.memory_space<vmem>>
        %dma_wait3A_468 = arith.constant 0 : i32
        %dma_wait3A_469 = tpu.memref_slice %arg7[%mul3A_107, %dma_wait3A_468] : memref<10240x64xf32, #tpu.memory_space<vmem_shared>> -> memref<80x64xf32, #tpu.memory_space<vmem_shared>>
        %dma_wait3A_470 = arith.constant 0 : i32
        %dma_wait3A_471 = tpu.memref_slice %arg7[%mul3A_107, %dma_wait3A_470] : memref<10240x64xf32, #tpu.memory_space<vmem_shared>> -> memref<80x64xf32, #tpu.memory_space<vmem_shared>>
        %dma_wait3A_472 = arith.constant 0 : i32
        %dma_wait3A_473 = arith.constant 0 : i32
        %dma_wait3A_474 = tpu.memref_slice %arg8[%run_scoped3A_450, %dma_wait3A_472, %dma_wait3A_473] : memref<4x128x64xf32, #tpu.memory_space<vmem>> -> memref<1x80x64xf32, #tpu.memory_space<vmem>>
        %dma_wait3A_475 = tpu.memref_squeeze %dma_wait3A_474 : memref<1x80x64xf32, #tpu.memory_space<vmem>> -> memref<80x64xf32, #tpu.memory_space<vmem>>
        tpu.wait_dma2 semaphore(%run_scoped3A_451 : memref<!tpu.dma_semaphore, #tpu.memory_space<semaphore_mem>>) src(%dma_wait3A_475 : memref<80x64xf32, #tpu.memory_space<vmem>>) dst(%dma_wait3A_471 : memref<80x64xf32, #tpu.memory_space<vmem_shared>>)
        tpu.yield
      }) : () -> ()
    } else {
    }
    %add3A_129 = arith.constant 64 : i32
    %add3A_130 = arith.addi %arg1, %add3A_129 : i32
    %mul3A_131 = arith.constant 80 : i32
    %mul3A_132 = arith.muli %add3A_130, %mul3A_131 : i32
    %add3A_133 = arith.constant 64 : i32
    %add3A_134 = arith.addi %arg1, %add3A_133 : i32
    %lt3A_135 = arith.constant 125 : i32
    %lt3A_136 = arith.cmpi slt, %add3A_134, %lt3A_135 : i32
    %convert_element_type3A_137 = arith.extui %lt3A_136 : i1 to i32
    %cond3A_138 = arith.constant 0 : i32
    %cond3A_139 = arith.cmpi ne, %convert_element_type3A_137, %cond3A_138 : i32
    scf.if %cond3A_139 {
      %dma_wait3A_444 = arith.constant 0 : i32
      %dma_wait3A_445 = arith.constant 0 : i32
      %dma_wait3A_446 = arith.constant 0 : i32
      %dma_wait3A_447 = tpu.memref_slice %arg8[%dma_wait3A_444, %dma_wait3A_445, %dma_wait3A_446] : memref<4x128x64xf32, #tpu.memory_space<vmem>> -> memref<1x80x64xf32, #tpu.memory_space<vmem>>
      %dma_wait3A_448 = tpu.memref_squeeze %dma_wait3A_447 : memref<1x80x64xf32, #tpu.memory_space<vmem>> -> memref<80x64xf32, #tpu.memory_space<vmem>>
      %dma_wait3A_449 = arith.constant 0 : i32
      %dma_wait3A_450 = tpu.memref_slice %arg2[%dma_wait3A_449, %multiple_of3A] : memref<10000x128xf32, #tpu.memory_space<hbm>> -> memref<80x64xf32, #tpu.memory_space<hbm>>
      %dma_wait3A_451 = arith.constant 0 : i32
      %dma_wait3A_452 = arith.constant 0 : i32
      %dma_wait3A_453 = tpu.memref_slice %arg8[%dma_wait3A_444, %dma_wait3A_451, %dma_wait3A_452] : memref<4x128x64xf32, #tpu.memory_space<vmem>> -> memref<1x80x64xf32, #tpu.memory_space<vmem>>
      %dma_wait3A_454 = tpu.memref_squeeze %dma_wait3A_453 : memref<1x80x64xf32, #tpu.memory_space<vmem>> -> memref<80x64xf32, #tpu.memory_space<vmem>>
      %dma_wait3A_455 = arith.constant 0 : i32
      %dma_wait3A_456 = tpu.memref_slice %arg2[%dma_wait3A_455, %multiple_of3A] : memref<10000x128xf32, #tpu.memory_space<hbm>> -> memref<80x64xf32, #tpu.memory_space<hbm>>
      tpu.wait_dma2 semaphore(%arg11 : memref<!tpu.dma_semaphore, #tpu.memory_space<semaphore_mem>>) src(%dma_wait3A_456 : memref<80x64xf32, #tpu.memory_space<hbm>>) dst(%dma_wait3A_454 : memref<80x64xf32, #tpu.memory_space<vmem>>)
    } else {
    }
    %add3A_140 = arith.constant 80 : i32
    %add3A_141 = arith.addi %arg1, %add3A_140 : i32
    %mul3A_142 = arith.constant 80 : i32
    %mul3A_143 = arith.muli %add3A_141, %mul3A_142 : i32
    %lt3A_144 = arith.constant 125 : i32
    %lt3A_145 = arith.cmpi slt, %add3A_141, %lt3A_144 : i32
    %convert_element_type3A_146 = arith.extui %lt3A_145 : i1 to i32
    %cond3A_147 = arith.constant 0 : i32
    %cond3A_148 = arith.cmpi ne, %convert_element_type3A_146, %cond3A_147 : i32
    scf.if %cond3A_148 {
      %dma_start3A_444 = arith.constant 1 : i32
      %dma_start3A_445 = arith.constant 0 : i32
      %dma_start3A_446 = arith.constant 0 : i32
      %dma_start3A_447 = tpu.memref_slice %arg8[%dma_start3A_444, %dma_start3A_445, %dma_start3A_446] : memref<4x128x64xf32, #tpu.memory_space<vmem>> -> memref<1x80x64xf32, #tpu.memory_space<vmem>>
      %dma_start3A_448 = tpu.memref_squeeze %dma_start3A_447 : memref<1x80x64xf32, #tpu.memory_space<vmem>> -> memref<80x64xf32, #tpu.memory_space<vmem>>
      %dma_start3A_449 = tpu.memref_slice %arg2[%mul3A_143, %multiple_of3A] : memref<10000x128xf32, #tpu.memory_space<hbm>> -> memref<80x64xf32, #tpu.memory_space<hbm>>
      %dma_start3A_450 = arith.constant 0 : i32
      %dma_start3A_451 = arith.constant 0 : i32
      %dma_start3A_452 = tpu.memref_slice %arg8[%dma_start3A_444, %dma_start3A_450, %dma_start3A_451] : memref<4x128x64xf32, #tpu.memory_space<vmem>> -> memref<1x80x64xf32, #tpu.memory_space<vmem>>
      %dma_start3A_453 = tpu.memref_squeeze %dma_start3A_452 : memref<1x80x64xf32, #tpu.memory_space<vmem>> -> memref<80x64xf32, #tpu.memory_space<vmem>>
      %dma_start3A_454 = tpu.memref_slice %arg2[%mul3A_143, %multiple_of3A] : memref<10000x128xf32, #tpu.memory_space<hbm>> -> memref<80x64xf32, #tpu.memory_space<hbm>>
      tpu.enqueue_dma source(%dma_start3A_454 : memref<80x64xf32, #tpu.memory_space<hbm>>) target(%dma_start3A_453 : memref<80x64xf32, #tpu.memory_space<vmem>>) target_semaphore(%arg12 : memref<!tpu.dma_semaphore, #tpu.memory_space<semaphore_mem>>)
    } else {
    }
    %lt3A_149 = arith.constant 125 : i32
    %lt3A_150 = arith.cmpi slt, %add3A_130, %lt3A_149 : i32
    %convert_element_type3A_151 = arith.extui %lt3A_150 : i1 to i32
    %cond3A_152 = arith.constant 0 : i32
    %cond3A_153 = arith.cmpi ne, %convert_element_type3A_151, %cond3A_152 : i32
    scf.if %cond3A_153 {
      %run_scoped3A = arith.constant 0 : i32
      "tpu.region"() ({
        %run_scoped3A_451 = tpu.sem_alloc : memref<!tpu.dma_semaphore, #tpu.memory_space<semaphore_mem>>
        %dma_start3A_452 = arith.constant 0 : i32
        %dma_start3A_453 = arith.constant 0 : i32
        %dma_start3A_454 = tpu.memref_slice %arg8[%run_scoped3A, %dma_start3A_452, %dma_start3A_453] : memref<4x128x64xf32, #tpu.memory_space<vmem>> -> memref<1x80x64xf32, #tpu.memory_space<vmem>>
        %dma_start3A_455 = tpu.memref_squeeze %dma_start3A_454 : memref<1x80x64xf32, #tpu.memory_space<vmem>> -> memref<80x64xf32, #tpu.memory_space<vmem>>
        %dma_start3A_456 = arith.constant 0 : i32
        %dma_start3A_457 = tpu.memref_slice %arg6[%mul3A_132, %dma_start3A_456] : memref<10240x64xf32, #tpu.memory_space<vmem_shared>> -> memref<80x64xf32, #tpu.memory_space<vmem_shared>>
        %dma_start3A_458 = arith.constant 0 : i32
        %dma_start3A_459 = tpu.memref_slice %arg6[%mul3A_132, %dma_start3A_458] : memref<10240x64xf32, #tpu.memory_space<vmem_shared>> -> memref<80x64xf32, #tpu.memory_space<vmem_shared>>
        %dma_start3A_460 = arith.constant 0 : i32
        %dma_start3A_461 = arith.constant 0 : i32
        %dma_start3A_462 = tpu.memref_slice %arg8[%run_scoped3A, %dma_start3A_460, %dma_start3A_461] : memref<4x128x64xf32, #tpu.memory_space<vmem>> -> memref<1x80x64xf32, #tpu.memory_space<vmem>>
        %dma_start3A_463 = tpu.memref_squeeze %dma_start3A_462 : memref<1x80x64xf32, #tpu.memory_space<vmem>> -> memref<80x64xf32, #tpu.memory_space<vmem>>
        tpu.enqueue_dma source(%dma_start3A_463 : memref<80x64xf32, #tpu.memory_space<vmem>>) target(%dma_start3A_459 : memref<80x64xf32, #tpu.memory_space<vmem_shared>>) target_semaphore(%run_scoped3A_451 : memref<!tpu.dma_semaphore, #tpu.memory_space<semaphore_mem>>)
        %dma_wait3A_464 = arith.constant 0 : i32
        %dma_wait3A_465 = arith.constant 0 : i32
        %dma_wait3A_466 = tpu.memref_slice %arg8[%run_scoped3A, %dma_wait3A_464, %dma_wait3A_465] : memref<4x128x64xf32, #tpu.memory_space<vmem>> -> memref<1x80x64xf32, #tpu.memory_space<vmem>>
        %dma_wait3A_467 = tpu.memref_squeeze %dma_wait3A_466 : memref<1x80x64xf32, #tpu.memory_space<vmem>> -> memref<80x64xf32, #tpu.memory_space<vmem>>
        %dma_wait3A_468 = arith.constant 0 : i32
        %dma_wait3A_469 = tpu.memref_slice %arg6[%mul3A_132, %dma_wait3A_468] : memref<10240x64xf32, #tpu.memory_space<vmem_shared>> -> memref<80x64xf32, #tpu.memory_space<vmem_shared>>
        %dma_wait3A_470 = arith.constant 0 : i32
        %dma_wait3A_471 = tpu.memref_slice %arg6[%mul3A_132, %dma_wait3A_470] : memref<10240x64xf32, #tpu.memory_space<vmem_shared>> -> memref<80x64xf32, #tpu.memory_space<vmem_shared>>
        %dma_wait3A_472 = arith.constant 0 : i32
        %dma_wait3A_473 = arith.constant 0 : i32
        %dma_wait3A_474 = tpu.memref_slice %arg8[%run_scoped3A, %dma_wait3A_472, %dma_wait3A_473] : memref<4x128x64xf32, #tpu.memory_space<vmem>> -> memref<1x80x64xf32, #tpu.memory_space<vmem>>
        %dma_wait3A_475 = tpu.memref_squeeze %dma_wait3A_474 : memref<1x80x64xf32, #tpu.memory_space<vmem>> -> memref<80x64xf32, #tpu.memory_space<vmem>>
        tpu.wait_dma2 semaphore(%run_scoped3A_451 : memref<!tpu.dma_semaphore, #tpu.memory_space<semaphore_mem>>) src(%dma_wait3A_475 : memref<80x64xf32, #tpu.memory_space<vmem>>) dst(%dma_wait3A_471 : memref<80x64xf32, #tpu.memory_space<vmem_shared>>)
        tpu.yield
      }) : () -> ()
      %scan3A_444 = arith.constant 0 : i32
      %scan3A_445 = arith.constant 0 : i32
      %scan3A_446 = arith.constant 80 : i32
      %scan3A_447 = arith.addi %scan3A_445, %scan3A_446 : i32
      %scan3A_448 = arith.constant 1 : i32
      scf.for %scan3A_451 = %scan3A_445 to %scan3A_447 step %scan3A_448  : i32 {
        %get3A_452 = arith.constant 0 : i32
        %get3A_453 = arith.index_cast %get3A_452 : i32 to index
        %get3A_454 = arith.index_cast %scan3A_451 : i32 to index
        %get3A_455 = arith.constant 0 : index
        %get3A_456 = tpu.vector_load %arg8[%get3A_453, %get3A_454, %get3A_455] {strides = array<i32>} : memref<4x128x64xf32, #tpu.memory_space<vmem>>, vector<1x1x16xf32>,
        %get3A_457 = vector.shape_cast %get3A_456 : vector<1x1x16xf32> to vector<16xf32>
        %mul3A_458 = arith.mulf %get3A_457, %add3A_22 : vector<16xf32>
        %swap3A = arith.constant 0 : i32
        %swap3A_459 = arith.index_cast %swap3A : i32 to index
        %swap3A_460 = arith.index_cast %scan3A_451 : i32 to index
        %swap3A_461 = arith.constant 0 : index
        %swap3A_462 = tpu.vector_load %arg8[%swap3A_459, %swap3A_460, %swap3A_461] {strides = array<i32>} : memref<4x128x64xf32, #tpu.memory_space<vmem>>, vector<1x1x16xf32>,
        %swap3A_463 = vector.shape_cast %swap3A_462 : vector<1x1x16xf32> to vector<16xf32>
        %swap3A_464 = vector.shape_cast %mul3A_458 : vector<16xf32> to vector<1x1x16xf32>
        tpu.vector_store %arg8[%swap3A_459, %swap3A_460, %swap3A_461], %swap3A_464 {strides = array<i32>} : memref<4x128x64xf32, #tpu.memory_space<vmem>>, vector<1x1x16xf32>,
        %get3A_465 = arith.constant 0 : i32
        %get3A_466 = arith.index_cast %get3A_465 : i32 to index
        %get3A_467 = arith.index_cast %scan3A_451 : i32 to index
        %get3A_468 = arith.constant 16 : index
        %get3A_469 = tpu.vector_load %arg8[%get3A_466, %get3A_467, %get3A_468] {strides = array<i32>} : memref<4x128x64xf32, #tpu.memory_space<vmem>>, vector<1x1x16xf32>,
        %get3A_470 = vector.shape_cast %get3A_469 : vector<1x1x16xf32> to vector<16xf32>
        %mul3A_471 = arith.mulf %get3A_470, %add3A_22 : vector<16xf32>
        %swap3A_472 = arith.constant 0 : i32
        %swap3A_473 = arith.index_cast %swap3A_472 : i32 to index
        %swap3A_474 = arith.index_cast %scan3A_451 : i32 to index
        %swap3A_475 = arith.constant 16 : index
        %swap3A_476 = tpu.vector_load %arg8[%swap3A_473, %swap3A_474, %swap3A_475] {strides = array<i32>} : memref<4x128x64xf32, #tpu.memory_space<vmem>>, vector<1x1x16xf32>,
        %swap3A_477 = vector.shape_cast %swap3A_476 : vector<1x1x16xf32> to vector<16xf32>
        %swap3A_478 = vector.shape_cast %mul3A_471 : vector<16xf32> to vector<1x1x16xf32>
        tpu.vector_store %arg8[%swap3A_473, %swap3A_474, %swap3A_475], %swap3A_478 {strides = array<i32>} : memref<4x128x64xf32, #tpu.memory_space<vmem>>, vector<1x1x16xf32>,
        %get3A_479 = arith.constant 0 : i32
        %get3A_480 = arith.index_cast %get3A_479 : i32 to index
        %get3A_481 = arith.index_cast %scan3A_451 : i32 to index
        %get3A_482 = arith.constant 32 : index
        %get3A_483 = tpu.vector_load %arg8[%get3A_480, %get3A_481, %get3A_482] {strides = array<i32>} : memref<4x128x64xf32, #tpu.memory_space<vmem>>, vector<1x1x16xf32>,
        %get3A_484 = vector.shape_cast %get3A_483 : vector<1x1x16xf32> to vector<16xf32>
        %mul3A_485 = arith.mulf %get3A_484, %add3A_22 : vector<16xf32>
        %swap3A_486 = arith.constant 0 : i32
        %swap3A_487 = arith.index_cast %swap3A_486 : i32 to index
        %swap3A_488 = arith.index_cast %scan3A_451 : i32 to index
        %swap3A_489 = arith.constant 32 : index
        %swap3A_490 = tpu.vector_load %arg8[%swap3A_487, %swap3A_488, %swap3A_489] {strides = array<i32>} : memref<4x128x64xf32, #tpu.memory_space<vmem>>, vector<1x1x16xf32>,
        %swap3A_491 = vector.shape_cast %swap3A_490 : vector<1x1x16xf32> to vector<16xf32>
        %swap3A_492 = vector.shape_cast %mul3A_485 : vector<16xf32> to vector<1x1x16xf32>
        tpu.vector_store %arg8[%swap3A_487, %swap3A_488, %swap3A_489], %swap3A_492 {strides = array<i32>} : memref<4x128x64xf32, #tpu.memory_space<vmem>>, vector<1x1x16xf32>,
        %get3A_493 = arith.constant 0 : i32
        %get3A_494 = arith.index_cast %get3A_493 : i32 to index
        %get3A_495 = arith.index_cast %scan3A_451 : i32 to index
        %get3A_496 = arith.constant 48 : index
        %get3A_497 = tpu.vector_load %arg8[%get3A_494, %get3A_495, %get3A_496] {strides = array<i32>} : memref<4x128x64xf32, #tpu.memory_space<vmem>>, vector<1x1x16xf32>,
        %get3A_498 = vector.shape_cast %get3A_497 : vector<1x1x16xf32> to vector<16xf32>
        %mul3A_499 = arith.mulf %get3A_498, %add3A_22 : vector<16xf32>
        %swap3A_500 = arith.constant 0 : i32
        %swap3A_501 = arith.index_cast %swap3A_500 : i32 to index
        %swap3A_502 = arith.index_cast %scan3A_451 : i32 to index
        %swap3A_503 = arith.constant 48 : index
        %swap3A_504 = tpu.vector_load %arg8[%swap3A_501, %swap3A_502, %swap3A_503] {strides = array<i32>} : memref<4x128x64xf32, #tpu.memory_space<vmem>>, vector<1x1x16xf32>,
        %swap3A_505 = vector.shape_cast %swap3A_504 : vector<1x1x16xf32> to vector<16xf32>
        %swap3A_506 = vector.shape_cast %mul3A_499 : vector<16xf32> to vector<1x1x16xf32>
        tpu.vector_store %arg8[%swap3A_501, %swap3A_502, %swap3A_503], %swap3A_506 {strides = array<i32>} : memref<4x128x64xf32, #tpu.memory_space<vmem>>, vector<1x1x16xf32>,
      }
      %scan3A_449 = arith.constant 80 : i32
      %run_scoped3A_450 = arith.constant 0 : i32
      "tpu.region"() ({
        %run_scoped3A_451 = tpu.sem_alloc : memref<!tpu.dma_semaphore, #tpu.memory_space<semaphore_mem>>
        %dma_start3A_452 = arith.constant 0 : i32
        %dma_start3A_453 = arith.constant 0 : i32
        %dma_start3A_454 = tpu.memref_slice %arg8[%run_scoped3A_450, %dma_start3A_452, %dma_start3A_453] : memref<4x128x64xf32, #tpu.memory_space<vmem>> -> memref<1x80x64xf32, #tpu.memory_space<vmem>>
        %dma_start3A_455 = tpu.memref_squeeze %dma_start3A_454 : memref<1x80x64xf32, #tpu.memory_space<vmem>> -> memref<80x64xf32, #tpu.memory_space<vmem>>
        %dma_start3A_456 = arith.constant 0 : i32
        %dma_start3A_457 = tpu.memref_slice %arg7[%mul3A_132, %dma_start3A_456] : memref<10240x64xf32, #tpu.memory_space<vmem_shared>> -> memref<80x64xf32, #tpu.memory_space<vmem_shared>>
        %dma_start3A_458 = arith.constant 0 : i32
        %dma_start3A_459 = tpu.memref_slice %arg7[%mul3A_132, %dma_start3A_458] : memref<10240x64xf32, #tpu.memory_space<vmem_shared>> -> memref<80x64xf32, #tpu.memory_space<vmem_shared>>
        %dma_start3A_460 = arith.constant 0 : i32
        %dma_start3A_461 = arith.constant 0 : i32
        %dma_start3A_462 = tpu.memref_slice %arg8[%run_scoped3A_450, %dma_start3A_460, %dma_start3A_461] : memref<4x128x64xf32, #tpu.memory_space<vmem>> -> memref<1x80x64xf32, #tpu.memory_space<vmem>>
        %dma_start3A_463 = tpu.memref_squeeze %dma_start3A_462 : memref<1x80x64xf32, #tpu.memory_space<vmem>> -> memref<80x64xf32, #tpu.memory_space<vmem>>
        tpu.enqueue_dma source(%dma_start3A_463 : memref<80x64xf32, #tpu.memory_space<vmem>>) target(%dma_start3A_459 : memref<80x64xf32, #tpu.memory_space<vmem_shared>>) target_semaphore(%run_scoped3A_451 : memref<!tpu.dma_semaphore, #tpu.memory_space<semaphore_mem>>)
        %dma_wait3A_464 = arith.constant 0 : i32
        %dma_wait3A_465 = arith.constant 0 : i32
        %dma_wait3A_466 = tpu.memref_slice %arg8[%run_scoped3A_450, %dma_wait3A_464, %dma_wait3A_465] : memref<4x128x64xf32, #tpu.memory_space<vmem>> -> memref<1x80x64xf32, #tpu.memory_space<vmem>>
        %dma_wait3A_467 = tpu.memref_squeeze %dma_wait3A_466 : memref<1x80x64xf32, #tpu.memory_space<vmem>> -> memref<80x64xf32, #tpu.memory_space<vmem>>
        %dma_wait3A_468 = arith.constant 0 : i32
        %dma_wait3A_469 = tpu.memref_slice %arg7[%mul3A_132, %dma_wait3A_468] : memref<10240x64xf32, #tpu.memory_space<vmem_shared>> -> memref<80x64xf32, #tpu.memory_space<vmem_shared>>
        %dma_wait3A_470 = arith.constant 0 : i32
        %dma_wait3A_471 = tpu.memref_slice %arg7[%mul3A_132, %dma_wait3A_470] : memref<10240x64xf32, #tpu.memory_space<vmem_shared>> -> memref<80x64xf32, #tpu.memory_space<vmem_shared>>
        %dma_wait3A_472 = arith.constant 0 : i32
        %dma_wait3A_473 = arith.constant 0 : i32
        %dma_wait3A_474 = tpu.memref_slice %arg8[%run_scoped3A_450, %dma_wait3A_472, %dma_wait3A_473] : memref<4x128x64xf32, #tpu.memory_space<vmem>> -> memref<1x80x64xf32, #tpu.memory_space<vmem>>
        %dma_wait3A_475 = tpu.memref_squeeze %dma_wait3A_474 : memref<1x80x64xf32, #tpu.memory_space<vmem>> -> memref<80x64xf32, #tpu.memory_space<vmem>>
        tpu.wait_dma2 semaphore(%run_scoped3A_451 : memref<!tpu.dma_semaphore, #tpu.memory_space<semaphore_mem>>) src(%dma_wait3A_475 : memref<80x64xf32, #tpu.memory_space<vmem>>) dst(%dma_wait3A_471 : memref<80x64xf32, #tpu.memory_space<vmem_shared>>)
        tpu.yield
      }) : () -> ()
    } else {
    }
    %add3A_154 = arith.constant 80 : i32
    %add3A_155 = arith.addi %arg1, %add3A_154 : i32
    %mul3A_156 = arith.constant 80 : i32
    %mul3A_157 = arith.muli %add3A_155, %mul3A_156 : i32
    %add3A_158 = arith.constant 80 : i32
    %add3A_159 = arith.addi %arg1, %add3A_158 : i32
    %lt3A_160 = arith.constant 125 : i32
    %lt3A_161 = arith.cmpi slt, %add3A_159, %lt3A_160 : i32
    %convert_element_type3A_162 = arith.extui %lt3A_161 : i1 to i32
    %cond3A_163 = arith.constant 0 : i32
    %cond3A_164 = arith.cmpi ne, %convert_element_type3A_162, %cond3A_163 : i32
    scf.if %cond3A_164 {
      %dma_wait3A_444 = arith.constant 1 : i32
      %dma_wait3A_445 = arith.constant 0 : i32
      %dma_wait3A_446 = arith.constant 0 : i32
      %dma_wait3A_447 = tpu.memref_slice %arg8[%dma_wait3A_444, %dma_wait3A_445, %dma_wait3A_446] : memref<4x128x64xf32, #tpu.memory_space<vmem>> -> memref<1x80x64xf32, #tpu.memory_space<vmem>>
      %dma_wait3A_448 = tpu.memref_squeeze %dma_wait3A_447 : memref<1x80x64xf32, #tpu.memory_space<vmem>> -> memref<80x64xf32, #tpu.memory_space<vmem>>
      %dma_wait3A_449 = arith.constant 0 : i32
      %dma_wait3A_450 = tpu.memref_slice %arg2[%dma_wait3A_449, %multiple_of3A] : memref<10000x128xf32, #tpu.memory_space<hbm>> -> memref<80x64xf32, #tpu.memory_space<hbm>>
      %dma_wait3A_451 = arith.constant 0 : i32
      %dma_wait3A_452 = arith.constant 0 : i32
      %dma_wait3A_453 = tpu.memref_slice %arg8[%dma_wait3A_444, %dma_wait3A_451, %dma_wait3A_452] : memref<4x128x64xf32, #tpu.memory_space<vmem>> -> memref<1x80x64xf32, #tpu.memory_space<vmem>>
      %dma_wait3A_454 = tpu.memref_squeeze %dma_wait3A_453 : memref<1x80x64xf32, #tpu.memory_space<vmem>> -> memref<80x64xf32, #tpu.memory_space<vmem>>
      %dma_wait3A_455 = arith.constant 0 : i32
      %dma_wait3A_456 = tpu.memref_slice %arg2[%dma_wait3A_455, %multiple_of3A] : memref<10000x128xf32, #tpu.memory_space<hbm>> -> memref<80x64xf32, #tpu.memory_space<hbm>>
      tpu.wait_dma2 semaphore(%arg12 : memref<!tpu.dma_semaphore, #tpu.memory_space<semaphore_mem>>) src(%dma_wait3A_456 : memref<80x64xf32, #tpu.memory_space<hbm>>) dst(%dma_wait3A_454 : memref<80x64xf32, #tpu.memory_space<vmem>>)
    } else {
    }
    %add3A_165 = arith.constant 96 : i32
    %add3A_166 = arith.addi %arg1, %add3A_165 : i32
    %mul3A_167 = arith.constant 80 : i32
    %mul3A_168 = arith.muli %add3A_166, %mul3A_167 : i32
    %lt3A_169 = arith.constant 125 : i32
    %lt3A_170 = arith.cmpi slt, %add3A_166, %lt3A_169 : i32
    %convert_element_type3A_171 = arith.extui %lt3A_170 : i1 to i32
    %cond3A_172 = arith.constant 0 : i32
    %cond3A_173 = arith.cmpi ne, %convert_element_type3A_171, %cond3A_172 : i32
    scf.if %cond3A_173 {
      %dma_start3A_444 = arith.constant 0 : i32
      %dma_start3A_445 = arith.constant 0 : i32
      %dma_start3A_446 = arith.constant 0 : i32
      %dma_start3A_447 = tpu.memref_slice %arg8[%dma_start3A_444, %dma_start3A_445, %dma_start3A_446] : memref<4x128x64xf32, #tpu.memory_space<vmem>> -> memref<1x80x64xf32, #tpu.memory_space<vmem>>
      %dma_start3A_448 = tpu.memref_squeeze %dma_start3A_447 : memref<1x80x64xf32, #tpu.memory_space<vmem>> -> memref<80x64xf32, #tpu.memory_space<vmem>>
      %dma_start3A_449 = tpu.memref_slice %arg2[%mul3A_168, %multiple_of3A] : memref<10000x128xf32, #tpu.memory_space<hbm>> -> memref<80x64xf32, #tpu.memory_space<hbm>>
      %dma_start3A_450 = arith.constant 0 : i32
      %dma_start3A_451 = arith.constant 0 : i32
      %dma_start3A_452 = tpu.memref_slice %arg8[%dma_start3A_444, %dma_start3A_450, %dma_start3A_451] : memref<4x128x64xf32, #tpu.memory_space<vmem>> -> memref<1x80x64xf32, #tpu.memory_space<vmem>>
      %dma_start3A_453 = tpu.memref_squeeze %dma_start3A_452 : memref<1x80x64xf32, #tpu.memory_space<vmem>> -> memref<80x64xf32, #tpu.memory_space<vmem>>
      %dma_start3A_454 = tpu.memref_slice %arg2[%mul3A_168, %multiple_of3A] : memref<10000x128xf32, #tpu.memory_space<hbm>> -> memref<80x64xf32, #tpu.memory_space<hbm>>
      tpu.enqueue_dma source(%dma_start3A_454 : memref<80x64xf32, #tpu.memory_space<hbm>>) target(%dma_start3A_453 : memref<80x64xf32, #tpu.memory_space<vmem>>) target_semaphore(%arg11 : memref<!tpu.dma_semaphore, #tpu.memory_space<semaphore_mem>>)
    } else {
    }
    %lt3A_174 = arith.constant 125 : i32
    %lt3A_175 = arith.cmpi slt, %add3A_155, %lt3A_174 : i32
    %convert_element_type3A_176 = arith.extui %lt3A_175 : i1 to i32
    %cond3A_177 = arith.constant 0 : i32
    %cond3A_178 = arith.cmpi ne, %convert_element_type3A_176, %cond3A_177 : i32
    scf.if %cond3A_178 {
      %run_scoped3A = arith.constant 1 : i32
      "tpu.region"() ({
        %run_scoped3A_451 = tpu.sem_alloc : memref<!tpu.dma_semaphore, #tpu.memory_space<semaphore_mem>>
        %dma_start3A_452 = arith.constant 0 : i32
        %dma_start3A_453 = arith.constant 0 : i32
        %dma_start3A_454 = tpu.memref_slice %arg8[%run_scoped3A, %dma_start3A_452, %dma_start3A_453] : memref<4x128x64xf32, #tpu.memory_space<vmem>> -> memref<1x80x64xf32, #tpu.memory_space<vmem>>
        %dma_start3A_455 = tpu.memref_squeeze %dma_start3A_454 : memref<1x80x64xf32, #tpu.memory_space<vmem>> -> memref<80x64xf32, #tpu.memory_space<vmem>>
        %dma_start3A_456 = arith.constant 0 : i32
        %dma_start3A_457 = tpu.memref_slice %arg6[%mul3A_157, %dma_start3A_456] : memref<10240x64xf32, #tpu.memory_space<vmem_shared>> -> memref<80x64xf32, #tpu.memory_space<vmem_shared>>
        %dma_start3A_458 = arith.constant 0 : i32
        %dma_start3A_459 = tpu.memref_slice %arg6[%mul3A_157, %dma_start3A_458] : memref<10240x64xf32, #tpu.memory_space<vmem_shared>> -> memref<80x64xf32, #tpu.memory_space<vmem_shared>>
        %dma_start3A_460 = arith.constant 0 : i32
        %dma_start3A_461 = arith.constant 0 : i32
        %dma_start3A_462 = tpu.memref_slice %arg8[%run_scoped3A, %dma_start3A_460, %dma_start3A_461] : memref<4x128x64xf32, #tpu.memory_space<vmem>> -> memref<1x80x64xf32, #tpu.memory_space<vmem>>
        %dma_start3A_463 = tpu.memref_squeeze %dma_start3A_462 : memref<1x80x64xf32, #tpu.memory_space<vmem>> -> memref<80x64xf32, #tpu.memory_space<vmem>>
        tpu.enqueue_dma source(%dma_start3A_463 : memref<80x64xf32, #tpu.memory_space<vmem>>) target(%dma_start3A_459 : memref<80x64xf32, #tpu.memory_space<vmem_shared>>) target_semaphore(%run_scoped3A_451 : memref<!tpu.dma_semaphore, #tpu.memory_space<semaphore_mem>>)
        %dma_wait3A_464 = arith.constant 0 : i32
        %dma_wait3A_465 = arith.constant 0 : i32
        %dma_wait3A_466 = tpu.memref_slice %arg8[%run_scoped3A, %dma_wait3A_464, %dma_wait3A_465] : memref<4x128x64xf32, #tpu.memory_space<vmem>> -> memref<1x80x64xf32, #tpu.memory_space<vmem>>
        %dma_wait3A_467 = tpu.memref_squeeze %dma_wait3A_466 : memref<1x80x64xf32, #tpu.memory_space<vmem>> -> memref<80x64xf32, #tpu.memory_space<vmem>>
        %dma_wait3A_468 = arith.constant 0 : i32
        %dma_wait3A_469 = tpu.memref_slice %arg6[%mul3A_157, %dma_wait3A_468] : memref<10240x64xf32, #tpu.memory_space<vmem_shared>> -> memref<80x64xf32, #tpu.memory_space<vmem_shared>>
        %dma_wait3A_470 = arith.constant 0 : i32
        %dma_wait3A_471 = tpu.memref_slice %arg6[%mul3A_157, %dma_wait3A_470] : memref<10240x64xf32, #tpu.memory_space<vmem_shared>> -> memref<80x64xf32, #tpu.memory_space<vmem_shared>>
        %dma_wait3A_472 = arith.constant 0 : i32
        %dma_wait3A_473 = arith.constant 0 : i32
        %dma_wait3A_474 = tpu.memref_slice %arg8[%run_scoped3A, %dma_wait3A_472, %dma_wait3A_473] : memref<4x128x64xf32, #tpu.memory_space<vmem>> -> memref<1x80x64xf32, #tpu.memory_space<vmem>>
        %dma_wait3A_475 = tpu.memref_squeeze %dma_wait3A_474 : memref<1x80x64xf32, #tpu.memory_space<vmem>> -> memref<80x64xf32, #tpu.memory_space<vmem>>
        tpu.wait_dma2 semaphore(%run_scoped3A_451 : memref<!tpu.dma_semaphore, #tpu.memory_space<semaphore_mem>>) src(%dma_wait3A_475 : memref<80x64xf32, #tpu.memory_space<vmem>>) dst(%dma_wait3A_471 : memref<80x64xf32, #tpu.memory_space<vmem_shared>>)
        tpu.yield
      }) : () -> ()
      %scan3A_444 = arith.constant 0 : i32
      %scan3A_445 = arith.constant 0 : i32
      %scan3A_446 = arith.constant 80 : i32
      %scan3A_447 = arith.addi %scan3A_445, %scan3A_446 : i32
      %scan3A_448 = arith.constant 1 : i32
      scf.for %scan3A_451 = %scan3A_445 to %scan3A_447 step %scan3A_448  : i32 {
        %get3A_452 = arith.constant 1 : i32
        %get3A_453 = arith.index_cast %get3A_452 : i32 to index
        %get3A_454 = arith.index_cast %scan3A_451 : i32 to index
        %get3A_455 = arith.constant 0 : index
        %get3A_456 = tpu.vector_load %arg8[%get3A_453, %get3A_454, %get3A_455] {strides = array<i32>} : memref<4x128x64xf32, #tpu.memory_space<vmem>>, vector<1x1x16xf32>,
        %get3A_457 = vector.shape_cast %get3A_456 : vector<1x1x16xf32> to vector<16xf32>
        %mul3A_458 = arith.mulf %get3A_457, %add3A_22 : vector<16xf32>
        %swap3A = arith.constant 1 : i32
        %swap3A_459 = arith.index_cast %swap3A : i32 to index
        %swap3A_460 = arith.index_cast %scan3A_451 : i32 to index
        %swap3A_461 = arith.constant 0 : index
        %swap3A_462 = tpu.vector_load %arg8[%swap3A_459, %swap3A_460, %swap3A_461] {strides = array<i32>} : memref<4x128x64xf32, #tpu.memory_space<vmem>>, vector<1x1x16xf32>,
        %swap3A_463 = vector.shape_cast %swap3A_462 : vector<1x1x16xf32> to vector<16xf32>
        %swap3A_464 = vector.shape_cast %mul3A_458 : vector<16xf32> to vector<1x1x16xf32>
        tpu.vector_store %arg8[%swap3A_459, %swap3A_460, %swap3A_461], %swap3A_464 {strides = array<i32>} : memref<4x128x64xf32, #tpu.memory_space<vmem>>, vector<1x1x16xf32>,
        %get3A_465 = arith.constant 1 : i32
        %get3A_466 = arith.index_cast %get3A_465 : i32 to index
        %get3A_467 = arith.index_cast %scan3A_451 : i32 to index
        %get3A_468 = arith.constant 16 : index
        %get3A_469 = tpu.vector_load %arg8[%get3A_466, %get3A_467, %get3A_468] {strides = array<i32>} : memref<4x128x64xf32, #tpu.memory_space<vmem>>, vector<1x1x16xf32>,
        %get3A_470 = vector.shape_cast %get3A_469 : vector<1x1x16xf32> to vector<16xf32>
        %mul3A_471 = arith.mulf %get3A_470, %add3A_22 : vector<16xf32>
        %swap3A_472 = arith.constant 1 : i32
        %swap3A_473 = arith.index_cast %swap3A_472 : i32 to index
        %swap3A_474 = arith.index_cast %scan3A_451 : i32 to index
        %swap3A_475 = arith.constant 16 : index
        %swap3A_476 = tpu.vector_load %arg8[%swap3A_473, %swap3A_474, %swap3A_475] {strides = array<i32>} : memref<4x128x64xf32, #tpu.memory_space<vmem>>, vector<1x1x16xf32>,
        %swap3A_477 = vector.shape_cast %swap3A_476 : vector<1x1x16xf32> to vector<16xf32>
        %swap3A_478 = vector.shape_cast %mul3A_471 : vector<16xf32> to vector<1x1x16xf32>
        tpu.vector_store %arg8[%swap3A_473, %swap3A_474, %swap3A_475], %swap3A_478 {strides = array<i32>} : memref<4x128x64xf32, #tpu.memory_space<vmem>>, vector<1x1x16xf32>,
        %get3A_479 = arith.constant 1 : i32
        %get3A_480 = arith.index_cast %get3A_479 : i32 to index
        %get3A_481 = arith.index_cast %scan3A_451 : i32 to index
        %get3A_482 = arith.constant 32 : index
        %get3A_483 = tpu.vector_load %arg8[%get3A_480, %get3A_481, %get3A_482] {strides = array<i32>} : memref<4x128x64xf32, #tpu.memory_space<vmem>>, vector<1x1x16xf32>,
        %get3A_484 = vector.shape_cast %get3A_483 : vector<1x1x16xf32> to vector<16xf32>
        %mul3A_485 = arith.mulf %get3A_484, %add3A_22 : vector<16xf32>
        %swap3A_486 = arith.constant 1 : i32
        %swap3A_487 = arith.index_cast %swap3A_486 : i32 to index
        %swap3A_488 = arith.index_cast %scan3A_451 : i32 to index
        %swap3A_489 = arith.constant 32 : index
        %swap3A_490 = tpu.vector_load %arg8[%swap3A_487, %swap3A_488, %swap3A_489] {strides = array<i32>} : memref<4x128x64xf32, #tpu.memory_space<vmem>>, vector<1x1x16xf32>,
        %swap3A_491 = vector.shape_cast %swap3A_490 : vector<1x1x16xf32> to vector<16xf32>
        %swap3A_492 = vector.shape_cast %mul3A_485 : vector<16xf32> to vector<1x1x16xf32>
        tpu.vector_store %arg8[%swap3A_487, %swap3A_488, %swap3A_489], %swap3A_492 {strides = array<i32>} : memref<4x128x64xf32, #tpu.memory_space<vmem>>, vector<1x1x16xf32>,
        %get3A_493 = arith.constant 1 : i32
        %get3A_494 = arith.index_cast %get3A_493 : i32 to index
        %get3A_495 = arith.index_cast %scan3A_451 : i32 to index
        %get3A_496 = arith.constant 48 : index
        %get3A_497 = tpu.vector_load %arg8[%get3A_494, %get3A_495, %get3A_496] {strides = array<i32>} : memref<4x128x64xf32, #tpu.memory_space<vmem>>, vector<1x1x16xf32>,
        %get3A_498 = vector.shape_cast %get3A_497 : vector<1x1x16xf32> to vector<16xf32>
        %mul3A_499 = arith.mulf %get3A_498, %add3A_22 : vector<16xf32>
        %swap3A_500 = arith.constant 1 : i32
        %swap3A_501 = arith.index_cast %swap3A_500 : i32 to index
        %swap3A_502 = arith.index_cast %scan3A_451 : i32 to index
        %swap3A_503 = arith.constant 48 : index
        %swap3A_504 = tpu.vector_load %arg8[%swap3A_501, %swap3A_502, %swap3A_503] {strides = array<i32>} : memref<4x128x64xf32, #tpu.memory_space<vmem>>, vector<1x1x16xf32>,
        %swap3A_505 = vector.shape_cast %swap3A_504 : vector<1x1x16xf32> to vector<16xf32>
        %swap3A_506 = vector.shape_cast %mul3A_499 : vector<16xf32> to vector<1x1x16xf32>
        tpu.vector_store %arg8[%swap3A_501, %swap3A_502, %swap3A_503], %swap3A_506 {strides = array<i32>} : memref<4x128x64xf32, #tpu.memory_space<vmem>>, vector<1x1x16xf32>,
      }
      %scan3A_449 = arith.constant 80 : i32
      %run_scoped3A_450 = arith.constant 1 : i32
      "tpu.region"() ({
        %run_scoped3A_451 = tpu.sem_alloc : memref<!tpu.dma_semaphore, #tpu.memory_space<semaphore_mem>>
        %dma_start3A_452 = arith.constant 0 : i32
        %dma_start3A_453 = arith.constant 0 : i32
        %dma_start3A_454 = tpu.memref_slice %arg8[%run_scoped3A_450, %dma_start3A_452, %dma_start3A_453] : memref<4x128x64xf32, #tpu.memory_space<vmem>> -> memref<1x80x64xf32, #tpu.memory_space<vmem>>
        %dma_start3A_455 = tpu.memref_squeeze %dma_start3A_454 : memref<1x80x64xf32, #tpu.memory_space<vmem>> -> memref<80x64xf32, #tpu.memory_space<vmem>>
        %dma_start3A_456 = arith.constant 0 : i32
        %dma_start3A_457 = tpu.memref_slice %arg7[%mul3A_157, %dma_start3A_456] : memref<10240x64xf32, #tpu.memory_space<vmem_shared>> -> memref<80x64xf32, #tpu.memory_space<vmem_shared>>
        %dma_start3A_458 = arith.constant 0 : i32
        %dma_start3A_459 = tpu.memref_slice %arg7[%mul3A_157, %dma_start3A_458] : memref<10240x64xf32, #tpu.memory_space<vmem_shared>> -> memref<80x64xf32, #tpu.memory_space<vmem_shared>>
        %dma_start3A_460 = arith.constant 0 : i32
        %dma_start3A_461 = arith.constant 0 : i32
        %dma_start3A_462 = tpu.memref_slice %arg8[%run_scoped3A_450, %dma_start3A_460, %dma_start3A_461] : memref<4x128x64xf32, #tpu.memory_space<vmem>> -> memref<1x80x64xf32, #tpu.memory_space<vmem>>
        %dma_start3A_463 = tpu.memref_squeeze %dma_start3A_462 : memref<1x80x64xf32, #tpu.memory_space<vmem>> -> memref<80x64xf32, #tpu.memory_space<vmem>>
        tpu.enqueue_dma source(%dma_start3A_463 : memref<80x64xf32, #tpu.memory_space<vmem>>) target(%dma_start3A_459 : memref<80x64xf32, #tpu.memory_space<vmem_shared>>) target_semaphore(%run_scoped3A_451 : memref<!tpu.dma_semaphore, #tpu.memory_space<semaphore_mem>>)
        %dma_wait3A_464 = arith.constant 0 : i32
        %dma_wait3A_465 = arith.constant 0 : i32
        %dma_wait3A_466 = tpu.memref_slice %arg8[%run_scoped3A_450, %dma_wait3A_464, %dma_wait3A_465] : memref<4x128x64xf32, #tpu.memory_space<vmem>> -> memref<1x80x64xf32, #tpu.memory_space<vmem>>
        %dma_wait3A_467 = tpu.memref_squeeze %dma_wait3A_466 : memref<1x80x64xf32, #tpu.memory_space<vmem>> -> memref<80x64xf32, #tpu.memory_space<vmem>>
        %dma_wait3A_468 = arith.constant 0 : i32
        %dma_wait3A_469 = tpu.memref_slice %arg7[%mul3A_157, %dma_wait3A_468] : memref<10240x64xf32, #tpu.memory_space<vmem_shared>> -> memref<80x64xf32, #tpu.memory_space<vmem_shared>>
        %dma_wait3A_470 = arith.constant 0 : i32
        %dma_wait3A_471 = tpu.memref_slice %arg7[%mul3A_157, %dma_wait3A_470] : memref<10240x64xf32, #tpu.memory_space<vmem_shared>> -> memref<80x64xf32, #tpu.memory_space<vmem_shared>>
        %dma_wait3A_472 = arith.constant 0 : i32
        %dma_wait3A_473 = arith.constant 0 : i32
        %dma_wait3A_474 = tpu.memref_slice %arg8[%run_scoped3A_450, %dma_wait3A_472, %dma_wait3A_473] : memref<4x128x64xf32, #tpu.memory_space<vmem>> -> memref<1x80x64xf32, #tpu.memory_space<vmem>>
        %dma_wait3A_475 = tpu.memref_squeeze %dma_wait3A_474 : memref<1x80x64xf32, #tpu.memory_space<vmem>> -> memref<80x64xf32, #tpu.memory_space<vmem>>
        tpu.wait_dma2 semaphore(%run_scoped3A_451 : memref<!tpu.dma_semaphore, #tpu.memory_space<semaphore_mem>>) src(%dma_wait3A_475 : memref<80x64xf32, #tpu.memory_space<vmem>>) dst(%dma_wait3A_471 : memref<80x64xf32, #tpu.memory_space<vmem_shared>>)
        tpu.yield
      }) : () -> ()
    } else {
    }
    %add3A_179 = arith.constant 96 : i32
    %add3A_180 = arith.addi %arg1, %add3A_179 : i32
    %mul3A_181 = arith.constant 80 : i32
    %mul3A_182 = arith.muli %add3A_180, %mul3A_181 : i32
    %add3A_183 = arith.constant 96 : i32
    %add3A_184 = arith.addi %arg1, %add3A_183 : i32
    %lt3A_185 = arith.constant 125 : i32
    %lt3A_186 = arith.cmpi slt, %add3A_184, %lt3A_185 : i32
    %convert_element_type3A_187 = arith.extui %lt3A_186 : i1 to i32
    %cond3A_188 = arith.constant 0 : i32
    %cond3A_189 = arith.cmpi ne, %convert_element_type3A_187, %cond3A_188 : i32
    scf.if %cond3A_189 {
      %dma_wait3A_444 = arith.constant 0 : i32
      %dma_wait3A_445 = arith.constant 0 : i32
      %dma_wait3A_446 = arith.constant 0 : i32
      %dma_wait3A_447 = tpu.memref_slice %arg8[%dma_wait3A_444, %dma_wait3A_445, %dma_wait3A_446] : memref<4x128x64xf32, #tpu.memory_space<vmem>> -> memref<1x80x64xf32, #tpu.memory_space<vmem>>
      %dma_wait3A_448 = tpu.memref_squeeze %dma_wait3A_447 : memref<1x80x64xf32, #tpu.memory_space<vmem>> -> memref<80x64xf32, #tpu.memory_space<vmem>>
      %dma_wait3A_449 = arith.constant 0 : i32
      %dma_wait3A_450 = tpu.memref_slice %arg2[%dma_wait3A_449, %multiple_of3A] : memref<10000x128xf32, #tpu.memory_space<hbm>> -> memref<80x64xf32, #tpu.memory_space<hbm>>
      %dma_wait3A_451 = arith.constant 0 : i32
      %dma_wait3A_452 = arith.constant 0 : i32
      %dma_wait3A_453 = tpu.memref_slice %arg8[%dma_wait3A_444, %dma_wait3A_451, %dma_wait3A_452] : memref<4x128x64xf32, #tpu.memory_space<vmem>> -> memref<1x80x64xf32, #tpu.memory_space<vmem>>
      %dma_wait3A_454 = tpu.memref_squeeze %dma_wait3A_453 : memref<1x80x64xf32, #tpu.memory_space<vmem>> -> memref<80x64xf32, #tpu.memory_space<vmem>>
      %dma_wait3A_455 = arith.constant 0 : i32
      %dma_wait3A_456 = tpu.memref_slice %arg2[%dma_wait3A_455, %multiple_of3A] : memref<10000x128xf32, #tpu.memory_space<hbm>> -> memref<80x64xf32, #tpu.memory_space<hbm>>
      tpu.wait_dma2 semaphore(%arg11 : memref<!tpu.dma_semaphore, #tpu.memory_space<semaphore_mem>>) src(%dma_wait3A_456 : memref<80x64xf32, #tpu.memory_space<hbm>>) dst(%dma_wait3A_454 : memref<80x64xf32, #tpu.memory_space<vmem>>)
    } else {
    }
    %add3A_190 = arith.constant 112 : i32
    %add3A_191 = arith.addi %arg1, %add3A_190 : i32
    %mul3A_192 = arith.constant 80 : i32
    %mul3A_193 = arith.muli %add3A_191, %mul3A_192 : i32
    %lt3A_194 = arith.constant 125 : i32
    %lt3A_195 = arith.cmpi slt, %add3A_191, %lt3A_194 : i32
    %convert_element_type3A_196 = arith.extui %lt3A_195 : i1 to i32
    %cond3A_197 = arith.constant 0 : i32
    %cond3A_198 = arith.cmpi ne, %convert_element_type3A_196, %cond3A_197 : i32
    scf.if %cond3A_198 {
      %dma_start3A_444 = arith.constant 1 : i32
      %dma_start3A_445 = arith.constant 0 : i32
      %dma_start3A_446 = arith.constant 0 : i32
      %dma_start3A_447 = tpu.memref_slice %arg8[%dma_start3A_444, %dma_start3A_445, %dma_start3A_446] : memref<4x128x64xf32, #tpu.memory_space<vmem>> -> memref<1x80x64xf32, #tpu.memory_space<vmem>>
      %dma_start3A_448 = tpu.memref_squeeze %dma_start3A_447 : memref<1x80x64xf32, #tpu.memory_space<vmem>> -> memref<80x64xf32, #tpu.memory_space<vmem>>
      %dma_start3A_449 = tpu.memref_slice %arg2[%mul3A_193, %multiple_of3A] : memref<10000x128xf32, #tpu.memory_space<hbm>> -> memref<80x64xf32, #tpu.memory_space<hbm>>
      %dma_start3A_450 = arith.constant 0 : i32
      %dma_start3A_451 = arith.constant 0 : i32
      %dma_start3A_452 = tpu.memref_slice %arg8[%dma_start3A_444, %dma_start3A_450, %dma_start3A_451] : memref<4x128x64xf32, #tpu.memory_space<vmem>> -> memref<1x80x64xf32, #tpu.memory_space<vmem>>
      %dma_start3A_453 = tpu.memref_squeeze %dma_start3A_452 : memref<1x80x64xf32, #tpu.memory_space<vmem>> -> memref<80x64xf32, #tpu.memory_space<vmem>>
      %dma_start3A_454 = tpu.memref_slice %arg2[%mul3A_193, %multiple_of3A] : memref<10000x128xf32, #tpu.memory_space<hbm>> -> memref<80x64xf32, #tpu.memory_space<hbm>>
      tpu.enqueue_dma source(%dma_start3A_454 : memref<80x64xf32, #tpu.memory_space<hbm>>) target(%dma_start3A_453 : memref<80x64xf32, #tpu.memory_space<vmem>>) target_semaphore(%arg12 : memref<!tpu.dma_semaphore, #tpu.memory_space<semaphore_mem>>)
    } else {
    }
    %lt3A_199 = arith.constant 125 : i32
    %lt3A_200 = arith.cmpi slt, %add3A_180, %lt3A_199 : i32
    %convert_element_type3A_201 = arith.extui %lt3A_200 : i1 to i32
    %cond3A_202 = arith.constant 0 : i32
    %cond3A_203 = arith.cmpi ne, %convert_element_type3A_201, %cond3A_202 : i32
    scf.if %cond3A_203 {
      %run_scoped3A = arith.constant 0 : i32
      "tpu.region"() ({
        %run_scoped3A_451 = tpu.sem_alloc : memref<!tpu.dma_semaphore, #tpu.memory_space<semaphore_mem>>
        %dma_start3A_452 = arith.constant 0 : i32
        %dma_start3A_453 = arith.constant 0 : i32
        %dma_start3A_454 = tpu.memref_slice %arg8[%run_scoped3A, %dma_start3A_452, %dma_start3A_453] : memref<4x128x64xf32, #tpu.memory_space<vmem>> -> memref<1x80x64xf32, #tpu.memory_space<vmem>>
        %dma_start3A_455 = tpu.memref_squeeze %dma_start3A_454 : memref<1x80x64xf32, #tpu.memory_space<vmem>> -> memref<80x64xf32, #tpu.memory_space<vmem>>
        %dma_start3A_456 = arith.constant 0 : i32
        %dma_start3A_457 = tpu.memref_slice %arg6[%mul3A_182, %dma_start3A_456] : memref<10240x64xf32, #tpu.memory_space<vmem_shared>> -> memref<80x64xf32, #tpu.memory_space<vmem_shared>>
        %dma_start3A_458 = arith.constant 0 : i32
        %dma_start3A_459 = tpu.memref_slice %arg6[%mul3A_182, %dma_start3A_458] : memref<10240x64xf32, #tpu.memory_space<vmem_shared>> -> memref<80x64xf32, #tpu.memory_space<vmem_shared>>
        %dma_start3A_460 = arith.constant 0 : i32
        %dma_start3A_461 = arith.constant 0 : i32
        %dma_start3A_462 = tpu.memref_slice %arg8[%run_scoped3A, %dma_start3A_460, %dma_start3A_461] : memref<4x128x64xf32, #tpu.memory_space<vmem>> -> memref<1x80x64xf32, #tpu.memory_space<vmem>>
        %dma_start3A_463 = tpu.memref_squeeze %dma_start3A_462 : memref<1x80x64xf32, #tpu.memory_space<vmem>> -> memref<80x64xf32, #tpu.memory_space<vmem>>
        tpu.enqueue_dma source(%dma_start3A_463 : memref<80x64xf32, #tpu.memory_space<vmem>>) target(%dma_start3A_459 : memref<80x64xf32, #tpu.memory_space<vmem_shared>>) target_semaphore(%run_scoped3A_451 : memref<!tpu.dma_semaphore, #tpu.memory_space<semaphore_mem>>)
        %dma_wait3A_464 = arith.constant 0 : i32
        %dma_wait3A_465 = arith.constant 0 : i32
        %dma_wait3A_466 = tpu.memref_slice %arg8[%run_scoped3A, %dma_wait3A_464, %dma_wait3A_465] : memref<4x128x64xf32, #tpu.memory_space<vmem>> -> memref<1x80x64xf32, #tpu.memory_space<vmem>>
        %dma_wait3A_467 = tpu.memref_squeeze %dma_wait3A_466 : memref<1x80x64xf32, #tpu.memory_space<vmem>> -> memref<80x64xf32, #tpu.memory_space<vmem>>
        %dma_wait3A_468 = arith.constant 0 : i32
        %dma_wait3A_469 = tpu.memref_slice %arg6[%mul3A_182, %dma_wait3A_468] : memref<10240x64xf32, #tpu.memory_space<vmem_shared>> -> memref<80x64xf32, #tpu.memory_space<vmem_shared>>
        %dma_wait3A_470 = arith.constant 0 : i32
        %dma_wait3A_471 = tpu.memref_slice %arg6[%mul3A_182, %dma_wait3A_470] : memref<10240x64xf32, #tpu.memory_space<vmem_shared>> -> memref<80x64xf32, #tpu.memory_space<vmem_shared>>
        %dma_wait3A_472 = arith.constant 0 : i32
        %dma_wait3A_473 = arith.constant 0 : i32
        %dma_wait3A_474 = tpu.memref_slice %arg8[%run_scoped3A, %dma_wait3A_472, %dma_wait3A_473] : memref<4x128x64xf32, #tpu.memory_space<vmem>> -> memref<1x80x64xf32, #tpu.memory_space<vmem>>
        %dma_wait3A_475 = tpu.memref_squeeze %dma_wait3A_474 : memref<1x80x64xf32, #tpu.memory_space<vmem>> -> memref<80x64xf32, #tpu.memory_space<vmem>>
        tpu.wait_dma2 semaphore(%run_scoped3A_451 : memref<!tpu.dma_semaphore, #tpu.memory_space<semaphore_mem>>) src(%dma_wait3A_475 : memref<80x64xf32, #tpu.memory_space<vmem>>) dst(%dma_wait3A_471 : memref<80x64xf32, #tpu.memory_space<vmem_shared>>)
        tpu.yield
      }) : () -> ()
      %scan3A_444 = arith.constant 0 : i32
      %scan3A_445 = arith.constant 0 : i32
      %scan3A_446 = arith.constant 80 : i32
      %scan3A_447 = arith.addi %scan3A_445, %scan3A_446 : i32
      %scan3A_448 = arith.constant 1 : i32
      scf.for %scan3A_451 = %scan3A_445 to %scan3A_447 step %scan3A_448  : i32 {
        %get3A_452 = arith.constant 0 : i32
        %get3A_453 = arith.index_cast %get3A_452 : i32 to index
        %get3A_454 = arith.index_cast %scan3A_451 : i32 to index
        %get3A_455 = arith.constant 0 : index
        %get3A_456 = tpu.vector_load %arg8[%get3A_453, %get3A_454, %get3A_455] {strides = array<i32>} : memref<4x128x64xf32, #tpu.memory_space<vmem>>, vector<1x1x16xf32>,
        %get3A_457 = vector.shape_cast %get3A_456 : vector<1x1x16xf32> to vector<16xf32>
        %mul3A_458 = arith.mulf %get3A_457, %add3A_22 : vector<16xf32>
        %swap3A = arith.constant 0 : i32
        %swap3A_459 = arith.index_cast %swap3A : i32 to index
        %swap3A_460 = arith.index_cast %scan3A_451 : i32 to index
        %swap3A_461 = arith.constant 0 : index
        %swap3A_462 = tpu.vector_load %arg8[%swap3A_459, %swap3A_460, %swap3A_461] {strides = array<i32>} : memref<4x128x64xf32, #tpu.memory_space<vmem>>, vector<1x1x16xf32>,
        %swap3A_463 = vector.shape_cast %swap3A_462 : vector<1x1x16xf32> to vector<16xf32>
        %swap3A_464 = vector.shape_cast %mul3A_458 : vector<16xf32> to vector<1x1x16xf32>
        tpu.vector_store %arg8[%swap3A_459, %swap3A_460, %swap3A_461], %swap3A_464 {strides = array<i32>} : memref<4x128x64xf32, #tpu.memory_space<vmem>>, vector<1x1x16xf32>,
        %get3A_465 = arith.constant 0 : i32
        %get3A_466 = arith.index_cast %get3A_465 : i32 to index
        %get3A_467 = arith.index_cast %scan3A_451 : i32 to index
        %get3A_468 = arith.constant 16 : index
        %get3A_469 = tpu.vector_load %arg8[%get3A_466, %get3A_467, %get3A_468] {strides = array<i32>} : memref<4x128x64xf32, #tpu.memory_space<vmem>>, vector<1x1x16xf32>,
        %get3A_470 = vector.shape_cast %get3A_469 : vector<1x1x16xf32> to vector<16xf32>
        %mul3A_471 = arith.mulf %get3A_470, %add3A_22 : vector<16xf32>
        %swap3A_472 = arith.constant 0 : i32
        %swap3A_473 = arith.index_cast %swap3A_472 : i32 to index
        %swap3A_474 = arith.index_cast %scan3A_451 : i32 to index
        %swap3A_475 = arith.constant 16 : index
        %swap3A_476 = tpu.vector_load %arg8[%swap3A_473, %swap3A_474, %swap3A_475] {strides = array<i32>} : memref<4x128x64xf32, #tpu.memory_space<vmem>>, vector<1x1x16xf32>,
        %swap3A_477 = vector.shape_cast %swap3A_476 : vector<1x1x16xf32> to vector<16xf32>
        %swap3A_478 = vector.shape_cast %mul3A_471 : vector<16xf32> to vector<1x1x16xf32>
        tpu.vector_store %arg8[%swap3A_473, %swap3A_474, %swap3A_475], %swap3A_478 {strides = array<i32>} : memref<4x128x64xf32, #tpu.memory_space<vmem>>, vector<1x1x16xf32>,
        %get3A_479 = arith.constant 0 : i32
        %get3A_480 = arith.index_cast %get3A_479 : i32 to index
        %get3A_481 = arith.index_cast %scan3A_451 : i32 to index
        %get3A_482 = arith.constant 32 : index
        %get3A_483 = tpu.vector_load %arg8[%get3A_480, %get3A_481, %get3A_482] {strides = array<i32>} : memref<4x128x64xf32, #tpu.memory_space<vmem>>, vector<1x1x16xf32>,
        %get3A_484 = vector.shape_cast %get3A_483 : vector<1x1x16xf32> to vector<16xf32>
        %mul3A_485 = arith.mulf %get3A_484, %add3A_22 : vector<16xf32>
        %swap3A_486 = arith.constant 0 : i32
        %swap3A_487 = arith.index_cast %swap3A_486 : i32 to index
        %swap3A_488 = arith.index_cast %scan3A_451 : i32 to index
        %swap3A_489 = arith.constant 32 : index
        %swap3A_490 = tpu.vector_load %arg8[%swap3A_487, %swap3A_488, %swap3A_489] {strides = array<i32>} : memref<4x128x64xf32, #tpu.memory_space<vmem>>, vector<1x1x16xf32>,
        %swap3A_491 = vector.shape_cast %swap3A_490 : vector<1x1x16xf32> to vector<16xf32>
        %swap3A_492 = vector.shape_cast %mul3A_485 : vector<16xf32> to vector<1x1x16xf32>
        tpu.vector_store %arg8[%swap3A_487, %swap3A_488, %swap3A_489], %swap3A_492 {strides = array<i32>} : memref<4x128x64xf32, #tpu.memory_space<vmem>>, vector<1x1x16xf32>,
        %get3A_493 = arith.constant 0 : i32
        %get3A_494 = arith.index_cast %get3A_493 : i32 to index
        %get3A_495 = arith.index_cast %scan3A_451 : i32 to index
        %get3A_496 = arith.constant 48 : index
        %get3A_497 = tpu.vector_load %arg8[%get3A_494, %get3A_495, %get3A_496] {strides = array<i32>} : memref<4x128x64xf32, #tpu.memory_space<vmem>>, vector<1x1x16xf32>,
        %get3A_498 = vector.shape_cast %get3A_497 : vector<1x1x16xf32> to vector<16xf32>
        %mul3A_499 = arith.mulf %get3A_498, %add3A_22 : vector<16xf32>
        %swap3A_500 = arith.constant 0 : i32
        %swap3A_501 = arith.index_cast %swap3A_500 : i32 to index
        %swap3A_502 = arith.index_cast %scan3A_451 : i32 to index
        %swap3A_503 = arith.constant 48 : index
        %swap3A_504 = tpu.vector_load %arg8[%swap3A_501, %swap3A_502, %swap3A_503] {strides = array<i32>} : memref<4x128x64xf32, #tpu.memory_space<vmem>>, vector<1x1x16xf32>,
        %swap3A_505 = vector.shape_cast %swap3A_504 : vector<1x1x16xf32> to vector<16xf32>
        %swap3A_506 = vector.shape_cast %mul3A_499 : vector<16xf32> to vector<1x1x16xf32>
        tpu.vector_store %arg8[%swap3A_501, %swap3A_502, %swap3A_503], %swap3A_506 {strides = array<i32>} : memref<4x128x64xf32, #tpu.memory_space<vmem>>, vector<1x1x16xf32>,
      }
      %scan3A_449 = arith.constant 80 : i32
      %run_scoped3A_450 = arith.constant 0 : i32
      "tpu.region"() ({
        %run_scoped3A_451 = tpu.sem_alloc : memref<!tpu.dma_semaphore, #tpu.memory_space<semaphore_mem>>
        %dma_start3A_452 = arith.constant 0 : i32
        %dma_start3A_453 = arith.constant 0 : i32
        %dma_start3A_454 = tpu.memref_slice %arg8[%run_scoped3A_450, %dma_start3A_452, %dma_start3A_453] : memref<4x128x64xf32, #tpu.memory_space<vmem>> -> memref<1x80x64xf32, #tpu.memory_space<vmem>>
        %dma_start3A_455 = tpu.memref_squeeze %dma_start3A_454 : memref<1x80x64xf32, #tpu.memory_space<vmem>> -> memref<80x64xf32, #tpu.memory_space<vmem>>
        %dma_start3A_456 = arith.constant 0 : i32
        %dma_start3A_457 = tpu.memref_slice %arg7[%mul3A_182, %dma_start3A_456] : memref<10240x64xf32, #tpu.memory_space<vmem_shared>> -> memref<80x64xf32, #tpu.memory_space<vmem_shared>>
        %dma_start3A_458 = arith.constant 0 : i32
        %dma_start3A_459 = tpu.memref_slice %arg7[%mul3A_182, %dma_start3A_458] : memref<10240x64xf32, #tpu.memory_space<vmem_shared>> -> memref<80x64xf32, #tpu.memory_space<vmem_shared>>
        %dma_start3A_460 = arith.constant 0 : i32
        %dma_start3A_461 = arith.constant 0 : i32
        %dma_start3A_462 = tpu.memref_slice %arg8[%run_scoped3A_450, %dma_start3A_460, %dma_start3A_461] : memref<4x128x64xf32, #tpu.memory_space<vmem>> -> memref<1x80x64xf32, #tpu.memory_space<vmem>>
        %dma_start3A_463 = tpu.memref_squeeze %dma_start3A_462 : memref<1x80x64xf32, #tpu.memory_space<vmem>> -> memref<80x64xf32, #tpu.memory_space<vmem>>
        tpu.enqueue_dma source(%dma_start3A_463 : memref<80x64xf32, #tpu.memory_space<vmem>>) target(%dma_start3A_459 : memref<80x64xf32, #tpu.memory_space<vmem_shared>>) target_semaphore(%run_scoped3A_451 : memref<!tpu.dma_semaphore, #tpu.memory_space<semaphore_mem>>)
        %dma_wait3A_464 = arith.constant 0 : i32
        %dma_wait3A_465 = arith.constant 0 : i32
        %dma_wait3A_466 = tpu.memref_slice %arg8[%run_scoped3A_450, %dma_wait3A_464, %dma_wait3A_465] : memref<4x128x64xf32, #tpu.memory_space<vmem>> -> memref<1x80x64xf32, #tpu.memory_space<vmem>>
        %dma_wait3A_467 = tpu.memref_squeeze %dma_wait3A_466 : memref<1x80x64xf32, #tpu.memory_space<vmem>> -> memref<80x64xf32, #tpu.memory_space<vmem>>
        %dma_wait3A_468 = arith.constant 0 : i32
        %dma_wait3A_469 = tpu.memref_slice %arg7[%mul3A_182, %dma_wait3A_468] : memref<10240x64xf32, #tpu.memory_space<vmem_shared>> -> memref<80x64xf32, #tpu.memory_space<vmem_shared>>
        %dma_wait3A_470 = arith.constant 0 : i32
        %dma_wait3A_471 = tpu.memref_slice %arg7[%mul3A_182, %dma_wait3A_470] : memref<10240x64xf32, #tpu.memory_space<vmem_shared>> -> memref<80x64xf32, #tpu.memory_space<vmem_shared>>
        %dma_wait3A_472 = arith.constant 0 : i32
        %dma_wait3A_473 = arith.constant 0 : i32
        %dma_wait3A_474 = tpu.memref_slice %arg8[%run_scoped3A_450, %dma_wait3A_472, %dma_wait3A_473] : memref<4x128x64xf32, #tpu.memory_space<vmem>> -> memref<1x80x64xf32, #tpu.memory_space<vmem>>
        %dma_wait3A_475 = tpu.memref_squeeze %dma_wait3A_474 : memref<1x80x64xf32, #tpu.memory_space<vmem>> -> memref<80x64xf32, #tpu.memory_space<vmem>>
        tpu.wait_dma2 semaphore(%run_scoped3A_451 : memref<!tpu.dma_semaphore, #tpu.memory_space<semaphore_mem>>) src(%dma_wait3A_475 : memref<80x64xf32, #tpu.memory_space<vmem>>) dst(%dma_wait3A_471 : memref<80x64xf32, #tpu.memory_space<vmem_shared>>)
        tpu.yield
      }) : () -> ()
    } else {
    }
    %add3A_204 = arith.constant 112 : i32
    %add3A_205 = arith.addi %arg1, %add3A_204 : i32
    %mul3A_206 = arith.constant 80 : i32
    %mul3A_207 = arith.muli %add3A_205, %mul3A_206 : i32
    %add3A_208 = arith.constant 112 : i32
    %add3A_209 = arith.addi %arg1, %add3A_208 : i32
    %lt3A_210 = arith.constant 125 : i32
    %lt3A_211 = arith.cmpi slt, %add3A_209, %lt3A_210 : i32
    %convert_element_type3A_212 = arith.extui %lt3A_211 : i1 to i32
    %cond3A_213 = arith.constant 0 : i32
    %cond3A_214 = arith.cmpi ne, %convert_element_type3A_212, %cond3A_213 : i32
    scf.if %cond3A_214 {
      %dma_wait3A_444 = arith.constant 1 : i32
      %dma_wait3A_445 = arith.constant 0 : i32
      %dma_wait3A_446 = arith.constant 0 : i32
      %dma_wait3A_447 = tpu.memref_slice %arg8[%dma_wait3A_444, %dma_wait3A_445, %dma_wait3A_446] : memref<4x128x64xf32, #tpu.memory_space<vmem>> -> memref<1x80x64xf32, #tpu.memory_space<vmem>>
      %dma_wait3A_448 = tpu.memref_squeeze %dma_wait3A_447 : memref<1x80x64xf32, #tpu.memory_space<vmem>> -> memref<80x64xf32, #tpu.memory_space<vmem>>
      %dma_wait3A_449 = arith.constant 0 : i32
      %dma_wait3A_450 = tpu.memref_slice %arg2[%dma_wait3A_449, %multiple_of3A] : memref<10000x128xf32, #tpu.memory_space<hbm>> -> memref<80x64xf32, #tpu.memory_space<hbm>>
      %dma_wait3A_451 = arith.constant 0 : i32
      %dma_wait3A_452 = arith.constant 0 : i32
      %dma_wait3A_453 = tpu.memref_slice %arg8[%dma_wait3A_444, %dma_wait3A_451, %dma_wait3A_452] : memref<4x128x64xf32, #tpu.memory_space<vmem>> -> memref<1x80x64xf32, #tpu.memory_space<vmem>>
      %dma_wait3A_454 = tpu.memref_squeeze %dma_wait3A_453 : memref<1x80x64xf32, #tpu.memory_space<vmem>> -> memref<80x64xf32, #tpu.memory_space<vmem>>
      %dma_wait3A_455 = arith.constant 0 : i32
      %dma_wait3A_456 = tpu.memref_slice %arg2[%dma_wait3A_455, %multiple_of3A] : memref<10000x128xf32, #tpu.memory_space<hbm>> -> memref<80x64xf32, #tpu.memory_space<hbm>>
      tpu.wait_dma2 semaphore(%arg12 : memref<!tpu.dma_semaphore, #tpu.memory_space<semaphore_mem>>) src(%dma_wait3A_456 : memref<80x64xf32, #tpu.memory_space<hbm>>) dst(%dma_wait3A_454 : memref<80x64xf32, #tpu.memory_space<vmem>>)
    } else {
    }
    %lt3A_215 = arith.constant 125 : i32
    %lt3A_216 = arith.cmpi slt, %add3A_205, %lt3A_215 : i32
    %convert_element_type3A_217 = arith.extui %lt3A_216 : i1 to i32
    %cond3A_218 = arith.constant 0 : i32
    %cond3A_219 = arith.cmpi ne, %convert_element_type3A_217, %cond3A_218 : i32
    scf.if %cond3A_219 {
      %run_scoped3A = arith.constant 1 : i32
      "tpu.region"() ({
        %run_scoped3A_451 = tpu.sem_alloc : memref<!tpu.dma_semaphore, #tpu.memory_space<semaphore_mem>>
        %dma_start3A_452 = arith.constant 0 : i32
        %dma_start3A_453 = arith.constant 0 : i32
        %dma_start3A_454 = tpu.memref_slice %arg8[%run_scoped3A, %dma_start3A_452, %dma_start3A_453] : memref<4x128x64xf32, #tpu.memory_space<vmem>> -> memref<1x80x64xf32, #tpu.memory_space<vmem>>
        %dma_start3A_455 = tpu.memref_squeeze %dma_start3A_454 : memref<1x80x64xf32, #tpu.memory_space<vmem>> -> memref<80x64xf32, #tpu.memory_space<vmem>>
        %dma_start3A_456 = arith.constant 0 : i32
        %dma_start3A_457 = tpu.memref_slice %arg6[%mul3A_207, %dma_start3A_456] : memref<10240x64xf32, #tpu.memory_space<vmem_shared>> -> memref<80x64xf32, #tpu.memory_space<vmem_shared>>
        %dma_start3A_458 = arith.constant 0 : i32
        %dma_start3A_459 = tpu.memref_slice %arg6[%mul3A_207, %dma_start3A_458] : memref<10240x64xf32, #tpu.memory_space<vmem_shared>> -> memref<80x64xf32, #tpu.memory_space<vmem_shared>>
        %dma_start3A_460 = arith.constant 0 : i32
        %dma_start3A_461 = arith.constant 0 : i32
        %dma_start3A_462 = tpu.memref_slice %arg8[%run_scoped3A, %dma_start3A_460, %dma_start3A_461] : memref<4x128x64xf32, #tpu.memory_space<vmem>> -> memref<1x80x64xf32, #tpu.memory_space<vmem>>
        %dma_start3A_463 = tpu.memref_squeeze %dma_start3A_462 : memref<1x80x64xf32, #tpu.memory_space<vmem>> -> memref<80x64xf32, #tpu.memory_space<vmem>>
        tpu.enqueue_dma source(%dma_start3A_463 : memref<80x64xf32, #tpu.memory_space<vmem>>) target(%dma_start3A_459 : memref<80x64xf32, #tpu.memory_space<vmem_shared>>) target_semaphore(%run_scoped3A_451 : memref<!tpu.dma_semaphore, #tpu.memory_space<semaphore_mem>>)
        %dma_wait3A_464 = arith.constant 0 : i32
        %dma_wait3A_465 = arith.constant 0 : i32
        %dma_wait3A_466 = tpu.memref_slice %arg8[%run_scoped3A, %dma_wait3A_464, %dma_wait3A_465] : memref<4x128x64xf32, #tpu.memory_space<vmem>> -> memref<1x80x64xf32, #tpu.memory_space<vmem>>
        %dma_wait3A_467 = tpu.memref_squeeze %dma_wait3A_466 : memref<1x80x64xf32, #tpu.memory_space<vmem>> -> memref<80x64xf32, #tpu.memory_space<vmem>>
        %dma_wait3A_468 = arith.constant 0 : i32
        %dma_wait3A_469 = tpu.memref_slice %arg6[%mul3A_207, %dma_wait3A_468] : memref<10240x64xf32, #tpu.memory_space<vmem_shared>> -> memref<80x64xf32, #tpu.memory_space<vmem_shared>>
        %dma_wait3A_470 = arith.constant 0 : i32
        %dma_wait3A_471 = tpu.memref_slice %arg6[%mul3A_207, %dma_wait3A_470] : memref<10240x64xf32, #tpu.memory_space<vmem_shared>> -> memref<80x64xf32, #tpu.memory_space<vmem_shared>>
        %dma_wait3A_472 = arith.constant 0 : i32
        %dma_wait3A_473 = arith.constant 0 : i32
        %dma_wait3A_474 = tpu.memref_slice %arg8[%run_scoped3A, %dma_wait3A_472, %dma_wait3A_473] : memref<4x128x64xf32, #tpu.memory_space<vmem>> -> memref<1x80x64xf32, #tpu.memory_space<vmem>>
        %dma_wait3A_475 = tpu.memref_squeeze %dma_wait3A_474 : memref<1x80x64xf32, #tpu.memory_space<vmem>> -> memref<80x64xf32, #tpu.memory_space<vmem>>
        tpu.wait_dma2 semaphore(%run_scoped3A_451 : memref<!tpu.dma_semaphore, #tpu.memory_space<semaphore_mem>>) src(%dma_wait3A_475 : memref<80x64xf32, #tpu.memory_space<vmem>>) dst(%dma_wait3A_471 : memref<80x64xf32, #tpu.memory_space<vmem_shared>>)
        tpu.yield
      }) : () -> ()
      %scan3A_444 = arith.constant 0 : i32
      %scan3A_445 = arith.constant 0 : i32
      %scan3A_446 = arith.constant 80 : i32
      %scan3A_447 = arith.addi %scan3A_445, %scan3A_446 : i32
      %scan3A_448 = arith.constant 1 : i32
      scf.for %scan3A_451 = %scan3A_445 to %scan3A_447 step %scan3A_448  : i32 {
        %get3A_452 = arith.constant 1 : i32
        %get3A_453 = arith.index_cast %get3A_452 : i32 to index
        %get3A_454 = arith.index_cast %scan3A_451 : i32 to index
        %get3A_455 = arith.constant 0 : index
        %get3A_456 = tpu.vector_load %arg8[%get3A_453, %get3A_454, %get3A_455] {strides = array<i32>} : memref<4x128x64xf32, #tpu.memory_space<vmem>>, vector<1x1x16xf32>,
        %get3A_457 = vector.shape_cast %get3A_456 : vector<1x1x16xf32> to vector<16xf32>
        %mul3A_458 = arith.mulf %get3A_457, %add3A_22 : vector<16xf32>
        %swap3A = arith.constant 1 : i32
        %swap3A_459 = arith.index_cast %swap3A : i32 to index
        %swap3A_460 = arith.index_cast %scan3A_451 : i32 to index
        %swap3A_461 = arith.constant 0 : index
        %swap3A_462 = tpu.vector_load %arg8[%swap3A_459, %swap3A_460, %swap3A_461] {strides = array<i32>} : memref<4x128x64xf32, #tpu.memory_space<vmem>>, vector<1x1x16xf32>,
        %swap3A_463 = vector.shape_cast %swap3A_462 : vector<1x1x16xf32> to vector<16xf32>
        %swap3A_464 = vector.shape_cast %mul3A_458 : vector<16xf32> to vector<1x1x16xf32>
        tpu.vector_store %arg8[%swap3A_459, %swap3A_460, %swap3A_461], %swap3A_464 {strides = array<i32>} : memref<4x128x64xf32, #tpu.memory_space<vmem>>, vector<1x1x16xf32>,
        %get3A_465 = arith.constant 1 : i32
        %get3A_466 = arith.index_cast %get3A_465 : i32 to index
        %get3A_467 = arith.index_cast %scan3A_451 : i32 to index
        %get3A_468 = arith.constant 16 : index
        %get3A_469 = tpu.vector_load %arg8[%get3A_466, %get3A_467, %get3A_468] {strides = array<i32>} : memref<4x128x64xf32, #tpu.memory_space<vmem>>, vector<1x1x16xf32>,
        %get3A_470 = vector.shape_cast %get3A_469 : vector<1x1x16xf32> to vector<16xf32>
        %mul3A_471 = arith.mulf %get3A_470, %add3A_22 : vector<16xf32>
        %swap3A_472 = arith.constant 1 : i32
        %swap3A_473 = arith.index_cast %swap3A_472 : i32 to index
        %swap3A_474 = arith.index_cast %scan3A_451 : i32 to index
        %swap3A_475 = arith.constant 16 : index
        %swap3A_476 = tpu.vector_load %arg8[%swap3A_473, %swap3A_474, %swap3A_475] {strides = array<i32>} : memref<4x128x64xf32, #tpu.memory_space<vmem>>, vector<1x1x16xf32>,
        %swap3A_477 = vector.shape_cast %swap3A_476 : vector<1x1x16xf32> to vector<16xf32>
        %swap3A_478 = vector.shape_cast %mul3A_471 : vector<16xf32> to vector<1x1x16xf32>
        tpu.vector_store %arg8[%swap3A_473, %swap3A_474, %swap3A_475], %swap3A_478 {strides = array<i32>} : memref<4x128x64xf32, #tpu.memory_space<vmem>>, vector<1x1x16xf32>,
        %get3A_479 = arith.constant 1 : i32
        %get3A_480 = arith.index_cast %get3A_479 : i32 to index
        %get3A_481 = arith.index_cast %scan3A_451 : i32 to index
        %get3A_482 = arith.constant 32 : index
        %get3A_483 = tpu.vector_load %arg8[%get3A_480, %get3A_481, %get3A_482] {strides = array<i32>} : memref<4x128x64xf32, #tpu.memory_space<vmem>>, vector<1x1x16xf32>,
        %get3A_484 = vector.shape_cast %get3A_483 : vector<1x1x16xf32> to vector<16xf32>
        %mul3A_485 = arith.mulf %get3A_484, %add3A_22 : vector<16xf32>
        %swap3A_486 = arith.constant 1 : i32
        %swap3A_487 = arith.index_cast %swap3A_486 : i32 to index
        %swap3A_488 = arith.index_cast %scan3A_451 : i32 to index
        %swap3A_489 = arith.constant 32 : index
        %swap3A_490 = tpu.vector_load %arg8[%swap3A_487, %swap3A_488, %swap3A_489] {strides = array<i32>} : memref<4x128x64xf32, #tpu.memory_space<vmem>>, vector<1x1x16xf32>,
        %swap3A_491 = vector.shape_cast %swap3A_490 : vector<1x1x16xf32> to vector<16xf32>
        %swap3A_492 = vector.shape_cast %mul3A_485 : vector<16xf32> to vector<1x1x16xf32>
        tpu.vector_store %arg8[%swap3A_487, %swap3A_488, %swap3A_489], %swap3A_492 {strides = array<i32>} : memref<4x128x64xf32, #tpu.memory_space<vmem>>, vector<1x1x16xf32>,
        %get3A_493 = arith.constant 1 : i32
        %get3A_494 = arith.index_cast %get3A_493 : i32 to index
        %get3A_495 = arith.index_cast %scan3A_451 : i32 to index
        %get3A_496 = arith.constant 48 : index
        %get3A_497 = tpu.vector_load %arg8[%get3A_494, %get3A_495, %get3A_496] {strides = array<i32>} : memref<4x128x64xf32, #tpu.memory_space<vmem>>, vector<1x1x16xf32>,
        %get3A_498 = vector.shape_cast %get3A_497 : vector<1x1x16xf32> to vector<16xf32>
        %mul3A_499 = arith.mulf %get3A_498, %add3A_22 : vector<16xf32>
        %swap3A_500 = arith.constant 1 : i32
        %swap3A_501 = arith.index_cast %swap3A_500 : i32 to index
        %swap3A_502 = arith.index_cast %scan3A_451 : i32 to index
        %swap3A_503 = arith.constant 48 : index
        %swap3A_504 = tpu.vector_load %arg8[%swap3A_501, %swap3A_502, %swap3A_503] {strides = array<i32>} : memref<4x128x64xf32, #tpu.memory_space<vmem>>, vector<1x1x16xf32>,
        %swap3A_505 = vector.shape_cast %swap3A_504 : vector<1x1x16xf32> to vector<16xf32>
        %swap3A_506 = vector.shape_cast %mul3A_499 : vector<16xf32> to vector<1x1x16xf32>
        tpu.vector_store %arg8[%swap3A_501, %swap3A_502, %swap3A_503], %swap3A_506 {strides = array<i32>} : memref<4x128x64xf32, #tpu.memory_space<vmem>>, vector<1x1x16xf32>,
      }
      %scan3A_449 = arith.constant 80 : i32
      %run_scoped3A_450 = arith.constant 1 : i32
      "tpu.region"() ({
        %run_scoped3A_451 = tpu.sem_alloc : memref<!tpu.dma_semaphore, #tpu.memory_space<semaphore_mem>>
        %dma_start3A_452 = arith.constant 0 : i32
        %dma_start3A_453 = arith.constant 0 : i32
        %dma_start3A_454 = tpu.memref_slice %arg8[%run_scoped3A_450, %dma_start3A_452, %dma_start3A_453] : memref<4x128x64xf32, #tpu.memory_space<vmem>> -> memref<1x80x64xf32, #tpu.memory_space<vmem>>
        %dma_start3A_455 = tpu.memref_squeeze %dma_start3A_454 : memref<1x80x64xf32, #tpu.memory_space<vmem>> -> memref<80x64xf32, #tpu.memory_space<vmem>>
        %dma_start3A_456 = arith.constant 0 : i32
        %dma_start3A_457 = tpu.memref_slice %arg7[%mul3A_207, %dma_start3A_456] : memref<10240x64xf32, #tpu.memory_space<vmem_shared>> -> memref<80x64xf32, #tpu.memory_space<vmem_shared>>
        %dma_start3A_458 = arith.constant 0 : i32
        %dma_start3A_459 = tpu.memref_slice %arg7[%mul3A_207, %dma_start3A_458] : memref<10240x64xf32, #tpu.memory_space<vmem_shared>> -> memref<80x64xf32, #tpu.memory_space<vmem_shared>>
        %dma_start3A_460 = arith.constant 0 : i32
        %dma_start3A_461 = arith.constant 0 : i32
        %dma_start3A_462 = tpu.memref_slice %arg8[%run_scoped3A_450, %dma_start3A_460, %dma_start3A_461] : memref<4x128x64xf32, #tpu.memory_space<vmem>> -> memref<1x80x64xf32, #tpu.memory_space<vmem>>
        %dma_start3A_463 = tpu.memref_squeeze %dma_start3A_462 : memref<1x80x64xf32, #tpu.memory_space<vmem>> -> memref<80x64xf32, #tpu.memory_space<vmem>>
        tpu.enqueue_dma source(%dma_start3A_463 : memref<80x64xf32, #tpu.memory_space<vmem>>) target(%dma_start3A_459 : memref<80x64xf32, #tpu.memory_space<vmem_shared>>) target_semaphore(%run_scoped3A_451 : memref<!tpu.dma_semaphore, #tpu.memory_space<semaphore_mem>>)
        %dma_wait3A_464 = arith.constant 0 : i32
        %dma_wait3A_465 = arith.constant 0 : i32
        %dma_wait3A_466 = tpu.memref_slice %arg8[%run_scoped3A_450, %dma_wait3A_464, %dma_wait3A_465] : memref<4x128x64xf32, #tpu.memory_space<vmem>> -> memref<1x80x64xf32, #tpu.memory_space<vmem>>
        %dma_wait3A_467 = tpu.memref_squeeze %dma_wait3A_466 : memref<1x80x64xf32, #tpu.memory_space<vmem>> -> memref<80x64xf32, #tpu.memory_space<vmem>>
        %dma_wait3A_468 = arith.constant 0 : i32
        %dma_wait3A_469 = tpu.memref_slice %arg7[%mul3A_207, %dma_wait3A_468] : memref<10240x64xf32, #tpu.memory_space<vmem_shared>> -> memref<80x64xf32, #tpu.memory_space<vmem_shared>>
        %dma_wait3A_470 = arith.constant 0 : i32
        %dma_wait3A_471 = tpu.memref_slice %arg7[%mul3A_207, %dma_wait3A_470] : memref<10240x64xf32, #tpu.memory_space<vmem_shared>> -> memref<80x64xf32, #tpu.memory_space<vmem_shared>>
        %dma_wait3A_472 = arith.constant 0 : i32
        %dma_wait3A_473 = arith.constant 0 : i32
        %dma_wait3A_474 = tpu.memref_slice %arg8[%run_scoped3A_450, %dma_wait3A_472, %dma_wait3A_473] : memref<4x128x64xf32, #tpu.memory_space<vmem>> -> memref<1x80x64xf32, #tpu.memory_space<vmem>>
        %dma_wait3A_475 = tpu.memref_squeeze %dma_wait3A_474 : memref<1x80x64xf32, #tpu.memory_space<vmem>> -> memref<80x64xf32, #tpu.memory_space<vmem>>
        tpu.wait_dma2 semaphore(%run_scoped3A_451 : memref<!tpu.dma_semaphore, #tpu.memory_space<semaphore_mem>>) src(%dma_wait3A_475 : memref<80x64xf32, #tpu.memory_space<vmem>>) dst(%dma_wait3A_471 : memref<80x64xf32, #tpu.memory_space<vmem_shared>>)
        tpu.yield
      }) : () -> ()
    } else {
    }
    %barrier3A = arith.constant 0 : index
    tpu.barrier barrier_id(%barrier3A)
    %scan3A = arith.constant 0 : i32
    %scan3A_220 = arith.constant 0 : i32
    %scan3A_221 = arith.constant 5 : i32
    %scan3A_222 = arith.addi %scan3A_220, %scan3A_221 : i32
    %scan3A_223 = arith.constant 1 : i32
    scf.for %scan3A_444 = %scan3A_220 to %scan3A_222 step %scan3A_223  : i32 {
      %mul3A_445 = arith.constant 2 : i32
      %mul3A_446 = arith.muli %scan3A_444, %mul3A_445 : i32
      %add3A_447 = arith.constant 0 : i32
      %add3A_448 = arith.addi %mul3A_446, %add3A_447 : i32
      %dma_wait3A_449 = arith.constant 0 : i32
      %dma_wait3A_450 = arith.constant 0 : i32
      %dma_wait3A_451 = arith.constant 0 : i32
      %dma_wait3A_452 = arith.constant 0 : i32
      %dma_wait3A_453 = tpu.memref_slice %arg9[%dma_wait3A_449, %dma_wait3A_450, %dma_wait3A_451, %dma_wait3A_452] : memref<2x16x2x128xi32, #tpu.memory_space<vmem>> -> memref<1x16x2x128xi32, #tpu.memory_space<vmem>>
      %dma_wait3A_454 = tpu.memref_squeeze %dma_wait3A_453 : memref<1x16x2x128xi32, #tpu.memory_space<vmem>> -> memref<16x2x128xi32, #tpu.memory_space<vmem>>
      %dma_wait3A_455 = arith.constant 0 : i32
      %dma_wait3A_456 = arith.constant 0 : i32
      %dma_wait3A_457 = arith.constant 0 : i32
      %dma_wait3A_458 = tpu.memref_slice %arg3[%dma_wait3A_455, %dma_wait3A_456, %dma_wait3A_457] : memref<2560x2x128xi32, #tpu.memory_space<hbm>> -> memref<16x2x128xi32, #tpu.memory_space<hbm>>
      %dma_wait3A_459 = arith.constant 0 : i32
      %dma_wait3A_460 = arith.constant 0 : i32
      %dma_wait3A_461 = arith.constant 0 : i32
      %dma_wait3A_462 = tpu.memref_slice %arg9[%dma_wait3A_449, %dma_wait3A_459, %dma_wait3A_460, %dma_wait3A_461] : memref<2x16x2x128xi32, #tpu.memory_space<vmem>> -> memref<1x16x2x128xi32, #tpu.memory_space<vmem>>
      %dma_wait3A_463 = tpu.memref_squeeze %dma_wait3A_462 : memref<1x16x2x128xi32, #tpu.memory_space<vmem>> -> memref<16x2x128xi32, #tpu.memory_space<vmem>>
      %dma_wait3A_464 = arith.constant 0 : i32
      %dma_wait3A_465 = arith.constant 0 : i32
      %dma_wait3A_466 = arith.constant 0 : i32
      %dma_wait3A_467 = tpu.memref_slice %arg3[%dma_wait3A_464, %dma_wait3A_465, %dma_wait3A_466] : memref<2560x2x128xi32, #tpu.memory_space<hbm>> -> memref<16x2x128xi32, #tpu.memory_space<hbm>>
      tpu.wait_dma2 semaphore(%arg19 : memref<!tpu.dma_semaphore, #tpu.memory_space<semaphore_mem>>) src(%dma_wait3A_467 : memref<16x2x128xi32, #tpu.memory_space<hbm>>) dst(%dma_wait3A_463 : memref<16x2x128xi32, #tpu.memory_space<vmem>>)
      %mul3A_468 = arith.constant 160 : i32
      %mul3A_469 = arith.muli %arg1, %mul3A_468 : i32
      %add3A_470 = arith.constant 1 : i32
      %add3A_471 = arith.addi %add3A_448, %add3A_470 : i32
      %mul3A_472 = arith.constant 16 : i32
      %mul3A_473 = arith.muli %add3A_471, %mul3A_472 : i32
      %add3A_474 = arith.addi %mul3A_469, %mul3A_473 : i32
      %min3A = arith.constant 2544 : i32
      %min3A_475 = arith.minsi %add3A_474, %min3A : i32
      %ge3A = arith.constant 1 : i32
      %ge3A_476 = arith.cmpi sge, %scan3A_444, %ge3A : i32
      %convert_element_type3A_477 = arith.extui %ge3A_476 : i1 to i32
      %cond3A_478 = arith.constant 0 : i32
      %cond3A_479 = arith.cmpi ne, %convert_element_type3A_477, %cond3A_478 : i32
      scf.if %cond3A_479 {
        %dma_wait3A_2297 = arith.constant 0 : i32
        %dma_wait3A_2298 = arith.constant 0 : i32
        %dma_wait3A_2299 = arith.constant 0 : i32
        %dma_wait3A_2300 = arith.constant 1 : i32
        %dma_wait3A_2301 = arith.constant 0 : i32
        %dma_wait3A_2302 = arith.constant 0 : i32
        %dma_wait3A_2303 = tpu.memref_slice %arg8[%dma_wait3A_2297, %dma_wait3A_2301, %dma_wait3A_2302] : memref<4x128x64xf32, #tpu.memory_space<vmem>> -> memref<1x128x64xf32, #tpu.memory_space<vmem>>
        %dma_wait3A_2304 = tpu.memref_squeeze %dma_wait3A_2303 : memref<1x128x64xf32, #tpu.memory_space<vmem>> -> memref<128x64xf32, #tpu.memory_space<vmem>>
        %dma_wait3A_2305 = arith.constant 0 : i32
        %dma_wait3A_2306 = tpu.memref_slice %arg9[%dma_wait3A_2298, %dma_wait3A_2299, %dma_wait3A_2300, %dma_wait3A_2305] : memref<2x16x2x128xi32, #tpu.memory_space<vmem>> -> memref<1x1x1x128xi32, #tpu.memory_space<vmem>>
        %dma_wait3A_2307 = tpu.memref_squeeze %dma_wait3A_2306 : memref<1x1x1x128xi32, #tpu.memory_space<vmem>> -> memref<128xi32, #tpu.memory_space<vmem>>
        %dma_wait3A_2308 = arith.constant 0 : i32
        %dma_wait3A_2309 = arith.constant 0 : i32
        %dma_wait3A_2310 = tpu.memref_slice %arg7[%dma_wait3A_2308, %dma_wait3A_2309] : memref<10240x64xf32, #tpu.memory_space<vmem_shared>> -> memref<10240x64xf32, #tpu.memory_space<vmem_shared>>
        tpu.wait_indirect_dma semaphore(%arg15 : memref<!tpu.dma_semaphore, #tpu.memory_space<semaphore_mem>>) src(%dma_wait3A_2304 : memref<128x64xf32, #tpu.memory_space<vmem>>) dst(%dma_wait3A_2310 : memref<10240x64xf32, #tpu.memory_space<vmem_shared>>)
      } else {
      }
      %dma_start3A_480 = arith.constant 0 : i32
      %dma_start3A_481 = arith.constant 0 : i32
      %dma_start3A_482 = arith.constant 0 : i32
      %dma_start3A_483 = arith.constant 0 : i32
      %dma_start3A_484 = arith.constant 0 : i32
      %dma_start3A_485 = arith.constant 0 : i32
      %dma_start3A_486 = tpu.memref_slice %arg8[%dma_start3A_483, %dma_start3A_484, %dma_start3A_485] : memref<4x128x64xf32, #tpu.memory_space<vmem>> -> memref<1x128x64xf32, #tpu.memory_space<vmem>>
      %dma_start3A_487 = tpu.memref_squeeze %dma_start3A_486 : memref<1x128x64xf32, #tpu.memory_space<vmem>> -> memref<128x64xf32, #tpu.memory_space<vmem>>
      %dma_start3A_488 = arith.constant 0 : i32
      %dma_start3A_489 = tpu.memref_slice %arg9[%dma_start3A_480, %dma_start3A_481, %dma_start3A_482, %dma_start3A_488] : memref<2x16x2x128xi32, #tpu.memory_space<vmem>> -> memref<1x1x1x128xi32, #tpu.memory_space<vmem>>
      %dma_start3A_490 = tpu.memref_squeeze %dma_start3A_489 : memref<1x1x1x128xi32, #tpu.memory_space<vmem>> -> memref<128xi32, #tpu.memory_space<vmem>>
      %dma_start3A_491 = arith.constant 0 : i32
      %dma_start3A_492 = arith.constant 0 : i32
      %dma_start3A_493 = tpu.memref_slice %arg6[%dma_start3A_491, %dma_start3A_492] : memref<10240x64xf32, #tpu.memory_space<vmem_shared>> -> memref<10240x64xf32, #tpu.memory_space<vmem_shared>>
      tpu.enqueue_indirect_dma source(%dma_start3A_493 : memref<10240x64xf32, #tpu.memory_space<vmem_shared>>) target(%dma_start3A_487 : memref<128x64xf32, #tpu.memory_space<vmem>>) offsets(%dma_start3A_490 : memref<128xi32, #tpu.memory_space<vmem>>) semaphore(%arg11 : memref<!tpu.dma_semaphore, #tpu.memory_space<semaphore_mem>>)
      %ge3A_494 = arith.constant 1 : i32
      %ge3A_495 = arith.cmpi sge, %scan3A_444, %ge3A_494 : i32
      %convert_element_type3A_496 = arith.extui %ge3A_495 : i1 to i32
      %cond3A_497 = arith.constant 0 : i32
      %cond3A_498 = arith.cmpi ne, %convert_element_type3A_496, %cond3A_497 : i32
      scf.if %cond3A_498 {
        %dma_wait3A_2297 = arith.constant 1 : i32
        %dma_wait3A_2298 = arith.constant 0 : i32
        %dma_wait3A_2299 = arith.constant 0 : i32
        %dma_wait3A_2300 = arith.constant 1 : i32
        %dma_wait3A_2301 = arith.constant 0 : i32
        %dma_wait3A_2302 = arith.constant 0 : i32
        %dma_wait3A_2303 = tpu.memref_slice %arg8[%dma_wait3A_2297, %dma_wait3A_2301, %dma_wait3A_2302] : memref<4x128x64xf32, #tpu.memory_space<vmem>> -> memref<1x128x64xf32, #tpu.memory_space<vmem>>
        %dma_wait3A_2304 = tpu.memref_squeeze %dma_wait3A_2303 : memref<1x128x64xf32, #tpu.memory_space<vmem>> -> memref<128x64xf32, #tpu.memory_space<vmem>>
        %dma_wait3A_2305 = arith.constant 0 : i32
        %dma_wait3A_2306 = tpu.memref_slice %arg9[%dma_wait3A_2298, %dma_wait3A_2299, %dma_wait3A_2300, %dma_wait3A_2305] : memref<2x16x2x128xi32, #tpu.memory_space<vmem>> -> memref<1x1x1x128xi32, #tpu.memory_space<vmem>>
        %dma_wait3A_2307 = tpu.memref_squeeze %dma_wait3A_2306 : memref<1x1x1x128xi32, #tpu.memory_space<vmem>> -> memref<128xi32, #tpu.memory_space<vmem>>
        %dma_wait3A_2308 = arith.constant 0 : i32
        %dma_wait3A_2309 = arith.constant 0 : i32
        %dma_wait3A_2310 = tpu.memref_slice %arg7[%dma_wait3A_2308, %dma_wait3A_2309] : memref<10240x64xf32, #tpu.memory_space<vmem_shared>> -> memref<10240x64xf32, #tpu.memory_space<vmem_shared>>
        tpu.wait_indirect_dma semaphore(%arg16 : memref<!tpu.dma_semaphore, #tpu.memory_space<semaphore_mem>>) src(%dma_wait3A_2304 : memref<128x64xf32, #tpu.memory_space<vmem>>) dst(%dma_wait3A_2310 : memref<10240x64xf32, #tpu.memory_space<vmem_shared>>)
      } else {
      }
      %dma_start3A_499 = arith.constant 0 : i32
      %dma_start3A_500 = arith.constant 1 : i32
      %dma_start3A_501 = arith.constant 0 : i32
      %dma_start3A_502 = arith.constant 1 : i32
      %dma_start3A_503 = arith.constant 0 : i32
      %dma_start3A_504 = arith.constant 0 : i32
      %dma_start3A_505 = tpu.memref_slice %arg8[%dma_start3A_502, %dma_start3A_503, %dma_start3A_504] : memref<4x128x64xf32, #tpu.memory_space<vmem>> -> memref<1x128x64xf32, #tpu.memory_space<vmem>>
      %dma_start3A_506 = tpu.memref_squeeze %dma_start3A_505 : memref<1x128x64xf32, #tpu.memory_space<vmem>> -> memref<128x64xf32, #tpu.memory_space<vmem>>
      %dma_start3A_507 = arith.constant 0 : i32
      %dma_start3A_508 = tpu.memref_slice %arg9[%dma_start3A_499, %dma_start3A_500, %dma_start3A_501, %dma_start3A_507] : memref<2x16x2x128xi32, #tpu.memory_space<vmem>> -> memref<1x1x1x128xi32, #tpu.memory_space<vmem>>
      %dma_start3A_509 = tpu.memref_squeeze %dma_start3A_508 : memref<1x1x1x128xi32, #tpu.memory_space<vmem>> -> memref<128xi32, #tpu.memory_space<vmem>>
      %dma_start3A_510 = arith.constant 0 : i32
      %dma_start3A_511 = arith.constant 0 : i32
      %dma_start3A_512 = tpu.memref_slice %arg6[%dma_start3A_510, %dma_start3A_511] : memref<10240x64xf32, #tpu.memory_space<vmem_shared>> -> memref<10240x64xf32, #tpu.memory_space<vmem_shared>>
      tpu.enqueue_indirect_dma source(%dma_start3A_512 : memref<10240x64xf32, #tpu.memory_space<vmem_shared>>) target(%dma_start3A_506 : memref<128x64xf32, #tpu.memory_space<vmem>>) offsets(%dma_start3A_509 : memref<128xi32, #tpu.memory_space<vmem>>) semaphore(%arg12 : memref<!tpu.dma_semaphore, #tpu.memory_space<semaphore_mem>>)
      %dma_wait3A_513 = arith.constant 0 : i32
      %dma_wait3A_514 = arith.constant 0 : i32
      %dma_wait3A_515 = arith.constant 0 : i32
      %dma_wait3A_516 = arith.constant 0 : i32
      %dma_wait3A_517 = arith.constant 0 : i32
      %dma_wait3A_518 = arith.constant 0 : i32
      %dma_wait3A_519 = tpu.memref_slice %arg8[%dma_wait3A_516, %dma_wait3A_517, %dma_wait3A_518] : memref<4x128x64xf32, #tpu.memory_space<vmem>> -> memref<1x128x64xf32, #tpu.memory_space<vmem>>
      %dma_wait3A_520 = tpu.memref_squeeze %dma_wait3A_519 : memref<1x128x64xf32, #tpu.memory_space<vmem>> -> memref<128x64xf32, #tpu.memory_space<vmem>>
      %dma_wait3A_521 = arith.constant 0 : i32
      %dma_wait3A_522 = tpu.memref_slice %arg9[%dma_wait3A_513, %dma_wait3A_514, %dma_wait3A_515, %dma_wait3A_521] : memref<2x16x2x128xi32, #tpu.memory_space<vmem>> -> memref<1x1x1x128xi32, #tpu.memory_space<vmem>>
      %dma_wait3A_523 = tpu.memref_squeeze %dma_wait3A_522 : memref<1x1x1x128xi32, #tpu.memory_space<vmem>> -> memref<128xi32, #tpu.memory_space<vmem>>
      %dma_wait3A_524 = arith.constant 0 : i32
      %dma_wait3A_525 = arith.constant 0 : i32
      %dma_wait3A_526 = tpu.memref_slice %arg6[%dma_wait3A_524, %dma_wait3A_525] : memref<10240x64xf32, #tpu.memory_space<vmem_shared>> -> memref<10240x64xf32, #tpu.memory_space<vmem_shared>>
      tpu.wait_indirect_dma semaphore(%arg11 : memref<!tpu.dma_semaphore, #tpu.memory_space<semaphore_mem>>) src(%dma_wait3A_526 : memref<10240x64xf32, #tpu.memory_space<vmem_shared>>) dst(%dma_wait3A_520 : memref<128x64xf32, #tpu.memory_space<vmem>>)
      %dma_start3A_527 = arith.constant 0 : i32
      %dma_start3A_528 = arith.constant 0 : i32
      %dma_start3A_529 = arith.constant 0 : i32
      %dma_start3A_530 = arith.constant 1 : i32
      %dma_start3A_531 = arith.constant 0 : i32
      %dma_start3A_532 = arith.constant 0 : i32
      %dma_start3A_533 = tpu.memref_slice %arg8[%dma_start3A_527, %dma_start3A_531, %dma_start3A_532] : memref<4x128x64xf32, #tpu.memory_space<vmem>> -> memref<1x128x64xf32, #tpu.memory_space<vmem>>
      %dma_start3A_534 = tpu.memref_squeeze %dma_start3A_533 : memref<1x128x64xf32, #tpu.memory_space<vmem>> -> memref<128x64xf32, #tpu.memory_space<vmem>>
      %dma_start3A_535 = arith.constant 0 : i32
      %dma_start3A_536 = tpu.memref_slice %arg9[%dma_start3A_528, %dma_start3A_529, %dma_start3A_530, %dma_start3A_535] : memref<2x16x2x128xi32, #tpu.memory_space<vmem>> -> memref<1x1x1x128xi32, #tpu.memory_space<vmem>>
      %dma_start3A_537 = tpu.memref_squeeze %dma_start3A_536 : memref<1x1x1x128xi32, #tpu.memory_space<vmem>> -> memref<128xi32, #tpu.memory_space<vmem>>
      %dma_start3A_538 = arith.constant 0 : i32
      %dma_start3A_539 = arith.constant 0 : i32
      %dma_start3A_540 = tpu.memref_slice %arg7[%dma_start3A_538, %dma_start3A_539] : memref<10240x64xf32, #tpu.memory_space<vmem_shared>> -> memref<10240x64xf32, #tpu.memory_space<vmem_shared>>
      tpu.enqueue_indirect_dma source(%dma_start3A_534 : memref<128x64xf32, #tpu.memory_space<vmem>>) target(%dma_start3A_540 : memref<10240x64xf32, #tpu.memory_space<vmem_shared>>) offsets(%dma_start3A_537 : memref<128xi32, #tpu.memory_space<vmem>>) semaphore(%arg15 : memref<!tpu.dma_semaphore, #tpu.memory_space<semaphore_mem>>) {add = true}
      %ge3A_541 = arith.constant 1 : i32
      %ge3A_542 = arith.cmpi sge, %scan3A_444, %ge3A_541 : i32
      %convert_element_type3A_543 = arith.extui %ge3A_542 : i1 to i32
      %cond3A_544 = arith.constant 0 : i32
      %cond3A_545 = arith.cmpi ne, %convert_element_type3A_543, %cond3A_544 : i32
      scf.if %cond3A_545 {
        %dma_wait3A_2297 = arith.constant 2 : i32
        %dma_wait3A_2298 = arith.constant 0 : i32
        %dma_wait3A_2299 = arith.constant 0 : i32
        %dma_wait3A_2300 = arith.constant 1 : i32
        %dma_wait3A_2301 = arith.constant 0 : i32
        %dma_wait3A_2302 = arith.constant 0 : i32
        %dma_wait3A_2303 = tpu.memref_slice %arg8[%dma_wait3A_2297, %dma_wait3A_2301, %dma_wait3A_2302] : memref<4x128x64xf32, #tpu.memory_space<vmem>> -> memref<1x128x64xf32, #tpu.memory_space<vmem>>
        %dma_wait3A_2304 = tpu.memref_squeeze %dma_wait3A_2303 : memref<1x128x64xf32, #tpu.memory_space<vmem>> -> memref<128x64xf32, #tpu.memory_space<vmem>>
        %dma_wait3A_2305 = arith.constant 0 : i32
        %dma_wait3A_2306 = tpu.memref_slice %arg9[%dma_wait3A_2298, %dma_wait3A_2299, %dma_wait3A_2300, %dma_wait3A_2305] : memref<2x16x2x128xi32, #tpu.memory_space<vmem>> -> memref<1x1x1x128xi32, #tpu.memory_space<vmem>>
        %dma_wait3A_2307 = tpu.memref_squeeze %dma_wait3A_2306 : memref<1x1x1x128xi32, #tpu.memory_space<vmem>> -> memref<128xi32, #tpu.memory_space<vmem>>
        %dma_wait3A_2308 = arith.constant 0 : i32
        %dma_wait3A_2309 = arith.constant 0 : i32
        %dma_wait3A_2310 = tpu.memref_slice %arg7[%dma_wait3A_2308, %dma_wait3A_2309] : memref<10240x64xf32, #tpu.memory_space<vmem_shared>> -> memref<10240x64xf32, #tpu.memory_space<vmem_shared>>
        tpu.wait_indirect_dma semaphore(%arg17 : memref<!tpu.dma_semaphore, #tpu.memory_space<semaphore_mem>>) src(%dma_wait3A_2304 : memref<128x64xf32, #tpu.memory_space<vmem>>) dst(%dma_wait3A_2310 : memref<10240x64xf32, #tpu.memory_space<vmem_shared>>)
      } else {
      }
      %dma_start3A_546 = arith.constant 0 : i32
      %dma_start3A_547 = arith.constant 2 : i32
      %dma_start3A_548 = arith.constant 0 : i32
      %dma_start3A_549 = arith.constant 2 : i32
      %dma_start3A_550 = arith.constant 0 : i32
      %dma_start3A_551 = arith.constant 0 : i32
      %dma_start3A_552 = tpu.memref_slice %arg8[%dma_start3A_549, %dma_start3A_550, %dma_start3A_551] : memref<4x128x64xf32, #tpu.memory_space<vmem>> -> memref<1x128x64xf32, #tpu.memory_space<vmem>>
      %dma_start3A_553 = tpu.memref_squeeze %dma_start3A_552 : memref<1x128x64xf32, #tpu.memory_space<vmem>> -> memref<128x64xf32, #tpu.memory_space<vmem>>
      %dma_start3A_554 = arith.constant 0 : i32
      %dma_start3A_555 = tpu.memref_slice %arg9[%dma_start3A_546, %dma_start3A_547, %dma_start3A_548, %dma_start3A_554] : memref<2x16x2x128xi32, #tpu.memory_space<vmem>> -> memref<1x1x1x128xi32, #tpu.memory_space<vmem>>
      %dma_start3A_556 = tpu.memref_squeeze %dma_start3A_555 : memref<1x1x1x128xi32, #tpu.memory_space<vmem>> -> memref<128xi32, #tpu.memory_space<vmem>>
      %dma_start3A_557 = arith.constant 0 : i32
      %dma_start3A_558 = arith.constant 0 : i32
      %dma_start3A_559 = tpu.memref_slice %arg6[%dma_start3A_557, %dma_start3A_558] : memref<10240x64xf32, #tpu.memory_space<vmem_shared>> -> memref<10240x64xf32, #tpu.memory_space<vmem_shared>>
      tpu.enqueue_indirect_dma source(%dma_start3A_559 : memref<10240x64xf32, #tpu.memory_space<vmem_shared>>) target(%dma_start3A_553 : memref<128x64xf32, #tpu.memory_space<vmem>>) offsets(%dma_start3A_556 : memref<128xi32, #tpu.memory_space<vmem>>) semaphore(%arg13 : memref<!tpu.dma_semaphore, #tpu.memory_space<semaphore_mem>>)
      %dma_wait3A_560 = arith.constant 0 : i32
      %dma_wait3A_561 = arith.constant 1 : i32
      %dma_wait3A_562 = arith.constant 0 : i32
      %dma_wait3A_563 = arith.constant 1 : i32
      %dma_wait3A_564 = arith.constant 0 : i32
      %dma_wait3A_565 = arith.constant 0 : i32
      %dma_wait3A_566 = tpu.memref_slice %arg8[%dma_wait3A_563, %dma_wait3A_564, %dma_wait3A_565] : memref<4x128x64xf32, #tpu.memory_space<vmem>> -> memref<1x128x64xf32, #tpu.memory_space<vmem>>
      %dma_wait3A_567 = tpu.memref_squeeze %dma_wait3A_566 : memref<1x128x64xf32, #tpu.memory_space<vmem>> -> memref<128x64xf32, #tpu.memory_space<vmem>>
      %dma_wait3A_568 = arith.constant 0 : i32
      %dma_wait3A_569 = tpu.memref_slice %arg9[%dma_wait3A_560, %dma_wait3A_561, %dma_wait3A_562, %dma_wait3A_568] : memref<2x16x2x128xi32, #tpu.memory_space<vmem>> -> memref<1x1x1x128xi32, #tpu.memory_space<vmem>>
      %dma_wait3A_570 = tpu.memref_squeeze %dma_wait3A_569 : memref<1x1x1x128xi32, #tpu.memory_space<vmem>> -> memref<128xi32, #tpu.memory_space<vmem>>
      %dma_wait3A_571 = arith.constant 0 : i32
      %dma_wait3A_572 = arith.constant 0 : i32
      %dma_wait3A_573 = tpu.memref_slice %arg6[%dma_wait3A_571, %dma_wait3A_572] : memref<10240x64xf32, #tpu.memory_space<vmem_shared>> -> memref<10240x64xf32, #tpu.memory_space<vmem_shared>>
      tpu.wait_indirect_dma semaphore(%arg12 : memref<!tpu.dma_semaphore, #tpu.memory_space<semaphore_mem>>) src(%dma_wait3A_573 : memref<10240x64xf32, #tpu.memory_space<vmem_shared>>) dst(%dma_wait3A_567 : memref<128x64xf32, #tpu.memory_space<vmem>>)
      %dma_start3A_574 = arith.constant 1 : i32
      %dma_start3A_575 = arith.constant 0 : i32
      %dma_start3A_576 = arith.constant 1 : i32
      %dma_start3A_577 = arith.constant 1 : i32
      %dma_start3A_578 = arith.constant 0 : i32
      %dma_start3A_579 = arith.constant 0 : i32
      %dma_start3A_580 = tpu.memref_slice %arg8[%dma_start3A_574, %dma_start3A_578, %dma_start3A_579] : memref<4x128x64xf32, #tpu.memory_space<vmem>> -> memref<1x128x64xf32, #tpu.memory_space<vmem>>
      %dma_start3A_581 = tpu.memref_squeeze %dma_start3A_580 : memref<1x128x64xf32, #tpu.memory_space<vmem>> -> memref<128x64xf32, #tpu.memory_space<vmem>>
      %dma_start3A_582 = arith.constant 0 : i32
      %dma_start3A_583 = tpu.memref_slice %arg9[%dma_start3A_575, %dma_start3A_576, %dma_start3A_577, %dma_start3A_582] : memref<2x16x2x128xi32, #tpu.memory_space<vmem>> -> memref<1x1x1x128xi32, #tpu.memory_space<vmem>>
      %dma_start3A_584 = tpu.memref_squeeze %dma_start3A_583 : memref<1x1x1x128xi32, #tpu.memory_space<vmem>> -> memref<128xi32, #tpu.memory_space<vmem>>
      %dma_start3A_585 = arith.constant 0 : i32
      %dma_start3A_586 = arith.constant 0 : i32
      %dma_start3A_587 = tpu.memref_slice %arg7[%dma_start3A_585, %dma_start3A_586] : memref<10240x64xf32, #tpu.memory_space<vmem_shared>> -> memref<10240x64xf32, #tpu.memory_space<vmem_shared>>
      tpu.enqueue_indirect_dma source(%dma_start3A_581 : memref<128x64xf32, #tpu.memory_space<vmem>>) target(%dma_start3A_587 : memref<10240x64xf32, #tpu.memory_space<vmem_shared>>) offsets(%dma_start3A_584 : memref<128xi32, #tpu.memory_space<vmem>>) semaphore(%arg16 : memref<!tpu.dma_semaphore, #tpu.memory_space<semaphore_mem>>) {add = true}
      %ge3A_588 = arith.constant 1 : i32
      %ge3A_589 = arith.cmpi sge, %scan3A_444, %ge3A_588 : i32
      %convert_element_type3A_590 = arith.extui %ge3A_589 : i1 to i32
      %cond3A_591 = arith.constant 0 : i32
      %cond3A_592 = arith.cmpi ne, %convert_element_type3A_590, %cond3A_591 : i32
      scf.if %cond3A_592 {
        %dma_wait3A_2297 = arith.constant 3 : i32
        %dma_wait3A_2298 = arith.constant 0 : i32
        %dma_wait3A_2299 = arith.constant 0 : i32
        %dma_wait3A_2300 = arith.constant 1 : i32
        %dma_wait3A_2301 = arith.constant 0 : i32
        %dma_wait3A_2302 = arith.constant 0 : i32
        %dma_wait3A_2303 = tpu.memref_slice %arg8[%dma_wait3A_2297, %dma_wait3A_2301, %dma_wait3A_2302] : memref<4x128x64xf32, #tpu.memory_space<vmem>> -> memref<1x128x64xf32, #tpu.memory_space<vmem>>
        %dma_wait3A_2304 = tpu.memref_squeeze %dma_wait3A_2303 : memref<1x128x64xf32, #tpu.memory_space<vmem>> -> memref<128x64xf32, #tpu.memory_space<vmem>>
        %dma_wait3A_2305 = arith.constant 0 : i32
        %dma_wait3A_2306 = tpu.memref_slice %arg9[%dma_wait3A_2298, %dma_wait3A_2299, %dma_wait3A_2300, %dma_wait3A_2305] : memref<2x16x2x128xi32, #tpu.memory_space<vmem>> -> memref<1x1x1x128xi32, #tpu.memory_space<vmem>>
        %dma_wait3A_2307 = tpu.memref_squeeze %dma_wait3A_2306 : memref<1x1x1x128xi32, #tpu.memory_space<vmem>> -> memref<128xi32, #tpu.memory_space<vmem>>
        %dma_wait3A_2308 = arith.constant 0 : i32
        %dma_wait3A_2309 = arith.constant 0 : i32
        %dma_wait3A_2310 = tpu.memref_slice %arg7[%dma_wait3A_2308, %dma_wait3A_2309] : memref<10240x64xf32, #tpu.memory_space<vmem_shared>> -> memref<10240x64xf32, #tpu.memory_space<vmem_shared>>
        tpu.wait_indirect_dma semaphore(%arg18 : memref<!tpu.dma_semaphore, #tpu.memory_space<semaphore_mem>>) src(%dma_wait3A_2304 : memref<128x64xf32, #tpu.memory_space<vmem>>) dst(%dma_wait3A_2310 : memref<10240x64xf32, #tpu.memory_space<vmem_shared>>)
      } else {
      }
      %dma_start3A_593 = arith.constant 0 : i32
      %dma_start3A_594 = arith.constant 3 : i32
      %dma_start3A_595 = arith.constant 0 : i32
      %dma_start3A_596 = arith.constant 3 : i32
      %dma_start3A_597 = arith.constant 0 : i32
      %dma_start3A_598 = arith.constant 0 : i32
      %dma_start3A_599 = tpu.memref_slice %arg8[%dma_start3A_596, %dma_start3A_597, %dma_start3A_598] : memref<4x128x64xf32, #tpu.memory_space<vmem>> -> memref<1x128x64xf32, #tpu.memory_space<vmem>>
      %dma_start3A_600 = tpu.memref_squeeze %dma_start3A_599 : memref<1x128x64xf32, #tpu.memory_space<vmem>> -> memref<128x64xf32, #tpu.memory_space<vmem>>
      %dma_start3A_601 = arith.constant 0 : i32
      %dma_start3A_602 = tpu.memref_slice %arg9[%dma_start3A_593, %dma_start3A_594, %dma_start3A_595, %dma_start3A_601] : memref<2x16x2x128xi32, #tpu.memory_space<vmem>> -> memref<1x1x1x128xi32, #tpu.memory_space<vmem>>
      %dma_start3A_603 = tpu.memref_squeeze %dma_start3A_602 : memref<1x1x1x128xi32, #tpu.memory_space<vmem>> -> memref<128xi32, #tpu.memory_space<vmem>>
      %dma_start3A_604 = arith.constant 0 : i32
      %dma_start3A_605 = arith.constant 0 : i32
      %dma_start3A_606 = tpu.memref_slice %arg6[%dma_start3A_604, %dma_start3A_605] : memref<10240x64xf32, #tpu.memory_space<vmem_shared>> -> memref<10240x64xf32, #tpu.memory_space<vmem_shared>>
      tpu.enqueue_indirect_dma source(%dma_start3A_606 : memref<10240x64xf32, #tpu.memory_space<vmem_shared>>) target(%dma_start3A_600 : memref<128x64xf32, #tpu.memory_space<vmem>>) offsets(%dma_start3A_603 : memref<128xi32, #tpu.memory_space<vmem>>) semaphore(%arg14 : memref<!tpu.dma_semaphore, #tpu.memory_space<semaphore_mem>>)
      %dma_wait3A_607 = arith.constant 0 : i32
      %dma_wait3A_608 = arith.constant 2 : i32
      %dma_wait3A_609 = arith.constant 0 : i32
      %dma_wait3A_610 = arith.constant 2 : i32
      %dma_wait3A_611 = arith.constant 0 : i32
      %dma_wait3A_612 = arith.constant 0 : i32
      %dma_wait3A_613 = tpu.memref_slice %arg8[%dma_wait3A_610, %dma_wait3A_611, %dma_wait3A_612] : memref<4x128x64xf32, #tpu.memory_space<vmem>> -> memref<1x128x64xf32, #tpu.memory_space<vmem>>
      %dma_wait3A_614 = tpu.memref_squeeze %dma_wait3A_613 : memref<1x128x64xf32, #tpu.memory_space<vmem>> -> memref<128x64xf32, #tpu.memory_space<vmem>>
      %dma_wait3A_615 = arith.constant 0 : i32
      %dma_wait3A_616 = tpu.memref_slice %arg9[%dma_wait3A_607, %dma_wait3A_608, %dma_wait3A_609, %dma_wait3A_615] : memref<2x16x2x128xi32, #tpu.memory_space<vmem>> -> memref<1x1x1x128xi32, #tpu.memory_space<vmem>>
      %dma_wait3A_617 = tpu.memref_squeeze %dma_wait3A_616 : memref<1x1x1x128xi32, #tpu.memory_space<vmem>> -> memref<128xi32, #tpu.memory_space<vmem>>
      %dma_wait3A_618 = arith.constant 0 : i32
      %dma_wait3A_619 = arith.constant 0 : i32
      %dma_wait3A_620 = tpu.memref_slice %arg6[%dma_wait3A_618, %dma_wait3A_619] : memref<10240x64xf32, #tpu.memory_space<vmem_shared>> -> memref<10240x64xf32, #tpu.memory_space<vmem_shared>>
      tpu.wait_indirect_dma semaphore(%arg13 : memref<!tpu.dma_semaphore, #tpu.memory_space<semaphore_mem>>) src(%dma_wait3A_620 : memref<10240x64xf32, #tpu.memory_space<vmem_shared>>) dst(%dma_wait3A_614 : memref<128x64xf32, #tpu.memory_space<vmem>>)
      %dma_start3A_621 = arith.constant 2 : i32
      %dma_start3A_622 = arith.constant 0 : i32
      %dma_start3A_623 = arith.constant 2 : i32
      %dma_start3A_624 = arith.constant 1 : i32
      %dma_start3A_625 = arith.constant 0 : i32
      %dma_start3A_626 = arith.constant 0 : i32
      %dma_start3A_627 = tpu.memref_slice %arg8[%dma_start3A_621, %dma_start3A_625, %dma_start3A_626] : memref<4x128x64xf32, #tpu.memory_space<vmem>> -> memref<1x128x64xf32, #tpu.memory_space<vmem>>
      %dma_start3A_628 = tpu.memref_squeeze %dma_start3A_627 : memref<1x128x64xf32, #tpu.memory_space<vmem>> -> memref<128x64xf32, #tpu.memory_space<vmem>>
      %dma_start3A_629 = arith.constant 0 : i32
      %dma_start3A_630 = tpu.memref_slice %arg9[%dma_start3A_622, %dma_start3A_623, %dma_start3A_624, %dma_start3A_629] : memref<2x16x2x128xi32, #tpu.memory_space<vmem>> -> memref<1x1x1x128xi32, #tpu.memory_space<vmem>>
      %dma_start3A_631 = tpu.memref_squeeze %dma_start3A_630 : memref<1x1x1x128xi32, #tpu.memory_space<vmem>> -> memref<128xi32, #tpu.memory_space<vmem>>
      %dma_start3A_632 = arith.constant 0 : i32
      %dma_start3A_633 = arith.constant 0 : i32
      %dma_start3A_634 = tpu.memref_slice %arg7[%dma_start3A_632, %dma_start3A_633] : memref<10240x64xf32, #tpu.memory_space<vmem_shared>> -> memref<10240x64xf32, #tpu.memory_space<vmem_shared>>
      tpu.enqueue_indirect_dma source(%dma_start3A_628 : memref<128x64xf32, #tpu.memory_space<vmem>>) target(%dma_start3A_634 : memref<10240x64xf32, #tpu.memory_space<vmem_shared>>) offsets(%dma_start3A_631 : memref<128xi32, #tpu.memory_space<vmem>>) semaphore(%arg17 : memref<!tpu.dma_semaphore, #tpu.memory_space<semaphore_mem>>) {add = true}
      %dma_wait3A_635 = arith.constant 0 : i32
      %dma_wait3A_636 = arith.constant 0 : i32
      %dma_wait3A_637 = arith.constant 0 : i32
      %dma_wait3A_638 = arith.constant 1 : i32
      %dma_wait3A_639 = arith.constant 0 : i32
      %dma_wait3A_640 = arith.constant 0 : i32
      %dma_wait3A_641 = tpu.memref_slice %arg8[%dma_wait3A_635, %dma_wait3A_639, %dma_wait3A_640] : memref<4x128x64xf32, #tpu.memory_space<vmem>> -> memref<1x128x64xf32, #tpu.memory_space<vmem>>
      %dma_wait3A_642 = tpu.memref_squeeze %dma_wait3A_641 : memref<1x128x64xf32, #tpu.memory_space<vmem>> -> memref<128x64xf32, #tpu.memory_space<vmem>>
      %dma_wait3A_643 = arith.constant 0 : i32
      %dma_wait3A_644 = tpu.memref_slice %arg9[%dma_wait3A_636, %dma_wait3A_637, %dma_wait3A_638, %dma_wait3A_643] : memref<2x16x2x128xi32, #tpu.memory_space<vmem>> -> memref<1x1x1x128xi32, #tpu.memory_space<vmem>>
      %dma_wait3A_645 = tpu.memref_squeeze %dma_wait3A_644 : memref<1x1x1x128xi32, #tpu.memory_space<vmem>> -> memref<128xi32, #tpu.memory_space<vmem>>
      %dma_wait3A_646 = arith.constant 0 : i32
      %dma_wait3A_647 = arith.constant 0 : i32
      %dma_wait3A_648 = tpu.memref_slice %arg7[%dma_wait3A_646, %dma_wait3A_647] : memref<10240x64xf32, #tpu.memory_space<vmem_shared>> -> memref<10240x64xf32, #tpu.memory_space<vmem_shared>>
      tpu.wait_indirect_dma semaphore(%arg15 : memref<!tpu.dma_semaphore, #tpu.memory_space<semaphore_mem>>) src(%dma_wait3A_642 : memref<128x64xf32, #tpu.memory_space<vmem>>) dst(%dma_wait3A_648 : memref<10240x64xf32, #tpu.memory_space<vmem_shared>>)
      %dma_start3A_649 = arith.constant 1 : i32
      %dma_start3A_650 = arith.constant 0 : i32
      %dma_start3A_651 = arith.constant 0 : i32
      %dma_start3A_652 = arith.constant 0 : i32
      %dma_start3A_653 = tpu.memref_slice %arg9[%dma_start3A_649, %dma_start3A_650, %dma_start3A_651, %dma_start3A_652] : memref<2x16x2x128xi32, #tpu.memory_space<vmem>> -> memref<1x16x2x128xi32, #tpu.memory_space<vmem>>
      %dma_start3A_654 = tpu.memref_squeeze %dma_start3A_653 : memref<1x16x2x128xi32, #tpu.memory_space<vmem>> -> memref<16x2x128xi32, #tpu.memory_space<vmem>>
      %dma_start3A_655 = arith.constant 0 : i32
      %dma_start3A_656 = arith.constant 0 : i32
      %dma_start3A_657 = tpu.memref_slice %arg3[%min3A_475, %dma_start3A_655, %dma_start3A_656] : memref<2560x2x128xi32, #tpu.memory_space<hbm>> -> memref<16x2x128xi32, #tpu.memory_space<hbm>>
      %dma_start3A_658 = arith.constant 0 : i32
      %dma_start3A_659 = arith.constant 0 : i32
      %dma_start3A_660 = arith.constant 0 : i32
      %dma_start3A_661 = tpu.memref_slice %arg9[%dma_start3A_649, %dma_start3A_658, %dma_start3A_659, %dma_start3A_660] : memref<2x16x2x128xi32, #tpu.memory_space<vmem>> -> memref<1x16x2x128xi32, #tpu.memory_space<vmem>>
      %dma_start3A_662 = tpu.memref_squeeze %dma_start3A_661 : memref<1x16x2x128xi32, #tpu.memory_space<vmem>> -> memref<16x2x128xi32, #tpu.memory_space<vmem>>
      %dma_start3A_663 = arith.constant 0 : i32
      %dma_start3A_664 = arith.constant 0 : i32
      %dma_start3A_665 = tpu.memref_slice %arg3[%min3A_475, %dma_start3A_663, %dma_start3A_664] : memref<2560x2x128xi32, #tpu.memory_space<hbm>> -> memref<16x2x128xi32, #tpu.memory_space<hbm>>
      tpu.enqueue_dma source(%dma_start3A_665 : memref<16x2x128xi32, #tpu.memory_space<hbm>>) target(%dma_start3A_662 : memref<16x2x128xi32, #tpu.memory_space<vmem>>) target_semaphore(%arg20 : memref<!tpu.dma_semaphore, #tpu.memory_space<semaphore_mem>>)
      %dma_start3A_666 = arith.constant 0 : i32
      %dma_start3A_667 = arith.constant 4 : i32
      %dma_start3A_668 = arith.constant 0 : i32
      %dma_start3A_669 = arith.constant 0 : i32
      %dma_start3A_670 = arith.constant 0 : i32
      %dma_start3A_671 = arith.constant 0 : i32
      %dma_start3A_672 = tpu.memref_slice %arg8[%dma_start3A_669, %dma_start3A_670, %dma_start3A_671] : memref<4x128x64xf32, #tpu.memory_space<vmem>> -> memref<1x128x64xf32, #tpu.memory_space<vmem>>
      %dma_start3A_673 = tpu.memref_squeeze %dma_start3A_672 : memref<1x128x64xf32, #tpu.memory_space<vmem>> -> memref<128x64xf32, #tpu.memory_space<vmem>>
      %dma_start3A_674 = arith.constant 0 : i32
      %dma_start3A_675 = tpu.memref_slice %arg9[%dma_start3A_666, %dma_start3A_667, %dma_start3A_668, %dma_start3A_674] : memref<2x16x2x128xi32, #tpu.memory_space<vmem>> -> memref<1x1x1x128xi32, #tpu.memory_space<vmem>>
      %dma_start3A_676 = tpu.memref_squeeze %dma_start3A_675 : memref<1x1x1x128xi32, #tpu.memory_space<vmem>> -> memref<128xi32, #tpu.memory_space<vmem>>
      %dma_start3A_677 = arith.constant 0 : i32
      %dma_start3A_678 = arith.constant 0 : i32
      %dma_start3A_679 = tpu.memref_slice %arg6[%dma_start3A_677, %dma_start3A_678] : memref<10240x64xf32, #tpu.memory_space<vmem_shared>> -> memref<10240x64xf32, #tpu.memory_space<vmem_shared>>
      tpu.enqueue_indirect_dma source(%dma_start3A_679 : memref<10240x64xf32, #tpu.memory_space<vmem_shared>>) target(%dma_start3A_673 : memref<128x64xf32, #tpu.memory_space<vmem>>) offsets(%dma_start3A_676 : memref<128xi32, #tpu.memory_space<vmem>>) semaphore(%arg11 : memref<!tpu.dma_semaphore, #tpu.memory_space<semaphore_mem>>)
      %dma_wait3A_680 = arith.constant 0 : i32
      %dma_wait3A_681 = arith.constant 3 : i32
      %dma_wait3A_682 = arith.constant 0 : i32
      %dma_wait3A_683 = arith.constant 3 : i32
      %dma_wait3A_684 = arith.constant 0 : i32
      %dma_wait3A_685 = arith.constant 0 : i32
      %dma_wait3A_686 = tpu.memref_slice %arg8[%dma_wait3A_683, %dma_wait3A_684, %dma_wait3A_685] : memref<4x128x64xf32, #tpu.memory_space<vmem>> -> memref<1x128x64xf32, #tpu.memory_space<vmem>>
      %dma_wait3A_687 = tpu.memref_squeeze %dma_wait3A_686 : memref<1x128x64xf32, #tpu.memory_space<vmem>> -> memref<128x64xf32, #tpu.memory_space<vmem>>
      %dma_wait3A_688 = arith.constant 0 : i32
      %dma_wait3A_689 = tpu.memref_slice %arg9[%dma_wait3A_680, %dma_wait3A_681, %dma_wait3A_682, %dma_wait3A_688] : memref<2x16x2x128xi32, #tpu.memory_space<vmem>> -> memref<1x1x1x128xi32, #tpu.memory_space<vmem>>
      %dma_wait3A_690 = tpu.memref_squeeze %dma_wait3A_689 : memref<1x1x1x128xi32, #tpu.memory_space<vmem>> -> memref<128xi32, #tpu.memory_space<vmem>>
      %dma_wait3A_691 = arith.constant 0 : i32
      %dma_wait3A_692 = arith.constant 0 : i32
      %dma_wait3A_693 = tpu.memref_slice %arg6[%dma_wait3A_691, %dma_wait3A_692] : memref<10240x64xf32, #tpu.memory_space<vmem_shared>> -> memref<10240x64xf32, #tpu.memory_space<vmem_shared>>
      tpu.wait_indirect_dma semaphore(%arg14 : memref<!tpu.dma_semaphore, #tpu.memory_space<semaphore_mem>>) src(%dma_wait3A_693 : memref<10240x64xf32, #tpu.memory_space<vmem_shared>>) dst(%dma_wait3A_687 : memref<128x64xf32, #tpu.memory_space<vmem>>)
      %dma_start3A_694 = arith.constant 3 : i32
      %dma_start3A_695 = arith.constant 0 : i32
      %dma_start3A_696 = arith.constant 3 : i32
      %dma_start3A_697 = arith.constant 1 : i32
      %dma_start3A_698 = arith.constant 0 : i32
      %dma_start3A_699 = arith.constant 0 : i32
      %dma_start3A_700 = tpu.memref_slice %arg8[%dma_start3A_694, %dma_start3A_698, %dma_start3A_699] : memref<4x128x64xf32, #tpu.memory_space<vmem>> -> memref<1x128x64xf32, #tpu.memory_space<vmem>>
      %dma_start3A_701 = tpu.memref_squeeze %dma_start3A_700 : memref<1x128x64xf32, #tpu.memory_space<vmem>> -> memref<128x64xf32, #tpu.memory_space<vmem>>
      %dma_start3A_702 = arith.constant 0 : i32
      %dma_start3A_703 = tpu.memref_slice %arg9[%dma_start3A_695, %dma_start3A_696, %dma_start3A_697, %dma_start3A_702] : memref<2x16x2x128xi32, #tpu.memory_space<vmem>> -> memref<1x1x1x128xi32, #tpu.memory_space<vmem>>
      %dma_start3A_704 = tpu.memref_squeeze %dma_start3A_703 : memref<1x1x1x128xi32, #tpu.memory_space<vmem>> -> memref<128xi32, #tpu.memory_space<vmem>>
      %dma_start3A_705 = arith.constant 0 : i32
      %dma_start3A_706 = arith.constant 0 : i32
      %dma_start3A_707 = tpu.memref_slice %arg7[%dma_start3A_705, %dma_start3A_706] : memref<10240x64xf32, #tpu.memory_space<vmem_shared>> -> memref<10240x64xf32, #tpu.memory_space<vmem_shared>>
      tpu.enqueue_indirect_dma source(%dma_start3A_701 : memref<128x64xf32, #tpu.memory_space<vmem>>) target(%dma_start3A_707 : memref<10240x64xf32, #tpu.memory_space<vmem_shared>>) offsets(%dma_start3A_704 : memref<128xi32, #tpu.memory_space<vmem>>) semaphore(%arg18 : memref<!tpu.dma_semaphore, #tpu.memory_space<semaphore_mem>>) {add = true}
      %dma_wait3A_708 = arith.constant 1 : i32
      %dma_wait3A_709 = arith.constant 0 : i32
      %dma_wait3A_710 = arith.constant 0 : i32
      %dma_wait3A_711 = arith.constant 1 : i32
      %dma_wait3A_712 = arith.constant 0 : i32
      %dma_wait3A_713 = arith.constant 0 : i32
      %dma_wait3A_714 = tpu.memref_slice %arg8[%dma_wait3A_708, %dma_wait3A_712, %dma_wait3A_713] : memref<4x128x64xf32, #tpu.memory_space<vmem>> -> memref<1x128x64xf32, #tpu.memory_space<vmem>>
      %dma_wait3A_715 = tpu.memref_squeeze %dma_wait3A_714 : memref<1x128x64xf32, #tpu.memory_space<vmem>> -> memref<128x64xf32, #tpu.memory_space<vmem>>
      %dma_wait3A_716 = arith.constant 0 : i32
      %dma_wait3A_717 = tpu.memref_slice %arg9[%dma_wait3A_709, %dma_wait3A_710, %dma_wait3A_711, %dma_wait3A_716] : memref<2x16x2x128xi32, #tpu.memory_space<vmem>> -> memref<1x1x1x128xi32, #tpu.memory_space<vmem>>
      %dma_wait3A_718 = tpu.memref_squeeze %dma_wait3A_717 : memref<1x1x1x128xi32, #tpu.memory_space<vmem>> -> memref<128xi32, #tpu.memory_space<vmem>>
      %dma_wait3A_719 = arith.constant 0 : i32
      %dma_wait3A_720 = arith.constant 0 : i32
      %dma_wait3A_721 = tpu.memref_slice %arg7[%dma_wait3A_719, %dma_wait3A_720] : memref<10240x64xf32, #tpu.memory_space<vmem_shared>> -> memref<10240x64xf32, #tpu.memory_space<vmem_shared>>
      tpu.wait_indirect_dma semaphore(%arg16 : memref<!tpu.dma_semaphore, #tpu.memory_space<semaphore_mem>>) src(%dma_wait3A_715 : memref<128x64xf32, #tpu.memory_space<vmem>>) dst(%dma_wait3A_721 : memref<10240x64xf32, #tpu.memory_space<vmem_shared>>)
      %dma_start3A_722 = arith.constant 0 : i32
      %dma_start3A_723 = arith.constant 5 : i32
      %dma_start3A_724 = arith.constant 0 : i32
      %dma_start3A_725 = arith.constant 1 : i32
      %dma_start3A_726 = arith.constant 0 : i32
      %dma_start3A_727 = arith.constant 0 : i32
      %dma_start3A_728 = tpu.memref_slice %arg8[%dma_start3A_725, %dma_start3A_726, %dma_start3A_727] : memref<4x128x64xf32, #tpu.memory_space<vmem>> -> memref<1x128x64xf32, #tpu.memory_space<vmem>>
      %dma_start3A_729 = tpu.memref_squeeze %dma_start3A_728 : memref<1x128x64xf32, #tpu.memory_space<vmem>> -> memref<128x64xf32, #tpu.memory_space<vmem>>
      %dma_start3A_730 = arith.constant 0 : i32
      %dma_start3A_731 = tpu.memref_slice %arg9[%dma_start3A_722, %dma_start3A_723, %dma_start3A_724, %dma_start3A_730] : memref<2x16x2x128xi32, #tpu.memory_space<vmem>> -> memref<1x1x1x128xi32, #tpu.memory_space<vmem>>
      %dma_start3A_732 = tpu.memref_squeeze %dma_start3A_731 : memref<1x1x1x128xi32, #tpu.memory_space<vmem>> -> memref<128xi32, #tpu.memory_space<vmem>>
      %dma_start3A_733 = arith.constant 0 : i32
      %dma_start3A_734 = arith.constant 0 : i32
      %dma_start3A_735 = tpu.memref_slice %arg6[%dma_start3A_733, %dma_start3A_734] : memref<10240x64xf32, #tpu.memory_space<vmem_shared>> -> memref<10240x64xf32, #tpu.memory_space<vmem_shared>>
      tpu.enqueue_indirect_dma source(%dma_start3A_735 : memref<10240x64xf32, #tpu.memory_space<vmem_shared>>) target(%dma_start3A_729 : memref<128x64xf32, #tpu.memory_space<vmem>>) offsets(%dma_start3A_732 : memref<128xi32, #tpu.memory_space<vmem>>) semaphore(%arg12 : memref<!tpu.dma_semaphore, #tpu.memory_space<semaphore_mem>>)
      %dma_wait3A_736 = arith.constant 0 : i32
      %dma_wait3A_737 = arith.constant 4 : i32
      %dma_wait3A_738 = arith.constant 0 : i32
      %dma_wait3A_739 = arith.constant 0 : i32
      %dma_wait3A_740 = arith.constant 0 : i32
      %dma_wait3A_741 = arith.constant 0 : i32
      %dma_wait3A_742 = tpu.memref_slice %arg8[%dma_wait3A_739, %dma_wait3A_740, %dma_wait3A_741] : memref<4x128x64xf32, #tpu.memory_space<vmem>> -> memref<1x128x64xf32, #tpu.memory_space<vmem>>
      %dma_wait3A_743 = tpu.memref_squeeze %dma_wait3A_742 : memref<1x128x64xf32, #tpu.memory_space<vmem>> -> memref<128x64xf32, #tpu.memory_space<vmem>>
      %dma_wait3A_744 = arith.constant 0 : i32
      %dma_wait3A_745 = tpu.memref_slice %arg9[%dma_wait3A_736, %dma_wait3A_737, %dma_wait3A_738, %dma_wait3A_744] : memref<2x16x2x128xi32, #tpu.memory_space<vmem>> -> memref<1x1x1x128xi32, #tpu.memory_space<vmem>>
      %dma_wait3A_746 = tpu.memref_squeeze %dma_wait3A_745 : memref<1x1x1x128xi32, #tpu.memory_space<vmem>> -> memref<128xi32, #tpu.memory_space<vmem>>
      %dma_wait3A_747 = arith.constant 0 : i32
      %dma_wait3A_748 = arith.constant 0 : i32
      %dma_wait3A_749 = tpu.memref_slice %arg6[%dma_wait3A_747, %dma_wait3A_748] : memref<10240x64xf32, #tpu.memory_space<vmem_shared>> -> memref<10240x64xf32, #tpu.memory_space<vmem_shared>>
      tpu.wait_indirect_dma semaphore(%arg11 : memref<!tpu.dma_semaphore, #tpu.memory_space<semaphore_mem>>) src(%dma_wait3A_749 : memref<10240x64xf32, #tpu.memory_space<vmem_shared>>) dst(%dma_wait3A_743 : memref<128x64xf32, #tpu.memory_space<vmem>>)
      %dma_start3A_750 = arith.constant 0 : i32
      %dma_start3A_751 = arith.constant 0 : i32
      %dma_start3A_752 = arith.constant 4 : i32
      %dma_start3A_753 = arith.constant 1 : i32
      %dma_start3A_754 = arith.constant 0 : i32
      %dma_start3A_755 = arith.constant 0 : i32
      %dma_start3A_756 = tpu.memref_slice %arg8[%dma_start3A_750, %dma_start3A_754, %dma_start3A_755] : memref<4x128x64xf32, #tpu.memory_space<vmem>> -> memref<1x128x64xf32, #tpu.memory_space<vmem>>
      %dma_start3A_757 = tpu.memref_squeeze %dma_start3A_756 : memref<1x128x64xf32, #tpu.memory_space<vmem>> -> memref<128x64xf32, #tpu.memory_space<vmem>>
      %dma_start3A_758 = arith.constant 0 : i32
      %dma_start3A_759 = tpu.memref_slice %arg9[%dma_start3A_751, %dma_start3A_752, %dma_start3A_753, %dma_start3A_758] : memref<2x16x2x128xi32, #tpu.memory_space<vmem>> -> memref<1x1x1x128xi32, #tpu.memory_space<vmem>>
      %dma_start3A_760 = tpu.memref_squeeze %dma_start3A_759 : memref<1x1x1x128xi32, #tpu.memory_space<vmem>> -> memref<128xi32, #tpu.memory_space<vmem>>
      %dma_start3A_761 = arith.constant 0 : i32
      %dma_start3A_762 = arith.constant 0 : i32
      %dma_start3A_763 = tpu.memref_slice %arg7[%dma_start3A_761, %dma_start3A_762] : memref<10240x64xf32, #tpu.memory_space<vmem_shared>> -> memref<10240x64xf32, #tpu.memory_space<vmem_shared>>
      tpu.enqueue_indirect_dma source(%dma_start3A_757 : memref<128x64xf32, #tpu.memory_space<vmem>>) target(%dma_start3A_763 : memref<10240x64xf32, #tpu.memory_space<vmem_shared>>) offsets(%dma_start3A_760 : memref<128xi32, #tpu.memory_space<vmem>>) semaphore(%arg15 : memref<!tpu.dma_semaphore, #tpu.memory_space<semaphore_mem>>) {add = true}
      %dma_wait3A_764 = arith.constant 2 : i32
      %dma_wait3A_765 = arith.constant 0 : i32
      %dma_wait3A_766 = arith.constant 0 : i32
      %dma_wait3A_767 = arith.constant 1 : i32
      %dma_wait3A_768 = arith.constant 0 : i32
      %dma_wait3A_769 = arith.constant 0 : i32
      %dma_wait3A_770 = tpu.memref_slice %arg8[%dma_wait3A_764, %dma_wait3A_768, %dma_wait3A_769] : memref<4x128x64xf32, #tpu.memory_space<vmem>> -> memref<1x128x64xf32, #tpu.memory_space<vmem>>
      %dma_wait3A_771 = tpu.memref_squeeze %dma_wait3A_770 : memref<1x128x64xf32, #tpu.memory_space<vmem>> -> memref<128x64xf32, #tpu.memory_space<vmem>>
      %dma_wait3A_772 = arith.constant 0 : i32
      %dma_wait3A_773 = tpu.memref_slice %arg9[%dma_wait3A_765, %dma_wait3A_766, %dma_wait3A_767, %dma_wait3A_772] : memref<2x16x2x128xi32, #tpu.memory_space<vmem>> -> memref<1x1x1x128xi32, #tpu.memory_space<vmem>>
      %dma_wait3A_774 = tpu.memref_squeeze %dma_wait3A_773 : memref<1x1x1x128xi32, #tpu.memory_space<vmem>> -> memref<128xi32, #tpu.memory_space<vmem>>
      %dma_wait3A_775 = arith.constant 0 : i32
      %dma_wait3A_776 = arith.constant 0 : i32
      %dma_wait3A_777 = tpu.memref_slice %arg7[%dma_wait3A_775, %dma_wait3A_776] : memref<10240x64xf32, #tpu.memory_space<vmem_shared>> -> memref<10240x64xf32, #tpu.memory_space<vmem_shared>>
      tpu.wait_indirect_dma semaphore(%arg17 : memref<!tpu.dma_semaphore, #tpu.memory_space<semaphore_mem>>) src(%dma_wait3A_771 : memref<128x64xf32, #tpu.memory_space<vmem>>) dst(%dma_wait3A_777 : memref<10240x64xf32, #tpu.memory_space<vmem_shared>>)
      %dma_start3A_778 = arith.constant 0 : i32
      %dma_start3A_779 = arith.constant 6 : i32
      %dma_start3A_780 = arith.constant 0 : i32
      %dma_start3A_781 = arith.constant 2 : i32
      %dma_start3A_782 = arith.constant 0 : i32
      %dma_start3A_783 = arith.constant 0 : i32
      %dma_start3A_784 = tpu.memref_slice %arg8[%dma_start3A_781, %dma_start3A_782, %dma_start3A_783] : memref<4x128x64xf32, #tpu.memory_space<vmem>> -> memref<1x128x64xf32, #tpu.memory_space<vmem>>
      %dma_start3A_785 = tpu.memref_squeeze %dma_start3A_784 : memref<1x128x64xf32, #tpu.memory_space<vmem>> -> memref<128x64xf32, #tpu.memory_space<vmem>>
      %dma_start3A_786 = arith.constant 0 : i32
      %dma_start3A_787 = tpu.memref_slice %arg9[%dma_start3A_778, %dma_start3A_779, %dma_start3A_780, %dma_start3A_786] : memref<2x16x2x128xi32, #tpu.memory_space<vmem>> -> memref<1x1x1x128xi32, #tpu.memory_space<vmem>>
      %dma_start3A_788 = tpu.memref_squeeze %dma_start3A_787 : memref<1x1x1x128xi32, #tpu.memory_space<vmem>> -> memref<128xi32, #tpu.memory_space<vmem>>
      %dma_start3A_789 = arith.constant 0 : i32
      %dma_start3A_790 = arith.constant 0 : i32
      %dma_start3A_791 = tpu.memref_slice %arg6[%dma_start3A_789, %dma_start3A_790] : memref<10240x64xf32, #tpu.memory_space<vmem_shared>> -> memref<10240x64xf32, #tpu.memory_space<vmem_shared>>
      tpu.enqueue_indirect_dma source(%dma_start3A_791 : memref<10240x64xf32, #tpu.memory_space<vmem_shared>>) target(%dma_start3A_785 : memref<128x64xf32, #tpu.memory_space<vmem>>) offsets(%dma_start3A_788 : memref<128xi32, #tpu.memory_space<vmem>>) semaphore(%arg13 : memref<!tpu.dma_semaphore, #tpu.memory_space<semaphore_mem>>)
      %dma_wait3A_792 = arith.constant 0 : i32
      %dma_wait3A_793 = arith.constant 5 : i32
      %dma_wait3A_794 = arith.constant 0 : i32
      %dma_wait3A_795 = arith.constant 1 : i32
      %dma_wait3A_796 = arith.constant 0 : i32
      %dma_wait3A_797 = arith.constant 0 : i32
      %dma_wait3A_798 = tpu.memref_slice %arg8[%dma_wait3A_795, %dma_wait3A_796, %dma_wait3A_797] : memref<4x128x64xf32, #tpu.memory_space<vmem>> -> memref<1x128x64xf32, #tpu.memory_space<vmem>>
      %dma_wait3A_799 = tpu.memref_squeeze %dma_wait3A_798 : memref<1x128x64xf32, #tpu.memory_space<vmem>> -> memref<128x64xf32, #tpu.memory_space<vmem>>
      %dma_wait3A_800 = arith.constant 0 : i32
      %dma_wait3A_801 = tpu.memref_slice %arg9[%dma_wait3A_792, %dma_wait3A_793, %dma_wait3A_794, %dma_wait3A_800] : memref<2x16x2x128xi32, #tpu.memory_space<vmem>> -> memref<1x1x1x128xi32, #tpu.memory_space<vmem>>
      %dma_wait3A_802 = tpu.memref_squeeze %dma_wait3A_801 : memref<1x1x1x128xi32, #tpu.memory_space<vmem>> -> memref<128xi32, #tpu.memory_space<vmem>>
      %dma_wait3A_803 = arith.constant 0 : i32
      %dma_wait3A_804 = arith.constant 0 : i32
      %dma_wait3A_805 = tpu.memref_slice %arg6[%dma_wait3A_803, %dma_wait3A_804] : memref<10240x64xf32, #tpu.memory_space<vmem_shared>> -> memref<10240x64xf32, #tpu.memory_space<vmem_shared>>
      tpu.wait_indirect_dma semaphore(%arg12 : memref<!tpu.dma_semaphore, #tpu.memory_space<semaphore_mem>>) src(%dma_wait3A_805 : memref<10240x64xf32, #tpu.memory_space<vmem_shared>>) dst(%dma_wait3A_799 : memref<128x64xf32, #tpu.memory_space<vmem>>)
      %dma_start3A_806 = arith.constant 1 : i32
      %dma_start3A_807 = arith.constant 0 : i32
      %dma_start3A_808 = arith.constant 5 : i32
      %dma_start3A_809 = arith.constant 1 : i32
      %dma_start3A_810 = arith.constant 0 : i32
      %dma_start3A_811 = arith.constant 0 : i32
      %dma_start3A_812 = tpu.memref_slice %arg8[%dma_start3A_806, %dma_start3A_810, %dma_start3A_811] : memref<4x128x64xf32, #tpu.memory_space<vmem>> -> memref<1x128x64xf32, #tpu.memory_space<vmem>>
      %dma_start3A_813 = tpu.memref_squeeze %dma_start3A_812 : memref<1x128x64xf32, #tpu.memory_space<vmem>> -> memref<128x64xf32, #tpu.memory_space<vmem>>
      %dma_start3A_814 = arith.constant 0 : i32
      %dma_start3A_815 = tpu.memref_slice %arg9[%dma_start3A_807, %dma_start3A_808, %dma_start3A_809, %dma_start3A_814] : memref<2x16x2x128xi32, #tpu.memory_space<vmem>> -> memref<1x1x1x128xi32, #tpu.memory_space<vmem>>
      %dma_start3A_816 = tpu.memref_squeeze %dma_start3A_815 : memref<1x1x1x128xi32, #tpu.memory_space<vmem>> -> memref<128xi32, #tpu.memory_space<vmem>>
      %dma_start3A_817 = arith.constant 0 : i32
      %dma_start3A_818 = arith.constant 0 : i32
      %dma_start3A_819 = tpu.memref_slice %arg7[%dma_start3A_817, %dma_start3A_818] : memref<10240x64xf32, #tpu.memory_space<vmem_shared>> -> memref<10240x64xf32, #tpu.memory_space<vmem_shared>>
      tpu.enqueue_indirect_dma source(%dma_start3A_813 : memref<128x64xf32, #tpu.memory_space<vmem>>) target(%dma_start3A_819 : memref<10240x64xf32, #tpu.memory_space<vmem_shared>>) offsets(%dma_start3A_816 : memref<128xi32, #tpu.memory_space<vmem>>) semaphore(%arg16 : memref<!tpu.dma_semaphore, #tpu.memory_space<semaphore_mem>>) {add = true}
      %dma_wait3A_820 = arith.constant 3 : i32
      %dma_wait3A_821 = arith.constant 0 : i32
      %dma_wait3A_822 = arith.constant 0 : i32
      %dma_wait3A_823 = arith.constant 1 : i32
      %dma_wait3A_824 = arith.constant 0 : i32
      %dma_wait3A_825 = arith.constant 0 : i32
      %dma_wait3A_826 = tpu.memref_slice %arg8[%dma_wait3A_820, %dma_wait3A_824, %dma_wait3A_825] : memref<4x128x64xf32, #tpu.memory_space<vmem>> -> memref<1x128x64xf32, #tpu.memory_space<vmem>>
      %dma_wait3A_827 = tpu.memref_squeeze %dma_wait3A_826 : memref<1x128x64xf32, #tpu.memory_space<vmem>> -> memref<128x64xf32, #tpu.memory_space<vmem>>
      %dma_wait3A_828 = arith.constant 0 : i32
      %dma_wait3A_829 = tpu.memref_slice %arg9[%dma_wait3A_821, %dma_wait3A_822, %dma_wait3A_823, %dma_wait3A_828] : memref<2x16x2x128xi32, #tpu.memory_space<vmem>> -> memref<1x1x1x128xi32, #tpu.memory_space<vmem>>
      %dma_wait3A_830 = tpu.memref_squeeze %dma_wait3A_829 : memref<1x1x1x128xi32, #tpu.memory_space<vmem>> -> memref<128xi32, #tpu.memory_space<vmem>>
      %dma_wait3A_831 = arith.constant 0 : i32
      %dma_wait3A_832 = arith.constant 0 : i32
      %dma_wait3A_833 = tpu.memref_slice %arg7[%dma_wait3A_831, %dma_wait3A_832] : memref<10240x64xf32, #tpu.memory_space<vmem_shared>> -> memref<10240x64xf32, #tpu.memory_space<vmem_shared>>
      tpu.wait_indirect_dma semaphore(%arg18 : memref<!tpu.dma_semaphore, #tpu.memory_space<semaphore_mem>>) src(%dma_wait3A_827 : memref<128x64xf32, #tpu.memory_space<vmem>>) dst(%dma_wait3A_833 : memref<10240x64xf32, #tpu.memory_space<vmem_shared>>)
      %dma_start3A_834 = arith.constant 0 : i32
      %dma_start3A_835 = arith.constant 7 : i32
      %dma_start3A_836 = arith.constant 0 : i32
      %dma_start3A_837 = arith.constant 3 : i32
      %dma_start3A_838 = arith.constant 0 : i32
      %dma_start3A_839 = arith.constant 0 : i32
      %dma_start3A_840 = tpu.memref_slice %arg8[%dma_start3A_837, %dma_start3A_838, %dma_start3A_839] : memref<4x128x64xf32, #tpu.memory_space<vmem>> -> memref<1x128x64xf32, #tpu.memory_space<vmem>>
      %dma_start3A_841 = tpu.memref_squeeze %dma_start3A_840 : memref<1x128x64xf32, #tpu.memory_space<vmem>> -> memref<128x64xf32, #tpu.memory_space<vmem>>
      %dma_start3A_842 = arith.constant 0 : i32
      %dma_start3A_843 = tpu.memref_slice %arg9[%dma_start3A_834, %dma_start3A_835, %dma_start3A_836, %dma_start3A_842] : memref<2x16x2x128xi32, #tpu.memory_space<vmem>> -> memref<1x1x1x128xi32, #tpu.memory_space<vmem>>
      %dma_start3A_844 = tpu.memref_squeeze %dma_start3A_843 : memref<1x1x1x128xi32, #tpu.memory_space<vmem>> -> memref<128xi32, #tpu.memory_space<vmem>>
      %dma_start3A_845 = arith.constant 0 : i32
      %dma_start3A_846 = arith.constant 0 : i32
      %dma_start3A_847 = tpu.memref_slice %arg6[%dma_start3A_845, %dma_start3A_846] : memref<10240x64xf32, #tpu.memory_space<vmem_shared>> -> memref<10240x64xf32, #tpu.memory_space<vmem_shared>>
      tpu.enqueue_indirect_dma source(%dma_start3A_847 : memref<10240x64xf32, #tpu.memory_space<vmem_shared>>) target(%dma_start3A_841 : memref<128x64xf32, #tpu.memory_space<vmem>>) offsets(%dma_start3A_844 : memref<128xi32, #tpu.memory_space<vmem>>) semaphore(%arg14 : memref<!tpu.dma_semaphore, #tpu.memory_space<semaphore_mem>>)
      %dma_wait3A_848 = arith.constant 0 : i32
      %dma_wait3A_849 = arith.constant 6 : i32
      %dma_wait3A_850 = arith.constant 0 : i32
      %dma_wait3A_851 = arith.constant 2 : i32
      %dma_wait3A_852 = arith.constant 0 : i32
      %dma_wait3A_853 = arith.constant 0 : i32
      %dma_wait3A_854 = tpu.memref_slice %arg8[%dma_wait3A_851, %dma_wait3A_852, %dma_wait3A_853] : memref<4x128x64xf32, #tpu.memory_space<vmem>> -> memref<1x128x64xf32, #tpu.memory_space<vmem>>
      %dma_wait3A_855 = tpu.memref_squeeze %dma_wait3A_854 : memref<1x128x64xf32, #tpu.memory_space<vmem>> -> memref<128x64xf32, #tpu.memory_space<vmem>>
      %dma_wait3A_856 = arith.constant 0 : i32
      %dma_wait3A_857 = tpu.memref_slice %arg9[%dma_wait3A_848, %dma_wait3A_849, %dma_wait3A_850, %dma_wait3A_856] : memref<2x16x2x128xi32, #tpu.memory_space<vmem>> -> memref<1x1x1x128xi32, #tpu.memory_space<vmem>>
      %dma_wait3A_858 = tpu.memref_squeeze %dma_wait3A_857 : memref<1x1x1x128xi32, #tpu.memory_space<vmem>> -> memref<128xi32, #tpu.memory_space<vmem>>
      %dma_wait3A_859 = arith.constant 0 : i32
      %dma_wait3A_860 = arith.constant 0 : i32
      %dma_wait3A_861 = tpu.memref_slice %arg6[%dma_wait3A_859, %dma_wait3A_860] : memref<10240x64xf32, #tpu.memory_space<vmem_shared>> -> memref<10240x64xf32, #tpu.memory_space<vmem_shared>>
      tpu.wait_indirect_dma semaphore(%arg13 : memref<!tpu.dma_semaphore, #tpu.memory_space<semaphore_mem>>) src(%dma_wait3A_861 : memref<10240x64xf32, #tpu.memory_space<vmem_shared>>) dst(%dma_wait3A_855 : memref<128x64xf32, #tpu.memory_space<vmem>>)
      %dma_start3A_862 = arith.constant 2 : i32
      %dma_start3A_863 = arith.constant 0 : i32
      %dma_start3A_864 = arith.constant 6 : i32
      %dma_start3A_865 = arith.constant 1 : i32
      %dma_start3A_866 = arith.constant 0 : i32
      %dma_start3A_867 = arith.constant 0 : i32
      %dma_start3A_868 = tpu.memref_slice %arg8[%dma_start3A_862, %dma_start3A_866, %dma_start3A_867] : memref<4x128x64xf32, #tpu.memory_space<vmem>> -> memref<1x128x64xf32, #tpu.memory_space<vmem>>
      %dma_start3A_869 = tpu.memref_squeeze %dma_start3A_868 : memref<1x128x64xf32, #tpu.memory_space<vmem>> -> memref<128x64xf32, #tpu.memory_space<vmem>>
      %dma_start3A_870 = arith.constant 0 : i32
      %dma_start3A_871 = tpu.memref_slice %arg9[%dma_start3A_863, %dma_start3A_864, %dma_start3A_865, %dma_start3A_870] : memref<2x16x2x128xi32, #tpu.memory_space<vmem>> -> memref<1x1x1x128xi32, #tpu.memory_space<vmem>>
      %dma_start3A_872 = tpu.memref_squeeze %dma_start3A_871 : memref<1x1x1x128xi32, #tpu.memory_space<vmem>> -> memref<128xi32, #tpu.memory_space<vmem>>
      %dma_start3A_873 = arith.constant 0 : i32
      %dma_start3A_874 = arith.constant 0 : i32
      %dma_start3A_875 = tpu.memref_slice %arg7[%dma_start3A_873, %dma_start3A_874] : memref<10240x64xf32, #tpu.memory_space<vmem_shared>> -> memref<10240x64xf32, #tpu.memory_space<vmem_shared>>
      tpu.enqueue_indirect_dma source(%dma_start3A_869 : memref<128x64xf32, #tpu.memory_space<vmem>>) target(%dma_start3A_875 : memref<10240x64xf32, #tpu.memory_space<vmem_shared>>) offsets(%dma_start3A_872 : memref<128xi32, #tpu.memory_space<vmem>>) semaphore(%arg17 : memref<!tpu.dma_semaphore, #tpu.memory_space<semaphore_mem>>) {add = true}
      %dma_wait3A_876 = arith.constant 0 : i32
      %dma_wait3A_877 = arith.constant 0 : i32
      %dma_wait3A_878 = arith.constant 0 : i32
      %dma_wait3A_879 = arith.constant 1 : i32
      %dma_wait3A_880 = arith.constant 0 : i32
      %dma_wait3A_881 = arith.constant 0 : i32
      %dma_wait3A_882 = tpu.memref_slice %arg8[%dma_wait3A_876, %dma_wait3A_880, %dma_wait3A_881] : memref<4x128x64xf32, #tpu.memory_space<vmem>> -> memref<1x128x64xf32, #tpu.memory_space<vmem>>
      %dma_wait3A_883 = tpu.memref_squeeze %dma_wait3A_882 : memref<1x128x64xf32, #tpu.memory_space<vmem>> -> memref<128x64xf32, #tpu.memory_space<vmem>>
      %dma_wait3A_884 = arith.constant 0 : i32
      %dma_wait3A_885 = tpu.memref_slice %arg9[%dma_wait3A_877, %dma_wait3A_878, %dma_wait3A_879, %dma_wait3A_884] : memref<2x16x2x128xi32, #tpu.memory_space<vmem>> -> memref<1x1x1x128xi32, #tpu.memory_space<vmem>>
      %dma_wait3A_886 = tpu.memref_squeeze %dma_wait3A_885 : memref<1x1x1x128xi32, #tpu.memory_space<vmem>> -> memref<128xi32, #tpu.memory_space<vmem>>
      %dma_wait3A_887 = arith.constant 0 : i32
      %dma_wait3A_888 = arith.constant 0 : i32
      %dma_wait3A_889 = tpu.memref_slice %arg7[%dma_wait3A_887, %dma_wait3A_888] : memref<10240x64xf32, #tpu.memory_space<vmem_shared>> -> memref<10240x64xf32, #tpu.memory_space<vmem_shared>>
      tpu.wait_indirect_dma semaphore(%arg15 : memref<!tpu.dma_semaphore, #tpu.memory_space<semaphore_mem>>) src(%dma_wait3A_883 : memref<128x64xf32, #tpu.memory_space<vmem>>) dst(%dma_wait3A_889 : memref<10240x64xf32, #tpu.memory_space<vmem_shared>>)
      %dma_start3A_890 = arith.constant 0 : i32
      %dma_start3A_891 = arith.constant 8 : i32
      %dma_start3A_892 = arith.constant 0 : i32
      %dma_start3A_893 = arith.constant 0 : i32
      %dma_start3A_894 = arith.constant 0 : i32
      %dma_start3A_895 = arith.constant 0 : i32
      %dma_start3A_896 = tpu.memref_slice %arg8[%dma_start3A_893, %dma_start3A_894, %dma_start3A_895] : memref<4x128x64xf32, #tpu.memory_space<vmem>> -> memref<1x128x64xf32, #tpu.memory_space<vmem>>
      %dma_start3A_897 = tpu.memref_squeeze %dma_start3A_896 : memref<1x128x64xf32, #tpu.memory_space<vmem>> -> memref<128x64xf32, #tpu.memory_space<vmem>>
      %dma_start3A_898 = arith.constant 0 : i32
      %dma_start3A_899 = tpu.memref_slice %arg9[%dma_start3A_890, %dma_start3A_891, %dma_start3A_892, %dma_start3A_898] : memref<2x16x2x128xi32, #tpu.memory_space<vmem>> -> memref<1x1x1x128xi32, #tpu.memory_space<vmem>>
      %dma_start3A_900 = tpu.memref_squeeze %dma_start3A_899 : memref<1x1x1x128xi32, #tpu.memory_space<vmem>> -> memref<128xi32, #tpu.memory_space<vmem>>
      %dma_start3A_901 = arith.constant 0 : i32
      %dma_start3A_902 = arith.constant 0 : i32
      %dma_start3A_903 = tpu.memref_slice %arg6[%dma_start3A_901, %dma_start3A_902] : memref<10240x64xf32, #tpu.memory_space<vmem_shared>> -> memref<10240x64xf32, #tpu.memory_space<vmem_shared>>
      tpu.enqueue_indirect_dma source(%dma_start3A_903 : memref<10240x64xf32, #tpu.memory_space<vmem_shared>>) target(%dma_start3A_897 : memref<128x64xf32, #tpu.memory_space<vmem>>) offsets(%dma_start3A_900 : memref<128xi32, #tpu.memory_space<vmem>>) semaphore(%arg11 : memref<!tpu.dma_semaphore, #tpu.memory_space<semaphore_mem>>)
      %dma_wait3A_904 = arith.constant 0 : i32
      %dma_wait3A_905 = arith.constant 7 : i32
      %dma_wait3A_906 = arith.constant 0 : i32
      %dma_wait3A_907 = arith.constant 3 : i32
      %dma_wait3A_908 = arith.constant 0 : i32
      %dma_wait3A_909 = arith.constant 0 : i32
      %dma_wait3A_910 = tpu.memref_slice %arg8[%dma_wait3A_907, %dma_wait3A_908, %dma_wait3A_909] : memref<4x128x64xf32, #tpu.memory_space<vmem>> -> memref<1x128x64xf32, #tpu.memory_space<vmem>>
      %dma_wait3A_911 = tpu.memref_squeeze %dma_wait3A_910 : memref<1x128x64xf32, #tpu.memory_space<vmem>> -> memref<128x64xf32, #tpu.memory_space<vmem>>
      %dma_wait3A_912 = arith.constant 0 : i32
      %dma_wait3A_913 = tpu.memref_slice %arg9[%dma_wait3A_904, %dma_wait3A_905, %dma_wait3A_906, %dma_wait3A_912] : memref<2x16x2x128xi32, #tpu.memory_space<vmem>> -> memref<1x1x1x128xi32, #tpu.memory_space<vmem>>
      %dma_wait3A_914 = tpu.memref_squeeze %dma_wait3A_913 : memref<1x1x1x128xi32, #tpu.memory_space<vmem>> -> memref<128xi32, #tpu.memory_space<vmem>>
      %dma_wait3A_915 = arith.constant 0 : i32
      %dma_wait3A_916 = arith.constant 0 : i32
      %dma_wait3A_917 = tpu.memref_slice %arg6[%dma_wait3A_915, %dma_wait3A_916] : memref<10240x64xf32, #tpu.memory_space<vmem_shared>> -> memref<10240x64xf32, #tpu.memory_space<vmem_shared>>
      tpu.wait_indirect_dma semaphore(%arg14 : memref<!tpu.dma_semaphore, #tpu.memory_space<semaphore_mem>>) src(%dma_wait3A_917 : memref<10240x64xf32, #tpu.memory_space<vmem_shared>>) dst(%dma_wait3A_911 : memref<128x64xf32, #tpu.memory_space<vmem>>)
      %dma_start3A_918 = arith.constant 3 : i32
      %dma_start3A_919 = arith.constant 0 : i32
      %dma_start3A_920 = arith.constant 7 : i32
      %dma_start3A_921 = arith.constant 1 : i32
      %dma_start3A_922 = arith.constant 0 : i32
      %dma_start3A_923 = arith.constant 0 : i32
      %dma_start3A_924 = tpu.memref_slice %arg8[%dma_start3A_918, %dma_start3A_922, %dma_start3A_923] : memref<4x128x64xf32, #tpu.memory_space<vmem>> -> memref<1x128x64xf32, #tpu.memory_space<vmem>>
      %dma_start3A_925 = tpu.memref_squeeze %dma_start3A_924 : memref<1x128x64xf32, #tpu.memory_space<vmem>> -> memref<128x64xf32, #tpu.memory_space<vmem>>
      %dma_start3A_926 = arith.constant 0 : i32
      %dma_start3A_927 = tpu.memref_slice %arg9[%dma_start3A_919, %dma_start3A_920, %dma_start3A_921, %dma_start3A_926] : memref<2x16x2x128xi32, #tpu.memory_space<vmem>> -> memref<1x1x1x128xi32, #tpu.memory_space<vmem>>
      %dma_start3A_928 = tpu.memref_squeeze %dma_start3A_927 : memref<1x1x1x128xi32, #tpu.memory_space<vmem>> -> memref<128xi32, #tpu.memory_space<vmem>>
      %dma_start3A_929 = arith.constant 0 : i32
      %dma_start3A_930 = arith.constant 0 : i32
      %dma_start3A_931 = tpu.memref_slice %arg7[%dma_start3A_929, %dma_start3A_930] : memref<10240x64xf32, #tpu.memory_space<vmem_shared>> -> memref<10240x64xf32, #tpu.memory_space<vmem_shared>>
      tpu.enqueue_indirect_dma source(%dma_start3A_925 : memref<128x64xf32, #tpu.memory_space<vmem>>) target(%dma_start3A_931 : memref<10240x64xf32, #tpu.memory_space<vmem_shared>>) offsets(%dma_start3A_928 : memref<128xi32, #tpu.memory_space<vmem>>) semaphore(%arg18 : memref<!tpu.dma_semaphore, #tpu.memory_space<semaphore_mem>>) {add = true}
      %dma_wait3A_932 = arith.constant 1 : i32
      %dma_wait3A_933 = arith.constant 0 : i32
      %dma_wait3A_934 = arith.constant 0 : i32
      %dma_wait3A_935 = arith.constant 1 : i32
      %dma_wait3A_936 = arith.constant 0 : i32
      %dma_wait3A_937 = arith.constant 0 : i32
      %dma_wait3A_938 = tpu.memref_slice %arg8[%dma_wait3A_932, %dma_wait3A_936, %dma_wait3A_937] : memref<4x128x64xf32, #tpu.memory_space<vmem>> -> memref<1x128x64xf32, #tpu.memory_space<vmem>>
      %dma_wait3A_939 = tpu.memref_squeeze %dma_wait3A_938 : memref<1x128x64xf32, #tpu.memory_space<vmem>> -> memref<128x64xf32, #tpu.memory_space<vmem>>
      %dma_wait3A_940 = arith.constant 0 : i32
      %dma_wait3A_941 = tpu.memref_slice %arg9[%dma_wait3A_933, %dma_wait3A_934, %dma_wait3A_935, %dma_wait3A_940] : memref<2x16x2x128xi32, #tpu.memory_space<vmem>> -> memref<1x1x1x128xi32, #tpu.memory_space<vmem>>
      %dma_wait3A_942 = tpu.memref_squeeze %dma_wait3A_941 : memref<1x1x1x128xi32, #tpu.memory_space<vmem>> -> memref<128xi32, #tpu.memory_space<vmem>>
      %dma_wait3A_943 = arith.constant 0 : i32
      %dma_wait3A_944 = arith.constant 0 : i32
      %dma_wait3A_945 = tpu.memref_slice %arg7[%dma_wait3A_943, %dma_wait3A_944] : memref<10240x64xf32, #tpu.memory_space<vmem_shared>> -> memref<10240x64xf32, #tpu.memory_space<vmem_shared>>
      tpu.wait_indirect_dma semaphore(%arg16 : memref<!tpu.dma_semaphore, #tpu.memory_space<semaphore_mem>>) src(%dma_wait3A_939 : memref<128x64xf32, #tpu.memory_space<vmem>>) dst(%dma_wait3A_945 : memref<10240x64xf32, #tpu.memory_space<vmem_shared>>)
      %dma_start3A_946 = arith.constant 0 : i32
      %dma_start3A_947 = arith.constant 9 : i32
      %dma_start3A_948 = arith.constant 0 : i32
      %dma_start3A_949 = arith.constant 1 : i32
      %dma_start3A_950 = arith.constant 0 : i32
      %dma_start3A_951 = arith.constant 0 : i32
      %dma_start3A_952 = tpu.memref_slice %arg8[%dma_start3A_949, %dma_start3A_950, %dma_start3A_951] : memref<4x128x64xf32, #tpu.memory_space<vmem>> -> memref<1x128x64xf32, #tpu.memory_space<vmem>>
      %dma_start3A_953 = tpu.memref_squeeze %dma_start3A_952 : memref<1x128x64xf32, #tpu.memory_space<vmem>> -> memref<128x64xf32, #tpu.memory_space<vmem>>
      %dma_start3A_954 = arith.constant 0 : i32
      %dma_start3A_955 = tpu.memref_slice %arg9[%dma_start3A_946, %dma_start3A_947, %dma_start3A_948, %dma_start3A_954] : memref<2x16x2x128xi32, #tpu.memory_space<vmem>> -> memref<1x1x1x128xi32, #tpu.memory_space<vmem>>
      %dma_start3A_956 = tpu.memref_squeeze %dma_start3A_955 : memref<1x1x1x128xi32, #tpu.memory_space<vmem>> -> memref<128xi32, #tpu.memory_space<vmem>>
      %dma_start3A_957 = arith.constant 0 : i32
      %dma_start3A_958 = arith.constant 0 : i32
      %dma_start3A_959 = tpu.memref_slice %arg6[%dma_start3A_957, %dma_start3A_958] : memref<10240x64xf32, #tpu.memory_space<vmem_shared>> -> memref<10240x64xf32, #tpu.memory_space<vmem_shared>>
      tpu.enqueue_indirect_dma source(%dma_start3A_959 : memref<10240x64xf32, #tpu.memory_space<vmem_shared>>) target(%dma_start3A_953 : memref<128x64xf32, #tpu.memory_space<vmem>>) offsets(%dma_start3A_956 : memref<128xi32, #tpu.memory_space<vmem>>) semaphore(%arg12 : memref<!tpu.dma_semaphore, #tpu.memory_space<semaphore_mem>>)
      %dma_wait3A_960 = arith.constant 0 : i32
      %dma_wait3A_961 = arith.constant 8 : i32
      %dma_wait3A_962 = arith.constant 0 : i32
      %dma_wait3A_963 = arith.constant 0 : i32
      %dma_wait3A_964 = arith.constant 0 : i32
      %dma_wait3A_965 = arith.constant 0 : i32
      %dma_wait3A_966 = tpu.memref_slice %arg8[%dma_wait3A_963, %dma_wait3A_964, %dma_wait3A_965] : memref<4x128x64xf32, #tpu.memory_space<vmem>> -> memref<1x128x64xf32, #tpu.memory_space<vmem>>
      %dma_wait3A_967 = tpu.memref_squeeze %dma_wait3A_966 : memref<1x128x64xf32, #tpu.memory_space<vmem>> -> memref<128x64xf32, #tpu.memory_space<vmem>>
      %dma_wait3A_968 = arith.constant 0 : i32
      %dma_wait3A_969 = tpu.memref_slice %arg9[%dma_wait3A_960, %dma_wait3A_961, %dma_wait3A_962, %dma_wait3A_968] : memref<2x16x2x128xi32, #tpu.memory_space<vmem>> -> memref<1x1x1x128xi32, #tpu.memory_space<vmem>>
      %dma_wait3A_970 = tpu.memref_squeeze %dma_wait3A_969 : memref<1x1x1x128xi32, #tpu.memory_space<vmem>> -> memref<128xi32, #tpu.memory_space<vmem>>
      %dma_wait3A_971 = arith.constant 0 : i32
      %dma_wait3A_972 = arith.constant 0 : i32
      %dma_wait3A_973 = tpu.memref_slice %arg6[%dma_wait3A_971, %dma_wait3A_972] : memref<10240x64xf32, #tpu.memory_space<vmem_shared>> -> memref<10240x64xf32, #tpu.memory_space<vmem_shared>>
      tpu.wait_indirect_dma semaphore(%arg11 : memref<!tpu.dma_semaphore, #tpu.memory_space<semaphore_mem>>) src(%dma_wait3A_973 : memref<10240x64xf32, #tpu.memory_space<vmem_shared>>) dst(%dma_wait3A_967 : memref<128x64xf32, #tpu.memory_space<vmem>>)
      %dma_start3A_974 = arith.constant 0 : i32
      %dma_start3A_975 = arith.constant 0 : i32
      %dma_start3A_976 = arith.constant 8 : i32
      %dma_start3A_977 = arith.constant 1 : i32
      %dma_start3A_978 = arith.constant 0 : i32
      %dma_start3A_979 = arith.constant 0 : i32
      %dma_start3A_980 = tpu.memref_slice %arg8[%dma_start3A_974, %dma_start3A_978, %dma_start3A_979] : memref<4x128x64xf32, #tpu.memory_space<vmem>> -> memref<1x128x64xf32, #tpu.memory_space<vmem>>
      %dma_start3A_981 = tpu.memref_squeeze %dma_start3A_980 : memref<1x128x64xf32, #tpu.memory_space<vmem>> -> memref<128x64xf32, #tpu.memory_space<vmem>>
      %dma_start3A_982 = arith.constant 0 : i32
      %dma_start3A_983 = tpu.memref_slice %arg9[%dma_start3A_975, %dma_start3A_976, %dma_start3A_977, %dma_start3A_982] : memref<2x16x2x128xi32, #tpu.memory_space<vmem>> -> memref<1x1x1x128xi32, #tpu.memory_space<vmem>>
      %dma_start3A_984 = tpu.memref_squeeze %dma_start3A_983 : memref<1x1x1x128xi32, #tpu.memory_space<vmem>> -> memref<128xi32, #tpu.memory_space<vmem>>
      %dma_start3A_985 = arith.constant 0 : i32
      %dma_start3A_986 = arith.constant 0 : i32
      %dma_start3A_987 = tpu.memref_slice %arg7[%dma_start3A_985, %dma_start3A_986] : memref<10240x64xf32, #tpu.memory_space<vmem_shared>> -> memref<10240x64xf32, #tpu.memory_space<vmem_shared>>
      tpu.enqueue_indirect_dma source(%dma_start3A_981 : memref<128x64xf32, #tpu.memory_space<vmem>>) target(%dma_start3A_987 : memref<10240x64xf32, #tpu.memory_space<vmem_shared>>) offsets(%dma_start3A_984 : memref<128xi32, #tpu.memory_space<vmem>>) semaphore(%arg15 : memref<!tpu.dma_semaphore, #tpu.memory_space<semaphore_mem>>) {add = true}
      %dma_wait3A_988 = arith.constant 2 : i32
      %dma_wait3A_989 = arith.constant 0 : i32
      %dma_wait3A_990 = arith.constant 0 : i32
      %dma_wait3A_991 = arith.constant 1 : i32
      %dma_wait3A_992 = arith.constant 0 : i32
      %dma_wait3A_993 = arith.constant 0 : i32
      %dma_wait3A_994 = tpu.memref_slice %arg8[%dma_wait3A_988, %dma_wait3A_992, %dma_wait3A_993] : memref<4x128x64xf32, #tpu.memory_space<vmem>> -> memref<1x128x64xf32, #tpu.memory_space<vmem>>
      %dma_wait3A_995 = tpu.memref_squeeze %dma_wait3A_994 : memref<1x128x64xf32, #tpu.memory_space<vmem>> -> memref<128x64xf32, #tpu.memory_space<vmem>>
      %dma_wait3A_996 = arith.constant 0 : i32
      %dma_wait3A_997 = tpu.memref_slice %arg9[%dma_wait3A_989, %dma_wait3A_990, %dma_wait3A_991, %dma_wait3A_996] : memref<2x16x2x128xi32, #tpu.memory_space<vmem>> -> memref<1x1x1x128xi32, #tpu.memory_space<vmem>>
      %dma_wait3A_998 = tpu.memref_squeeze %dma_wait3A_997 : memref<1x1x1x128xi32, #tpu.memory_space<vmem>> -> memref<128xi32, #tpu.memory_space<vmem>>
      %dma_wait3A_999 = arith.constant 0 : i32
      %dma_wait3A_1000 = arith.constant 0 : i32
      %dma_wait3A_1001 = tpu.memref_slice %arg7[%dma_wait3A_999, %dma_wait3A_1000] : memref<10240x64xf32, #tpu.memory_space<vmem_shared>> -> memref<10240x64xf32, #tpu.memory_space<vmem_shared>>
      tpu.wait_indirect_dma semaphore(%arg17 : memref<!tpu.dma_semaphore, #tpu.memory_space<semaphore_mem>>) src(%dma_wait3A_995 : memref<128x64xf32, #tpu.memory_space<vmem>>) dst(%dma_wait3A_1001 : memref<10240x64xf32, #tpu.memory_space<vmem_shared>>)
      %dma_start3A_1002 = arith.constant 0 : i32
      %dma_start3A_1003 = arith.constant 10 : i32
      %dma_start3A_1004 = arith.constant 0 : i32
      %dma_start3A_1005 = arith.constant 2 : i32
      %dma_start3A_1006 = arith.constant 0 : i32
      %dma_start3A_1007 = arith.constant 0 : i32
      %dma_start3A_1008 = tpu.memref_slice %arg8[%dma_start3A_1005, %dma_start3A_1006, %dma_start3A_1007] : memref<4x128x64xf32, #tpu.memory_space<vmem>> -> memref<1x128x64xf32, #tpu.memory_space<vmem>>
      %dma_start3A_1009 = tpu.memref_squeeze %dma_start3A_1008 : memref<1x128x64xf32, #tpu.memory_space<vmem>> -> memref<128x64xf32, #tpu.memory_space<vmem>>
      %dma_start3A_1010 = arith.constant 0 : i32
      %dma_start3A_1011 = tpu.memref_slice %arg9[%dma_start3A_1002, %dma_start3A_1003, %dma_start3A_1004, %dma_start3A_1010] : memref<2x16x2x128xi32, #tpu.memory_space<vmem>> -> memref<1x1x1x128xi32, #tpu.memory_space<vmem>>
      %dma_start3A_1012 = tpu.memref_squeeze %dma_start3A_1011 : memref<1x1x1x128xi32, #tpu.memory_space<vmem>> -> memref<128xi32, #tpu.memory_space<vmem>>
      %dma_start3A_1013 = arith.constant 0 : i32
      %dma_start3A_1014 = arith.constant 0 : i32
      %dma_start3A_1015 = tpu.memref_slice %arg6[%dma_start3A_1013, %dma_start3A_1014] : memref<10240x64xf32, #tpu.memory_space<vmem_shared>> -> memref<10240x64xf32, #tpu.memory_space<vmem_shared>>
      tpu.enqueue_indirect_dma source(%dma_start3A_1015 : memref<10240x64xf32, #tpu.memory_space<vmem_shared>>) target(%dma_start3A_1009 : memref<128x64xf32, #tpu.memory_space<vmem>>) offsets(%dma_start3A_1012 : memref<128xi32, #tpu.memory_space<vmem>>) semaphore(%arg13 : memref<!tpu.dma_semaphore, #tpu.memory_space<semaphore_mem>>)
      %dma_wait3A_1016 = arith.constant 0 : i32
      %dma_wait3A_1017 = arith.constant 9 : i32
      %dma_wait3A_1018 = arith.constant 0 : i32
      %dma_wait3A_1019 = arith.constant 1 : i32
      %dma_wait3A_1020 = arith.constant 0 : i32
      %dma_wait3A_1021 = arith.constant 0 : i32
      %dma_wait3A_1022 = tpu.memref_slice %arg8[%dma_wait3A_1019, %dma_wait3A_1020, %dma_wait3A_1021] : memref<4x128x64xf32, #tpu.memory_space<vmem>> -> memref<1x128x64xf32, #tpu.memory_space<vmem>>
      %dma_wait3A_1023 = tpu.memref_squeeze %dma_wait3A_1022 : memref<1x128x64xf32, #tpu.memory_space<vmem>> -> memref<128x64xf32, #tpu.memory_space<vmem>>
      %dma_wait3A_1024 = arith.constant 0 : i32
      %dma_wait3A_1025 = tpu.memref_slice %arg9[%dma_wait3A_1016, %dma_wait3A_1017, %dma_wait3A_1018, %dma_wait3A_1024] : memref<2x16x2x128xi32, #tpu.memory_space<vmem>> -> memref<1x1x1x128xi32, #tpu.memory_space<vmem>>
      %dma_wait3A_1026 = tpu.memref_squeeze %dma_wait3A_1025 : memref<1x1x1x128xi32, #tpu.memory_space<vmem>> -> memref<128xi32, #tpu.memory_space<vmem>>
      %dma_wait3A_1027 = arith.constant 0 : i32
      %dma_wait3A_1028 = arith.constant 0 : i32
      %dma_wait3A_1029 = tpu.memref_slice %arg6[%dma_wait3A_1027, %dma_wait3A_1028] : memref<10240x64xf32, #tpu.memory_space<vmem_shared>> -> memref<10240x64xf32, #tpu.memory_space<vmem_shared>>
      tpu.wait_indirect_dma semaphore(%arg12 : memref<!tpu.dma_semaphore, #tpu.memory_space<semaphore_mem>>) src(%dma_wait3A_1029 : memref<10240x64xf32, #tpu.memory_space<vmem_shared>>) dst(%dma_wait3A_1023 : memref<128x64xf32, #tpu.memory_space<vmem>>)
      %dma_start3A_1030 = arith.constant 1 : i32
      %dma_start3A_1031 = arith.constant 0 : i32
      %dma_start3A_1032 = arith.constant 9 : i32
      %dma_start3A_1033 = arith.constant 1 : i32
      %dma_start3A_1034 = arith.constant 0 : i32
      %dma_start3A_1035 = arith.constant 0 : i32
      %dma_start3A_1036 = tpu.memref_slice %arg8[%dma_start3A_1030, %dma_start3A_1034, %dma_start3A_1035] : memref<4x128x64xf32, #tpu.memory_space<vmem>> -> memref<1x128x64xf32, #tpu.memory_space<vmem>>
      %dma_start3A_1037 = tpu.memref_squeeze %dma_start3A_1036 : memref<1x128x64xf32, #tpu.memory_space<vmem>> -> memref<128x64xf32, #tpu.memory_space<vmem>>
      %dma_start3A_1038 = arith.constant 0 : i32
      %dma_start3A_1039 = tpu.memref_slice %arg9[%dma_start3A_1031, %dma_start3A_1032, %dma_start3A_1033, %dma_start3A_1038] : memref<2x16x2x128xi32, #tpu.memory_space<vmem>> -> memref<1x1x1x128xi32, #tpu.memory_space<vmem>>
      %dma_start3A_1040 = tpu.memref_squeeze %dma_start3A_1039 : memref<1x1x1x128xi32, #tpu.memory_space<vmem>> -> memref<128xi32, #tpu.memory_space<vmem>>
      %dma_start3A_1041 = arith.constant 0 : i32
      %dma_start3A_1042 = arith.constant 0 : i32
      %dma_start3A_1043 = tpu.memref_slice %arg7[%dma_start3A_1041, %dma_start3A_1042] : memref<10240x64xf32, #tpu.memory_space<vmem_shared>> -> memref<10240x64xf32, #tpu.memory_space<vmem_shared>>
      tpu.enqueue_indirect_dma source(%dma_start3A_1037 : memref<128x64xf32, #tpu.memory_space<vmem>>) target(%dma_start3A_1043 : memref<10240x64xf32, #tpu.memory_space<vmem_shared>>) offsets(%dma_start3A_1040 : memref<128xi32, #tpu.memory_space<vmem>>) semaphore(%arg16 : memref<!tpu.dma_semaphore, #tpu.memory_space<semaphore_mem>>) {add = true}
      %dma_wait3A_1044 = arith.constant 3 : i32
      %dma_wait3A_1045 = arith.constant 0 : i32
      %dma_wait3A_1046 = arith.constant 0 : i32
      %dma_wait3A_1047 = arith.constant 1 : i32
      %dma_wait3A_1048 = arith.constant 0 : i32
      %dma_wait3A_1049 = arith.constant 0 : i32
      %dma_wait3A_1050 = tpu.memref_slice %arg8[%dma_wait3A_1044, %dma_wait3A_1048, %dma_wait3A_1049] : memref<4x128x64xf32, #tpu.memory_space<vmem>> -> memref<1x128x64xf32, #tpu.memory_space<vmem>>
      %dma_wait3A_1051 = tpu.memref_squeeze %dma_wait3A_1050 : memref<1x128x64xf32, #tpu.memory_space<vmem>> -> memref<128x64xf32, #tpu.memory_space<vmem>>
      %dma_wait3A_1052 = arith.constant 0 : i32
      %dma_wait3A_1053 = tpu.memref_slice %arg9[%dma_wait3A_1045, %dma_wait3A_1046, %dma_wait3A_1047, %dma_wait3A_1052] : memref<2x16x2x128xi32, #tpu.memory_space<vmem>> -> memref<1x1x1x128xi32, #tpu.memory_space<vmem>>
      %dma_wait3A_1054 = tpu.memref_squeeze %dma_wait3A_1053 : memref<1x1x1x128xi32, #tpu.memory_space<vmem>> -> memref<128xi32, #tpu.memory_space<vmem>>
      %dma_wait3A_1055 = arith.constant 0 : i32
      %dma_wait3A_1056 = arith.constant 0 : i32
      %dma_wait3A_1057 = tpu.memref_slice %arg7[%dma_wait3A_1055, %dma_wait3A_1056] : memref<10240x64xf32, #tpu.memory_space<vmem_shared>> -> memref<10240x64xf32, #tpu.memory_space<vmem_shared>>
      tpu.wait_indirect_dma semaphore(%arg18 : memref<!tpu.dma_semaphore, #tpu.memory_space<semaphore_mem>>) src(%dma_wait3A_1051 : memref<128x64xf32, #tpu.memory_space<vmem>>) dst(%dma_wait3A_1057 : memref<10240x64xf32, #tpu.memory_space<vmem_shared>>)
      %dma_start3A_1058 = arith.constant 0 : i32
      %dma_start3A_1059 = arith.constant 11 : i32
      %dma_start3A_1060 = arith.constant 0 : i32
      %dma_start3A_1061 = arith.constant 3 : i32
      %dma_start3A_1062 = arith.constant 0 : i32
      %dma_start3A_1063 = arith.constant 0 : i32
      %dma_start3A_1064 = tpu.memref_slice %arg8[%dma_start3A_1061, %dma_start3A_1062, %dma_start3A_1063] : memref<4x128x64xf32, #tpu.memory_space<vmem>> -> memref<1x128x64xf32, #tpu.memory_space<vmem>>
      %dma_start3A_1065 = tpu.memref_squeeze %dma_start3A_1064 : memref<1x128x64xf32, #tpu.memory_space<vmem>> -> memref<128x64xf32, #tpu.memory_space<vmem>>
      %dma_start3A_1066 = arith.constant 0 : i32
      %dma_start3A_1067 = tpu.memref_slice %arg9[%dma_start3A_1058, %dma_start3A_1059, %dma_start3A_1060, %dma_start3A_1066] : memref<2x16x2x128xi32, #tpu.memory_space<vmem>> -> memref<1x1x1x128xi32, #tpu.memory_space<vmem>>
      %dma_start3A_1068 = tpu.memref_squeeze %dma_start3A_1067 : memref<1x1x1x128xi32, #tpu.memory_space<vmem>> -> memref<128xi32, #tpu.memory_space<vmem>>
      %dma_start3A_1069 = arith.constant 0 : i32
      %dma_start3A_1070 = arith.constant 0 : i32
      %dma_start3A_1071 = tpu.memref_slice %arg6[%dma_start3A_1069, %dma_start3A_1070] : memref<10240x64xf32, #tpu.memory_space<vmem_shared>> -> memref<10240x64xf32, #tpu.memory_space<vmem_shared>>
      tpu.enqueue_indirect_dma source(%dma_start3A_1071 : memref<10240x64xf32, #tpu.memory_space<vmem_shared>>) target(%dma_start3A_1065 : memref<128x64xf32, #tpu.memory_space<vmem>>) offsets(%dma_start3A_1068 : memref<128xi32, #tpu.memory_space<vmem>>) semaphore(%arg14 : memref<!tpu.dma_semaphore, #tpu.memory_space<semaphore_mem>>)
      %dma_wait3A_1072 = arith.constant 0 : i32
      %dma_wait3A_1073 = arith.constant 10 : i32
      %dma_wait3A_1074 = arith.constant 0 : i32
      %dma_wait3A_1075 = arith.constant 2 : i32
      %dma_wait3A_1076 = arith.constant 0 : i32
      %dma_wait3A_1077 = arith.constant 0 : i32
      %dma_wait3A_1078 = tpu.memref_slice %arg8[%dma_wait3A_1075, %dma_wait3A_1076, %dma_wait3A_1077] : memref<4x128x64xf32, #tpu.memory_space<vmem>> -> memref<1x128x64xf32, #tpu.memory_space<vmem>>
      %dma_wait3A_1079 = tpu.memref_squeeze %dma_wait3A_1078 : memref<1x128x64xf32, #tpu.memory_space<vmem>> -> memref<128x64xf32, #tpu.memory_space<vmem>>
      %dma_wait3A_1080 = arith.constant 0 : i32
      %dma_wait3A_1081 = tpu.memref_slice %arg9[%dma_wait3A_1072, %dma_wait3A_1073, %dma_wait3A_1074, %dma_wait3A_1080] : memref<2x16x2x128xi32, #tpu.memory_space<vmem>> -> memref<1x1x1x128xi32, #tpu.memory_space<vmem>>
      %dma_wait3A_1082 = tpu.memref_squeeze %dma_wait3A_1081 : memref<1x1x1x128xi32, #tpu.memory_space<vmem>> -> memref<128xi32, #tpu.memory_space<vmem>>
      %dma_wait3A_1083 = arith.constant 0 : i32
      %dma_wait3A_1084 = arith.constant 0 : i32
      %dma_wait3A_1085 = tpu.memref_slice %arg6[%dma_wait3A_1083, %dma_wait3A_1084] : memref<10240x64xf32, #tpu.memory_space<vmem_shared>> -> memref<10240x64xf32, #tpu.memory_space<vmem_shared>>
      tpu.wait_indirect_dma semaphore(%arg13 : memref<!tpu.dma_semaphore, #tpu.memory_space<semaphore_mem>>) src(%dma_wait3A_1085 : memref<10240x64xf32, #tpu.memory_space<vmem_shared>>) dst(%dma_wait3A_1079 : memref<128x64xf32, #tpu.memory_space<vmem>>)
      %dma_start3A_1086 = arith.constant 2 : i32
      %dma_start3A_1087 = arith.constant 0 : i32
      %dma_start3A_1088 = arith.constant 10 : i32
      %dma_start3A_1089 = arith.constant 1 : i32
      %dma_start3A_1090 = arith.constant 0 : i32
      %dma_start3A_1091 = arith.constant 0 : i32
      %dma_start3A_1092 = tpu.memref_slice %arg8[%dma_start3A_1086, %dma_start3A_1090, %dma_start3A_1091] : memref<4x128x64xf32, #tpu.memory_space<vmem>> -> memref<1x128x64xf32, #tpu.memory_space<vmem>>
      %dma_start3A_1093 = tpu.memref_squeeze %dma_start3A_1092 : memref<1x128x64xf32, #tpu.memory_space<vmem>> -> memref<128x64xf32, #tpu.memory_space<vmem>>
      %dma_start3A_1094 = arith.constant 0 : i32
      %dma_start3A_1095 = tpu.memref_slice %arg9[%dma_start3A_1087, %dma_start3A_1088, %dma_start3A_1089, %dma_start3A_1094] : memref<2x16x2x128xi32, #tpu.memory_space<vmem>> -> memref<1x1x1x128xi32, #tpu.memory_space<vmem>>
      %dma_start3A_1096 = tpu.memref_squeeze %dma_start3A_1095 : memref<1x1x1x128xi32, #tpu.memory_space<vmem>> -> memref<128xi32, #tpu.memory_space<vmem>>
      %dma_start3A_1097 = arith.constant 0 : i32
      %dma_start3A_1098 = arith.constant 0 : i32
      %dma_start3A_1099 = tpu.memref_slice %arg7[%dma_start3A_1097, %dma_start3A_1098] : memref<10240x64xf32, #tpu.memory_space<vmem_shared>> -> memref<10240x64xf32, #tpu.memory_space<vmem_shared>>
      tpu.enqueue_indirect_dma source(%dma_start3A_1093 : memref<128x64xf32, #tpu.memory_space<vmem>>) target(%dma_start3A_1099 : memref<10240x64xf32, #tpu.memory_space<vmem_shared>>) offsets(%dma_start3A_1096 : memref<128xi32, #tpu.memory_space<vmem>>) semaphore(%arg17 : memref<!tpu.dma_semaphore, #tpu.memory_space<semaphore_mem>>) {add = true}
      %dma_wait3A_1100 = arith.constant 0 : i32
      %dma_wait3A_1101 = arith.constant 0 : i32
      %dma_wait3A_1102 = arith.constant 0 : i32
      %dma_wait3A_1103 = arith.constant 1 : i32
      %dma_wait3A_1104 = arith.constant 0 : i32
      %dma_wait3A_1105 = arith.constant 0 : i32
      %dma_wait3A_1106 = tpu.memref_slice %arg8[%dma_wait3A_1100, %dma_wait3A_1104, %dma_wait3A_1105] : memref<4x128x64xf32, #tpu.memory_space<vmem>> -> memref<1x128x64xf32, #tpu.memory_space<vmem>>
      %dma_wait3A_1107 = tpu.memref_squeeze %dma_wait3A_1106 : memref<1x128x64xf32, #tpu.memory_space<vmem>> -> memref<128x64xf32, #tpu.memory_space<vmem>>
      %dma_wait3A_1108 = arith.constant 0 : i32
      %dma_wait3A_1109 = tpu.memref_slice %arg9[%dma_wait3A_1101, %dma_wait3A_1102, %dma_wait3A_1103, %dma_wait3A_1108] : memref<2x16x2x128xi32, #tpu.memory_space<vmem>> -> memref<1x1x1x128xi32, #tpu.memory_space<vmem>>
      %dma_wait3A_1110 = tpu.memref_squeeze %dma_wait3A_1109 : memref<1x1x1x128xi32, #tpu.memory_space<vmem>> -> memref<128xi32, #tpu.memory_space<vmem>>
      %dma_wait3A_1111 = arith.constant 0 : i32
      %dma_wait3A_1112 = arith.constant 0 : i32
      %dma_wait3A_1113 = tpu.memref_slice %arg7[%dma_wait3A_1111, %dma_wait3A_1112] : memref<10240x64xf32, #tpu.memory_space<vmem_shared>> -> memref<10240x64xf32, #tpu.memory_space<vmem_shared>>
      tpu.wait_indirect_dma semaphore(%arg15 : memref<!tpu.dma_semaphore, #tpu.memory_space<semaphore_mem>>) src(%dma_wait3A_1107 : memref<128x64xf32, #tpu.memory_space<vmem>>) dst(%dma_wait3A_1113 : memref<10240x64xf32, #tpu.memory_space<vmem_shared>>)
      %dma_start3A_1114 = arith.constant 0 : i32
      %dma_start3A_1115 = arith.constant 12 : i32
      %dma_start3A_1116 = arith.constant 0 : i32
      %dma_start3A_1117 = arith.constant 0 : i32
      %dma_start3A_1118 = arith.constant 0 : i32
      %dma_start3A_1119 = arith.constant 0 : i32
      %dma_start3A_1120 = tpu.memref_slice %arg8[%dma_start3A_1117, %dma_start3A_1118, %dma_start3A_1119] : memref<4x128x64xf32, #tpu.memory_space<vmem>> -> memref<1x128x64xf32, #tpu.memory_space<vmem>>
      %dma_start3A_1121 = tpu.memref_squeeze %dma_start3A_1120 : memref<1x128x64xf32, #tpu.memory_space<vmem>> -> memref<128x64xf32, #tpu.memory_space<vmem>>
      %dma_start3A_1122 = arith.constant 0 : i32
      %dma_start3A_1123 = tpu.memref_slice %arg9[%dma_start3A_1114, %dma_start3A_1115, %dma_start3A_1116, %dma_start3A_1122] : memref<2x16x2x128xi32, #tpu.memory_space<vmem>> -> memref<1x1x1x128xi32, #tpu.memory_space<vmem>>
      %dma_start3A_1124 = tpu.memref_squeeze %dma_start3A_1123 : memref<1x1x1x128xi32, #tpu.memory_space<vmem>> -> memref<128xi32, #tpu.memory_space<vmem>>
      %dma_start3A_1125 = arith.constant 0 : i32
      %dma_start3A_1126 = arith.constant 0 : i32
      %dma_start3A_1127 = tpu.memref_slice %arg6[%dma_start3A_1125, %dma_start3A_1126] : memref<10240x64xf32, #tpu.memory_space<vmem_shared>> -> memref<10240x64xf32, #tpu.memory_space<vmem_shared>>
      tpu.enqueue_indirect_dma source(%dma_start3A_1127 : memref<10240x64xf32, #tpu.memory_space<vmem_shared>>) target(%dma_start3A_1121 : memref<128x64xf32, #tpu.memory_space<vmem>>) offsets(%dma_start3A_1124 : memref<128xi32, #tpu.memory_space<vmem>>) semaphore(%arg11 : memref<!tpu.dma_semaphore, #tpu.memory_space<semaphore_mem>>)
      %dma_wait3A_1128 = arith.constant 0 : i32
      %dma_wait3A_1129 = arith.constant 11 : i32
      %dma_wait3A_1130 = arith.constant 0 : i32
      %dma_wait3A_1131 = arith.constant 3 : i32
      %dma_wait3A_1132 = arith.constant 0 : i32
      %dma_wait3A_1133 = arith.constant 0 : i32
      %dma_wait3A_1134 = tpu.memref_slice %arg8[%dma_wait3A_1131, %dma_wait3A_1132, %dma_wait3A_1133] : memref<4x128x64xf32, #tpu.memory_space<vmem>> -> memref<1x128x64xf32, #tpu.memory_space<vmem>>
      %dma_wait3A_1135 = tpu.memref_squeeze %dma_wait3A_1134 : memref<1x128x64xf32, #tpu.memory_space<vmem>> -> memref<128x64xf32, #tpu.memory_space<vmem>>
      %dma_wait3A_1136 = arith.constant 0 : i32
      %dma_wait3A_1137 = tpu.memref_slice %arg9[%dma_wait3A_1128, %dma_wait3A_1129, %dma_wait3A_1130, %dma_wait3A_1136] : memref<2x16x2x128xi32, #tpu.memory_space<vmem>> -> memref<1x1x1x128xi32, #tpu.memory_space<vmem>>
      %dma_wait3A_1138 = tpu.memref_squeeze %dma_wait3A_1137 : memref<1x1x1x128xi32, #tpu.memory_space<vmem>> -> memref<128xi32, #tpu.memory_space<vmem>>
      %dma_wait3A_1139 = arith.constant 0 : i32
      %dma_wait3A_1140 = arith.constant 0 : i32
      %dma_wait3A_1141 = tpu.memref_slice %arg6[%dma_wait3A_1139, %dma_wait3A_1140] : memref<10240x64xf32, #tpu.memory_space<vmem_shared>> -> memref<10240x64xf32, #tpu.memory_space<vmem_shared>>
      tpu.wait_indirect_dma semaphore(%arg14 : memref<!tpu.dma_semaphore, #tpu.memory_space<semaphore_mem>>) src(%dma_wait3A_1141 : memref<10240x64xf32, #tpu.memory_space<vmem_shared>>) dst(%dma_wait3A_1135 : memref<128x64xf32, #tpu.memory_space<vmem>>)
      %dma_start3A_1142 = arith.constant 3 : i32
      %dma_start3A_1143 = arith.constant 0 : i32
      %dma_start3A_1144 = arith.constant 11 : i32
      %dma_start3A_1145 = arith.constant 1 : i32
      %dma_start3A_1146 = arith.constant 0 : i32
      %dma_start3A_1147 = arith.constant 0 : i32
      %dma_start3A_1148 = tpu.memref_slice %arg8[%dma_start3A_1142, %dma_start3A_1146, %dma_start3A_1147] : memref<4x128x64xf32, #tpu.memory_space<vmem>> -> memref<1x128x64xf32, #tpu.memory_space<vmem>>
      %dma_start3A_1149 = tpu.memref_squeeze %dma_start3A_1148 : memref<1x128x64xf32, #tpu.memory_space<vmem>> -> memref<128x64xf32, #tpu.memory_space<vmem>>
      %dma_start3A_1150 = arith.constant 0 : i32
      %dma_start3A_1151 = tpu.memref_slice %arg9[%dma_start3A_1143, %dma_start3A_1144, %dma_start3A_1145, %dma_start3A_1150] : memref<2x16x2x128xi32, #tpu.memory_space<vmem>> -> memref<1x1x1x128xi32, #tpu.memory_space<vmem>>
      %dma_start3A_1152 = tpu.memref_squeeze %dma_start3A_1151 : memref<1x1x1x128xi32, #tpu.memory_space<vmem>> -> memref<128xi32, #tpu.memory_space<vmem>>
      %dma_start3A_1153 = arith.constant 0 : i32
      %dma_start3A_1154 = arith.constant 0 : i32
      %dma_start3A_1155 = tpu.memref_slice %arg7[%dma_start3A_1153, %dma_start3A_1154] : memref<10240x64xf32, #tpu.memory_space<vmem_shared>> -> memref<10240x64xf32, #tpu.memory_space<vmem_shared>>
      tpu.enqueue_indirect_dma source(%dma_start3A_1149 : memref<128x64xf32, #tpu.memory_space<vmem>>) target(%dma_start3A_1155 : memref<10240x64xf32, #tpu.memory_space<vmem_shared>>) offsets(%dma_start3A_1152 : memref<128xi32, #tpu.memory_space<vmem>>) semaphore(%arg18 : memref<!tpu.dma_semaphore, #tpu.memory_space<semaphore_mem>>) {add = true}
      %dma_wait3A_1156 = arith.constant 1 : i32
      %dma_wait3A_1157 = arith.constant 0 : i32
      %dma_wait3A_1158 = arith.constant 0 : i32
      %dma_wait3A_1159 = arith.constant 1 : i32
      %dma_wait3A_1160 = arith.constant 0 : i32
      %dma_wait3A_1161 = arith.constant 0 : i32
      %dma_wait3A_1162 = tpu.memref_slice %arg8[%dma_wait3A_1156, %dma_wait3A_1160, %dma_wait3A_1161] : memref<4x128x64xf32, #tpu.memory_space<vmem>> -> memref<1x128x64xf32, #tpu.memory_space<vmem>>
      %dma_wait3A_1163 = tpu.memref_squeeze %dma_wait3A_1162 : memref<1x128x64xf32, #tpu.memory_space<vmem>> -> memref<128x64xf32, #tpu.memory_space<vmem>>
      %dma_wait3A_1164 = arith.constant 0 : i32
      %dma_wait3A_1165 = tpu.memref_slice %arg9[%dma_wait3A_1157, %dma_wait3A_1158, %dma_wait3A_1159, %dma_wait3A_1164] : memref<2x16x2x128xi32, #tpu.memory_space<vmem>> -> memref<1x1x1x128xi32, #tpu.memory_space<vmem>>
      %dma_wait3A_1166 = tpu.memref_squeeze %dma_wait3A_1165 : memref<1x1x1x128xi32, #tpu.memory_space<vmem>> -> memref<128xi32, #tpu.memory_space<vmem>>
      %dma_wait3A_1167 = arith.constant 0 : i32
      %dma_wait3A_1168 = arith.constant 0 : i32
      %dma_wait3A_1169 = tpu.memref_slice %arg7[%dma_wait3A_1167, %dma_wait3A_1168] : memref<10240x64xf32, #tpu.memory_space<vmem_shared>> -> memref<10240x64xf32, #tpu.memory_space<vmem_shared>>
      tpu.wait_indirect_dma semaphore(%arg16 : memref<!tpu.dma_semaphore, #tpu.memory_space<semaphore_mem>>) src(%dma_wait3A_1163 : memref<128x64xf32, #tpu.memory_space<vmem>>) dst(%dma_wait3A_1169 : memref<10240x64xf32, #tpu.memory_space<vmem_shared>>)
      %dma_start3A_1170 = arith.constant 0 : i32
      %dma_start3A_1171 = arith.constant 13 : i32
      %dma_start3A_1172 = arith.constant 0 : i32
      %dma_start3A_1173 = arith.constant 1 : i32
      %dma_start3A_1174 = arith.constant 0 : i32
      %dma_start3A_1175 = arith.constant 0 : i32
      %dma_start3A_1176 = tpu.memref_slice %arg8[%dma_start3A_1173, %dma_start3A_1174, %dma_start3A_1175] : memref<4x128x64xf32, #tpu.memory_space<vmem>> -> memref<1x128x64xf32, #tpu.memory_space<vmem>>
      %dma_start3A_1177 = tpu.memref_squeeze %dma_start3A_1176 : memref<1x128x64xf32, #tpu.memory_space<vmem>> -> memref<128x64xf32, #tpu.memory_space<vmem>>
      %dma_start3A_1178 = arith.constant 0 : i32
      %dma_start3A_1179 = tpu.memref_slice %arg9[%dma_start3A_1170, %dma_start3A_1171, %dma_start3A_1172, %dma_start3A_1178] : memref<2x16x2x128xi32, #tpu.memory_space<vmem>> -> memref<1x1x1x128xi32, #tpu.memory_space<vmem>>
      %dma_start3A_1180 = tpu.memref_squeeze %dma_start3A_1179 : memref<1x1x1x128xi32, #tpu.memory_space<vmem>> -> memref<128xi32, #tpu.memory_space<vmem>>
      %dma_start3A_1181 = arith.constant 0 : i32
      %dma_start3A_1182 = arith.constant 0 : i32
      %dma_start3A_1183 = tpu.memref_slice %arg6[%dma_start3A_1181, %dma_start3A_1182] : memref<10240x64xf32, #tpu.memory_space<vmem_shared>> -> memref<10240x64xf32, #tpu.memory_space<vmem_shared>>
      tpu.enqueue_indirect_dma source(%dma_start3A_1183 : memref<10240x64xf32, #tpu.memory_space<vmem_shared>>) target(%dma_start3A_1177 : memref<128x64xf32, #tpu.memory_space<vmem>>) offsets(%dma_start3A_1180 : memref<128xi32, #tpu.memory_space<vmem>>) semaphore(%arg12 : memref<!tpu.dma_semaphore, #tpu.memory_space<semaphore_mem>>)
      %dma_wait3A_1184 = arith.constant 0 : i32
      %dma_wait3A_1185 = arith.constant 12 : i32
      %dma_wait3A_1186 = arith.constant 0 : i32
      %dma_wait3A_1187 = arith.constant 0 : i32
      %dma_wait3A_1188 = arith.constant 0 : i32
      %dma_wait3A_1189 = arith.constant 0 : i32
      %dma_wait3A_1190 = tpu.memref_slice %arg8[%dma_wait3A_1187, %dma_wait3A_1188, %dma_wait3A_1189] : memref<4x128x64xf32, #tpu.memory_space<vmem>> -> memref<1x128x64xf32, #tpu.memory_space<vmem>>
      %dma_wait3A_1191 = tpu.memref_squeeze %dma_wait3A_1190 : memref<1x128x64xf32, #tpu.memory_space<vmem>> -> memref<128x64xf32, #tpu.memory_space<vmem>>
      %dma_wait3A_1192 = arith.constant 0 : i32
      %dma_wait3A_1193 = tpu.memref_slice %arg9[%dma_wait3A_1184, %dma_wait3A_1185, %dma_wait3A_1186, %dma_wait3A_1192] : memref<2x16x2x128xi32, #tpu.memory_space<vmem>> -> memref<1x1x1x128xi32, #tpu.memory_space<vmem>>
      %dma_wait3A_1194 = tpu.memref_squeeze %dma_wait3A_1193 : memref<1x1x1x128xi32, #tpu.memory_space<vmem>> -> memref<128xi32, #tpu.memory_space<vmem>>
      %dma_wait3A_1195 = arith.constant 0 : i32
      %dma_wait3A_1196 = arith.constant 0 : i32
      %dma_wait3A_1197 = tpu.memref_slice %arg6[%dma_wait3A_1195, %dma_wait3A_1196] : memref<10240x64xf32, #tpu.memory_space<vmem_shared>> -> memref<10240x64xf32, #tpu.memory_space<vmem_shared>>
      tpu.wait_indirect_dma semaphore(%arg11 : memref<!tpu.dma_semaphore, #tpu.memory_space<semaphore_mem>>) src(%dma_wait3A_1197 : memref<10240x64xf32, #tpu.memory_space<vmem_shared>>) dst(%dma_wait3A_1191 : memref<128x64xf32, #tpu.memory_space<vmem>>)
      %dma_start3A_1198 = arith.constant 0 : i32
      %dma_start3A_1199 = arith.constant 0 : i32
      %dma_start3A_1200 = arith.constant 12 : i32
      %dma_start3A_1201 = arith.constant 1 : i32
      %dma_start3A_1202 = arith.constant 0 : i32
      %dma_start3A_1203 = arith.constant 0 : i32
      %dma_start3A_1204 = tpu.memref_slice %arg8[%dma_start3A_1198, %dma_start3A_1202, %dma_start3A_1203] : memref<4x128x64xf32, #tpu.memory_space<vmem>> -> memref<1x128x64xf32, #tpu.memory_space<vmem>>
      %dma_start3A_1205 = tpu.memref_squeeze %dma_start3A_1204 : memref<1x128x64xf32, #tpu.memory_space<vmem>> -> memref<128x64xf32, #tpu.memory_space<vmem>>
      %dma_start3A_1206 = arith.constant 0 : i32
      %dma_start3A_1207 = tpu.memref_slice %arg9[%dma_start3A_1199, %dma_start3A_1200, %dma_start3A_1201, %dma_start3A_1206] : memref<2x16x2x128xi32, #tpu.memory_space<vmem>> -> memref<1x1x1x128xi32, #tpu.memory_space<vmem>>
      %dma_start3A_1208 = tpu.memref_squeeze %dma_start3A_1207 : memref<1x1x1x128xi32, #tpu.memory_space<vmem>> -> memref<128xi32, #tpu.memory_space<vmem>>
      %dma_start3A_1209 = arith.constant 0 : i32
      %dma_start3A_1210 = arith.constant 0 : i32
      %dma_start3A_1211 = tpu.memref_slice %arg7[%dma_start3A_1209, %dma_start3A_1210] : memref<10240x64xf32, #tpu.memory_space<vmem_shared>> -> memref<10240x64xf32, #tpu.memory_space<vmem_shared>>
      tpu.enqueue_indirect_dma source(%dma_start3A_1205 : memref<128x64xf32, #tpu.memory_space<vmem>>) target(%dma_start3A_1211 : memref<10240x64xf32, #tpu.memory_space<vmem_shared>>) offsets(%dma_start3A_1208 : memref<128xi32, #tpu.memory_space<vmem>>) semaphore(%arg15 : memref<!tpu.dma_semaphore, #tpu.memory_space<semaphore_mem>>) {add = true}
      %dma_wait3A_1212 = arith.constant 2 : i32
      %dma_wait3A_1213 = arith.constant 0 : i32
      %dma_wait3A_1214 = arith.constant 0 : i32
      %dma_wait3A_1215 = arith.constant 1 : i32
      %dma_wait3A_1216 = arith.constant 0 : i32
      %dma_wait3A_1217 = arith.constant 0 : i32
      %dma_wait3A_1218 = tpu.memref_slice %arg8[%dma_wait3A_1212, %dma_wait3A_1216, %dma_wait3A_1217] : memref<4x128x64xf32, #tpu.memory_space<vmem>> -> memref<1x128x64xf32, #tpu.memory_space<vmem>>
      %dma_wait3A_1219 = tpu.memref_squeeze %dma_wait3A_1218 : memref<1x128x64xf32, #tpu.memory_space<vmem>> -> memref<128x64xf32, #tpu.memory_space<vmem>>
      %dma_wait3A_1220 = arith.constant 0 : i32
      %dma_wait3A_1221 = tpu.memref_slice %arg9[%dma_wait3A_1213, %dma_wait3A_1214, %dma_wait3A_1215, %dma_wait3A_1220] : memref<2x16x2x128xi32, #tpu.memory_space<vmem>> -> memref<1x1x1x128xi32, #tpu.memory_space<vmem>>
      %dma_wait3A_1222 = tpu.memref_squeeze %dma_wait3A_1221 : memref<1x1x1x128xi32, #tpu.memory_space<vmem>> -> memref<128xi32, #tpu.memory_space<vmem>>
      %dma_wait3A_1223 = arith.constant 0 : i32
      %dma_wait3A_1224 = arith.constant 0 : i32
      %dma_wait3A_1225 = tpu.memref_slice %arg7[%dma_wait3A_1223, %dma_wait3A_1224] : memref<10240x64xf32, #tpu.memory_space<vmem_shared>> -> memref<10240x64xf32, #tpu.memory_space<vmem_shared>>
      tpu.wait_indirect_dma semaphore(%arg17 : memref<!tpu.dma_semaphore, #tpu.memory_space<semaphore_mem>>) src(%dma_wait3A_1219 : memref<128x64xf32, #tpu.memory_space<vmem>>) dst(%dma_wait3A_1225 : memref<10240x64xf32, #tpu.memory_space<vmem_shared>>)
      %dma_start3A_1226 = arith.constant 0 : i32
      %dma_start3A_1227 = arith.constant 14 : i32
      %dma_start3A_1228 = arith.constant 0 : i32
      %dma_start3A_1229 = arith.constant 2 : i32
      %dma_start3A_1230 = arith.constant 0 : i32
      %dma_start3A_1231 = arith.constant 0 : i32
      %dma_start3A_1232 = tpu.memref_slice %arg8[%dma_start3A_1229, %dma_start3A_1230, %dma_start3A_1231] : memref<4x128x64xf32, #tpu.memory_space<vmem>> -> memref<1x128x64xf32, #tpu.memory_space<vmem>>
      %dma_start3A_1233 = tpu.memref_squeeze %dma_start3A_1232 : memref<1x128x64xf32, #tpu.memory_space<vmem>> -> memref<128x64xf32, #tpu.memory_space<vmem>>
      %dma_start3A_1234 = arith.constant 0 : i32
      %dma_start3A_1235 = tpu.memref_slice %arg9[%dma_start3A_1226, %dma_start3A_1227, %dma_start3A_1228, %dma_start3A_1234] : memref<2x16x2x128xi32, #tpu.memory_space<vmem>> -> memref<1x1x1x128xi32, #tpu.memory_space<vmem>>
      %dma_start3A_1236 = tpu.memref_squeeze %dma_start3A_1235 : memref<1x1x1x128xi32, #tpu.memory_space<vmem>> -> memref<128xi32, #tpu.memory_space<vmem>>
      %dma_start3A_1237 = arith.constant 0 : i32
      %dma_start3A_1238 = arith.constant 0 : i32
      %dma_start3A_1239 = tpu.memref_slice %arg6[%dma_start3A_1237, %dma_start3A_1238] : memref<10240x64xf32, #tpu.memory_space<vmem_shared>> -> memref<10240x64xf32, #tpu.memory_space<vmem_shared>>
      tpu.enqueue_indirect_dma source(%dma_start3A_1239 : memref<10240x64xf32, #tpu.memory_space<vmem_shared>>) target(%dma_start3A_1233 : memref<128x64xf32, #tpu.memory_space<vmem>>) offsets(%dma_start3A_1236 : memref<128xi32, #tpu.memory_space<vmem>>) semaphore(%arg13 : memref<!tpu.dma_semaphore, #tpu.memory_space<semaphore_mem>>)
      %dma_wait3A_1240 = arith.constant 0 : i32
      %dma_wait3A_1241 = arith.constant 13 : i32
      %dma_wait3A_1242 = arith.constant 0 : i32
      %dma_wait3A_1243 = arith.constant 1 : i32
      %dma_wait3A_1244 = arith.constant 0 : i32
      %dma_wait3A_1245 = arith.constant 0 : i32
      %dma_wait3A_1246 = tpu.memref_slice %arg8[%dma_wait3A_1243, %dma_wait3A_1244, %dma_wait3A_1245] : memref<4x128x64xf32, #tpu.memory_space<vmem>> -> memref<1x128x64xf32, #tpu.memory_space<vmem>>
      %dma_wait3A_1247 = tpu.memref_squeeze %dma_wait3A_1246 : memref<1x128x64xf32, #tpu.memory_space<vmem>> -> memref<128x64xf32, #tpu.memory_space<vmem>>
      %dma_wait3A_1248 = arith.constant 0 : i32
      %dma_wait3A_1249 = tpu.memref_slice %arg9[%dma_wait3A_1240, %dma_wait3A_1241, %dma_wait3A_1242, %dma_wait3A_1248] : memref<2x16x2x128xi32, #tpu.memory_space<vmem>> -> memref<1x1x1x128xi32, #tpu.memory_space<vmem>>
      %dma_wait3A_1250 = tpu.memref_squeeze %dma_wait3A_1249 : memref<1x1x1x128xi32, #tpu.memory_space<vmem>> -> memref<128xi32, #tpu.memory_space<vmem>>
      %dma_wait3A_1251 = arith.constant 0 : i32
      %dma_wait3A_1252 = arith.constant 0 : i32
      %dma_wait3A_1253 = tpu.memref_slice %arg6[%dma_wait3A_1251, %dma_wait3A_1252] : memref<10240x64xf32, #tpu.memory_space<vmem_shared>> -> memref<10240x64xf32, #tpu.memory_space<vmem_shared>>
      tpu.wait_indirect_dma semaphore(%arg12 : memref<!tpu.dma_semaphore, #tpu.memory_space<semaphore_mem>>) src(%dma_wait3A_1253 : memref<10240x64xf32, #tpu.memory_space<vmem_shared>>) dst(%dma_wait3A_1247 : memref<128x64xf32, #tpu.memory_space<vmem>>)
      %dma_start3A_1254 = arith.constant 1 : i32
      %dma_start3A_1255 = arith.constant 0 : i32
      %dma_start3A_1256 = arith.constant 13 : i32
      %dma_start3A_1257 = arith.constant 1 : i32
      %dma_start3A_1258 = arith.constant 0 : i32
      %dma_start3A_1259 = arith.constant 0 : i32
      %dma_start3A_1260 = tpu.memref_slice %arg8[%dma_start3A_1254, %dma_start3A_1258, %dma_start3A_1259] : memref<4x128x64xf32, #tpu.memory_space<vmem>> -> memref<1x128x64xf32, #tpu.memory_space<vmem>>
      %dma_start3A_1261 = tpu.memref_squeeze %dma_start3A_1260 : memref<1x128x64xf32, #tpu.memory_space<vmem>> -> memref<128x64xf32, #tpu.memory_space<vmem>>
      %dma_start3A_1262 = arith.constant 0 : i32
      %dma_start3A_1263 = tpu.memref_slice %arg9[%dma_start3A_1255, %dma_start3A_1256, %dma_start3A_1257, %dma_start3A_1262] : memref<2x16x2x128xi32, #tpu.memory_space<vmem>> -> memref<1x1x1x128xi32, #tpu.memory_space<vmem>>
      %dma_start3A_1264 = tpu.memref_squeeze %dma_start3A_1263 : memref<1x1x1x128xi32, #tpu.memory_space<vmem>> -> memref<128xi32, #tpu.memory_space<vmem>>
      %dma_start3A_1265 = arith.constant 0 : i32
      %dma_start3A_1266 = arith.constant 0 : i32
      %dma_start3A_1267 = tpu.memref_slice %arg7[%dma_start3A_1265, %dma_start3A_1266] : memref<10240x64xf32, #tpu.memory_space<vmem_shared>> -> memref<10240x64xf32, #tpu.memory_space<vmem_shared>>
      tpu.enqueue_indirect_dma source(%dma_start3A_1261 : memref<128x64xf32, #tpu.memory_space<vmem>>) target(%dma_start3A_1267 : memref<10240x64xf32, #tpu.memory_space<vmem_shared>>) offsets(%dma_start3A_1264 : memref<128xi32, #tpu.memory_space<vmem>>) semaphore(%arg16 : memref<!tpu.dma_semaphore, #tpu.memory_space<semaphore_mem>>) {add = true}
      %dma_wait3A_1268 = arith.constant 3 : i32
      %dma_wait3A_1269 = arith.constant 0 : i32
      %dma_wait3A_1270 = arith.constant 0 : i32
      %dma_wait3A_1271 = arith.constant 1 : i32
      %dma_wait3A_1272 = arith.constant 0 : i32
      %dma_wait3A_1273 = arith.constant 0 : i32
      %dma_wait3A_1274 = tpu.memref_slice %arg8[%dma_wait3A_1268, %dma_wait3A_1272, %dma_wait3A_1273] : memref<4x128x64xf32, #tpu.memory_space<vmem>> -> memref<1x128x64xf32, #tpu.memory_space<vmem>>
      %dma_wait3A_1275 = tpu.memref_squeeze %dma_wait3A_1274 : memref<1x128x64xf32, #tpu.memory_space<vmem>> -> memref<128x64xf32, #tpu.memory_space<vmem>>
      %dma_wait3A_1276 = arith.constant 0 : i32
      %dma_wait3A_1277 = tpu.memref_slice %arg9[%dma_wait3A_1269, %dma_wait3A_1270, %dma_wait3A_1271, %dma_wait3A_1276] : memref<2x16x2x128xi32, #tpu.memory_space<vmem>> -> memref<1x1x1x128xi32, #tpu.memory_space<vmem>>
      %dma_wait3A_1278 = tpu.memref_squeeze %dma_wait3A_1277 : memref<1x1x1x128xi32, #tpu.memory_space<vmem>> -> memref<128xi32, #tpu.memory_space<vmem>>
      %dma_wait3A_1279 = arith.constant 0 : i32
      %dma_wait3A_1280 = arith.constant 0 : i32
      %dma_wait3A_1281 = tpu.memref_slice %arg7[%dma_wait3A_1279, %dma_wait3A_1280] : memref<10240x64xf32, #tpu.memory_space<vmem_shared>> -> memref<10240x64xf32, #tpu.memory_space<vmem_shared>>
      tpu.wait_indirect_dma semaphore(%arg18 : memref<!tpu.dma_semaphore, #tpu.memory_space<semaphore_mem>>) src(%dma_wait3A_1275 : memref<128x64xf32, #tpu.memory_space<vmem>>) dst(%dma_wait3A_1281 : memref<10240x64xf32, #tpu.memory_space<vmem_shared>>)
      %dma_start3A_1282 = arith.constant 0 : i32
      %dma_start3A_1283 = arith.constant 15 : i32
      %dma_start3A_1284 = arith.constant 0 : i32
      %dma_start3A_1285 = arith.constant 3 : i32
      %dma_start3A_1286 = arith.constant 0 : i32
      %dma_start3A_1287 = arith.constant 0 : i32
      %dma_start3A_1288 = tpu.memref_slice %arg8[%dma_start3A_1285, %dma_start3A_1286, %dma_start3A_1287] : memref<4x128x64xf32, #tpu.memory_space<vmem>> -> memref<1x128x64xf32, #tpu.memory_space<vmem>>
      %dma_start3A_1289 = tpu.memref_squeeze %dma_start3A_1288 : memref<1x128x64xf32, #tpu.memory_space<vmem>> -> memref<128x64xf32, #tpu.memory_space<vmem>>
      %dma_start3A_1290 = arith.constant 0 : i32
      %dma_start3A_1291 = tpu.memref_slice %arg9[%dma_start3A_1282, %dma_start3A_1283, %dma_start3A_1284, %dma_start3A_1290] : memref<2x16x2x128xi32, #tpu.memory_space<vmem>> -> memref<1x1x1x128xi32, #tpu.memory_space<vmem>>
      %dma_start3A_1292 = tpu.memref_squeeze %dma_start3A_1291 : memref<1x1x1x128xi32, #tpu.memory_space<vmem>> -> memref<128xi32, #tpu.memory_space<vmem>>
      %dma_start3A_1293 = arith.constant 0 : i32
      %dma_start3A_1294 = arith.constant 0 : i32
      %dma_start3A_1295 = tpu.memref_slice %arg6[%dma_start3A_1293, %dma_start3A_1294] : memref<10240x64xf32, #tpu.memory_space<vmem_shared>> -> memref<10240x64xf32, #tpu.memory_space<vmem_shared>>
      tpu.enqueue_indirect_dma source(%dma_start3A_1295 : memref<10240x64xf32, #tpu.memory_space<vmem_shared>>) target(%dma_start3A_1289 : memref<128x64xf32, #tpu.memory_space<vmem>>) offsets(%dma_start3A_1292 : memref<128xi32, #tpu.memory_space<vmem>>) semaphore(%arg14 : memref<!tpu.dma_semaphore, #tpu.memory_space<semaphore_mem>>)
      %dma_wait3A_1296 = arith.constant 0 : i32
      %dma_wait3A_1297 = arith.constant 14 : i32
      %dma_wait3A_1298 = arith.constant 0 : i32
      %dma_wait3A_1299 = arith.constant 2 : i32
      %dma_wait3A_1300 = arith.constant 0 : i32
      %dma_wait3A_1301 = arith.constant 0 : i32
      %dma_wait3A_1302 = tpu.memref_slice %arg8[%dma_wait3A_1299, %dma_wait3A_1300, %dma_wait3A_1301] : memref<4x128x64xf32, #tpu.memory_space<vmem>> -> memref<1x128x64xf32, #tpu.memory_space<vmem>>
      %dma_wait3A_1303 = tpu.memref_squeeze %dma_wait3A_1302 : memref<1x128x64xf32, #tpu.memory_space<vmem>> -> memref<128x64xf32, #tpu.memory_space<vmem>>
      %dma_wait3A_1304 = arith.constant 0 : i32
      %dma_wait3A_1305 = tpu.memref_slice %arg9[%dma_wait3A_1296, %dma_wait3A_1297, %dma_wait3A_1298, %dma_wait3A_1304] : memref<2x16x2x128xi32, #tpu.memory_space<vmem>> -> memref<1x1x1x128xi32, #tpu.memory_space<vmem>>
      %dma_wait3A_1306 = tpu.memref_squeeze %dma_wait3A_1305 : memref<1x1x1x128xi32, #tpu.memory_space<vmem>> -> memref<128xi32, #tpu.memory_space<vmem>>
      %dma_wait3A_1307 = arith.constant 0 : i32
      %dma_wait3A_1308 = arith.constant 0 : i32
      %dma_wait3A_1309 = tpu.memref_slice %arg6[%dma_wait3A_1307, %dma_wait3A_1308] : memref<10240x64xf32, #tpu.memory_space<vmem_shared>> -> memref<10240x64xf32, #tpu.memory_space<vmem_shared>>
      tpu.wait_indirect_dma semaphore(%arg13 : memref<!tpu.dma_semaphore, #tpu.memory_space<semaphore_mem>>) src(%dma_wait3A_1309 : memref<10240x64xf32, #tpu.memory_space<vmem_shared>>) dst(%dma_wait3A_1303 : memref<128x64xf32, #tpu.memory_space<vmem>>)
      %dma_start3A_1310 = arith.constant 2 : i32
      %dma_start3A_1311 = arith.constant 0 : i32
      %dma_start3A_1312 = arith.constant 14 : i32
      %dma_start3A_1313 = arith.constant 1 : i32
      %dma_start3A_1314 = arith.constant 0 : i32
      %dma_start3A_1315 = arith.constant 0 : i32
      %dma_start3A_1316 = tpu.memref_slice %arg8[%dma_start3A_1310, %dma_start3A_1314, %dma_start3A_1315] : memref<4x128x64xf32, #tpu.memory_space<vmem>> -> memref<1x128x64xf32, #tpu.memory_space<vmem>>
      %dma_start3A_1317 = tpu.memref_squeeze %dma_start3A_1316 : memref<1x128x64xf32, #tpu.memory_space<vmem>> -> memref<128x64xf32, #tpu.memory_space<vmem>>
      %dma_start3A_1318 = arith.constant 0 : i32
      %dma_start3A_1319 = tpu.memref_slice %arg9[%dma_start3A_1311, %dma_start3A_1312, %dma_start3A_1313, %dma_start3A_1318] : memref<2x16x2x128xi32, #tpu.memory_space<vmem>> -> memref<1x1x1x128xi32, #tpu.memory_space<vmem>>
      %dma_start3A_1320 = tpu.memref_squeeze %dma_start3A_1319 : memref<1x1x1x128xi32, #tpu.memory_space<vmem>> -> memref<128xi32, #tpu.memory_space<vmem>>
      %dma_start3A_1321 = arith.constant 0 : i32
      %dma_start3A_1322 = arith.constant 0 : i32
      %dma_start3A_1323 = tpu.memref_slice %arg7[%dma_start3A_1321, %dma_start3A_1322] : memref<10240x64xf32, #tpu.memory_space<vmem_shared>> -> memref<10240x64xf32, #tpu.memory_space<vmem_shared>>
      tpu.enqueue_indirect_dma source(%dma_start3A_1317 : memref<128x64xf32, #tpu.memory_space<vmem>>) target(%dma_start3A_1323 : memref<10240x64xf32, #tpu.memory_space<vmem_shared>>) offsets(%dma_start3A_1320 : memref<128xi32, #tpu.memory_space<vmem>>) semaphore(%arg17 : memref<!tpu.dma_semaphore, #tpu.memory_space<semaphore_mem>>) {add = true}
      %dma_wait3A_1324 = arith.constant 0 : i32
      %dma_wait3A_1325 = arith.constant 15 : i32
      %dma_wait3A_1326 = arith.constant 0 : i32
      %dma_wait3A_1327 = arith.constant 3 : i32
      %dma_wait3A_1328 = arith.constant 0 : i32
      %dma_wait3A_1329 = arith.constant 0 : i32
      %dma_wait3A_1330 = tpu.memref_slice %arg8[%dma_wait3A_1327, %dma_wait3A_1328, %dma_wait3A_1329] : memref<4x128x64xf32, #tpu.memory_space<vmem>> -> memref<1x128x64xf32, #tpu.memory_space<vmem>>
      %dma_wait3A_1331 = tpu.memref_squeeze %dma_wait3A_1330 : memref<1x128x64xf32, #tpu.memory_space<vmem>> -> memref<128x64xf32, #tpu.memory_space<vmem>>
      %dma_wait3A_1332 = arith.constant 0 : i32
      %dma_wait3A_1333 = tpu.memref_slice %arg9[%dma_wait3A_1324, %dma_wait3A_1325, %dma_wait3A_1326, %dma_wait3A_1332] : memref<2x16x2x128xi32, #tpu.memory_space<vmem>> -> memref<1x1x1x128xi32, #tpu.memory_space<vmem>>
      %dma_wait3A_1334 = tpu.memref_squeeze %dma_wait3A_1333 : memref<1x1x1x128xi32, #tpu.memory_space<vmem>> -> memref<128xi32, #tpu.memory_space<vmem>>
      %dma_wait3A_1335 = arith.constant 0 : i32
      %dma_wait3A_1336 = arith.constant 0 : i32
      %dma_wait3A_1337 = tpu.memref_slice %arg6[%dma_wait3A_1335, %dma_wait3A_1336] : memref<10240x64xf32, #tpu.memory_space<vmem_shared>> -> memref<10240x64xf32, #tpu.memory_space<vmem_shared>>
      tpu.wait_indirect_dma semaphore(%arg14 : memref<!tpu.dma_semaphore, #tpu.memory_space<semaphore_mem>>) src(%dma_wait3A_1337 : memref<10240x64xf32, #tpu.memory_space<vmem_shared>>) dst(%dma_wait3A_1331 : memref<128x64xf32, #tpu.memory_space<vmem>>)
      %dma_start3A_1338 = arith.constant 3 : i32
      %dma_start3A_1339 = arith.constant 0 : i32
      %dma_start3A_1340 = arith.constant 15 : i32
      %dma_start3A_1341 = arith.constant 1 : i32
      %dma_start3A_1342 = arith.constant 0 : i32
      %dma_start3A_1343 = arith.constant 0 : i32
      %dma_start3A_1344 = tpu.memref_slice %arg8[%dma_start3A_1338, %dma_start3A_1342, %dma_start3A_1343] : memref<4x128x64xf32, #tpu.memory_space<vmem>> -> memref<1x128x64xf32, #tpu.memory_space<vmem>>
      %dma_start3A_1345 = tpu.memref_squeeze %dma_start3A_1344 : memref<1x128x64xf32, #tpu.memory_space<vmem>> -> memref<128x64xf32, #tpu.memory_space<vmem>>
      %dma_start3A_1346 = arith.constant 0 : i32
      %dma_start3A_1347 = tpu.memref_slice %arg9[%dma_start3A_1339, %dma_start3A_1340, %dma_start3A_1341, %dma_start3A_1346] : memref<2x16x2x128xi32, #tpu.memory_space<vmem>> -> memref<1x1x1x128xi32, #tpu.memory_space<vmem>>
      %dma_start3A_1348 = tpu.memref_squeeze %dma_start3A_1347 : memref<1x1x1x128xi32, #tpu.memory_space<vmem>> -> memref<128xi32, #tpu.memory_space<vmem>>
      %dma_start3A_1349 = arith.constant 0 : i32
      %dma_start3A_1350 = arith.constant 0 : i32
      %dma_start3A_1351 = tpu.memref_slice %arg7[%dma_start3A_1349, %dma_start3A_1350] : memref<10240x64xf32, #tpu.memory_space<vmem_shared>> -> memref<10240x64xf32, #tpu.memory_space<vmem_shared>>
      tpu.enqueue_indirect_dma source(%dma_start3A_1345 : memref<128x64xf32, #tpu.memory_space<vmem>>) target(%dma_start3A_1351 : memref<10240x64xf32, #tpu.memory_space<vmem_shared>>) offsets(%dma_start3A_1348 : memref<128xi32, #tpu.memory_space<vmem>>) semaphore(%arg18 : memref<!tpu.dma_semaphore, #tpu.memory_space<semaphore_mem>>) {add = true}
      %mul3A_1352 = arith.constant 2 : i32
      %mul3A_1353 = arith.muli %scan3A_444, %mul3A_1352 : i32
      %add3A_1354 = arith.constant 1 : i32
      %add3A_1355 = arith.addi %mul3A_1353, %add3A_1354 : i32
      %dma_wait3A_1356 = arith.constant 1 : i32
      %dma_wait3A_1357 = arith.constant 0 : i32
      %dma_wait3A_1358 = arith.constant 0 : i32
      %dma_wait3A_1359 = arith.constant 0 : i32
      %dma_wait3A_1360 = tpu.memref_slice %arg9[%dma_wait3A_1356, %dma_wait3A_1357, %dma_wait3A_1358, %dma_wait3A_1359] : memref<2x16x2x128xi32, #tpu.memory_space<vmem>> -> memref<1x16x2x128xi32, #tpu.memory_space<vmem>>
      %dma_wait3A_1361 = tpu.memref_squeeze %dma_wait3A_1360 : memref<1x16x2x128xi32, #tpu.memory_space<vmem>> -> memref<16x2x128xi32, #tpu.memory_space<vmem>>
      %dma_wait3A_1362 = arith.constant 0 : i32
      %dma_wait3A_1363 = arith.constant 0 : i32
      %dma_wait3A_1364 = arith.constant 0 : i32
      %dma_wait3A_1365 = tpu.memref_slice %arg3[%dma_wait3A_1362, %dma_wait3A_1363, %dma_wait3A_1364] : memref<2560x2x128xi32, #tpu.memory_space<hbm>> -> memref<16x2x128xi32, #tpu.memory_space<hbm>>
      %dma_wait3A_1366 = arith.constant 0 : i32
      %dma_wait3A_1367 = arith.constant 0 : i32
      %dma_wait3A_1368 = arith.constant 0 : i32
      %dma_wait3A_1369 = tpu.memref_slice %arg9[%dma_wait3A_1356, %dma_wait3A_1366, %dma_wait3A_1367, %dma_wait3A_1368] : memref<2x16x2x128xi32, #tpu.memory_space<vmem>> -> memref<1x16x2x128xi32, #tpu.memory_space<vmem>>
      %dma_wait3A_1370 = tpu.memref_squeeze %dma_wait3A_1369 : memref<1x16x2x128xi32, #tpu.memory_space<vmem>> -> memref<16x2x128xi32, #tpu.memory_space<vmem>>
      %dma_wait3A_1371 = arith.constant 0 : i32
      %dma_wait3A_1372 = arith.constant 0 : i32
      %dma_wait3A_1373 = arith.constant 0 : i32
      %dma_wait3A_1374 = tpu.memref_slice %arg3[%dma_wait3A_1371, %dma_wait3A_1372, %dma_wait3A_1373] : memref<2560x2x128xi32, #tpu.memory_space<hbm>> -> memref<16x2x128xi32, #tpu.memory_space<hbm>>
      tpu.wait_dma2 semaphore(%arg20 : memref<!tpu.dma_semaphore, #tpu.memory_space<semaphore_mem>>) src(%dma_wait3A_1374 : memref<16x2x128xi32, #tpu.memory_space<hbm>>) dst(%dma_wait3A_1370 : memref<16x2x128xi32, #tpu.memory_space<vmem>>)
      %mul3A_1375 = arith.constant 160 : i32
      %mul3A_1376 = arith.muli %arg1, %mul3A_1375 : i32
      %add3A_1377 = arith.constant 1 : i32
      %add3A_1378 = arith.addi %add3A_1355, %add3A_1377 : i32
      %mul3A_1379 = arith.constant 16 : i32
      %mul3A_1380 = arith.muli %add3A_1378, %mul3A_1379 : i32
      %add3A_1381 = arith.addi %mul3A_1376, %mul3A_1380 : i32
      %min3A_1382 = arith.constant 2544 : i32
      %min3A_1383 = arith.minsi %add3A_1381, %min3A_1382 : i32
      %dma_wait3A_1384 = arith.constant 0 : i32
      %dma_wait3A_1385 = arith.constant 0 : i32
      %dma_wait3A_1386 = arith.constant 0 : i32
      %dma_wait3A_1387 = arith.constant 1 : i32
      %dma_wait3A_1388 = arith.constant 0 : i32
      %dma_wait3A_1389 = arith.constant 0 : i32
      %dma_wait3A_1390 = tpu.memref_slice %arg8[%dma_wait3A_1384, %dma_wait3A_1388, %dma_wait3A_1389] : memref<4x128x64xf32, #tpu.memory_space<vmem>> -> memref<1x128x64xf32, #tpu.memory_space<vmem>>
      %dma_wait3A_1391 = tpu.memref_squeeze %dma_wait3A_1390 : memref<1x128x64xf32, #tpu.memory_space<vmem>> -> memref<128x64xf32, #tpu.memory_space<vmem>>
      %dma_wait3A_1392 = arith.constant 0 : i32
      %dma_wait3A_1393 = tpu.memref_slice %arg9[%dma_wait3A_1385, %dma_wait3A_1386, %dma_wait3A_1387, %dma_wait3A_1392] : memref<2x16x2x128xi32, #tpu.memory_space<vmem>> -> memref<1x1x1x128xi32, #tpu.memory_space<vmem>>
      %dma_wait3A_1394 = tpu.memref_squeeze %dma_wait3A_1393 : memref<1x1x1x128xi32, #tpu.memory_space<vmem>> -> memref<128xi32, #tpu.memory_space<vmem>>
      %dma_wait3A_1395 = arith.constant 0 : i32
      %dma_wait3A_1396 = arith.constant 0 : i32
      %dma_wait3A_1397 = tpu.memref_slice %arg7[%dma_wait3A_1395, %dma_wait3A_1396] : memref<10240x64xf32, #tpu.memory_space<vmem_shared>> -> memref<10240x64xf32, #tpu.memory_space<vmem_shared>>
      tpu.wait_indirect_dma semaphore(%arg15 : memref<!tpu.dma_semaphore, #tpu.memory_space<semaphore_mem>>) src(%dma_wait3A_1391 : memref<128x64xf32, #tpu.memory_space<vmem>>) dst(%dma_wait3A_1397 : memref<10240x64xf32, #tpu.memory_space<vmem_shared>>)
      %dma_start3A_1398 = arith.constant 1 : i32
      %dma_start3A_1399 = arith.constant 0 : i32
      %dma_start3A_1400 = arith.constant 0 : i32
      %dma_start3A_1401 = arith.constant 0 : i32
      %dma_start3A_1402 = arith.constant 0 : i32
      %dma_start3A_1403 = arith.constant 0 : i32
      %dma_start3A_1404 = tpu.memref_slice %arg8[%dma_start3A_1401, %dma_start3A_1402, %dma_start3A_1403] : memref<4x128x64xf32, #tpu.memory_space<vmem>> -> memref<1x128x64xf32, #tpu.memory_space<vmem>>
      %dma_start3A_1405 = tpu.memref_squeeze %dma_start3A_1404 : memref<1x128x64xf32, #tpu.memory_space<vmem>> -> memref<128x64xf32, #tpu.memory_space<vmem>>
      %dma_start3A_1406 = arith.constant 0 : i32
      %dma_start3A_1407 = tpu.memref_slice %arg9[%dma_start3A_1398, %dma_start3A_1399, %dma_start3A_1400, %dma_start3A_1406] : memref<2x16x2x128xi32, #tpu.memory_space<vmem>> -> memref<1x1x1x128xi32, #tpu.memory_space<vmem>>
      %dma_start3A_1408 = tpu.memref_squeeze %dma_start3A_1407 : memref<1x1x1x128xi32, #tpu.memory_space<vmem>> -> memref<128xi32, #tpu.memory_space<vmem>>
      %dma_start3A_1409 = arith.constant 0 : i32
      %dma_start3A_1410 = arith.constant 0 : i32
      %dma_start3A_1411 = tpu.memref_slice %arg6[%dma_start3A_1409, %dma_start3A_1410] : memref<10240x64xf32, #tpu.memory_space<vmem_shared>> -> memref<10240x64xf32, #tpu.memory_space<vmem_shared>>
      tpu.enqueue_indirect_dma source(%dma_start3A_1411 : memref<10240x64xf32, #tpu.memory_space<vmem_shared>>) target(%dma_start3A_1405 : memref<128x64xf32, #tpu.memory_space<vmem>>) offsets(%dma_start3A_1408 : memref<128xi32, #tpu.memory_space<vmem>>) semaphore(%arg11 : memref<!tpu.dma_semaphore, #tpu.memory_space<semaphore_mem>>)
      %dma_wait3A_1412 = arith.constant 1 : i32
      %dma_wait3A_1413 = arith.constant 0 : i32
      %dma_wait3A_1414 = arith.constant 0 : i32
      %dma_wait3A_1415 = arith.constant 1 : i32
      %dma_wait3A_1416 = arith.constant 0 : i32
      %dma_wait3A_1417 = arith.constant 0 : i32
      %dma_wait3A_1418 = tpu.memref_slice %arg8[%dma_wait3A_1412, %dma_wait3A_1416, %dma_wait3A_1417] : memref<4x128x64xf32, #tpu.memory_space<vmem>> -> memref<1x128x64xf32, #tpu.memory_space<vmem>>
      %dma_wait3A_1419 = tpu.memref_squeeze %dma_wait3A_1418 : memref<1x128x64xf32, #tpu.memory_space<vmem>> -> memref<128x64xf32, #tpu.memory_space<vmem>>
      %dma_wait3A_1420 = arith.constant 0 : i32
      %dma_wait3A_1421 = tpu.memref_slice %arg9[%dma_wait3A_1413, %dma_wait3A_1414, %dma_wait3A_1415, %dma_wait3A_1420] : memref<2x16x2x128xi32, #tpu.memory_space<vmem>> -> memref<1x1x1x128xi32, #tpu.memory_space<vmem>>
      %dma_wait3A_1422 = tpu.memref_squeeze %dma_wait3A_1421 : memref<1x1x1x128xi32, #tpu.memory_space<vmem>> -> memref<128xi32, #tpu.memory_space<vmem>>
      %dma_wait3A_1423 = arith.constant 0 : i32
      %dma_wait3A_1424 = arith.constant 0 : i32
      %dma_wait3A_1425 = tpu.memref_slice %arg7[%dma_wait3A_1423, %dma_wait3A_1424] : memref<10240x64xf32, #tpu.memory_space<vmem_shared>> -> memref<10240x64xf32, #tpu.memory_space<vmem_shared>>
      tpu.wait_indirect_dma semaphore(%arg16 : memref<!tpu.dma_semaphore, #tpu.memory_space<semaphore_mem>>) src(%dma_wait3A_1419 : memref<128x64xf32, #tpu.memory_space<vmem>>) dst(%dma_wait3A_1425 : memref<10240x64xf32, #tpu.memory_space<vmem_shared>>)
      %dma_start3A_1426 = arith.constant 1 : i32
      %dma_start3A_1427 = arith.constant 1 : i32
      %dma_start3A_1428 = arith.constant 0 : i32
      %dma_start3A_1429 = arith.constant 1 : i32
      %dma_start3A_1430 = arith.constant 0 : i32
      %dma_start3A_1431 = arith.constant 0 : i32
      %dma_start3A_1432 = tpu.memref_slice %arg8[%dma_start3A_1429, %dma_start3A_1430, %dma_start3A_1431] : memref<4x128x64xf32, #tpu.memory_space<vmem>> -> memref<1x128x64xf32, #tpu.memory_space<vmem>>
      %dma_start3A_1433 = tpu.memref_squeeze %dma_start3A_1432 : memref<1x128x64xf32, #tpu.memory_space<vmem>> -> memref<128x64xf32, #tpu.memory_space<vmem>>
      %dma_start3A_1434 = arith.constant 0 : i32
      %dma_start3A_1435 = tpu.memref_slice %arg9[%dma_start3A_1426, %dma_start3A_1427, %dma_start3A_1428, %dma_start3A_1434] : memref<2x16x2x128xi32, #tpu.memory_space<vmem>> -> memref<1x1x1x128xi32, #tpu.memory_space<vmem>>
      %dma_start3A_1436 = tpu.memref_squeeze %dma_start3A_1435 : memref<1x1x1x128xi32, #tpu.memory_space<vmem>> -> memref<128xi32, #tpu.memory_space<vmem>>
      %dma_start3A_1437 = arith.constant 0 : i32
      %dma_start3A_1438 = arith.constant 0 : i32
      %dma_start3A_1439 = tpu.memref_slice %arg6[%dma_start3A_1437, %dma_start3A_1438] : memref<10240x64xf32, #tpu.memory_space<vmem_shared>> -> memref<10240x64xf32, #tpu.memory_space<vmem_shared>>
      tpu.enqueue_indirect_dma source(%dma_start3A_1439 : memref<10240x64xf32, #tpu.memory_space<vmem_shared>>) target(%dma_start3A_1433 : memref<128x64xf32, #tpu.memory_space<vmem>>) offsets(%dma_start3A_1436 : memref<128xi32, #tpu.memory_space<vmem>>) semaphore(%arg12 : memref<!tpu.dma_semaphore, #tpu.memory_space<semaphore_mem>>)
      %dma_wait3A_1440 = arith.constant 1 : i32
      %dma_wait3A_1441 = arith.constant 0 : i32
      %dma_wait3A_1442 = arith.constant 0 : i32
      %dma_wait3A_1443 = arith.constant 0 : i32
      %dma_wait3A_1444 = arith.constant 0 : i32
      %dma_wait3A_1445 = arith.constant 0 : i32
      %dma_wait3A_1446 = tpu.memref_slice %arg8[%dma_wait3A_1443, %dma_wait3A_1444, %dma_wait3A_1445] : memref<4x128x64xf32, #tpu.memory_space<vmem>> -> memref<1x128x64xf32, #tpu.memory_space<vmem>>
      %dma_wait3A_1447 = tpu.memref_squeeze %dma_wait3A_1446 : memref<1x128x64xf32, #tpu.memory_space<vmem>> -> memref<128x64xf32, #tpu.memory_space<vmem>>
      %dma_wait3A_1448 = arith.constant 0 : i32
      %dma_wait3A_1449 = tpu.memref_slice %arg9[%dma_wait3A_1440, %dma_wait3A_1441, %dma_wait3A_1442, %dma_wait3A_1448] : memref<2x16x2x128xi32, #tpu.memory_space<vmem>> -> memref<1x1x1x128xi32, #tpu.memory_space<vmem>>
      %dma_wait3A_1450 = tpu.memref_squeeze %dma_wait3A_1449 : memref<1x1x1x128xi32, #tpu.memory_space<vmem>> -> memref<128xi32, #tpu.memory_space<vmem>>
      %dma_wait3A_1451 = arith.constant 0 : i32
      %dma_wait3A_1452 = arith.constant 0 : i32
      %dma_wait3A_1453 = tpu.memref_slice %arg6[%dma_wait3A_1451, %dma_wait3A_1452] : memref<10240x64xf32, #tpu.memory_space<vmem_shared>> -> memref<10240x64xf32, #tpu.memory_space<vmem_shared>>
      tpu.wait_indirect_dma semaphore(%arg11 : memref<!tpu.dma_semaphore, #tpu.memory_space<semaphore_mem>>) src(%dma_wait3A_1453 : memref<10240x64xf32, #tpu.memory_space<vmem_shared>>) dst(%dma_wait3A_1447 : memref<128x64xf32, #tpu.memory_space<vmem>>)
      %dma_start3A_1454 = arith.constant 0 : i32
      %dma_start3A_1455 = arith.constant 1 : i32
      %dma_start3A_1456 = arith.constant 0 : i32
      %dma_start3A_1457 = arith.constant 1 : i32
      %dma_start3A_1458 = arith.constant 0 : i32
      %dma_start3A_1459 = arith.constant 0 : i32
      %dma_start3A_1460 = tpu.memref_slice %arg8[%dma_start3A_1454, %dma_start3A_1458, %dma_start3A_1459] : memref<4x128x64xf32, #tpu.memory_space<vmem>> -> memref<1x128x64xf32, #tpu.memory_space<vmem>>
      %dma_start3A_1461 = tpu.memref_squeeze %dma_start3A_1460 : memref<1x128x64xf32, #tpu.memory_space<vmem>> -> memref<128x64xf32, #tpu.memory_space<vmem>>
      %dma_start3A_1462 = arith.constant 0 : i32
      %dma_start3A_1463 = tpu.memref_slice %arg9[%dma_start3A_1455, %dma_start3A_1456, %dma_start3A_1457, %dma_start3A_1462] : memref<2x16x2x128xi32, #tpu.memory_space<vmem>> -> memref<1x1x1x128xi32, #tpu.memory_space<vmem>>
      %dma_start3A_1464 = tpu.memref_squeeze %dma_start3A_1463 : memref<1x1x1x128xi32, #tpu.memory_space<vmem>> -> memref<128xi32, #tpu.memory_space<vmem>>
      %dma_start3A_1465 = arith.constant 0 : i32
      %dma_start3A_1466 = arith.constant 0 : i32
      %dma_start3A_1467 = tpu.memref_slice %arg7[%dma_start3A_1465, %dma_start3A_1466] : memref<10240x64xf32, #tpu.memory_space<vmem_shared>> -> memref<10240x64xf32, #tpu.memory_space<vmem_shared>>
      tpu.enqueue_indirect_dma source(%dma_start3A_1461 : memref<128x64xf32, #tpu.memory_space<vmem>>) target(%dma_start3A_1467 : memref<10240x64xf32, #tpu.memory_space<vmem_shared>>) offsets(%dma_start3A_1464 : memref<128xi32, #tpu.memory_space<vmem>>) semaphore(%arg15 : memref<!tpu.dma_semaphore, #tpu.memory_space<semaphore_mem>>) {add = true}
      %dma_wait3A_1468 = arith.constant 2 : i32
      %dma_wait3A_1469 = arith.constant 0 : i32
      %dma_wait3A_1470 = arith.constant 0 : i32
      %dma_wait3A_1471 = arith.constant 1 : i32
      %dma_wait3A_1472 = arith.constant 0 : i32
      %dma_wait3A_1473 = arith.constant 0 : i32
      %dma_wait3A_1474 = tpu.memref_slice %arg8[%dma_wait3A_1468, %dma_wait3A_1472, %dma_wait3A_1473] : memref<4x128x64xf32, #tpu.memory_space<vmem>> -> memref<1x128x64xf32, #tpu.memory_space<vmem>>
      %dma_wait3A_1475 = tpu.memref_squeeze %dma_wait3A_1474 : memref<1x128x64xf32, #tpu.memory_space<vmem>> -> memref<128x64xf32, #tpu.memory_space<vmem>>
      %dma_wait3A_1476 = arith.constant 0 : i32
      %dma_wait3A_1477 = tpu.memref_slice %arg9[%dma_wait3A_1469, %dma_wait3A_1470, %dma_wait3A_1471, %dma_wait3A_1476] : memref<2x16x2x128xi32, #tpu.memory_space<vmem>> -> memref<1x1x1x128xi32, #tpu.memory_space<vmem>>
      %dma_wait3A_1478 = tpu.memref_squeeze %dma_wait3A_1477 : memref<1x1x1x128xi32, #tpu.memory_space<vmem>> -> memref<128xi32, #tpu.memory_space<vmem>>
      %dma_wait3A_1479 = arith.constant 0 : i32
      %dma_wait3A_1480 = arith.constant 0 : i32
      %dma_wait3A_1481 = tpu.memref_slice %arg7[%dma_wait3A_1479, %dma_wait3A_1480] : memref<10240x64xf32, #tpu.memory_space<vmem_shared>> -> memref<10240x64xf32, #tpu.memory_space<vmem_shared>>
      tpu.wait_indirect_dma semaphore(%arg17 : memref<!tpu.dma_semaphore, #tpu.memory_space<semaphore_mem>>) src(%dma_wait3A_1475 : memref<128x64xf32, #tpu.memory_space<vmem>>) dst(%dma_wait3A_1481 : memref<10240x64xf32, #tpu.memory_space<vmem_shared>>)
      %dma_start3A_1482 = arith.constant 1 : i32
      %dma_start3A_1483 = arith.constant 2 : i32
      %dma_start3A_1484 = arith.constant 0 : i32
      %dma_start3A_1485 = arith.constant 2 : i32
      %dma_start3A_1486 = arith.constant 0 : i32
      %dma_start3A_1487 = arith.constant 0 : i32
      %dma_start3A_1488 = tpu.memref_slice %arg8[%dma_start3A_1485, %dma_start3A_1486, %dma_start3A_1487] : memref<4x128x64xf32, #tpu.memory_space<vmem>> -> memref<1x128x64xf32, #tpu.memory_space<vmem>>
      %dma_start3A_1489 = tpu.memref_squeeze %dma_start3A_1488 : memref<1x128x64xf32, #tpu.memory_space<vmem>> -> memref<128x64xf32, #tpu.memory_space<vmem>>
      %dma_start3A_1490 = arith.constant 0 : i32
      %dma_start3A_1491 = tpu.memref_slice %arg9[%dma_start3A_1482, %dma_start3A_1483, %dma_start3A_1484, %dma_start3A_1490] : memref<2x16x2x128xi32, #tpu.memory_space<vmem>> -> memref<1x1x1x128xi32, #tpu.memory_space<vmem>>
      %dma_start3A_1492 = tpu.memref_squeeze %dma_start3A_1491 : memref<1x1x1x128xi32, #tpu.memory_space<vmem>> -> memref<128xi32, #tpu.memory_space<vmem>>
      %dma_start3A_1493 = arith.constant 0 : i32
      %dma_start3A_1494 = arith.constant 0 : i32
      %dma_start3A_1495 = tpu.memref_slice %arg6[%dma_start3A_1493, %dma_start3A_1494] : memref<10240x64xf32, #tpu.memory_space<vmem_shared>> -> memref<10240x64xf32, #tpu.memory_space<vmem_shared>>
      tpu.enqueue_indirect_dma source(%dma_start3A_1495 : memref<10240x64xf32, #tpu.memory_space<vmem_shared>>) target(%dma_start3A_1489 : memref<128x64xf32, #tpu.memory_space<vmem>>) offsets(%dma_start3A_1492 : memref<128xi32, #tpu.memory_space<vmem>>) semaphore(%arg13 : memref<!tpu.dma_semaphore, #tpu.memory_space<semaphore_mem>>)
      %dma_wait3A_1496 = arith.constant 1 : i32
      %dma_wait3A_1497 = arith.constant 1 : i32
      %dma_wait3A_1498 = arith.constant 0 : i32
      %dma_wait3A_1499 = arith.constant 1 : i32
      %dma_wait3A_1500 = arith.constant 0 : i32
      %dma_wait3A_1501 = arith.constant 0 : i32
      %dma_wait3A_1502 = tpu.memref_slice %arg8[%dma_wait3A_1499, %dma_wait3A_1500, %dma_wait3A_1501] : memref<4x128x64xf32, #tpu.memory_space<vmem>> -> memref<1x128x64xf32, #tpu.memory_space<vmem>>
      %dma_wait3A_1503 = tpu.memref_squeeze %dma_wait3A_1502 : memref<1x128x64xf32, #tpu.memory_space<vmem>> -> memref<128x64xf32, #tpu.memory_space<vmem>>
      %dma_wait3A_1504 = arith.constant 0 : i32
      %dma_wait3A_1505 = tpu.memref_slice %arg9[%dma_wait3A_1496, %dma_wait3A_1497, %dma_wait3A_1498, %dma_wait3A_1504] : memref<2x16x2x128xi32, #tpu.memory_space<vmem>> -> memref<1x1x1x128xi32, #tpu.memory_space<vmem>>
      %dma_wait3A_1506 = tpu.memref_squeeze %dma_wait3A_1505 : memref<1x1x1x128xi32, #tpu.memory_space<vmem>> -> memref<128xi32, #tpu.memory_space<vmem>>
      %dma_wait3A_1507 = arith.constant 0 : i32
      %dma_wait3A_1508 = arith.constant 0 : i32
      %dma_wait3A_1509 = tpu.memref_slice %arg6[%dma_wait3A_1507, %dma_wait3A_1508] : memref<10240x64xf32, #tpu.memory_space<vmem_shared>> -> memref<10240x64xf32, #tpu.memory_space<vmem_shared>>
      tpu.wait_indirect_dma semaphore(%arg12 : memref<!tpu.dma_semaphore, #tpu.memory_space<semaphore_mem>>) src(%dma_wait3A_1509 : memref<10240x64xf32, #tpu.memory_space<vmem_shared>>) dst(%dma_wait3A_1503 : memref<128x64xf32, #tpu.memory_space<vmem>>)
      %dma_start3A_1510 = arith.constant 1 : i32
      %dma_start3A_1511 = arith.constant 1 : i32
      %dma_start3A_1512 = arith.constant 1 : i32
      %dma_start3A_1513 = arith.constant 1 : i32
      %dma_start3A_1514 = arith.constant 0 : i32
      %dma_start3A_1515 = arith.constant 0 : i32
      %dma_start3A_1516 = tpu.memref_slice %arg8[%dma_start3A_1510, %dma_start3A_1514, %dma_start3A_1515] : memref<4x128x64xf32, #tpu.memory_space<vmem>> -> memref<1x128x64xf32, #tpu.memory_space<vmem>>
      %dma_start3A_1517 = tpu.memref_squeeze %dma_start3A_1516 : memref<1x128x64xf32, #tpu.memory_space<vmem>> -> memref<128x64xf32, #tpu.memory_space<vmem>>
      %dma_start3A_1518 = arith.constant 0 : i32
      %dma_start3A_1519 = tpu.memref_slice %arg9[%dma_start3A_1511, %dma_start3A_1512, %dma_start3A_1513, %dma_start3A_1518] : memref<2x16x2x128xi32, #tpu.memory_space<vmem>> -> memref<1x1x1x128xi32, #tpu.memory_space<vmem>>
      %dma_start3A_1520 = tpu.memref_squeeze %dma_start3A_1519 : memref<1x1x1x128xi32, #tpu.memory_space<vmem>> -> memref<128xi32, #tpu.memory_space<vmem>>
      %dma_start3A_1521 = arith.constant 0 : i32
      %dma_start3A_1522 = arith.constant 0 : i32
      %dma_start3A_1523 = tpu.memref_slice %arg7[%dma_start3A_1521, %dma_start3A_1522] : memref<10240x64xf32, #tpu.memory_space<vmem_shared>> -> memref<10240x64xf32, #tpu.memory_space<vmem_shared>>
      tpu.enqueue_indirect_dma source(%dma_start3A_1517 : memref<128x64xf32, #tpu.memory_space<vmem>>) target(%dma_start3A_1523 : memref<10240x64xf32, #tpu.memory_space<vmem_shared>>) offsets(%dma_start3A_1520 : memref<128xi32, #tpu.memory_space<vmem>>) semaphore(%arg16 : memref<!tpu.dma_semaphore, #tpu.memory_space<semaphore_mem>>) {add = true}
      %dma_wait3A_1524 = arith.constant 3 : i32
      %dma_wait3A_1525 = arith.constant 0 : i32
      %dma_wait3A_1526 = arith.constant 0 : i32
      %dma_wait3A_1527 = arith.constant 1 : i32
      %dma_wait3A_1528 = arith.constant 0 : i32
      %dma_wait3A_1529 = arith.constant 0 : i32
      %dma_wait3A_1530 = tpu.memref_slice %arg8[%dma_wait3A_1524, %dma_wait3A_1528, %dma_wait3A_1529] : memref<4x128x64xf32, #tpu.memory_space<vmem>> -> memref<1x128x64xf32, #tpu.memory_space<vmem>>
      %dma_wait3A_1531 = tpu.memref_squeeze %dma_wait3A_1530 : memref<1x128x64xf32, #tpu.memory_space<vmem>> -> memref<128x64xf32, #tpu.memory_space<vmem>>
      %dma_wait3A_1532 = arith.constant 0 : i32
      %dma_wait3A_1533 = tpu.memref_slice %arg9[%dma_wait3A_1525, %dma_wait3A_1526, %dma_wait3A_1527, %dma_wait3A_1532] : memref<2x16x2x128xi32, #tpu.memory_space<vmem>> -> memref<1x1x1x128xi32, #tpu.memory_space<vmem>>
      %dma_wait3A_1534 = tpu.memref_squeeze %dma_wait3A_1533 : memref<1x1x1x128xi32, #tpu.memory_space<vmem>> -> memref<128xi32, #tpu.memory_space<vmem>>
      %dma_wait3A_1535 = arith.constant 0 : i32
      %dma_wait3A_1536 = arith.constant 0 : i32
      %dma_wait3A_1537 = tpu.memref_slice %arg7[%dma_wait3A_1535, %dma_wait3A_1536] : memref<10240x64xf32, #tpu.memory_space<vmem_shared>> -> memref<10240x64xf32, #tpu.memory_space<vmem_shared>>
      tpu.wait_indirect_dma semaphore(%arg18 : memref<!tpu.dma_semaphore, #tpu.memory_space<semaphore_mem>>) src(%dma_wait3A_1531 : memref<128x64xf32, #tpu.memory_space<vmem>>) dst(%dma_wait3A_1537 : memref<10240x64xf32, #tpu.memory_space<vmem_shared>>)
      %dma_start3A_1538 = arith.constant 1 : i32
      %dma_start3A_1539 = arith.constant 3 : i32
      %dma_start3A_1540 = arith.constant 0 : i32
      %dma_start3A_1541 = arith.constant 3 : i32
      %dma_start3A_1542 = arith.constant 0 : i32
      %dma_start3A_1543 = arith.constant 0 : i32
      %dma_start3A_1544 = tpu.memref_slice %arg8[%dma_start3A_1541, %dma_start3A_1542, %dma_start3A_1543] : memref<4x128x64xf32, #tpu.memory_space<vmem>> -> memref<1x128x64xf32, #tpu.memory_space<vmem>>
      %dma_start3A_1545 = tpu.memref_squeeze %dma_start3A_1544 : memref<1x128x64xf32, #tpu.memory_space<vmem>> -> memref<128x64xf32, #tpu.memory_space<vmem>>
      %dma_start3A_1546 = arith.constant 0 : i32
      %dma_start3A_1547 = tpu.memref_slice %arg9[%dma_start3A_1538, %dma_start3A_1539, %dma_start3A_1540, %dma_start3A_1546] : memref<2x16x2x128xi32, #tpu.memory_space<vmem>> -> memref<1x1x1x128xi32, #tpu.memory_space<vmem>>
      %dma_start3A_1548 = tpu.memref_squeeze %dma_start3A_1547 : memref<1x1x1x128xi32, #tpu.memory_space<vmem>> -> memref<128xi32, #tpu.memory_space<vmem>>
      %dma_start3A_1549 = arith.constant 0 : i32
      %dma_start3A_1550 = arith.constant 0 : i32
      %dma_start3A_1551 = tpu.memref_slice %arg6[%dma_start3A_1549, %dma_start3A_1550] : memref<10240x64xf32, #tpu.memory_space<vmem_shared>> -> memref<10240x64xf32, #tpu.memory_space<vmem_shared>>
      tpu.enqueue_indirect_dma source(%dma_start3A_1551 : memref<10240x64xf32, #tpu.memory_space<vmem_shared>>) target(%dma_start3A_1545 : memref<128x64xf32, #tpu.memory_space<vmem>>) offsets(%dma_start3A_1548 : memref<128xi32, #tpu.memory_space<vmem>>) semaphore(%arg14 : memref<!tpu.dma_semaphore, #tpu.memory_space<semaphore_mem>>)
      %dma_wait3A_1552 = arith.constant 1 : i32
      %dma_wait3A_1553 = arith.constant 2 : i32
      %dma_wait3A_1554 = arith.constant 0 : i32
      %dma_wait3A_1555 = arith.constant 2 : i32
      %dma_wait3A_1556 = arith.constant 0 : i32
      %dma_wait3A_1557 = arith.constant 0 : i32
      %dma_wait3A_1558 = tpu.memref_slice %arg8[%dma_wait3A_1555, %dma_wait3A_1556, %dma_wait3A_1557] : memref<4x128x64xf32, #tpu.memory_space<vmem>> -> memref<1x128x64xf32, #tpu.memory_space<vmem>>
      %dma_wait3A_1559 = tpu.memref_squeeze %dma_wait3A_1558 : memref<1x128x64xf32, #tpu.memory_space<vmem>> -> memref<128x64xf32, #tpu.memory_space<vmem>>
      %dma_wait3A_1560 = arith.constant 0 : i32
      %dma_wait3A_1561 = tpu.memref_slice %arg9[%dma_wait3A_1552, %dma_wait3A_1553, %dma_wait3A_1554, %dma_wait3A_1560] : memref<2x16x2x128xi32, #tpu.memory_space<vmem>> -> memref<1x1x1x128xi32, #tpu.memory_space<vmem>>
      %dma_wait3A_1562 = tpu.memref_squeeze %dma_wait3A_1561 : memref<1x1x1x128xi32, #tpu.memory_space<vmem>> -> memref<128xi32, #tpu.memory_space<vmem>>
      %dma_wait3A_1563 = arith.constant 0 : i32
      %dma_wait3A_1564 = arith.constant 0 : i32
      %dma_wait3A_1565 = tpu.memref_slice %arg6[%dma_wait3A_1563, %dma_wait3A_1564] : memref<10240x64xf32, #tpu.memory_space<vmem_shared>> -> memref<10240x64xf32, #tpu.memory_space<vmem_shared>>
      tpu.wait_indirect_dma semaphore(%arg13 : memref<!tpu.dma_semaphore, #tpu.memory_space<semaphore_mem>>) src(%dma_wait3A_1565 : memref<10240x64xf32, #tpu.memory_space<vmem_shared>>) dst(%dma_wait3A_1559 : memref<128x64xf32, #tpu.memory_space<vmem>>)
      %dma_start3A_1566 = arith.constant 2 : i32
      %dma_start3A_1567 = arith.constant 1 : i32
      %dma_start3A_1568 = arith.constant 2 : i32
      %dma_start3A_1569 = arith.constant 1 : i32
      %dma_start3A_1570 = arith.constant 0 : i32
      %dma_start3A_1571 = arith.constant 0 : i32
      %dma_start3A_1572 = tpu.memref_slice %arg8[%dma_start3A_1566, %dma_start3A_1570, %dma_start3A_1571] : memref<4x128x64xf32, #tpu.memory_space<vmem>> -> memref<1x128x64xf32, #tpu.memory_space<vmem>>
      %dma_start3A_1573 = tpu.memref_squeeze %dma_start3A_1572 : memref<1x128x64xf32, #tpu.memory_space<vmem>> -> memref<128x64xf32, #tpu.memory_space<vmem>>
      %dma_start3A_1574 = arith.constant 0 : i32
      %dma_start3A_1575 = tpu.memref_slice %arg9[%dma_start3A_1567, %dma_start3A_1568, %dma_start3A_1569, %dma_start3A_1574] : memref<2x16x2x128xi32, #tpu.memory_space<vmem>> -> memref<1x1x1x128xi32, #tpu.memory_space<vmem>>
      %dma_start3A_1576 = tpu.memref_squeeze %dma_start3A_1575 : memref<1x1x1x128xi32, #tpu.memory_space<vmem>> -> memref<128xi32, #tpu.memory_space<vmem>>
      %dma_start3A_1577 = arith.constant 0 : i32
      %dma_start3A_1578 = arith.constant 0 : i32
      %dma_start3A_1579 = tpu.memref_slice %arg7[%dma_start3A_1577, %dma_start3A_1578] : memref<10240x64xf32, #tpu.memory_space<vmem_shared>> -> memref<10240x64xf32, #tpu.memory_space<vmem_shared>>
      tpu.enqueue_indirect_dma source(%dma_start3A_1573 : memref<128x64xf32, #tpu.memory_space<vmem>>) target(%dma_start3A_1579 : memref<10240x64xf32, #tpu.memory_space<vmem_shared>>) offsets(%dma_start3A_1576 : memref<128xi32, #tpu.memory_space<vmem>>) semaphore(%arg17 : memref<!tpu.dma_semaphore, #tpu.memory_space<semaphore_mem>>) {add = true}
      %dma_wait3A_1580 = arith.constant 0 : i32
      %dma_wait3A_1581 = arith.constant 0 : i32
      %dma_wait3A_1582 = arith.constant 0 : i32
      %dma_wait3A_1583 = arith.constant 1 : i32
      %dma_wait3A_1584 = arith.constant 0 : i32
      %dma_wait3A_1585 = arith.constant 0 : i32
      %dma_wait3A_1586 = tpu.memref_slice %arg8[%dma_wait3A_1580, %dma_wait3A_1584, %dma_wait3A_1585] : memref<4x128x64xf32, #tpu.memory_space<vmem>> -> memref<1x128x64xf32, #tpu.memory_space<vmem>>
      %dma_wait3A_1587 = tpu.memref_squeeze %dma_wait3A_1586 : memref<1x128x64xf32, #tpu.memory_space<vmem>> -> memref<128x64xf32, #tpu.memory_space<vmem>>
      %dma_wait3A_1588 = arith.constant 0 : i32
      %dma_wait3A_1589 = tpu.memref_slice %arg9[%dma_wait3A_1581, %dma_wait3A_1582, %dma_wait3A_1583, %dma_wait3A_1588] : memref<2x16x2x128xi32, #tpu.memory_space<vmem>> -> memref<1x1x1x128xi32, #tpu.memory_space<vmem>>
      %dma_wait3A_1590 = tpu.memref_squeeze %dma_wait3A_1589 : memref<1x1x1x128xi32, #tpu.memory_space<vmem>> -> memref<128xi32, #tpu.memory_space<vmem>>
      %dma_wait3A_1591 = arith.constant 0 : i32
      %dma_wait3A_1592 = arith.constant 0 : i32
      %dma_wait3A_1593 = tpu.memref_slice %arg7[%dma_wait3A_1591, %dma_wait3A_1592] : memref<10240x64xf32, #tpu.memory_space<vmem_shared>> -> memref<10240x64xf32, #tpu.memory_space<vmem_shared>>
      tpu.wait_indirect_dma semaphore(%arg15 : memref<!tpu.dma_semaphore, #tpu.memory_space<semaphore_mem>>) src(%dma_wait3A_1587 : memref<128x64xf32, #tpu.memory_space<vmem>>) dst(%dma_wait3A_1593 : memref<10240x64xf32, #tpu.memory_space<vmem_shared>>)
      %dma_start3A_1594 = arith.constant 0 : i32
      %dma_start3A_1595 = arith.constant 0 : i32
      %dma_start3A_1596 = arith.constant 0 : i32
      %dma_start3A_1597 = arith.constant 0 : i32
      %dma_start3A_1598 = tpu.memref_slice %arg9[%dma_start3A_1594, %dma_start3A_1595, %dma_start3A_1596, %dma_start3A_1597] : memref<2x16x2x128xi32, #tpu.memory_space<vmem>> -> memref<1x16x2x128xi32, #tpu.memory_space<vmem>>
      %dma_start3A_1599 = tpu.memref_squeeze %dma_start3A_1598 : memref<1x16x2x128xi32, #tpu.memory_space<vmem>> -> memref<16x2x128xi32, #tpu.memory_space<vmem>>
      %dma_start3A_1600 = arith.constant 0 : i32
      %dma_start3A_1601 = arith.constant 0 : i32
      %dma_start3A_1602 = tpu.memref_slice %arg3[%min3A_1383, %dma_start3A_1600, %dma_start3A_1601] : memref<2560x2x128xi32, #tpu.memory_space<hbm>> -> memref<16x2x128xi32, #tpu.memory_space<hbm>>
      %dma_start3A_1603 = arith.constant 0 : i32
      %dma_start3A_1604 = arith.constant 0 : i32
      %dma_start3A_1605 = arith.constant 0 : i32
      %dma_start3A_1606 = tpu.memref_slice %arg9[%dma_start3A_1594, %dma_start3A_1603, %dma_start3A_1604, %dma_start3A_1605] : memref<2x16x2x128xi32, #tpu.memory_space<vmem>> -> memref<1x16x2x128xi32, #tpu.memory_space<vmem>>
      %dma_start3A_1607 = tpu.memref_squeeze %dma_start3A_1606 : memref<1x16x2x128xi32, #tpu.memory_space<vmem>> -> memref<16x2x128xi32, #tpu.memory_space<vmem>>
      %dma_start3A_1608 = arith.constant 0 : i32
      %dma_start3A_1609 = arith.constant 0 : i32
      %dma_start3A_1610 = tpu.memref_slice %arg3[%min3A_1383, %dma_start3A_1608, %dma_start3A_1609] : memref<2560x2x128xi32, #tpu.memory_space<hbm>> -> memref<16x2x128xi32, #tpu.memory_space<hbm>>
      tpu.enqueue_dma source(%dma_start3A_1610 : memref<16x2x128xi32, #tpu.memory_space<hbm>>) target(%dma_start3A_1607 : memref<16x2x128xi32, #tpu.memory_space<vmem>>) target_semaphore(%arg19 : memref<!tpu.dma_semaphore, #tpu.memory_space<semaphore_mem>>)
      %dma_start3A_1611 = arith.constant 1 : i32
      %dma_start3A_1612 = arith.constant 4 : i32
      %dma_start3A_1613 = arith.constant 0 : i32
      %dma_start3A_1614 = arith.constant 0 : i32
      %dma_start3A_1615 = arith.constant 0 : i32
      %dma_start3A_1616 = arith.constant 0 : i32
      %dma_start3A_1617 = tpu.memref_slice %arg8[%dma_start3A_1614, %dma_start3A_1615, %dma_start3A_1616] : memref<4x128x64xf32, #tpu.memory_space<vmem>> -> memref<1x128x64xf32, #tpu.memory_space<vmem>>
      %dma_start3A_1618 = tpu.memref_squeeze %dma_start3A_1617 : memref<1x128x64xf32, #tpu.memory_space<vmem>> -> memref<128x64xf32, #tpu.memory_space<vmem>>
      %dma_start3A_1619 = arith.constant 0 : i32
      %dma_start3A_1620 = tpu.memref_slice %arg9[%dma_start3A_1611, %dma_start3A_1612, %dma_start3A_1613, %dma_start3A_1619] : memref<2x16x2x128xi32, #tpu.memory_space<vmem>> -> memref<1x1x1x128xi32, #tpu.memory_space<vmem>>
      %dma_start3A_1621 = tpu.memref_squeeze %dma_start3A_1620 : memref<1x1x1x128xi32, #tpu.memory_space<vmem>> -> memref<128xi32, #tpu.memory_space<vmem>>
      %dma_start3A_1622 = arith.constant 0 : i32
      %dma_start3A_1623 = arith.constant 0 : i32
      %dma_start3A_1624 = tpu.memref_slice %arg6[%dma_start3A_1622, %dma_start3A_1623] : memref<10240x64xf32, #tpu.memory_space<vmem_shared>> -> memref<10240x64xf32, #tpu.memory_space<vmem_shared>>
      tpu.enqueue_indirect_dma source(%dma_start3A_1624 : memref<10240x64xf32, #tpu.memory_space<vmem_shared>>) target(%dma_start3A_1618 : memref<128x64xf32, #tpu.memory_space<vmem>>) offsets(%dma_start3A_1621 : memref<128xi32, #tpu.memory_space<vmem>>) semaphore(%arg11 : memref<!tpu.dma_semaphore, #tpu.memory_space<semaphore_mem>>)
      %dma_wait3A_1625 = arith.constant 1 : i32
      %dma_wait3A_1626 = arith.constant 3 : i32
      %dma_wait3A_1627 = arith.constant 0 : i32
      %dma_wait3A_1628 = arith.constant 3 : i32
      %dma_wait3A_1629 = arith.constant 0 : i32
      %dma_wait3A_1630 = arith.constant 0 : i32
      %dma_wait3A_1631 = tpu.memref_slice %arg8[%dma_wait3A_1628, %dma_wait3A_1629, %dma_wait3A_1630] : memref<4x128x64xf32, #tpu.memory_space<vmem>> -> memref<1x128x64xf32, #tpu.memory_space<vmem>>
      %dma_wait3A_1632 = tpu.memref_squeeze %dma_wait3A_1631 : memref<1x128x64xf32, #tpu.memory_space<vmem>> -> memref<128x64xf32, #tpu.memory_space<vmem>>
      %dma_wait3A_1633 = arith.constant 0 : i32
      %dma_wait3A_1634 = tpu.memref_slice %arg9[%dma_wait3A_1625, %dma_wait3A_1626, %dma_wait3A_1627, %dma_wait3A_1633] : memref<2x16x2x128xi32, #tpu.memory_space<vmem>> -> memref<1x1x1x128xi32, #tpu.memory_space<vmem>>
      %dma_wait3A_1635 = tpu.memref_squeeze %dma_wait3A_1634 : memref<1x1x1x128xi32, #tpu.memory_space<vmem>> -> memref<128xi32, #tpu.memory_space<vmem>>
      %dma_wait3A_1636 = arith.constant 0 : i32
      %dma_wait3A_1637 = arith.constant 0 : i32
      %dma_wait3A_1638 = tpu.memref_slice %arg6[%dma_wait3A_1636, %dma_wait3A_1637] : memref<10240x64xf32, #tpu.memory_space<vmem_shared>> -> memref<10240x64xf32, #tpu.memory_space<vmem_shared>>
      tpu.wait_indirect_dma semaphore(%arg14 : memref<!tpu.dma_semaphore, #tpu.memory_space<semaphore_mem>>) src(%dma_wait3A_1638 : memref<10240x64xf32, #tpu.memory_space<vmem_shared>>) dst(%dma_wait3A_1632 : memref<128x64xf32, #tpu.memory_space<vmem>>)
      %dma_start3A_1639 = arith.constant 3 : i32
      %dma_start3A_1640 = arith.constant 1 : i32
      %dma_start3A_1641 = arith.constant 3 : i32
      %dma_start3A_1642 = arith.constant 1 : i32
      %dma_start3A_1643 = arith.constant 0 : i32
      %dma_start3A_1644 = arith.constant 0 : i32
      %dma_start3A_1645 = tpu.memref_slice %arg8[%dma_start3A_1639, %dma_start3A_1643, %dma_start3A_1644] : memref<4x128x64xf32, #tpu.memory_space<vmem>> -> memref<1x128x64xf32, #tpu.memory_space<vmem>>
      %dma_start3A_1646 = tpu.memref_squeeze %dma_start3A_1645 : memref<1x128x64xf32, #tpu.memory_space<vmem>> -> memref<128x64xf32, #tpu.memory_space<vmem>>
      %dma_start3A_1647 = arith.constant 0 : i32
      %dma_start3A_1648 = tpu.memref_slice %arg9[%dma_start3A_1640, %dma_start3A_1641, %dma_start3A_1642, %dma_start3A_1647] : memref<2x16x2x128xi32, #tpu.memory_space<vmem>> -> memref<1x1x1x128xi32, #tpu.memory_space<vmem>>
      %dma_start3A_1649 = tpu.memref_squeeze %dma_start3A_1648 : memref<1x1x1x128xi32, #tpu.memory_space<vmem>> -> memref<128xi32, #tpu.memory_space<vmem>>
      %dma_start3A_1650 = arith.constant 0 : i32
      %dma_start3A_1651 = arith.constant 0 : i32
      %dma_start3A_1652 = tpu.memref_slice %arg7[%dma_start3A_1650, %dma_start3A_1651] : memref<10240x64xf32, #tpu.memory_space<vmem_shared>> -> memref<10240x64xf32, #tpu.memory_space<vmem_shared>>
      tpu.enqueue_indirect_dma source(%dma_start3A_1646 : memref<128x64xf32, #tpu.memory_space<vmem>>) target(%dma_start3A_1652 : memref<10240x64xf32, #tpu.memory_space<vmem_shared>>) offsets(%dma_start3A_1649 : memref<128xi32, #tpu.memory_space<vmem>>) semaphore(%arg18 : memref<!tpu.dma_semaphore, #tpu.memory_space<semaphore_mem>>) {add = true}
      %dma_wait3A_1653 = arith.constant 1 : i32
      %dma_wait3A_1654 = arith.constant 0 : i32
      %dma_wait3A_1655 = arith.constant 0 : i32
      %dma_wait3A_1656 = arith.constant 1 : i32
      %dma_wait3A_1657 = arith.constant 0 : i32
      %dma_wait3A_1658 = arith.constant 0 : i32
      %dma_wait3A_1659 = tpu.memref_slice %arg8[%dma_wait3A_1653, %dma_wait3A_1657, %dma_wait3A_1658] : memref<4x128x64xf32, #tpu.memory_space<vmem>> -> memref<1x128x64xf32, #tpu.memory_space<vmem>>
      %dma_wait3A_1660 = tpu.memref_squeeze %dma_wait3A_1659 : memref<1x128x64xf32, #tpu.memory_space<vmem>> -> memref<128x64xf32, #tpu.memory_space<vmem>>
      %dma_wait3A_1661 = arith.constant 0 : i32
      %dma_wait3A_1662 = tpu.memref_slice %arg9[%dma_wait3A_1654, %dma_wait3A_1655, %dma_wait3A_1656, %dma_wait3A_1661] : memref<2x16x2x128xi32, #tpu.memory_space<vmem>> -> memref<1x1x1x128xi32, #tpu.memory_space<vmem>>
      %dma_wait3A_1663 = tpu.memref_squeeze %dma_wait3A_1662 : memref<1x1x1x128xi32, #tpu.memory_space<vmem>> -> memref<128xi32, #tpu.memory_space<vmem>>
      %dma_wait3A_1664 = arith.constant 0 : i32
      %dma_wait3A_1665 = arith.constant 0 : i32
      %dma_wait3A_1666 = tpu.memref_slice %arg7[%dma_wait3A_1664, %dma_wait3A_1665] : memref<10240x64xf32, #tpu.memory_space<vmem_shared>> -> memref<10240x64xf32, #tpu.memory_space<vmem_shared>>
      tpu.wait_indirect_dma semaphore(%arg16 : memref<!tpu.dma_semaphore, #tpu.memory_space<semaphore_mem>>) src(%dma_wait3A_1660 : memref<128x64xf32, #tpu.memory_space<vmem>>) dst(%dma_wait3A_1666 : memref<10240x64xf32, #tpu.memory_space<vmem_shared>>)
      %dma_start3A_1667 = arith.constant 1 : i32
      %dma_start3A_1668 = arith.constant 5 : i32
      %dma_start3A_1669 = arith.constant 0 : i32
      %dma_start3A_1670 = arith.constant 1 : i32
      %dma_start3A_1671 = arith.constant 0 : i32
      %dma_start3A_1672 = arith.constant 0 : i32
      %dma_start3A_1673 = tpu.memref_slice %arg8[%dma_start3A_1670, %dma_start3A_1671, %dma_start3A_1672] : memref<4x128x64xf32, #tpu.memory_space<vmem>> -> memref<1x128x64xf32, #tpu.memory_space<vmem>>
      %dma_start3A_1674 = tpu.memref_squeeze %dma_start3A_1673 : memref<1x128x64xf32, #tpu.memory_space<vmem>> -> memref<128x64xf32, #tpu.memory_space<vmem>>
      %dma_start3A_1675 = arith.constant 0 : i32
      %dma_start3A_1676 = tpu.memref_slice %arg9[%dma_start3A_1667, %dma_start3A_1668, %dma_start3A_1669, %dma_start3A_1675] : memref<2x16x2x128xi32, #tpu.memory_space<vmem>> -> memref<1x1x1x128xi32, #tpu.memory_space<vmem>>
      %dma_start3A_1677 = tpu.memref_squeeze %dma_start3A_1676 : memref<1x1x1x128xi32, #tpu.memory_space<vmem>> -> memref<128xi32, #tpu.memory_space<vmem>>
      %dma_start3A_1678 = arith.constant 0 : i32
      %dma_start3A_1679 = arith.constant 0 : i32
      %dma_start3A_1680 = tpu.memref_slice %arg6[%dma_start3A_1678, %dma_start3A_1679] : memref<10240x64xf32, #tpu.memory_space<vmem_shared>> -> memref<10240x64xf32, #tpu.memory_space<vmem_shared>>
      tpu.enqueue_indirect_dma source(%dma_start3A_1680 : memref<10240x64xf32, #tpu.memory_space<vmem_shared>>) target(%dma_start3A_1674 : memref<128x64xf32, #tpu.memory_space<vmem>>) offsets(%dma_start3A_1677 : memref<128xi32, #tpu.memory_space<vmem>>) semaphore(%arg12 : memref<!tpu.dma_semaphore, #tpu.memory_space<semaphore_mem>>)
      %dma_wait3A_1681 = arith.constant 1 : i32
      %dma_wait3A_1682 = arith.constant 4 : i32
      %dma_wait3A_1683 = arith.constant 0 : i32
      %dma_wait3A_1684 = arith.constant 0 : i32
      %dma_wait3A_1685 = arith.constant 0 : i32
      %dma_wait3A_1686 = arith.constant 0 : i32
      %dma_wait3A_1687 = tpu.memref_slice %arg8[%dma_wait3A_1684, %dma_wait3A_1685, %dma_wait3A_1686] : memref<4x128x64xf32, #tpu.memory_space<vmem>> -> memref<1x128x64xf32, #tpu.memory_space<vmem>>
      %dma_wait3A_1688 = tpu.memref_squeeze %dma_wait3A_1687 : memref<1x128x64xf32, #tpu.memory_space<vmem>> -> memref<128x64xf32, #tpu.memory_space<vmem>>
      %dma_wait3A_1689 = arith.constant 0 : i32
      %dma_wait3A_1690 = tpu.memref_slice %arg9[%dma_wait3A_1681, %dma_wait3A_1682, %dma_wait3A_1683, %dma_wait3A_1689] : memref<2x16x2x128xi32, #tpu.memory_space<vmem>> -> memref<1x1x1x128xi32, #tpu.memory_space<vmem>>
      %dma_wait3A_1691 = tpu.memref_squeeze %dma_wait3A_1690 : memref<1x1x1x128xi32, #tpu.memory_space<vmem>> -> memref<128xi32, #tpu.memory_space<vmem>>
      %dma_wait3A_1692 = arith.constant 0 : i32
      %dma_wait3A_1693 = arith.constant 0 : i32
      %dma_wait3A_1694 = tpu.memref_slice %arg6[%dma_wait3A_1692, %dma_wait3A_1693] : memref<10240x64xf32, #tpu.memory_space<vmem_shared>> -> memref<10240x64xf32, #tpu.memory_space<vmem_shared>>
      tpu.wait_indirect_dma semaphore(%arg11 : memref<!tpu.dma_semaphore, #tpu.memory_space<semaphore_mem>>) src(%dma_wait3A_1694 : memref<10240x64xf32, #tpu.memory_space<vmem_shared>>) dst(%dma_wait3A_1688 : memref<128x64xf32, #tpu.memory_space<vmem>>)
      %dma_start3A_1695 = arith.constant 0 : i32
      %dma_start3A_1696 = arith.constant 1 : i32
      %dma_start3A_1697 = arith.constant 4 : i32
      %dma_start3A_1698 = arith.constant 1 : i32
      %dma_start3A_1699 = arith.constant 0 : i32
      %dma_start3A_1700 = arith.constant 0 : i32
      %dma_start3A_1701 = tpu.memref_slice %arg8[%dma_start3A_1695, %dma_start3A_1699, %dma_start3A_1700] : memref<4x128x64xf32, #tpu.memory_space<vmem>> -> memref<1x128x64xf32, #tpu.memory_space<vmem>>
      %dma_start3A_1702 = tpu.memref_squeeze %dma_start3A_1701 : memref<1x128x64xf32, #tpu.memory_space<vmem>> -> memref<128x64xf32, #tpu.memory_space<vmem>>
      %dma_start3A_1703 = arith.constant 0 : i32
      %dma_start3A_1704 = tpu.memref_slice %arg9[%dma_start3A_1696, %dma_start3A_1697, %dma_start3A_1698, %dma_start3A_1703] : memref<2x16x2x128xi32, #tpu.memory_space<vmem>> -> memref<1x1x1x128xi32, #tpu.memory_space<vmem>>
      %dma_start3A_1705 = tpu.memref_squeeze %dma_start3A_1704 : memref<1x1x1x128xi32, #tpu.memory_space<vmem>> -> memref<128xi32, #tpu.memory_space<vmem>>
      %dma_start3A_1706 = arith.constant 0 : i32
      %dma_start3A_1707 = arith.constant 0 : i32
      %dma_start3A_1708 = tpu.memref_slice %arg7[%dma_start3A_1706, %dma_start3A_1707] : memref<10240x64xf32, #tpu.memory_space<vmem_shared>> -> memref<10240x64xf32, #tpu.memory_space<vmem_shared>>
      tpu.enqueue_indirect_dma source(%dma_start3A_1702 : memref<128x64xf32, #tpu.memory_space<vmem>>) target(%dma_start3A_1708 : memref<10240x64xf32, #tpu.memory_space<vmem_shared>>) offsets(%dma_start3A_1705 : memref<128xi32, #tpu.memory_space<vmem>>) semaphore(%arg15 : memref<!tpu.dma_semaphore, #tpu.memory_space<semaphore_mem>>) {add = true}
      %dma_wait3A_1709 = arith.constant 2 : i32
      %dma_wait3A_1710 = arith.constant 0 : i32
      %dma_wait3A_1711 = arith.constant 0 : i32
      %dma_wait3A_1712 = arith.constant 1 : i32
      %dma_wait3A_1713 = arith.constant 0 : i32
      %dma_wait3A_1714 = arith.constant 0 : i32
      %dma_wait3A_1715 = tpu.memref_slice %arg8[%dma_wait3A_1709, %dma_wait3A_1713, %dma_wait3A_1714] : memref<4x128x64xf32, #tpu.memory_space<vmem>> -> memref<1x128x64xf32, #tpu.memory_space<vmem>>
      %dma_wait3A_1716 = tpu.memref_squeeze %dma_wait3A_1715 : memref<1x128x64xf32, #tpu.memory_space<vmem>> -> memref<128x64xf32, #tpu.memory_space<vmem>>
      %dma_wait3A_1717 = arith.constant 0 : i32
      %dma_wait3A_1718 = tpu.memref_slice %arg9[%dma_wait3A_1710, %dma_wait3A_1711, %dma_wait3A_1712, %dma_wait3A_1717] : memref<2x16x2x128xi32, #tpu.memory_space<vmem>> -> memref<1x1x1x128xi32, #tpu.memory_space<vmem>>
      %dma_wait3A_1719 = tpu.memref_squeeze %dma_wait3A_1718 : memref<1x1x1x128xi32, #tpu.memory_space<vmem>> -> memref<128xi32, #tpu.memory_space<vmem>>
      %dma_wait3A_1720 = arith.constant 0 : i32
      %dma_wait3A_1721 = arith.constant 0 : i32
      %dma_wait3A_1722 = tpu.memref_slice %arg7[%dma_wait3A_1720, %dma_wait3A_1721] : memref<10240x64xf32, #tpu.memory_space<vmem_shared>> -> memref<10240x64xf32, #tpu.memory_space<vmem_shared>>
      tpu.wait_indirect_dma semaphore(%arg17 : memref<!tpu.dma_semaphore, #tpu.memory_space<semaphore_mem>>) src(%dma_wait3A_1716 : memref<128x64xf32, #tpu.memory_space<vmem>>) dst(%dma_wait3A_1722 : memref<10240x64xf32, #tpu.memory_space<vmem_shared>>)
      %dma_start3A_1723 = arith.constant 1 : i32
      %dma_start3A_1724 = arith.constant 6 : i32
      %dma_start3A_1725 = arith.constant 0 : i32
      %dma_start3A_1726 = arith.constant 2 : i32
      %dma_start3A_1727 = arith.constant 0 : i32
      %dma_start3A_1728 = arith.constant 0 : i32
      %dma_start3A_1729 = tpu.memref_slice %arg8[%dma_start3A_1726, %dma_start3A_1727, %dma_start3A_1728] : memref<4x128x64xf32, #tpu.memory_space<vmem>> -> memref<1x128x64xf32, #tpu.memory_space<vmem>>
      %dma_start3A_1730 = tpu.memref_squeeze %dma_start3A_1729 : memref<1x128x64xf32, #tpu.memory_space<vmem>> -> memref<128x64xf32, #tpu.memory_space<vmem>>
      %dma_start3A_1731 = arith.constant 0 : i32
      %dma_start3A_1732 = tpu.memref_slice %arg9[%dma_start3A_1723, %dma_start3A_1724, %dma_start3A_1725, %dma_start3A_1731] : memref<2x16x2x128xi32, #tpu.memory_space<vmem>> -> memref<1x1x1x128xi32, #tpu.memory_space<vmem>>
      %dma_start3A_1733 = tpu.memref_squeeze %dma_start3A_1732 : memref<1x1x1x128xi32, #tpu.memory_space<vmem>> -> memref<128xi32, #tpu.memory_space<vmem>>
      %dma_start3A_1734 = arith.constant 0 : i32
      %dma_start3A_1735 = arith.constant 0 : i32
      %dma_start3A_1736 = tpu.memref_slice %arg6[%dma_start3A_1734, %dma_start3A_1735] : memref<10240x64xf32, #tpu.memory_space<vmem_shared>> -> memref<10240x64xf32, #tpu.memory_space<vmem_shared>>
      tpu.enqueue_indirect_dma source(%dma_start3A_1736 : memref<10240x64xf32, #tpu.memory_space<vmem_shared>>) target(%dma_start3A_1730 : memref<128x64xf32, #tpu.memory_space<vmem>>) offsets(%dma_start3A_1733 : memref<128xi32, #tpu.memory_space<vmem>>) semaphore(%arg13 : memref<!tpu.dma_semaphore, #tpu.memory_space<semaphore_mem>>)
      %dma_wait3A_1737 = arith.constant 1 : i32
      %dma_wait3A_1738 = arith.constant 5 : i32
      %dma_wait3A_1739 = arith.constant 0 : i32
      %dma_wait3A_1740 = arith.constant 1 : i32
      %dma_wait3A_1741 = arith.constant 0 : i32
      %dma_wait3A_1742 = arith.constant 0 : i32
      %dma_wait3A_1743 = tpu.memref_slice %arg8[%dma_wait3A_1740, %dma_wait3A_1741, %dma_wait3A_1742] : memref<4x128x64xf32, #tpu.memory_space<vmem>> -> memref<1x128x64xf32, #tpu.memory_space<vmem>>
      %dma_wait3A_1744 = tpu.memref_squeeze %dma_wait3A_1743 : memref<1x128x64xf32, #tpu.memory_space<vmem>> -> memref<128x64xf32, #tpu.memory_space<vmem>>
      %dma_wait3A_1745 = arith.constant 0 : i32
      %dma_wait3A_1746 = tpu.memref_slice %arg9[%dma_wait3A_1737, %dma_wait3A_1738, %dma_wait3A_1739, %dma_wait3A_1745] : memref<2x16x2x128xi32, #tpu.memory_space<vmem>> -> memref<1x1x1x128xi32, #tpu.memory_space<vmem>>
      %dma_wait3A_1747 = tpu.memref_squeeze %dma_wait3A_1746 : memref<1x1x1x128xi32, #tpu.memory_space<vmem>> -> memref<128xi32, #tpu.memory_space<vmem>>
      %dma_wait3A_1748 = arith.constant 0 : i32
      %dma_wait3A_1749 = arith.constant 0 : i32
      %dma_wait3A_1750 = tpu.memref_slice %arg6[%dma_wait3A_1748, %dma_wait3A_1749] : memref<10240x64xf32, #tpu.memory_space<vmem_shared>> -> memref<10240x64xf32, #tpu.memory_space<vmem_shared>>
      tpu.wait_indirect_dma semaphore(%arg12 : memref<!tpu.dma_semaphore, #tpu.memory_space<semaphore_mem>>) src(%dma_wait3A_1750 : memref<10240x64xf32, #tpu.memory_space<vmem_shared>>) dst(%dma_wait3A_1744 : memref<128x64xf32, #tpu.memory_space<vmem>>)
      %dma_start3A_1751 = arith.constant 1 : i32
      %dma_start3A_1752 = arith.constant 1 : i32
      %dma_start3A_1753 = arith.constant 5 : i32
      %dma_start3A_1754 = arith.constant 1 : i32
      %dma_start3A_1755 = arith.constant 0 : i32
      %dma_start3A_1756 = arith.constant 0 : i32
      %dma_start3A_1757 = tpu.memref_slice %arg8[%dma_start3A_1751, %dma_start3A_1755, %dma_start3A_1756] : memref<4x128x64xf32, #tpu.memory_space<vmem>> -> memref<1x128x64xf32, #tpu.memory_space<vmem>>
      %dma_start3A_1758 = tpu.memref_squeeze %dma_start3A_1757 : memref<1x128x64xf32, #tpu.memory_space<vmem>> -> memref<128x64xf32, #tpu.memory_space<vmem>>
      %dma_start3A_1759 = arith.constant 0 : i32
      %dma_start3A_1760 = tpu.memref_slice %arg9[%dma_start3A_1752, %dma_start3A_1753, %dma_start3A_1754, %dma_start3A_1759] : memref<2x16x2x128xi32, #tpu.memory_space<vmem>> -> memref<1x1x1x128xi32, #tpu.memory_space<vmem>>
      %dma_start3A_1761 = tpu.memref_squeeze %dma_start3A_1760 : memref<1x1x1x128xi32, #tpu.memory_space<vmem>> -> memref<128xi32, #tpu.memory_space<vmem>>
      %dma_start3A_1762 = arith.constant 0 : i32
      %dma_start3A_1763 = arith.constant 0 : i32
      %dma_start3A_1764 = tpu.memref_slice %arg7[%dma_start3A_1762, %dma_start3A_1763] : memref<10240x64xf32, #tpu.memory_space<vmem_shared>> -> memref<10240x64xf32, #tpu.memory_space<vmem_shared>>
      tpu.enqueue_indirect_dma source(%dma_start3A_1758 : memref<128x64xf32, #tpu.memory_space<vmem>>) target(%dma_start3A_1764 : memref<10240x64xf32, #tpu.memory_space<vmem_shared>>) offsets(%dma_start3A_1761 : memref<128xi32, #tpu.memory_space<vmem>>) semaphore(%arg16 : memref<!tpu.dma_semaphore, #tpu.memory_space<semaphore_mem>>) {add = true}
      %dma_wait3A_1765 = arith.constant 3 : i32
      %dma_wait3A_1766 = arith.constant 0 : i32
      %dma_wait3A_1767 = arith.constant 0 : i32
      %dma_wait3A_1768 = arith.constant 1 : i32
      %dma_wait3A_1769 = arith.constant 0 : i32
      %dma_wait3A_1770 = arith.constant 0 : i32
      %dma_wait3A_1771 = tpu.memref_slice %arg8[%dma_wait3A_1765, %dma_wait3A_1769, %dma_wait3A_1770] : memref<4x128x64xf32, #tpu.memory_space<vmem>> -> memref<1x128x64xf32, #tpu.memory_space<vmem>>
      %dma_wait3A_1772 = tpu.memref_squeeze %dma_wait3A_1771 : memref<1x128x64xf32, #tpu.memory_space<vmem>> -> memref<128x64xf32, #tpu.memory_space<vmem>>
      %dma_wait3A_1773 = arith.constant 0 : i32
      %dma_wait3A_1774 = tpu.memref_slice %arg9[%dma_wait3A_1766, %dma_wait3A_1767, %dma_wait3A_1768, %dma_wait3A_1773] : memref<2x16x2x128xi32, #tpu.memory_space<vmem>> -> memref<1x1x1x128xi32, #tpu.memory_space<vmem>>
      %dma_wait3A_1775 = tpu.memref_squeeze %dma_wait3A_1774 : memref<1x1x1x128xi32, #tpu.memory_space<vmem>> -> memref<128xi32, #tpu.memory_space<vmem>>
      %dma_wait3A_1776 = arith.constant 0 : i32
      %dma_wait3A_1777 = arith.constant 0 : i32
      %dma_wait3A_1778 = tpu.memref_slice %arg7[%dma_wait3A_1776, %dma_wait3A_1777] : memref<10240x64xf32, #tpu.memory_space<vmem_shared>> -> memref<10240x64xf32, #tpu.memory_space<vmem_shared>>
      tpu.wait_indirect_dma semaphore(%arg18 : memref<!tpu.dma_semaphore, #tpu.memory_space<semaphore_mem>>) src(%dma_wait3A_1772 : memref<128x64xf32, #tpu.memory_space<vmem>>) dst(%dma_wait3A_1778 : memref<10240x64xf32, #tpu.memory_space<vmem_shared>>)
      %dma_start3A_1779 = arith.constant 1 : i32
      %dma_start3A_1780 = arith.constant 7 : i32
      %dma_start3A_1781 = arith.constant 0 : i32
      %dma_start3A_1782 = arith.constant 3 : i32
      %dma_start3A_1783 = arith.constant 0 : i32
      %dma_start3A_1784 = arith.constant 0 : i32
      %dma_start3A_1785 = tpu.memref_slice %arg8[%dma_start3A_1782, %dma_start3A_1783, %dma_start3A_1784] : memref<4x128x64xf32, #tpu.memory_space<vmem>> -> memref<1x128x64xf32, #tpu.memory_space<vmem>>
      %dma_start3A_1786 = tpu.memref_squeeze %dma_start3A_1785 : memref<1x128x64xf32, #tpu.memory_space<vmem>> -> memref<128x64xf32, #tpu.memory_space<vmem>>
      %dma_start3A_1787 = arith.constant 0 : i32
      %dma_start3A_1788 = tpu.memref_slice %arg9[%dma_start3A_1779, %dma_start3A_1780, %dma_start3A_1781, %dma_start3A_1787] : memref<2x16x2x128xi32, #tpu.memory_space<vmem>> -> memref<1x1x1x128xi32, #tpu.memory_space<vmem>>
      %dma_start3A_1789 = tpu.memref_squeeze %dma_start3A_1788 : memref<1x1x1x128xi32, #tpu.memory_space<vmem>> -> memref<128xi32, #tpu.memory_space<vmem>>
      %dma_start3A_1790 = arith.constant 0 : i32
      %dma_start3A_1791 = arith.constant 0 : i32
      %dma_start3A_1792 = tpu.memref_slice %arg6[%dma_start3A_1790, %dma_start3A_1791] : memref<10240x64xf32, #tpu.memory_space<vmem_shared>> -> memref<10240x64xf32, #tpu.memory_space<vmem_shared>>
      tpu.enqueue_indirect_dma source(%dma_start3A_1792 : memref<10240x64xf32, #tpu.memory_space<vmem_shared>>) target(%dma_start3A_1786 : memref<128x64xf32, #tpu.memory_space<vmem>>) offsets(%dma_start3A_1789 : memref<128xi32, #tpu.memory_space<vmem>>) semaphore(%arg14 : memref<!tpu.dma_semaphore, #tpu.memory_space<semaphore_mem>>)
      %dma_wait3A_1793 = arith.constant 1 : i32
      %dma_wait3A_1794 = arith.constant 6 : i32
      %dma_wait3A_1795 = arith.constant 0 : i32
      %dma_wait3A_1796 = arith.constant 2 : i32
      %dma_wait3A_1797 = arith.constant 0 : i32
      %dma_wait3A_1798 = arith.constant 0 : i32
      %dma_wait3A_1799 = tpu.memref_slice %arg8[%dma_wait3A_1796, %dma_wait3A_1797, %dma_wait3A_1798] : memref<4x128x64xf32, #tpu.memory_space<vmem>> -> memref<1x128x64xf32, #tpu.memory_space<vmem>>
      %dma_wait3A_1800 = tpu.memref_squeeze %dma_wait3A_1799 : memref<1x128x64xf32, #tpu.memory_space<vmem>> -> memref<128x64xf32, #tpu.memory_space<vmem>>
      %dma_wait3A_1801 = arith.constant 0 : i32
      %dma_wait3A_1802 = tpu.memref_slice %arg9[%dma_wait3A_1793, %dma_wait3A_1794, %dma_wait3A_1795, %dma_wait3A_1801] : memref<2x16x2x128xi32, #tpu.memory_space<vmem>> -> memref<1x1x1x128xi32, #tpu.memory_space<vmem>>
      %dma_wait3A_1803 = tpu.memref_squeeze %dma_wait3A_1802 : memref<1x1x1x128xi32, #tpu.memory_space<vmem>> -> memref<128xi32, #tpu.memory_space<vmem>>
      %dma_wait3A_1804 = arith.constant 0 : i32
      %dma_wait3A_1805 = arith.constant 0 : i32
      %dma_wait3A_1806 = tpu.memref_slice %arg6[%dma_wait3A_1804, %dma_wait3A_1805] : memref<10240x64xf32, #tpu.memory_space<vmem_shared>> -> memref<10240x64xf32, #tpu.memory_space<vmem_shared>>
      tpu.wait_indirect_dma semaphore(%arg13 : memref<!tpu.dma_semaphore, #tpu.memory_space<semaphore_mem>>) src(%dma_wait3A_1806 : memref<10240x64xf32, #tpu.memory_space<vmem_shared>>) dst(%dma_wait3A_1800 : memref<128x64xf32, #tpu.memory_space<vmem>>)
      %dma_start3A_1807 = arith.constant 2 : i32
      %dma_start3A_1808 = arith.constant 1 : i32
      %dma_start3A_1809 = arith.constant 6 : i32
      %dma_start3A_1810 = arith.constant 1 : i32
      %dma_start3A_1811 = arith.constant 0 : i32
      %dma_start3A_1812 = arith.constant 0 : i32
      %dma_start3A_1813 = tpu.memref_slice %arg8[%dma_start3A_1807, %dma_start3A_1811, %dma_start3A_1812] : memref<4x128x64xf32, #tpu.memory_space<vmem>> -> memref<1x128x64xf32, #tpu.memory_space<vmem>>
      %dma_start3A_1814 = tpu.memref_squeeze %dma_start3A_1813 : memref<1x128x64xf32, #tpu.memory_space<vmem>> -> memref<128x64xf32, #tpu.memory_space<vmem>>
      %dma_start3A_1815 = arith.constant 0 : i32
      %dma_start3A_1816 = tpu.memref_slice %arg9[%dma_start3A_1808, %dma_start3A_1809, %dma_start3A_1810, %dma_start3A_1815] : memref<2x16x2x128xi32, #tpu.memory_space<vmem>> -> memref<1x1x1x128xi32, #tpu.memory_space<vmem>>
      %dma_start3A_1817 = tpu.memref_squeeze %dma_start3A_1816 : memref<1x1x1x128xi32, #tpu.memory_space<vmem>> -> memref<128xi32, #tpu.memory_space<vmem>>
      %dma_start3A_1818 = arith.constant 0 : i32
      %dma_start3A_1819 = arith.constant 0 : i32
      %dma_start3A_1820 = tpu.memref_slice %arg7[%dma_start3A_1818, %dma_start3A_1819] : memref<10240x64xf32, #tpu.memory_space<vmem_shared>> -> memref<10240x64xf32, #tpu.memory_space<vmem_shared>>
      tpu.enqueue_indirect_dma source(%dma_start3A_1814 : memref<128x64xf32, #tpu.memory_space<vmem>>) target(%dma_start3A_1820 : memref<10240x64xf32, #tpu.memory_space<vmem_shared>>) offsets(%dma_start3A_1817 : memref<128xi32, #tpu.memory_space<vmem>>) semaphore(%arg17 : memref<!tpu.dma_semaphore, #tpu.memory_space<semaphore_mem>>) {add = true}
      %dma_wait3A_1821 = arith.constant 0 : i32
      %dma_wait3A_1822 = arith.constant 0 : i32
      %dma_wait3A_1823 = arith.constant 0 : i32
      %dma_wait3A_1824 = arith.constant 1 : i32
      %dma_wait3A_1825 = arith.constant 0 : i32
      %dma_wait3A_1826 = arith.constant 0 : i32
      %dma_wait3A_1827 = tpu.memref_slice %arg8[%dma_wait3A_1821, %dma_wait3A_1825, %dma_wait3A_1826] : memref<4x128x64xf32, #tpu.memory_space<vmem>> -> memref<1x128x64xf32, #tpu.memory_space<vmem>>
      %dma_wait3A_1828 = tpu.memref_squeeze %dma_wait3A_1827 : memref<1x128x64xf32, #tpu.memory_space<vmem>> -> memref<128x64xf32, #tpu.memory_space<vmem>>
      %dma_wait3A_1829 = arith.constant 0 : i32
      %dma_wait3A_1830 = tpu.memref_slice %arg9[%dma_wait3A_1822, %dma_wait3A_1823, %dma_wait3A_1824, %dma_wait3A_1829] : memref<2x16x2x128xi32, #tpu.memory_space<vmem>> -> memref<1x1x1x128xi32, #tpu.memory_space<vmem>>
      %dma_wait3A_1831 = tpu.memref_squeeze %dma_wait3A_1830 : memref<1x1x1x128xi32, #tpu.memory_space<vmem>> -> memref<128xi32, #tpu.memory_space<vmem>>
      %dma_wait3A_1832 = arith.constant 0 : i32
      %dma_wait3A_1833 = arith.constant 0 : i32
      %dma_wait3A_1834 = tpu.memref_slice %arg7[%dma_wait3A_1832, %dma_wait3A_1833] : memref<10240x64xf32, #tpu.memory_space<vmem_shared>> -> memref<10240x64xf32, #tpu.memory_space<vmem_shared>>
      tpu.wait_indirect_dma semaphore(%arg15 : memref<!tpu.dma_semaphore, #tpu.memory_space<semaphore_mem>>) src(%dma_wait3A_1828 : memref<128x64xf32, #tpu.memory_space<vmem>>) dst(%dma_wait3A_1834 : memref<10240x64xf32, #tpu.memory_space<vmem_shared>>)
      %dma_start3A_1835 = arith.constant 1 : i32
      %dma_start3A_1836 = arith.constant 8 : i32
      %dma_start3A_1837 = arith.constant 0 : i32
      %dma_start3A_1838 = arith.constant 0 : i32
      %dma_start3A_1839 = arith.constant 0 : i32
      %dma_start3A_1840 = arith.constant 0 : i32
      %dma_start3A_1841 = tpu.memref_slice %arg8[%dma_start3A_1838, %dma_start3A_1839, %dma_start3A_1840] : memref<4x128x64xf32, #tpu.memory_space<vmem>> -> memref<1x128x64xf32, #tpu.memory_space<vmem>>
      %dma_start3A_1842 = tpu.memref_squeeze %dma_start3A_1841 : memref<1x128x64xf32, #tpu.memory_space<vmem>> -> memref<128x64xf32, #tpu.memory_space<vmem>>
      %dma_start3A_1843 = arith.constant 0 : i32
      %dma_start3A_1844 = tpu.memref_slice %arg9[%dma_start3A_1835, %dma_start3A_1836, %dma_start3A_1837, %dma_start3A_1843] : memref<2x16x2x128xi32, #tpu.memory_space<vmem>> -> memref<1x1x1x128xi32, #tpu.memory_space<vmem>>
      %dma_start3A_1845 = tpu.memref_squeeze %dma_start3A_1844 : memref<1x1x1x128xi32, #tpu.memory_space<vmem>> -> memref<128xi32, #tpu.memory_space<vmem>>
      %dma_start3A_1846 = arith.constant 0 : i32
      %dma_start3A_1847 = arith.constant 0 : i32
      %dma_start3A_1848 = tpu.memref_slice %arg6[%dma_start3A_1846, %dma_start3A_1847] : memref<10240x64xf32, #tpu.memory_space<vmem_shared>> -> memref<10240x64xf32, #tpu.memory_space<vmem_shared>>
      tpu.enqueue_indirect_dma source(%dma_start3A_1848 : memref<10240x64xf32, #tpu.memory_space<vmem_shared>>) target(%dma_start3A_1842 : memref<128x64xf32, #tpu.memory_space<vmem>>) offsets(%dma_start3A_1845 : memref<128xi32, #tpu.memory_space<vmem>>) semaphore(%arg11 : memref<!tpu.dma_semaphore, #tpu.memory_space<semaphore_mem>>)
      %dma_wait3A_1849 = arith.constant 1 : i32
      %dma_wait3A_1850 = arith.constant 7 : i32
      %dma_wait3A_1851 = arith.constant 0 : i32
      %dma_wait3A_1852 = arith.constant 3 : i32
      %dma_wait3A_1853 = arith.constant 0 : i32
      %dma_wait3A_1854 = arith.constant 0 : i32
      %dma_wait3A_1855 = tpu.memref_slice %arg8[%dma_wait3A_1852, %dma_wait3A_1853, %dma_wait3A_1854] : memref<4x128x64xf32, #tpu.memory_space<vmem>> -> memref<1x128x64xf32, #tpu.memory_space<vmem>>
      %dma_wait3A_1856 = tpu.memref_squeeze %dma_wait3A_1855 : memref<1x128x64xf32, #tpu.memory_space<vmem>> -> memref<128x64xf32, #tpu.memory_space<vmem>>
      %dma_wait3A_1857 = arith.constant 0 : i32
      %dma_wait3A_1858 = tpu.memref_slice %arg9[%dma_wait3A_1849, %dma_wait3A_1850, %dma_wait3A_1851, %dma_wait3A_1857] : memref<2x16x2x128xi32, #tpu.memory_space<vmem>> -> memref<1x1x1x128xi32, #tpu.memory_space<vmem>>
      %dma_wait3A_1859 = tpu.memref_squeeze %dma_wait3A_1858 : memref<1x1x1x128xi32, #tpu.memory_space<vmem>> -> memref<128xi32, #tpu.memory_space<vmem>>
      %dma_wait3A_1860 = arith.constant 0 : i32
      %dma_wait3A_1861 = arith.constant 0 : i32
      %dma_wait3A_1862 = tpu.memref_slice %arg6[%dma_wait3A_1860, %dma_wait3A_1861] : memref<10240x64xf32, #tpu.memory_space<vmem_shared>> -> memref<10240x64xf32, #tpu.memory_space<vmem_shared>>
      tpu.wait_indirect_dma semaphore(%arg14 : memref<!tpu.dma_semaphore, #tpu.memory_space<semaphore_mem>>) src(%dma_wait3A_1862 : memref<10240x64xf32, #tpu.memory_space<vmem_shared>>) dst(%dma_wait3A_1856 : memref<128x64xf32, #tpu.memory_space<vmem>>)
      %dma_start3A_1863 = arith.constant 3 : i32
      %dma_start3A_1864 = arith.constant 1 : i32
      %dma_start3A_1865 = arith.constant 7 : i32
      %dma_start3A_1866 = arith.constant 1 : i32
      %dma_start3A_1867 = arith.constant 0 : i32
      %dma_start3A_1868 = arith.constant 0 : i32
      %dma_start3A_1869 = tpu.memref_slice %arg8[%dma_start3A_1863, %dma_start3A_1867, %dma_start3A_1868] : memref<4x128x64xf32, #tpu.memory_space<vmem>> -> memref<1x128x64xf32, #tpu.memory_space<vmem>>
      %dma_start3A_1870 = tpu.memref_squeeze %dma_start3A_1869 : memref<1x128x64xf32, #tpu.memory_space<vmem>> -> memref<128x64xf32, #tpu.memory_space<vmem>>
      %dma_start3A_1871 = arith.constant 0 : i32
      %dma_start3A_1872 = tpu.memref_slice %arg9[%dma_start3A_1864, %dma_start3A_1865, %dma_start3A_1866, %dma_start3A_1871] : memref<2x16x2x128xi32, #tpu.memory_space<vmem>> -> memref<1x1x1x128xi32, #tpu.memory_space<vmem>>
      %dma_start3A_1873 = tpu.memref_squeeze %dma_start3A_1872 : memref<1x1x1x128xi32, #tpu.memory_space<vmem>> -> memref<128xi32, #tpu.memory_space<vmem>>
      %dma_start3A_1874 = arith.constant 0 : i32
      %dma_start3A_1875 = arith.constant 0 : i32
      %dma_start3A_1876 = tpu.memref_slice %arg7[%dma_start3A_1874, %dma_start3A_1875] : memref<10240x64xf32, #tpu.memory_space<vmem_shared>> -> memref<10240x64xf32, #tpu.memory_space<vmem_shared>>
      tpu.enqueue_indirect_dma source(%dma_start3A_1870 : memref<128x64xf32, #tpu.memory_space<vmem>>) target(%dma_start3A_1876 : memref<10240x64xf32, #tpu.memory_space<vmem_shared>>) offsets(%dma_start3A_1873 : memref<128xi32, #tpu.memory_space<vmem>>) semaphore(%arg18 : memref<!tpu.dma_semaphore, #tpu.memory_space<semaphore_mem>>) {add = true}
      %dma_wait3A_1877 = arith.constant 1 : i32
      %dma_wait3A_1878 = arith.constant 0 : i32
      %dma_wait3A_1879 = arith.constant 0 : i32
      %dma_wait3A_1880 = arith.constant 1 : i32
      %dma_wait3A_1881 = arith.constant 0 : i32
      %dma_wait3A_1882 = arith.constant 0 : i32
      %dma_wait3A_1883 = tpu.memref_slice %arg8[%dma_wait3A_1877, %dma_wait3A_1881, %dma_wait3A_1882] : memref<4x128x64xf32, #tpu.memory_space<vmem>> -> memref<1x128x64xf32, #tpu.memory_space<vmem>>
      %dma_wait3A_1884 = tpu.memref_squeeze %dma_wait3A_1883 : memref<1x128x64xf32, #tpu.memory_space<vmem>> -> memref<128x64xf32, #tpu.memory_space<vmem>>
      %dma_wait3A_1885 = arith.constant 0 : i32
      %dma_wait3A_1886 = tpu.memref_slice %arg9[%dma_wait3A_1878, %dma_wait3A_1879, %dma_wait3A_1880, %dma_wait3A_1885] : memref<2x16x2x128xi32, #tpu.memory_space<vmem>> -> memref<1x1x1x128xi32, #tpu.memory_space<vmem>>
      %dma_wait3A_1887 = tpu.memref_squeeze %dma_wait3A_1886 : memref<1x1x1x128xi32, #tpu.memory_space<vmem>> -> memref<128xi32, #tpu.memory_space<vmem>>
      %dma_wait3A_1888 = arith.constant 0 : i32
      %dma_wait3A_1889 = arith.constant 0 : i32
      %dma_wait3A_1890 = tpu.memref_slice %arg7[%dma_wait3A_1888, %dma_wait3A_1889] : memref<10240x64xf32, #tpu.memory_space<vmem_shared>> -> memref<10240x64xf32, #tpu.memory_space<vmem_shared>>
      tpu.wait_indirect_dma semaphore(%arg16 : memref<!tpu.dma_semaphore, #tpu.memory_space<semaphore_mem>>) src(%dma_wait3A_1884 : memref<128x64xf32, #tpu.memory_space<vmem>>) dst(%dma_wait3A_1890 : memref<10240x64xf32, #tpu.memory_space<vmem_shared>>)
      %dma_start3A_1891 = arith.constant 1 : i32
      %dma_start3A_1892 = arith.constant 9 : i32
      %dma_start3A_1893 = arith.constant 0 : i32
      %dma_start3A_1894 = arith.constant 1 : i32
      %dma_start3A_1895 = arith.constant 0 : i32
      %dma_start3A_1896 = arith.constant 0 : i32
      %dma_start3A_1897 = tpu.memref_slice %arg8[%dma_start3A_1894, %dma_start3A_1895, %dma_start3A_1896] : memref<4x128x64xf32, #tpu.memory_space<vmem>> -> memref<1x128x64xf32, #tpu.memory_space<vmem>>
      %dma_start3A_1898 = tpu.memref_squeeze %dma_start3A_1897 : memref<1x128x64xf32, #tpu.memory_space<vmem>> -> memref<128x64xf32, #tpu.memory_space<vmem>>
      %dma_start3A_1899 = arith.constant 0 : i32
      %dma_start3A_1900 = tpu.memref_slice %arg9[%dma_start3A_1891, %dma_start3A_1892, %dma_start3A_1893, %dma_start3A_1899] : memref<2x16x2x128xi32, #tpu.memory_space<vmem>> -> memref<1x1x1x128xi32, #tpu.memory_space<vmem>>
      %dma_start3A_1901 = tpu.memref_squeeze %dma_start3A_1900 : memref<1x1x1x128xi32, #tpu.memory_space<vmem>> -> memref<128xi32, #tpu.memory_space<vmem>>
      %dma_start3A_1902 = arith.constant 0 : i32
      %dma_start3A_1903 = arith.constant 0 : i32
      %dma_start3A_1904 = tpu.memref_slice %arg6[%dma_start3A_1902, %dma_start3A_1903] : memref<10240x64xf32, #tpu.memory_space<vmem_shared>> -> memref<10240x64xf32, #tpu.memory_space<vmem_shared>>
      tpu.enqueue_indirect_dma source(%dma_start3A_1904 : memref<10240x64xf32, #tpu.memory_space<vmem_shared>>) target(%dma_start3A_1898 : memref<128x64xf32, #tpu.memory_space<vmem>>) offsets(%dma_start3A_1901 : memref<128xi32, #tpu.memory_space<vmem>>) semaphore(%arg12 : memref<!tpu.dma_semaphore, #tpu.memory_space<semaphore_mem>>)
      %dma_wait3A_1905 = arith.constant 1 : i32
      %dma_wait3A_1906 = arith.constant 8 : i32
      %dma_wait3A_1907 = arith.constant 0 : i32
      %dma_wait3A_1908 = arith.constant 0 : i32
      %dma_wait3A_1909 = arith.constant 0 : i32
      %dma_wait3A_1910 = arith.constant 0 : i32
      %dma_wait3A_1911 = tpu.memref_slice %arg8[%dma_wait3A_1908, %dma_wait3A_1909, %dma_wait3A_1910] : memref<4x128x64xf32, #tpu.memory_space<vmem>> -> memref<1x128x64xf32, #tpu.memory_space<vmem>>
      %dma_wait3A_1912 = tpu.memref_squeeze %dma_wait3A_1911 : memref<1x128x64xf32, #tpu.memory_space<vmem>> -> memref<128x64xf32, #tpu.memory_space<vmem>>
      %dma_wait3A_1913 = arith.constant 0 : i32
      %dma_wait3A_1914 = tpu.memref_slice %arg9[%dma_wait3A_1905, %dma_wait3A_1906, %dma_wait3A_1907, %dma_wait3A_1913] : memref<2x16x2x128xi32, #tpu.memory_space<vmem>> -> memref<1x1x1x128xi32, #tpu.memory_space<vmem>>
      %dma_wait3A_1915 = tpu.memref_squeeze %dma_wait3A_1914 : memref<1x1x1x128xi32, #tpu.memory_space<vmem>> -> memref<128xi32, #tpu.memory_space<vmem>>
      %dma_wait3A_1916 = arith.constant 0 : i32
      %dma_wait3A_1917 = arith.constant 0 : i32
      %dma_wait3A_1918 = tpu.memref_slice %arg6[%dma_wait3A_1916, %dma_wait3A_1917] : memref<10240x64xf32, #tpu.memory_space<vmem_shared>> -> memref<10240x64xf32, #tpu.memory_space<vmem_shared>>
      tpu.wait_indirect_dma semaphore(%arg11 : memref<!tpu.dma_semaphore, #tpu.memory_space<semaphore_mem>>) src(%dma_wait3A_1918 : memref<10240x64xf32, #tpu.memory_space<vmem_shared>>) dst(%dma_wait3A_1912 : memref<128x64xf32, #tpu.memory_space<vmem>>)
      %dma_start3A_1919 = arith.constant 0 : i32
      %dma_start3A_1920 = arith.constant 1 : i32
      %dma_start3A_1921 = arith.constant 8 : i32
      %dma_start3A_1922 = arith.constant 1 : i32
      %dma_start3A_1923 = arith.constant 0 : i32
      %dma_start3A_1924 = arith.constant 0 : i32
      %dma_start3A_1925 = tpu.memref_slice %arg8[%dma_start3A_1919, %dma_start3A_1923, %dma_start3A_1924] : memref<4x128x64xf32, #tpu.memory_space<vmem>> -> memref<1x128x64xf32, #tpu.memory_space<vmem>>
      %dma_start3A_1926 = tpu.memref_squeeze %dma_start3A_1925 : memref<1x128x64xf32, #tpu.memory_space<vmem>> -> memref<128x64xf32, #tpu.memory_space<vmem>>
      %dma_start3A_1927 = arith.constant 0 : i32
      %dma_start3A_1928 = tpu.memref_slice %arg9[%dma_start3A_1920, %dma_start3A_1921, %dma_start3A_1922, %dma_start3A_1927] : memref<2x16x2x128xi32, #tpu.memory_space<vmem>> -> memref<1x1x1x128xi32, #tpu.memory_space<vmem>>
      %dma_start3A_1929 = tpu.memref_squeeze %dma_start3A_1928 : memref<1x1x1x128xi32, #tpu.memory_space<vmem>> -> memref<128xi32, #tpu.memory_space<vmem>>
      %dma_start3A_1930 = arith.constant 0 : i32
      %dma_start3A_1931 = arith.constant 0 : i32
      %dma_start3A_1932 = tpu.memref_slice %arg7[%dma_start3A_1930, %dma_start3A_1931] : memref<10240x64xf32, #tpu.memory_space<vmem_shared>> -> memref<10240x64xf32, #tpu.memory_space<vmem_shared>>
      tpu.enqueue_indirect_dma source(%dma_start3A_1926 : memref<128x64xf32, #tpu.memory_space<vmem>>) target(%dma_start3A_1932 : memref<10240x64xf32, #tpu.memory_space<vmem_shared>>) offsets(%dma_start3A_1929 : memref<128xi32, #tpu.memory_space<vmem>>) semaphore(%arg15 : memref<!tpu.dma_semaphore, #tpu.memory_space<semaphore_mem>>) {add = true}
      %dma_wait3A_1933 = arith.constant 2 : i32
      %dma_wait3A_1934 = arith.constant 0 : i32
      %dma_wait3A_1935 = arith.constant 0 : i32
      %dma_wait3A_1936 = arith.constant 1 : i32
      %dma_wait3A_1937 = arith.constant 0 : i32
      %dma_wait3A_1938 = arith.constant 0 : i32
      %dma_wait3A_1939 = tpu.memref_slice %arg8[%dma_wait3A_1933, %dma_wait3A_1937, %dma_wait3A_1938] : memref<4x128x64xf32, #tpu.memory_space<vmem>> -> memref<1x128x64xf32, #tpu.memory_space<vmem>>
      %dma_wait3A_1940 = tpu.memref_squeeze %dma_wait3A_1939 : memref<1x128x64xf32, #tpu.memory_space<vmem>> -> memref<128x64xf32, #tpu.memory_space<vmem>>
      %dma_wait3A_1941 = arith.constant 0 : i32
      %dma_wait3A_1942 = tpu.memref_slice %arg9[%dma_wait3A_1934, %dma_wait3A_1935, %dma_wait3A_1936, %dma_wait3A_1941] : memref<2x16x2x128xi32, #tpu.memory_space<vmem>> -> memref<1x1x1x128xi32, #tpu.memory_space<vmem>>
      %dma_wait3A_1943 = tpu.memref_squeeze %dma_wait3A_1942 : memref<1x1x1x128xi32, #tpu.memory_space<vmem>> -> memref<128xi32, #tpu.memory_space<vmem>>
      %dma_wait3A_1944 = arith.constant 0 : i32
      %dma_wait3A_1945 = arith.constant 0 : i32
      %dma_wait3A_1946 = tpu.memref_slice %arg7[%dma_wait3A_1944, %dma_wait3A_1945] : memref<10240x64xf32, #tpu.memory_space<vmem_shared>> -> memref<10240x64xf32, #tpu.memory_space<vmem_shared>>
      tpu.wait_indirect_dma semaphore(%arg17 : memref<!tpu.dma_semaphore, #tpu.memory_space<semaphore_mem>>) src(%dma_wait3A_1940 : memref<128x64xf32, #tpu.memory_space<vmem>>) dst(%dma_wait3A_1946 : memref<10240x64xf32, #tpu.memory_space<vmem_shared>>)
      %dma_start3A_1947 = arith.constant 1 : i32
      %dma_start3A_1948 = arith.constant 10 : i32
      %dma_start3A_1949 = arith.constant 0 : i32
      %dma_start3A_1950 = arith.constant 2 : i32
      %dma_start3A_1951 = arith.constant 0 : i32
      %dma_start3A_1952 = arith.constant 0 : i32
      %dma_start3A_1953 = tpu.memref_slice %arg8[%dma_start3A_1950, %dma_start3A_1951, %dma_start3A_1952] : memref<4x128x64xf32, #tpu.memory_space<vmem>> -> memref<1x128x64xf32, #tpu.memory_space<vmem>>
      %dma_start3A_1954 = tpu.memref_squeeze %dma_start3A_1953 : memref<1x128x64xf32, #tpu.memory_space<vmem>> -> memref<128x64xf32, #tpu.memory_space<vmem>>
      %dma_start3A_1955 = arith.constant 0 : i32
      %dma_start3A_1956 = tpu.memref_slice %arg9[%dma_start3A_1947, %dma_start3A_1948, %dma_start3A_1949, %dma_start3A_1955] : memref<2x16x2x128xi32, #tpu.memory_space<vmem>> -> memref<1x1x1x128xi32, #tpu.memory_space<vmem>>
      %dma_start3A_1957 = tpu.memref_squeeze %dma_start3A_1956 : memref<1x1x1x128xi32, #tpu.memory_space<vmem>> -> memref<128xi32, #tpu.memory_space<vmem>>
      %dma_start3A_1958 = arith.constant 0 : i32
      %dma_start3A_1959 = arith.constant 0 : i32
      %dma_start3A_1960 = tpu.memref_slice %arg6[%dma_start3A_1958, %dma_start3A_1959] : memref<10240x64xf32, #tpu.memory_space<vmem_shared>> -> memref<10240x64xf32, #tpu.memory_space<vmem_shared>>
      tpu.enqueue_indirect_dma source(%dma_start3A_1960 : memref<10240x64xf32, #tpu.memory_space<vmem_shared>>) target(%dma_start3A_1954 : memref<128x64xf32, #tpu.memory_space<vmem>>) offsets(%dma_start3A_1957 : memref<128xi32, #tpu.memory_space<vmem>>) semaphore(%arg13 : memref<!tpu.dma_semaphore, #tpu.memory_space<semaphore_mem>>)
      %dma_wait3A_1961 = arith.constant 1 : i32
      %dma_wait3A_1962 = arith.constant 9 : i32
      %dma_wait3A_1963 = arith.constant 0 : i32
      %dma_wait3A_1964 = arith.constant 1 : i32
      %dma_wait3A_1965 = arith.constant 0 : i32
      %dma_wait3A_1966 = arith.constant 0 : i32
      %dma_wait3A_1967 = tpu.memref_slice %arg8[%dma_wait3A_1964, %dma_wait3A_1965, %dma_wait3A_1966] : memref<4x128x64xf32, #tpu.memory_space<vmem>> -> memref<1x128x64xf32, #tpu.memory_space<vmem>>
      %dma_wait3A_1968 = tpu.memref_squeeze %dma_wait3A_1967 : memref<1x128x64xf32, #tpu.memory_space<vmem>> -> memref<128x64xf32, #tpu.memory_space<vmem>>
      %dma_wait3A_1969 = arith.constant 0 : i32
      %dma_wait3A_1970 = tpu.memref_slice %arg9[%dma_wait3A_1961, %dma_wait3A_1962, %dma_wait3A_1963, %dma_wait3A_1969] : memref<2x16x2x128xi32, #tpu.memory_space<vmem>> -> memref<1x1x1x128xi32, #tpu.memory_space<vmem>>
      %dma_wait3A_1971 = tpu.memref_squeeze %dma_wait3A_1970 : memref<1x1x1x128xi32, #tpu.memory_space<vmem>> -> memref<128xi32, #tpu.memory_space<vmem>>
      %dma_wait3A_1972 = arith.constant 0 : i32
      %dma_wait3A_1973 = arith.constant 0 : i32
      %dma_wait3A_1974 = tpu.memref_slice %arg6[%dma_wait3A_1972, %dma_wait3A_1973] : memref<10240x64xf32, #tpu.memory_space<vmem_shared>> -> memref<10240x64xf32, #tpu.memory_space<vmem_shared>>
      tpu.wait_indirect_dma semaphore(%arg12 : memref<!tpu.dma_semaphore, #tpu.memory_space<semaphore_mem>>) src(%dma_wait3A_1974 : memref<10240x64xf32, #tpu.memory_space<vmem_shared>>) dst(%dma_wait3A_1968 : memref<128x64xf32, #tpu.memory_space<vmem>>)
      %dma_start3A_1975 = arith.constant 1 : i32
      %dma_start3A_1976 = arith.constant 1 : i32
      %dma_start3A_1977 = arith.constant 9 : i32
      %dma_start3A_1978 = arith.constant 1 : i32
      %dma_start3A_1979 = arith.constant 0 : i32
      %dma_start3A_1980 = arith.constant 0 : i32
      %dma_start3A_1981 = tpu.memref_slice %arg8[%dma_start3A_1975, %dma_start3A_1979, %dma_start3A_1980] : memref<4x128x64xf32, #tpu.memory_space<vmem>> -> memref<1x128x64xf32, #tpu.memory_space<vmem>>
      %dma_start3A_1982 = tpu.memref_squeeze %dma_start3A_1981 : memref<1x128x64xf32, #tpu.memory_space<vmem>> -> memref<128x64xf32, #tpu.memory_space<vmem>>
      %dma_start3A_1983 = arith.constant 0 : i32
      %dma_start3A_1984 = tpu.memref_slice %arg9[%dma_start3A_1976, %dma_start3A_1977, %dma_start3A_1978, %dma_start3A_1983] : memref<2x16x2x128xi32, #tpu.memory_space<vmem>> -> memref<1x1x1x128xi32, #tpu.memory_space<vmem>>
      %dma_start3A_1985 = tpu.memref_squeeze %dma_start3A_1984 : memref<1x1x1x128xi32, #tpu.memory_space<vmem>> -> memref<128xi32, #tpu.memory_space<vmem>>
      %dma_start3A_1986 = arith.constant 0 : i32
      %dma_start3A_1987 = arith.constant 0 : i32
      %dma_start3A_1988 = tpu.memref_slice %arg7[%dma_start3A_1986, %dma_start3A_1987] : memref<10240x64xf32, #tpu.memory_space<vmem_shared>> -> memref<10240x64xf32, #tpu.memory_space<vmem_shared>>
      tpu.enqueue_indirect_dma source(%dma_start3A_1982 : memref<128x64xf32, #tpu.memory_space<vmem>>) target(%dma_start3A_1988 : memref<10240x64xf32, #tpu.memory_space<vmem_shared>>) offsets(%dma_start3A_1985 : memref<128xi32, #tpu.memory_space<vmem>>) semaphore(%arg16 : memref<!tpu.dma_semaphore, #tpu.memory_space<semaphore_mem>>) {add = true}
      %dma_wait3A_1989 = arith.constant 3 : i32
      %dma_wait3A_1990 = arith.constant 0 : i32
      %dma_wait3A_1991 = arith.constant 0 : i32
      %dma_wait3A_1992 = arith.constant 1 : i32
      %dma_wait3A_1993 = arith.constant 0 : i32
      %dma_wait3A_1994 = arith.constant 0 : i32
      %dma_wait3A_1995 = tpu.memref_slice %arg8[%dma_wait3A_1989, %dma_wait3A_1993, %dma_wait3A_1994] : memref<4x128x64xf32, #tpu.memory_space<vmem>> -> memref<1x128x64xf32, #tpu.memory_space<vmem>>
      %dma_wait3A_1996 = tpu.memref_squeeze %dma_wait3A_1995 : memref<1x128x64xf32, #tpu.memory_space<vmem>> -> memref<128x64xf32, #tpu.memory_space<vmem>>
      %dma_wait3A_1997 = arith.constant 0 : i32
      %dma_wait3A_1998 = tpu.memref_slice %arg9[%dma_wait3A_1990, %dma_wait3A_1991, %dma_wait3A_1992, %dma_wait3A_1997] : memref<2x16x2x128xi32, #tpu.memory_space<vmem>> -> memref<1x1x1x128xi32, #tpu.memory_space<vmem>>
      %dma_wait3A_1999 = tpu.memref_squeeze %dma_wait3A_1998 : memref<1x1x1x128xi32, #tpu.memory_space<vmem>> -> memref<128xi32, #tpu.memory_space<vmem>>
      %dma_wait3A_2000 = arith.constant 0 : i32
      %dma_wait3A_2001 = arith.constant 0 : i32
      %dma_wait3A_2002 = tpu.memref_slice %arg7[%dma_wait3A_2000, %dma_wait3A_2001] : memref<10240x64xf32, #tpu.memory_space<vmem_shared>> -> memref<10240x64xf32, #tpu.memory_space<vmem_shared>>
      tpu.wait_indirect_dma semaphore(%arg18 : memref<!tpu.dma_semaphore, #tpu.memory_space<semaphore_mem>>) src(%dma_wait3A_1996 : memref<128x64xf32, #tpu.memory_space<vmem>>) dst(%dma_wait3A_2002 : memref<10240x64xf32, #tpu.memory_space<vmem_shared>>)
      %dma_start3A_2003 = arith.constant 1 : i32
      %dma_start3A_2004 = arith.constant 11 : i32
      %dma_start3A_2005 = arith.constant 0 : i32
      %dma_start3A_2006 = arith.constant 3 : i32
      %dma_start3A_2007 = arith.constant 0 : i32
      %dma_start3A_2008 = arith.constant 0 : i32
      %dma_start3A_2009 = tpu.memref_slice %arg8[%dma_start3A_2006, %dma_start3A_2007, %dma_start3A_2008] : memref<4x128x64xf32, #tpu.memory_space<vmem>> -> memref<1x128x64xf32, #tpu.memory_space<vmem>>
      %dma_start3A_2010 = tpu.memref_squeeze %dma_start3A_2009 : memref<1x128x64xf32, #tpu.memory_space<vmem>> -> memref<128x64xf32, #tpu.memory_space<vmem>>
      %dma_start3A_2011 = arith.constant 0 : i32
      %dma_start3A_2012 = tpu.memref_slice %arg9[%dma_start3A_2003, %dma_start3A_2004, %dma_start3A_2005, %dma_start3A_2011] : memref<2x16x2x128xi32, #tpu.memory_space<vmem>> -> memref<1x1x1x128xi32, #tpu.memory_space<vmem>>
      %dma_start3A_2013 = tpu.memref_squeeze %dma_start3A_2012 : memref<1x1x1x128xi32, #tpu.memory_space<vmem>> -> memref<128xi32, #tpu.memory_space<vmem>>
      %dma_start3A_2014 = arith.constant 0 : i32
      %dma_start3A_2015 = arith.constant 0 : i32
      %dma_start3A_2016 = tpu.memref_slice %arg6[%dma_start3A_2014, %dma_start3A_2015] : memref<10240x64xf32, #tpu.memory_space<vmem_shared>> -> memref<10240x64xf32, #tpu.memory_space<vmem_shared>>
      tpu.enqueue_indirect_dma source(%dma_start3A_2016 : memref<10240x64xf32, #tpu.memory_space<vmem_shared>>) target(%dma_start3A_2010 : memref<128x64xf32, #tpu.memory_space<vmem>>) offsets(%dma_start3A_2013 : memref<128xi32, #tpu.memory_space<vmem>>) semaphore(%arg14 : memref<!tpu.dma_semaphore, #tpu.memory_space<semaphore_mem>>)
      %dma_wait3A_2017 = arith.constant 1 : i32
      %dma_wait3A_2018 = arith.constant 10 : i32
      %dma_wait3A_2019 = arith.constant 0 : i32
      %dma_wait3A_2020 = arith.constant 2 : i32
      %dma_wait3A_2021 = arith.constant 0 : i32
      %dma_wait3A_2022 = arith.constant 0 : i32
      %dma_wait3A_2023 = tpu.memref_slice %arg8[%dma_wait3A_2020, %dma_wait3A_2021, %dma_wait3A_2022] : memref<4x128x64xf32, #tpu.memory_space<vmem>> -> memref<1x128x64xf32, #tpu.memory_space<vmem>>
      %dma_wait3A_2024 = tpu.memref_squeeze %dma_wait3A_2023 : memref<1x128x64xf32, #tpu.memory_space<vmem>> -> memref<128x64xf32, #tpu.memory_space<vmem>>
      %dma_wait3A_2025 = arith.constant 0 : i32
      %dma_wait3A_2026 = tpu.memref_slice %arg9[%dma_wait3A_2017, %dma_wait3A_2018, %dma_wait3A_2019, %dma_wait3A_2025] : memref<2x16x2x128xi32, #tpu.memory_space<vmem>> -> memref<1x1x1x128xi32, #tpu.memory_space<vmem>>
      %dma_wait3A_2027 = tpu.memref_squeeze %dma_wait3A_2026 : memref<1x1x1x128xi32, #tpu.memory_space<vmem>> -> memref<128xi32, #tpu.memory_space<vmem>>
      %dma_wait3A_2028 = arith.constant 0 : i32
      %dma_wait3A_2029 = arith.constant 0 : i32
      %dma_wait3A_2030 = tpu.memref_slice %arg6[%dma_wait3A_2028, %dma_wait3A_2029] : memref<10240x64xf32, #tpu.memory_space<vmem_shared>> -> memref<10240x64xf32, #tpu.memory_space<vmem_shared>>
      tpu.wait_indirect_dma semaphore(%arg13 : memref<!tpu.dma_semaphore, #tpu.memory_space<semaphore_mem>>) src(%dma_wait3A_2030 : memref<10240x64xf32, #tpu.memory_space<vmem_shared>>) dst(%dma_wait3A_2024 : memref<128x64xf32, #tpu.memory_space<vmem>>)
      %dma_start3A_2031 = arith.constant 2 : i32
      %dma_start3A_2032 = arith.constant 1 : i32
      %dma_start3A_2033 = arith.constant 10 : i32
      %dma_start3A_2034 = arith.constant 1 : i32
      %dma_start3A_2035 = arith.constant 0 : i32
      %dma_start3A_2036 = arith.constant 0 : i32
      %dma_start3A_2037 = tpu.memref_slice %arg8[%dma_start3A_2031, %dma_start3A_2035, %dma_start3A_2036] : memref<4x128x64xf32, #tpu.memory_space<vmem>> -> memref<1x128x64xf32, #tpu.memory_space<vmem>>
      %dma_start3A_2038 = tpu.memref_squeeze %dma_start3A_2037 : memref<1x128x64xf32, #tpu.memory_space<vmem>> -> memref<128x64xf32, #tpu.memory_space<vmem>>
      %dma_start3A_2039 = arith.constant 0 : i32
      %dma_start3A_2040 = tpu.memref_slice %arg9[%dma_start3A_2032, %dma_start3A_2033, %dma_start3A_2034, %dma_start3A_2039] : memref<2x16x2x128xi32, #tpu.memory_space<vmem>> -> memref<1x1x1x128xi32, #tpu.memory_space<vmem>>
      %dma_start3A_2041 = tpu.memref_squeeze %dma_start3A_2040 : memref<1x1x1x128xi32, #tpu.memory_space<vmem>> -> memref<128xi32, #tpu.memory_space<vmem>>
      %dma_start3A_2042 = arith.constant 0 : i32
      %dma_start3A_2043 = arith.constant 0 : i32
      %dma_start3A_2044 = tpu.memref_slice %arg7[%dma_start3A_2042, %dma_start3A_2043] : memref<10240x64xf32, #tpu.memory_space<vmem_shared>> -> memref<10240x64xf32, #tpu.memory_space<vmem_shared>>
      tpu.enqueue_indirect_dma source(%dma_start3A_2038 : memref<128x64xf32, #tpu.memory_space<vmem>>) target(%dma_start3A_2044 : memref<10240x64xf32, #tpu.memory_space<vmem_shared>>) offsets(%dma_start3A_2041 : memref<128xi32, #tpu.memory_space<vmem>>) semaphore(%arg17 : memref<!tpu.dma_semaphore, #tpu.memory_space<semaphore_mem>>) {add = true}
      %dma_wait3A_2045 = arith.constant 0 : i32
      %dma_wait3A_2046 = arith.constant 0 : i32
      %dma_wait3A_2047 = arith.constant 0 : i32
      %dma_wait3A_2048 = arith.constant 1 : i32
      %dma_wait3A_2049 = arith.constant 0 : i32
      %dma_wait3A_2050 = arith.constant 0 : i32
      %dma_wait3A_2051 = tpu.memref_slice %arg8[%dma_wait3A_2045, %dma_wait3A_2049, %dma_wait3A_2050] : memref<4x128x64xf32, #tpu.memory_space<vmem>> -> memref<1x128x64xf32, #tpu.memory_space<vmem>>
      %dma_wait3A_2052 = tpu.memref_squeeze %dma_wait3A_2051 : memref<1x128x64xf32, #tpu.memory_space<vmem>> -> memref<128x64xf32, #tpu.memory_space<vmem>>
      %dma_wait3A_2053 = arith.constant 0 : i32
      %dma_wait3A_2054 = tpu.memref_slice %arg9[%dma_wait3A_2046, %dma_wait3A_2047, %dma_wait3A_2048, %dma_wait3A_2053] : memref<2x16x2x128xi32, #tpu.memory_space<vmem>> -> memref<1x1x1x128xi32, #tpu.memory_space<vmem>>
      %dma_wait3A_2055 = tpu.memref_squeeze %dma_wait3A_2054 : memref<1x1x1x128xi32, #tpu.memory_space<vmem>> -> memref<128xi32, #tpu.memory_space<vmem>>
      %dma_wait3A_2056 = arith.constant 0 : i32
      %dma_wait3A_2057 = arith.constant 0 : i32
      %dma_wait3A_2058 = tpu.memref_slice %arg7[%dma_wait3A_2056, %dma_wait3A_2057] : memref<10240x64xf32, #tpu.memory_space<vmem_shared>> -> memref<10240x64xf32, #tpu.memory_space<vmem_shared>>
      tpu.wait_indirect_dma semaphore(%arg15 : memref<!tpu.dma_semaphore, #tpu.memory_space<semaphore_mem>>) src(%dma_wait3A_2052 : memref<128x64xf32, #tpu.memory_space<vmem>>) dst(%dma_wait3A_2058 : memref<10240x64xf32, #tpu.memory_space<vmem_shared>>)
      %dma_start3A_2059 = arith.constant 1 : i32
      %dma_start3A_2060 = arith.constant 12 : i32
      %dma_start3A_2061 = arith.constant 0 : i32
      %dma_start3A_2062 = arith.constant 0 : i32
      %dma_start3A_2063 = arith.constant 0 : i32
      %dma_start3A_2064 = arith.constant 0 : i32
      %dma_start3A_2065 = tpu.memref_slice %arg8[%dma_start3A_2062, %dma_start3A_2063, %dma_start3A_2064] : memref<4x128x64xf32, #tpu.memory_space<vmem>> -> memref<1x128x64xf32, #tpu.memory_space<vmem>>
      %dma_start3A_2066 = tpu.memref_squeeze %dma_start3A_2065 : memref<1x128x64xf32, #tpu.memory_space<vmem>> -> memref<128x64xf32, #tpu.memory_space<vmem>>
      %dma_start3A_2067 = arith.constant 0 : i32
      %dma_start3A_2068 = tpu.memref_slice %arg9[%dma_start3A_2059, %dma_start3A_2060, %dma_start3A_2061, %dma_start3A_2067] : memref<2x16x2x128xi32, #tpu.memory_space<vmem>> -> memref<1x1x1x128xi32, #tpu.memory_space<vmem>>
      %dma_start3A_2069 = tpu.memref_squeeze %dma_start3A_2068 : memref<1x1x1x128xi32, #tpu.memory_space<vmem>> -> memref<128xi32, #tpu.memory_space<vmem>>
      %dma_start3A_2070 = arith.constant 0 : i32
      %dma_start3A_2071 = arith.constant 0 : i32
      %dma_start3A_2072 = tpu.memref_slice %arg6[%dma_start3A_2070, %dma_start3A_2071] : memref<10240x64xf32, #tpu.memory_space<vmem_shared>> -> memref<10240x64xf32, #tpu.memory_space<vmem_shared>>
      tpu.enqueue_indirect_dma source(%dma_start3A_2072 : memref<10240x64xf32, #tpu.memory_space<vmem_shared>>) target(%dma_start3A_2066 : memref<128x64xf32, #tpu.memory_space<vmem>>) offsets(%dma_start3A_2069 : memref<128xi32, #tpu.memory_space<vmem>>) semaphore(%arg11 : memref<!tpu.dma_semaphore, #tpu.memory_space<semaphore_mem>>)
      %dma_wait3A_2073 = arith.constant 1 : i32
      %dma_wait3A_2074 = arith.constant 11 : i32
      %dma_wait3A_2075 = arith.constant 0 : i32
      %dma_wait3A_2076 = arith.constant 3 : i32
      %dma_wait3A_2077 = arith.constant 0 : i32
      %dma_wait3A_2078 = arith.constant 0 : i32
      %dma_wait3A_2079 = tpu.memref_slice %arg8[%dma_wait3A_2076, %dma_wait3A_2077, %dma_wait3A_2078] : memref<4x128x64xf32, #tpu.memory_space<vmem>> -> memref<1x128x64xf32, #tpu.memory_space<vmem>>
      %dma_wait3A_2080 = tpu.memref_squeeze %dma_wait3A_2079 : memref<1x128x64xf32, #tpu.memory_space<vmem>> -> memref<128x64xf32, #tpu.memory_space<vmem>>
      %dma_wait3A_2081 = arith.constant 0 : i32
      %dma_wait3A_2082 = tpu.memref_slice %arg9[%dma_wait3A_2073, %dma_wait3A_2074, %dma_wait3A_2075, %dma_wait3A_2081] : memref<2x16x2x128xi32, #tpu.memory_space<vmem>> -> memref<1x1x1x128xi32, #tpu.memory_space<vmem>>
      %dma_wait3A_2083 = tpu.memref_squeeze %dma_wait3A_2082 : memref<1x1x1x128xi32, #tpu.memory_space<vmem>> -> memref<128xi32, #tpu.memory_space<vmem>>
      %dma_wait3A_2084 = arith.constant 0 : i32
      %dma_wait3A_2085 = arith.constant 0 : i32
      %dma_wait3A_2086 = tpu.memref_slice %arg6[%dma_wait3A_2084, %dma_wait3A_2085] : memref<10240x64xf32, #tpu.memory_space<vmem_shared>> -> memref<10240x64xf32, #tpu.memory_space<vmem_shared>>
      tpu.wait_indirect_dma semaphore(%arg14 : memref<!tpu.dma_semaphore, #tpu.memory_space<semaphore_mem>>) src(%dma_wait3A_2086 : memref<10240x64xf32, #tpu.memory_space<vmem_shared>>) dst(%dma_wait3A_2080 : memref<128x64xf32, #tpu.memory_space<vmem>>)
      %dma_start3A_2087 = arith.constant 3 : i32
      %dma_start3A_2088 = arith.constant 1 : i32
      %dma_start3A_2089 = arith.constant 11 : i32
      %dma_start3A_2090 = arith.constant 1 : i32
      %dma_start3A_2091 = arith.constant 0 : i32
      %dma_start3A_2092 = arith.constant 0 : i32
      %dma_start3A_2093 = tpu.memref_slice %arg8[%dma_start3A_2087, %dma_start3A_2091, %dma_start3A_2092] : memref<4x128x64xf32, #tpu.memory_space<vmem>> -> memref<1x128x64xf32, #tpu.memory_space<vmem>>
      %dma_start3A_2094 = tpu.memref_squeeze %dma_start3A_2093 : memref<1x128x64xf32, #tpu.memory_space<vmem>> -> memref<128x64xf32, #tpu.memory_space<vmem>>
      %dma_start3A_2095 = arith.constant 0 : i32
      %dma_start3A_2096 = tpu.memref_slice %arg9[%dma_start3A_2088, %dma_start3A_2089, %dma_start3A_2090, %dma_start3A_2095] : memref<2x16x2x128xi32, #tpu.memory_space<vmem>> -> memref<1x1x1x128xi32, #tpu.memory_space<vmem>>
      %dma_start3A_2097 = tpu.memref_squeeze %dma_start3A_2096 : memref<1x1x1x128xi32, #tpu.memory_space<vmem>> -> memref<128xi32, #tpu.memory_space<vmem>>
      %dma_start3A_2098 = arith.constant 0 : i32
      %dma_start3A_2099 = arith.constant 0 : i32
      %dma_start3A_2100 = tpu.memref_slice %arg7[%dma_start3A_2098, %dma_start3A_2099] : memref<10240x64xf32, #tpu.memory_space<vmem_shared>> -> memref<10240x64xf32, #tpu.memory_space<vmem_shared>>
      tpu.enqueue_indirect_dma source(%dma_start3A_2094 : memref<128x64xf32, #tpu.memory_space<vmem>>) target(%dma_start3A_2100 : memref<10240x64xf32, #tpu.memory_space<vmem_shared>>) offsets(%dma_start3A_2097 : memref<128xi32, #tpu.memory_space<vmem>>) semaphore(%arg18 : memref<!tpu.dma_semaphore, #tpu.memory_space<semaphore_mem>>) {add = true}
      %dma_wait3A_2101 = arith.constant 1 : i32
      %dma_wait3A_2102 = arith.constant 0 : i32
      %dma_wait3A_2103 = arith.constant 0 : i32
      %dma_wait3A_2104 = arith.constant 1 : i32
      %dma_wait3A_2105 = arith.constant 0 : i32
      %dma_wait3A_2106 = arith.constant 0 : i32
      %dma_wait3A_2107 = tpu.memref_slice %arg8[%dma_wait3A_2101, %dma_wait3A_2105, %dma_wait3A_2106] : memref<4x128x64xf32, #tpu.memory_space<vmem>> -> memref<1x128x64xf32, #tpu.memory_space<vmem>>
      %dma_wait3A_2108 = tpu.memref_squeeze %dma_wait3A_2107 : memref<1x128x64xf32, #tpu.memory_space<vmem>> -> memref<128x64xf32, #tpu.memory_space<vmem>>
      %dma_wait3A_2109 = arith.constant 0 : i32
      %dma_wait3A_2110 = tpu.memref_slice %arg9[%dma_wait3A_2102, %dma_wait3A_2103, %dma_wait3A_2104, %dma_wait3A_2109] : memref<2x16x2x128xi32, #tpu.memory_space<vmem>> -> memref<1x1x1x128xi32, #tpu.memory_space<vmem>>
      %dma_wait3A_2111 = tpu.memref_squeeze %dma_wait3A_2110 : memref<1x1x1x128xi32, #tpu.memory_space<vmem>> -> memref<128xi32, #tpu.memory_space<vmem>>
      %dma_wait3A_2112 = arith.constant 0 : i32
      %dma_wait3A_2113 = arith.constant 0 : i32
      %dma_wait3A_2114 = tpu.memref_slice %arg7[%dma_wait3A_2112, %dma_wait3A_2113] : memref<10240x64xf32, #tpu.memory_space<vmem_shared>> -> memref<10240x64xf32, #tpu.memory_space<vmem_shared>>
      tpu.wait_indirect_dma semaphore(%arg16 : memref<!tpu.dma_semaphore, #tpu.memory_space<semaphore_mem>>) src(%dma_wait3A_2108 : memref<128x64xf32, #tpu.memory_space<vmem>>) dst(%dma_wait3A_2114 : memref<10240x64xf32, #tpu.memory_space<vmem_shared>>)
      %dma_start3A_2115 = arith.constant 1 : i32
      %dma_start3A_2116 = arith.constant 13 : i32
      %dma_start3A_2117 = arith.constant 0 : i32
      %dma_start3A_2118 = arith.constant 1 : i32
      %dma_start3A_2119 = arith.constant 0 : i32
      %dma_start3A_2120 = arith.constant 0 : i32
      %dma_start3A_2121 = tpu.memref_slice %arg8[%dma_start3A_2118, %dma_start3A_2119, %dma_start3A_2120] : memref<4x128x64xf32, #tpu.memory_space<vmem>> -> memref<1x128x64xf32, #tpu.memory_space<vmem>>
      %dma_start3A_2122 = tpu.memref_squeeze %dma_start3A_2121 : memref<1x128x64xf32, #tpu.memory_space<vmem>> -> memref<128x64xf32, #tpu.memory_space<vmem>>
      %dma_start3A_2123 = arith.constant 0 : i32
      %dma_start3A_2124 = tpu.memref_slice %arg9[%dma_start3A_2115, %dma_start3A_2116, %dma_start3A_2117, %dma_start3A_2123] : memref<2x16x2x128xi32, #tpu.memory_space<vmem>> -> memref<1x1x1x128xi32, #tpu.memory_space<vmem>>
      %dma_start3A_2125 = tpu.memref_squeeze %dma_start3A_2124 : memref<1x1x1x128xi32, #tpu.memory_space<vmem>> -> memref<128xi32, #tpu.memory_space<vmem>>
      %dma_start3A_2126 = arith.constant 0 : i32
      %dma_start3A_2127 = arith.constant 0 : i32
      %dma_start3A_2128 = tpu.memref_slice %arg6[%dma_start3A_2126, %dma_start3A_2127] : memref<10240x64xf32, #tpu.memory_space<vmem_shared>> -> memref<10240x64xf32, #tpu.memory_space<vmem_shared>>
      tpu.enqueue_indirect_dma source(%dma_start3A_2128 : memref<10240x64xf32, #tpu.memory_space<vmem_shared>>) target(%dma_start3A_2122 : memref<128x64xf32, #tpu.memory_space<vmem>>) offsets(%dma_start3A_2125 : memref<128xi32, #tpu.memory_space<vmem>>) semaphore(%arg12 : memref<!tpu.dma_semaphore, #tpu.memory_space<semaphore_mem>>)
      %dma_wait3A_2129 = arith.constant 1 : i32
      %dma_wait3A_2130 = arith.constant 12 : i32
      %dma_wait3A_2131 = arith.constant 0 : i32
      %dma_wait3A_2132 = arith.constant 0 : i32
      %dma_wait3A_2133 = arith.constant 0 : i32
      %dma_wait3A_2134 = arith.constant 0 : i32
      %dma_wait3A_2135 = tpu.memref_slice %arg8[%dma_wait3A_2132, %dma_wait3A_2133, %dma_wait3A_2134] : memref<4x128x64xf32, #tpu.memory_space<vmem>> -> memref<1x128x64xf32, #tpu.memory_space<vmem>>
      %dma_wait3A_2136 = tpu.memref_squeeze %dma_wait3A_2135 : memref<1x128x64xf32, #tpu.memory_space<vmem>> -> memref<128x64xf32, #tpu.memory_space<vmem>>
      %dma_wait3A_2137 = arith.constant 0 : i32
      %dma_wait3A_2138 = tpu.memref_slice %arg9[%dma_wait3A_2129, %dma_wait3A_2130, %dma_wait3A_2131, %dma_wait3A_2137] : memref<2x16x2x128xi32, #tpu.memory_space<vmem>> -> memref<1x1x1x128xi32, #tpu.memory_space<vmem>>
      %dma_wait3A_2139 = tpu.memref_squeeze %dma_wait3A_2138 : memref<1x1x1x128xi32, #tpu.memory_space<vmem>> -> memref<128xi32, #tpu.memory_space<vmem>>
      %dma_wait3A_2140 = arith.constant 0 : i32
      %dma_wait3A_2141 = arith.constant 0 : i32
      %dma_wait3A_2142 = tpu.memref_slice %arg6[%dma_wait3A_2140, %dma_wait3A_2141] : memref<10240x64xf32, #tpu.memory_space<vmem_shared>> -> memref<10240x64xf32, #tpu.memory_space<vmem_shared>>
      tpu.wait_indirect_dma semaphore(%arg11 : memref<!tpu.dma_semaphore, #tpu.memory_space<semaphore_mem>>) src(%dma_wait3A_2142 : memref<10240x64xf32, #tpu.memory_space<vmem_shared>>) dst(%dma_wait3A_2136 : memref<128x64xf32, #tpu.memory_space<vmem>>)
      %dma_start3A_2143 = arith.constant 0 : i32
      %dma_start3A_2144 = arith.constant 1 : i32
      %dma_start3A_2145 = arith.constant 12 : i32
      %dma_start3A_2146 = arith.constant 1 : i32
      %dma_start3A_2147 = arith.constant 0 : i32
      %dma_start3A_2148 = arith.constant 0 : i32
      %dma_start3A_2149 = tpu.memref_slice %arg8[%dma_start3A_2143, %dma_start3A_2147, %dma_start3A_2148] : memref<4x128x64xf32, #tpu.memory_space<vmem>> -> memref<1x128x64xf32, #tpu.memory_space<vmem>>
      %dma_start3A_2150 = tpu.memref_squeeze %dma_start3A_2149 : memref<1x128x64xf32, #tpu.memory_space<vmem>> -> memref<128x64xf32, #tpu.memory_space<vmem>>
      %dma_start3A_2151 = arith.constant 0 : i32
      %dma_start3A_2152 = tpu.memref_slice %arg9[%dma_start3A_2144, %dma_start3A_2145, %dma_start3A_2146, %dma_start3A_2151] : memref<2x16x2x128xi32, #tpu.memory_space<vmem>> -> memref<1x1x1x128xi32, #tpu.memory_space<vmem>>
      %dma_start3A_2153 = tpu.memref_squeeze %dma_start3A_2152 : memref<1x1x1x128xi32, #tpu.memory_space<vmem>> -> memref<128xi32, #tpu.memory_space<vmem>>
      %dma_start3A_2154 = arith.constant 0 : i32
      %dma_start3A_2155 = arith.constant 0 : i32
      %dma_start3A_2156 = tpu.memref_slice %arg7[%dma_start3A_2154, %dma_start3A_2155] : memref<10240x64xf32, #tpu.memory_space<vmem_shared>> -> memref<10240x64xf32, #tpu.memory_space<vmem_shared>>
      tpu.enqueue_indirect_dma source(%dma_start3A_2150 : memref<128x64xf32, #tpu.memory_space<vmem>>) target(%dma_start3A_2156 : memref<10240x64xf32, #tpu.memory_space<vmem_shared>>) offsets(%dma_start3A_2153 : memref<128xi32, #tpu.memory_space<vmem>>) semaphore(%arg15 : memref<!tpu.dma_semaphore, #tpu.memory_space<semaphore_mem>>) {add = true}
      %dma_wait3A_2157 = arith.constant 2 : i32
      %dma_wait3A_2158 = arith.constant 0 : i32
      %dma_wait3A_2159 = arith.constant 0 : i32
      %dma_wait3A_2160 = arith.constant 1 : i32
      %dma_wait3A_2161 = arith.constant 0 : i32
      %dma_wait3A_2162 = arith.constant 0 : i32
      %dma_wait3A_2163 = tpu.memref_slice %arg8[%dma_wait3A_2157, %dma_wait3A_2161, %dma_wait3A_2162] : memref<4x128x64xf32, #tpu.memory_space<vmem>> -> memref<1x128x64xf32, #tpu.memory_space<vmem>>
      %dma_wait3A_2164 = tpu.memref_squeeze %dma_wait3A_2163 : memref<1x128x64xf32, #tpu.memory_space<vmem>> -> memref<128x64xf32, #tpu.memory_space<vmem>>
      %dma_wait3A_2165 = arith.constant 0 : i32
      %dma_wait3A_2166 = tpu.memref_slice %arg9[%dma_wait3A_2158, %dma_wait3A_2159, %dma_wait3A_2160, %dma_wait3A_2165] : memref<2x16x2x128xi32, #tpu.memory_space<vmem>> -> memref<1x1x1x128xi32, #tpu.memory_space<vmem>>
      %dma_wait3A_2167 = tpu.memref_squeeze %dma_wait3A_2166 : memref<1x1x1x128xi32, #tpu.memory_space<vmem>> -> memref<128xi32, #tpu.memory_space<vmem>>
      %dma_wait3A_2168 = arith.constant 0 : i32
      %dma_wait3A_2169 = arith.constant 0 : i32
      %dma_wait3A_2170 = tpu.memref_slice %arg7[%dma_wait3A_2168, %dma_wait3A_2169] : memref<10240x64xf32, #tpu.memory_space<vmem_shared>> -> memref<10240x64xf32, #tpu.memory_space<vmem_shared>>
      tpu.wait_indirect_dma semaphore(%arg17 : memref<!tpu.dma_semaphore, #tpu.memory_space<semaphore_mem>>) src(%dma_wait3A_2164 : memref<128x64xf32, #tpu.memory_space<vmem>>) dst(%dma_wait3A_2170 : memref<10240x64xf32, #tpu.memory_space<vmem_shared>>)
      %dma_start3A_2171 = arith.constant 1 : i32
      %dma_start3A_2172 = arith.constant 14 : i32
      %dma_start3A_2173 = arith.constant 0 : i32
      %dma_start3A_2174 = arith.constant 2 : i32
      %dma_start3A_2175 = arith.constant 0 : i32
      %dma_start3A_2176 = arith.constant 0 : i32
      %dma_start3A_2177 = tpu.memref_slice %arg8[%dma_start3A_2174, %dma_start3A_2175, %dma_start3A_2176] : memref<4x128x64xf32, #tpu.memory_space<vmem>> -> memref<1x128x64xf32, #tpu.memory_space<vmem>>
      %dma_start3A_2178 = tpu.memref_squeeze %dma_start3A_2177 : memref<1x128x64xf32, #tpu.memory_space<vmem>> -> memref<128x64xf32, #tpu.memory_space<vmem>>
      %dma_start3A_2179 = arith.constant 0 : i32
      %dma_start3A_2180 = tpu.memref_slice %arg9[%dma_start3A_2171, %dma_start3A_2172, %dma_start3A_2173, %dma_start3A_2179] : memref<2x16x2x128xi32, #tpu.memory_space<vmem>> -> memref<1x1x1x128xi32, #tpu.memory_space<vmem>>
      %dma_start3A_2181 = tpu.memref_squeeze %dma_start3A_2180 : memref<1x1x1x128xi32, #tpu.memory_space<vmem>> -> memref<128xi32, #tpu.memory_space<vmem>>
      %dma_start3A_2182 = arith.constant 0 : i32
      %dma_start3A_2183 = arith.constant 0 : i32
      %dma_start3A_2184 = tpu.memref_slice %arg6[%dma_start3A_2182, %dma_start3A_2183] : memref<10240x64xf32, #tpu.memory_space<vmem_shared>> -> memref<10240x64xf32, #tpu.memory_space<vmem_shared>>
      tpu.enqueue_indirect_dma source(%dma_start3A_2184 : memref<10240x64xf32, #tpu.memory_space<vmem_shared>>) target(%dma_start3A_2178 : memref<128x64xf32, #tpu.memory_space<vmem>>) offsets(%dma_start3A_2181 : memref<128xi32, #tpu.memory_space<vmem>>) semaphore(%arg13 : memref<!tpu.dma_semaphore, #tpu.memory_space<semaphore_mem>>)
      %dma_wait3A_2185 = arith.constant 1 : i32
      %dma_wait3A_2186 = arith.constant 13 : i32
      %dma_wait3A_2187 = arith.constant 0 : i32
      %dma_wait3A_2188 = arith.constant 1 : i32
      %dma_wait3A_2189 = arith.constant 0 : i32
      %dma_wait3A_2190 = arith.constant 0 : i32
      %dma_wait3A_2191 = tpu.memref_slice %arg8[%dma_wait3A_2188, %dma_wait3A_2189, %dma_wait3A_2190] : memref<4x128x64xf32, #tpu.memory_space<vmem>> -> memref<1x128x64xf32, #tpu.memory_space<vmem>>
      %dma_wait3A_2192 = tpu.memref_squeeze %dma_wait3A_2191 : memref<1x128x64xf32, #tpu.memory_space<vmem>> -> memref<128x64xf32, #tpu.memory_space<vmem>>
      %dma_wait3A_2193 = arith.constant 0 : i32
      %dma_wait3A_2194 = tpu.memref_slice %arg9[%dma_wait3A_2185, %dma_wait3A_2186, %dma_wait3A_2187, %dma_wait3A_2193] : memref<2x16x2x128xi32, #tpu.memory_space<vmem>> -> memref<1x1x1x128xi32, #tpu.memory_space<vmem>>
      %dma_wait3A_2195 = tpu.memref_squeeze %dma_wait3A_2194 : memref<1x1x1x128xi32, #tpu.memory_space<vmem>> -> memref<128xi32, #tpu.memory_space<vmem>>
      %dma_wait3A_2196 = arith.constant 0 : i32
      %dma_wait3A_2197 = arith.constant 0 : i32
      %dma_wait3A_2198 = tpu.memref_slice %arg6[%dma_wait3A_2196, %dma_wait3A_2197] : memref<10240x64xf32, #tpu.memory_space<vmem_shared>> -> memref<10240x64xf32, #tpu.memory_space<vmem_shared>>
      tpu.wait_indirect_dma semaphore(%arg12 : memref<!tpu.dma_semaphore, #tpu.memory_space<semaphore_mem>>) src(%dma_wait3A_2198 : memref<10240x64xf32, #tpu.memory_space<vmem_shared>>) dst(%dma_wait3A_2192 : memref<128x64xf32, #tpu.memory_space<vmem>>)
      %dma_start3A_2199 = arith.constant 1 : i32
      %dma_start3A_2200 = arith.constant 1 : i32
      %dma_start3A_2201 = arith.constant 13 : i32
      %dma_start3A_2202 = arith.constant 1 : i32
      %dma_start3A_2203 = arith.constant 0 : i32
      %dma_start3A_2204 = arith.constant 0 : i32
      %dma_start3A_2205 = tpu.memref_slice %arg8[%dma_start3A_2199, %dma_start3A_2203, %dma_start3A_2204] : memref<4x128x64xf32, #tpu.memory_space<vmem>> -> memref<1x128x64xf32, #tpu.memory_space<vmem>>
      %dma_start3A_2206 = tpu.memref_squeeze %dma_start3A_2205 : memref<1x128x64xf32, #tpu.memory_space<vmem>> -> memref<128x64xf32, #tpu.memory_space<vmem>>
      %dma_start3A_2207 = arith.constant 0 : i32
      %dma_start3A_2208 = tpu.memref_slice %arg9[%dma_start3A_2200, %dma_start3A_2201, %dma_start3A_2202, %dma_start3A_2207] : memref<2x16x2x128xi32, #tpu.memory_space<vmem>> -> memref<1x1x1x128xi32, #tpu.memory_space<vmem>>
      %dma_start3A_2209 = tpu.memref_squeeze %dma_start3A_2208 : memref<1x1x1x128xi32, #tpu.memory_space<vmem>> -> memref<128xi32, #tpu.memory_space<vmem>>
      %dma_start3A_2210 = arith.constant 0 : i32
      %dma_start3A_2211 = arith.constant 0 : i32
      %dma_start3A_2212 = tpu.memref_slice %arg7[%dma_start3A_2210, %dma_start3A_2211] : memref<10240x64xf32, #tpu.memory_space<vmem_shared>> -> memref<10240x64xf32, #tpu.memory_space<vmem_shared>>
      tpu.enqueue_indirect_dma source(%dma_start3A_2206 : memref<128x64xf32, #tpu.memory_space<vmem>>) target(%dma_start3A_2212 : memref<10240x64xf32, #tpu.memory_space<vmem_shared>>) offsets(%dma_start3A_2209 : memref<128xi32, #tpu.memory_space<vmem>>) semaphore(%arg16 : memref<!tpu.dma_semaphore, #tpu.memory_space<semaphore_mem>>) {add = true}
      %dma_wait3A_2213 = arith.constant 3 : i32
      %dma_wait3A_2214 = arith.constant 0 : i32
      %dma_wait3A_2215 = arith.constant 0 : i32
      %dma_wait3A_2216 = arith.constant 1 : i32
      %dma_wait3A_2217 = arith.constant 0 : i32
      %dma_wait3A_2218 = arith.constant 0 : i32
      %dma_wait3A_2219 = tpu.memref_slice %arg8[%dma_wait3A_2213, %dma_wait3A_2217, %dma_wait3A_2218] : memref<4x128x64xf32, #tpu.memory_space<vmem>> -> memref<1x128x64xf32, #tpu.memory_space<vmem>>
      %dma_wait3A_2220 = tpu.memref_squeeze %dma_wait3A_2219 : memref<1x128x64xf32, #tpu.memory_space<vmem>> -> memref<128x64xf32, #tpu.memory_space<vmem>>
      %dma_wait3A_2221 = arith.constant 0 : i32
      %dma_wait3A_2222 = tpu.memref_slice %arg9[%dma_wait3A_2214, %dma_wait3A_2215, %dma_wait3A_2216, %dma_wait3A_2221] : memref<2x16x2x128xi32, #tpu.memory_space<vmem>> -> memref<1x1x1x128xi32, #tpu.memory_space<vmem>>
      %dma_wait3A_2223 = tpu.memref_squeeze %dma_wait3A_2222 : memref<1x1x1x128xi32, #tpu.memory_space<vmem>> -> memref<128xi32, #tpu.memory_space<vmem>>
      %dma_wait3A_2224 = arith.constant 0 : i32
      %dma_wait3A_2225 = arith.constant 0 : i32
      %dma_wait3A_2226 = tpu.memref_slice %arg7[%dma_wait3A_2224, %dma_wait3A_2225] : memref<10240x64xf32, #tpu.memory_space<vmem_shared>> -> memref<10240x64xf32, #tpu.memory_space<vmem_shared>>
      tpu.wait_indirect_dma semaphore(%arg18 : memref<!tpu.dma_semaphore, #tpu.memory_space<semaphore_mem>>) src(%dma_wait3A_2220 : memref<128x64xf32, #tpu.memory_space<vmem>>) dst(%dma_wait3A_2226 : memref<10240x64xf32, #tpu.memory_space<vmem_shared>>)
      %dma_start3A_2227 = arith.constant 1 : i32
      %dma_start3A_2228 = arith.constant 15 : i32
      %dma_start3A_2229 = arith.constant 0 : i32
      %dma_start3A_2230 = arith.constant 3 : i32
      %dma_start3A_2231 = arith.constant 0 : i32
      %dma_start3A_2232 = arith.constant 0 : i32
      %dma_start3A_2233 = tpu.memref_slice %arg8[%dma_start3A_2230, %dma_start3A_2231, %dma_start3A_2232] : memref<4x128x64xf32, #tpu.memory_space<vmem>> -> memref<1x128x64xf32, #tpu.memory_space<vmem>>
      %dma_start3A_2234 = tpu.memref_squeeze %dma_start3A_2233 : memref<1x128x64xf32, #tpu.memory_space<vmem>> -> memref<128x64xf32, #tpu.memory_space<vmem>>
      %dma_start3A_2235 = arith.constant 0 : i32
      %dma_start3A_2236 = tpu.memref_slice %arg9[%dma_start3A_2227, %dma_start3A_2228, %dma_start3A_2229, %dma_start3A_2235] : memref<2x16x2x128xi32, #tpu.memory_space<vmem>> -> memref<1x1x1x128xi32, #tpu.memory_space<vmem>>
      %dma_start3A_2237 = tpu.memref_squeeze %dma_start3A_2236 : memref<1x1x1x128xi32, #tpu.memory_space<vmem>> -> memref<128xi32, #tpu.memory_space<vmem>>
      %dma_start3A_2238 = arith.constant 0 : i32
      %dma_start3A_2239 = arith.constant 0 : i32
      %dma_start3A_2240 = tpu.memref_slice %arg6[%dma_start3A_2238, %dma_start3A_2239] : memref<10240x64xf32, #tpu.memory_space<vmem_shared>> -> memref<10240x64xf32, #tpu.memory_space<vmem_shared>>
      tpu.enqueue_indirect_dma source(%dma_start3A_2240 : memref<10240x64xf32, #tpu.memory_space<vmem_shared>>) target(%dma_start3A_2234 : memref<128x64xf32, #tpu.memory_space<vmem>>) offsets(%dma_start3A_2237 : memref<128xi32, #tpu.memory_space<vmem>>) semaphore(%arg14 : memref<!tpu.dma_semaphore, #tpu.memory_space<semaphore_mem>>)
      %dma_wait3A_2241 = arith.constant 1 : i32
      %dma_wait3A_2242 = arith.constant 14 : i32
      %dma_wait3A_2243 = arith.constant 0 : i32
      %dma_wait3A_2244 = arith.constant 2 : i32
      %dma_wait3A_2245 = arith.constant 0 : i32
      %dma_wait3A_2246 = arith.constant 0 : i32
      %dma_wait3A_2247 = tpu.memref_slice %arg8[%dma_wait3A_2244, %dma_wait3A_2245, %dma_wait3A_2246] : memref<4x128x64xf32, #tpu.memory_space<vmem>> -> memref<1x128x64xf32, #tpu.memory_space<vmem>>
      %dma_wait3A_2248 = tpu.memref_squeeze %dma_wait3A_2247 : memref<1x128x64xf32, #tpu.memory_space<vmem>> -> memref<128x64xf32, #tpu.memory_space<vmem>>
      %dma_wait3A_2249 = arith.constant 0 : i32
      %dma_wait3A_2250 = tpu.memref_slice %arg9[%dma_wait3A_2241, %dma_wait3A_2242, %dma_wait3A_2243, %dma_wait3A_2249] : memref<2x16x2x128xi32, #tpu.memory_space<vmem>> -> memref<1x1x1x128xi32, #tpu.memory_space<vmem>>
      %dma_wait3A_2251 = tpu.memref_squeeze %dma_wait3A_2250 : memref<1x1x1x128xi32, #tpu.memory_space<vmem>> -> memref<128xi32, #tpu.memory_space<vmem>>
      %dma_wait3A_2252 = arith.constant 0 : i32
      %dma_wait3A_2253 = arith.constant 0 : i32
      %dma_wait3A_2254 = tpu.memref_slice %arg6[%dma_wait3A_2252, %dma_wait3A_2253] : memref<10240x64xf32, #tpu.memory_space<vmem_shared>> -> memref<10240x64xf32, #tpu.memory_space<vmem_shared>>
      tpu.wait_indirect_dma semaphore(%arg13 : memref<!tpu.dma_semaphore, #tpu.memory_space<semaphore_mem>>) src(%dma_wait3A_2254 : memref<10240x64xf32, #tpu.memory_space<vmem_shared>>) dst(%dma_wait3A_2248 : memref<128x64xf32, #tpu.memory_space<vmem>>)
      %dma_start3A_2255 = arith.constant 2 : i32
      %dma_start3A_2256 = arith.constant 1 : i32
      %dma_start3A_2257 = arith.constant 14 : i32
      %dma_start3A_2258 = arith.constant 1 : i32
      %dma_start3A_2259 = arith.constant 0 : i32
      %dma_start3A_2260 = arith.constant 0 : i32
      %dma_start3A_2261 = tpu.memref_slice %arg8[%dma_start3A_2255, %dma_start3A_2259, %dma_start3A_2260] : memref<4x128x64xf32, #tpu.memory_space<vmem>> -> memref<1x128x64xf32, #tpu.memory_space<vmem>>
      %dma_start3A_2262 = tpu.memref_squeeze %dma_start3A_2261 : memref<1x128x64xf32, #tpu.memory_space<vmem>> -> memref<128x64xf32, #tpu.memory_space<vmem>>
      %dma_start3A_2263 = arith.constant 0 : i32
      %dma_start3A_2264 = tpu.memref_slice %arg9[%dma_start3A_2256, %dma_start3A_2257, %dma_start3A_2258, %dma_start3A_2263] : memref<2x16x2x128xi32, #tpu.memory_space<vmem>> -> memref<1x1x1x128xi32, #tpu.memory_space<vmem>>
      %dma_start3A_2265 = tpu.memref_squeeze %dma_start3A_2264 : memref<1x1x1x128xi32, #tpu.memory_space<vmem>> -> memref<128xi32, #tpu.memory_space<vmem>>
      %dma_start3A_2266 = arith.constant 0 : i32
      %dma_start3A_2267 = arith.constant 0 : i32
      %dma_start3A_2268 = tpu.memref_slice %arg7[%dma_start3A_2266, %dma_start3A_2267] : memref<10240x64xf32, #tpu.memory_space<vmem_shared>> -> memref<10240x64xf32, #tpu.memory_space<vmem_shared>>
      tpu.enqueue_indirect_dma source(%dma_start3A_2262 : memref<128x64xf32, #tpu.memory_space<vmem>>) target(%dma_start3A_2268 : memref<10240x64xf32, #tpu.memory_space<vmem_shared>>) offsets(%dma_start3A_2265 : memref<128xi32, #tpu.memory_space<vmem>>) semaphore(%arg17 : memref<!tpu.dma_semaphore, #tpu.memory_space<semaphore_mem>>) {add = true}
      %dma_wait3A_2269 = arith.constant 1 : i32
      %dma_wait3A_2270 = arith.constant 15 : i32
      %dma_wait3A_2271 = arith.constant 0 : i32
      %dma_wait3A_2272 = arith.constant 3 : i32
      %dma_wait3A_2273 = arith.constant 0 : i32
      %dma_wait3A_2274 = arith.constant 0 : i32
      %dma_wait3A_2275 = tpu.memref_slice %arg8[%dma_wait3A_2272, %dma_wait3A_2273, %dma_wait3A_2274] : memref<4x128x64xf32, #tpu.memory_space<vmem>> -> memref<1x128x64xf32, #tpu.memory_space<vmem>>
      %dma_wait3A_2276 = tpu.memref_squeeze %dma_wait3A_2275 : memref<1x128x64xf32, #tpu.memory_space<vmem>> -> memref<128x64xf32, #tpu.memory_space<vmem>>
      %dma_wait3A_2277 = arith.constant 0 : i32
      %dma_wait3A_2278 = tpu.memref_slice %arg9[%dma_wait3A_2269, %dma_wait3A_2270, %dma_wait3A_2271, %dma_wait3A_2277] : memref<2x16x2x128xi32, #tpu.memory_space<vmem>> -> memref<1x1x1x128xi32, #tpu.memory_space<vmem>>
      %dma_wait3A_2279 = tpu.memref_squeeze %dma_wait3A_2278 : memref<1x1x1x128xi32, #tpu.memory_space<vmem>> -> memref<128xi32, #tpu.memory_space<vmem>>
      %dma_wait3A_2280 = arith.constant 0 : i32
      %dma_wait3A_2281 = arith.constant 0 : i32
      %dma_wait3A_2282 = tpu.memref_slice %arg6[%dma_wait3A_2280, %dma_wait3A_2281] : memref<10240x64xf32, #tpu.memory_space<vmem_shared>> -> memref<10240x64xf32, #tpu.memory_space<vmem_shared>>
      tpu.wait_indirect_dma semaphore(%arg14 : memref<!tpu.dma_semaphore, #tpu.memory_space<semaphore_mem>>) src(%dma_wait3A_2282 : memref<10240x64xf32, #tpu.memory_space<vmem_shared>>) dst(%dma_wait3A_2276 : memref<128x64xf32, #tpu.memory_space<vmem>>)
      %dma_start3A_2283 = arith.constant 3 : i32
      %dma_start3A_2284 = arith.constant 1 : i32
      %dma_start3A_2285 = arith.constant 15 : i32
      %dma_start3A_2286 = arith.constant 1 : i32
      %dma_start3A_2287 = arith.constant 0 : i32
      %dma_start3A_2288 = arith.constant 0 : i32
      %dma_start3A_2289 = tpu.memref_slice %arg8[%dma_start3A_2283, %dma_start3A_2287, %dma_start3A_2288] : memref<4x128x64xf32, #tpu.memory_space<vmem>> -> memref<1x128x64xf32, #tpu.memory_space<vmem>>
      %dma_start3A_2290 = tpu.memref_squeeze %dma_start3A_2289 : memref<1x128x64xf32, #tpu.memory_space<vmem>> -> memref<128x64xf32, #tpu.memory_space<vmem>>
      %dma_start3A_2291 = arith.constant 0 : i32
      %dma_start3A_2292 = tpu.memref_slice %arg9[%dma_start3A_2284, %dma_start3A_2285, %dma_start3A_2286, %dma_start3A_2291] : memref<2x16x2x128xi32, #tpu.memory_space<vmem>> -> memref<1x1x1x128xi32, #tpu.memory_space<vmem>>
      %dma_start3A_2293 = tpu.memref_squeeze %dma_start3A_2292 : memref<1x1x1x128xi32, #tpu.memory_space<vmem>> -> memref<128xi32, #tpu.memory_space<vmem>>
      %dma_start3A_2294 = arith.constant 0 : i32
      %dma_start3A_2295 = arith.constant 0 : i32
      %dma_start3A_2296 = tpu.memref_slice %arg7[%dma_start3A_2294, %dma_start3A_2295] : memref<10240x64xf32, #tpu.memory_space<vmem_shared>> -> memref<10240x64xf32, #tpu.memory_space<vmem_shared>>
      tpu.enqueue_indirect_dma source(%dma_start3A_2290 : memref<128x64xf32, #tpu.memory_space<vmem>>) target(%dma_start3A_2296 : memref<10240x64xf32, #tpu.memory_space<vmem_shared>>) offsets(%dma_start3A_2293 : memref<128xi32, #tpu.memory_space<vmem>>) semaphore(%arg18 : memref<!tpu.dma_semaphore, #tpu.memory_space<semaphore_mem>>) {add = true}
    }
    %scan3A_224 = arith.constant 5 : i32
    %dma_wait3A = arith.constant 0 : i32
    %dma_wait3A_225 = arith.constant 0 : i32
    %dma_wait3A_226 = arith.constant 0 : i32
    %dma_wait3A_227 = arith.constant 1 : i32
    %dma_wait3A_228 = arith.constant 0 : i32
    %dma_wait3A_229 = arith.constant 0 : i32
    %dma_wait3A_230 = tpu.memref_slice %arg8[%dma_wait3A, %dma_wait3A_228, %dma_wait3A_229] : memref<4x128x64xf32, #tpu.memory_space<vmem>> -> memref<1x128x64xf32, #tpu.memory_space<vmem>>
    %dma_wait3A_231 = tpu.memref_squeeze %dma_wait3A_230 : memref<1x128x64xf32, #tpu.memory_space<vmem>> -> memref<128x64xf32, #tpu.memory_space<vmem>>
    %dma_wait3A_232 = arith.constant 0 : i32
    %dma_wait3A_233 = tpu.memref_slice %arg9[%dma_wait3A_225, %dma_wait3A_226, %dma_wait3A_227, %dma_wait3A_232] : memref<2x16x2x128xi32, #tpu.memory_space<vmem>> -> memref<1x1x1x128xi32, #tpu.memory_space<vmem>>
    %dma_wait3A_234 = tpu.memref_squeeze %dma_wait3A_233 : memref<1x1x1x128xi32, #tpu.memory_space<vmem>> -> memref<128xi32, #tpu.memory_space<vmem>>
    %dma_wait3A_235 = arith.constant 0 : i32
    %dma_wait3A_236 = arith.constant 0 : i32
    %dma_wait3A_237 = tpu.memref_slice %arg7[%dma_wait3A_235, %dma_wait3A_236] : memref<10240x64xf32, #tpu.memory_space<vmem_shared>> -> memref<10240x64xf32, #tpu.memory_space<vmem_shared>>
    tpu.wait_indirect_dma semaphore(%arg15 : memref<!tpu.dma_semaphore, #tpu.memory_space<semaphore_mem>>) src(%dma_wait3A_231 : memref<128x64xf32, #tpu.memory_space<vmem>>) dst(%dma_wait3A_237 : memref<10240x64xf32, #tpu.memory_space<vmem_shared>>)
    %dma_wait3A_238 = arith.constant 1 : i32
    %dma_wait3A_239 = arith.constant 0 : i32
    %dma_wait3A_240 = arith.constant 0 : i32
    %dma_wait3A_241 = arith.constant 1 : i32
    %dma_wait3A_242 = arith.constant 0 : i32
    %dma_wait3A_243 = arith.constant 0 : i32
    %dma_wait3A_244 = tpu.memref_slice %arg8[%dma_wait3A_238, %dma_wait3A_242, %dma_wait3A_243] : memref<4x128x64xf32, #tpu.memory_space<vmem>> -> memref<1x128x64xf32, #tpu.memory_space<vmem>>
    %dma_wait3A_245 = tpu.memref_squeeze %dma_wait3A_244 : memref<1x128x64xf32, #tpu.memory_space<vmem>> -> memref<128x64xf32, #tpu.memory_space<vmem>>
    %dma_wait3A_246 = arith.constant 0 : i32
    %dma_wait3A_247 = tpu.memref_slice %arg9[%dma_wait3A_239, %dma_wait3A_240, %dma_wait3A_241, %dma_wait3A_246] : memref<2x16x2x128xi32, #tpu.memory_space<vmem>> -> memref<1x1x1x128xi32, #tpu.memory_space<vmem>>
    %dma_wait3A_248 = tpu.memref_squeeze %dma_wait3A_247 : memref<1x1x1x128xi32, #tpu.memory_space<vmem>> -> memref<128xi32, #tpu.memory_space<vmem>>
    %dma_wait3A_249 = arith.constant 0 : i32
    %dma_wait3A_250 = arith.constant 0 : i32
    %dma_wait3A_251 = tpu.memref_slice %arg7[%dma_wait3A_249, %dma_wait3A_250] : memref<10240x64xf32, #tpu.memory_space<vmem_shared>> -> memref<10240x64xf32, #tpu.memory_space<vmem_shared>>
    tpu.wait_indirect_dma semaphore(%arg16 : memref<!tpu.dma_semaphore, #tpu.memory_space<semaphore_mem>>) src(%dma_wait3A_245 : memref<128x64xf32, #tpu.memory_space<vmem>>) dst(%dma_wait3A_251 : memref<10240x64xf32, #tpu.memory_space<vmem_shared>>)
    %dma_wait3A_252 = arith.constant 2 : i32
    %dma_wait3A_253 = arith.constant 0 : i32
    %dma_wait3A_254 = arith.constant 0 : i32
    %dma_wait3A_255 = arith.constant 1 : i32
    %dma_wait3A_256 = arith.constant 0 : i32
    %dma_wait3A_257 = arith.constant 0 : i32
    %dma_wait3A_258 = tpu.memref_slice %arg8[%dma_wait3A_252, %dma_wait3A_256, %dma_wait3A_257] : memref<4x128x64xf32, #tpu.memory_space<vmem>> -> memref<1x128x64xf32, #tpu.memory_space<vmem>>
    %dma_wait3A_259 = tpu.memref_squeeze %dma_wait3A_258 : memref<1x128x64xf32, #tpu.memory_space<vmem>> -> memref<128x64xf32, #tpu.memory_space<vmem>>
    %dma_wait3A_260 = arith.constant 0 : i32
    %dma_wait3A_261 = tpu.memref_slice %arg9[%dma_wait3A_253, %dma_wait3A_254, %dma_wait3A_255, %dma_wait3A_260] : memref<2x16x2x128xi32, #tpu.memory_space<vmem>> -> memref<1x1x1x128xi32, #tpu.memory_space<vmem>>
    %dma_wait3A_262 = tpu.memref_squeeze %dma_wait3A_261 : memref<1x1x1x128xi32, #tpu.memory_space<vmem>> -> memref<128xi32, #tpu.memory_space<vmem>>
    %dma_wait3A_263 = arith.constant 0 : i32
    %dma_wait3A_264 = arith.constant 0 : i32
    %dma_wait3A_265 = tpu.memref_slice %arg7[%dma_wait3A_263, %dma_wait3A_264] : memref<10240x64xf32, #tpu.memory_space<vmem_shared>> -> memref<10240x64xf32, #tpu.memory_space<vmem_shared>>
    tpu.wait_indirect_dma semaphore(%arg17 : memref<!tpu.dma_semaphore, #tpu.memory_space<semaphore_mem>>) src(%dma_wait3A_259 : memref<128x64xf32, #tpu.memory_space<vmem>>) dst(%dma_wait3A_265 : memref<10240x64xf32, #tpu.memory_space<vmem_shared>>)
    %dma_wait3A_266 = arith.constant 3 : i32
    %dma_wait3A_267 = arith.constant 0 : i32
    %dma_wait3A_268 = arith.constant 0 : i32
    %dma_wait3A_269 = arith.constant 1 : i32
    %dma_wait3A_270 = arith.constant 0 : i32
    %dma_wait3A_271 = arith.constant 0 : i32
    %dma_wait3A_272 = tpu.memref_slice %arg8[%dma_wait3A_266, %dma_wait3A_270, %dma_wait3A_271] : memref<4x128x64xf32, #tpu.memory_space<vmem>> -> memref<1x128x64xf32, #tpu.memory_space<vmem>>
    %dma_wait3A_273 = tpu.memref_squeeze %dma_wait3A_272 : memref<1x128x64xf32, #tpu.memory_space<vmem>> -> memref<128x64xf32, #tpu.memory_space<vmem>>
    %dma_wait3A_274 = arith.constant 0 : i32
    %dma_wait3A_275 = tpu.memref_slice %arg9[%dma_wait3A_267, %dma_wait3A_268, %dma_wait3A_269, %dma_wait3A_274] : memref<2x16x2x128xi32, #tpu.memory_space<vmem>> -> memref<1x1x1x128xi32, #tpu.memory_space<vmem>>
    %dma_wait3A_276 = tpu.memref_squeeze %dma_wait3A_275 : memref<1x1x1x128xi32, #tpu.memory_space<vmem>> -> memref<128xi32, #tpu.memory_space<vmem>>
    %dma_wait3A_277 = arith.constant 0 : i32
    %dma_wait3A_278 = arith.constant 0 : i32
    %dma_wait3A_279 = tpu.memref_slice %arg7[%dma_wait3A_277, %dma_wait3A_278] : memref<10240x64xf32, #tpu.memory_space<vmem_shared>> -> memref<10240x64xf32, #tpu.memory_space<vmem_shared>>
    tpu.wait_indirect_dma semaphore(%arg18 : memref<!tpu.dma_semaphore, #tpu.memory_space<semaphore_mem>>) src(%dma_wait3A_273 : memref<128x64xf32, #tpu.memory_space<vmem>>) dst(%dma_wait3A_279 : memref<10240x64xf32, #tpu.memory_space<vmem_shared>>)
    %dma_wait3A_280 = arith.constant 0 : i32
    %dma_wait3A_281 = arith.constant 0 : i32
    %dma_wait3A_282 = arith.constant 0 : i32
    %dma_wait3A_283 = arith.constant 0 : i32
    %dma_wait3A_284 = tpu.memref_slice %arg9[%dma_wait3A_280, %dma_wait3A_281, %dma_wait3A_282, %dma_wait3A_283] : memref<2x16x2x128xi32, #tpu.memory_space<vmem>> -> memref<1x16x2x128xi32, #tpu.memory_space<vmem>>
    %dma_wait3A_285 = tpu.memref_squeeze %dma_wait3A_284 : memref<1x16x2x128xi32, #tpu.memory_space<vmem>> -> memref<16x2x128xi32, #tpu.memory_space<vmem>>
    %dma_wait3A_286 = arith.constant 0 : i32
    %dma_wait3A_287 = arith.constant 0 : i32
    %dma_wait3A_288 = arith.constant 0 : i32
    %dma_wait3A_289 = tpu.memref_slice %arg3[%dma_wait3A_286, %dma_wait3A_287, %dma_wait3A_288] : memref<2560x2x128xi32, #tpu.memory_space<hbm>> -> memref<16x2x128xi32, #tpu.memory_space<hbm>>
    %dma_wait3A_290 = arith.constant 0 : i32
    %dma_wait3A_291 = arith.constant 0 : i32
    %dma_wait3A_292 = arith.constant 0 : i32
    %dma_wait3A_293 = tpu.memref_slice %arg9[%dma_wait3A_280, %dma_wait3A_290, %dma_wait3A_291, %dma_wait3A_292] : memref<2x16x2x128xi32, #tpu.memory_space<vmem>> -> memref<1x16x2x128xi32, #tpu.memory_space<vmem>>
    %dma_wait3A_294 = tpu.memref_squeeze %dma_wait3A_293 : memref<1x16x2x128xi32, #tpu.memory_space<vmem>> -> memref<16x2x128xi32, #tpu.memory_space<vmem>>
    %dma_wait3A_295 = arith.constant 0 : i32
    %dma_wait3A_296 = arith.constant 0 : i32
    %dma_wait3A_297 = arith.constant 0 : i32
    %dma_wait3A_298 = tpu.memref_slice %arg3[%dma_wait3A_295, %dma_wait3A_296, %dma_wait3A_297] : memref<2560x2x128xi32, #tpu.memory_space<hbm>> -> memref<16x2x128xi32, #tpu.memory_space<hbm>>
    tpu.wait_dma2 semaphore(%arg19 : memref<!tpu.dma_semaphore, #tpu.memory_space<semaphore_mem>>) src(%dma_wait3A_298 : memref<16x2x128xi32, #tpu.memory_space<hbm>>) dst(%dma_wait3A_294 : memref<16x2x128xi32, #tpu.memory_space<vmem>>)
    %barrier3A_299 = arith.constant 0 : index
    tpu.barrier barrier_id(%barrier3A_299)
    %add3A_300 = arith.constant 0 : i32
    %add3A_301 = arith.addi %arg1, %add3A_300 : i32
    %mul3A_302 = arith.constant 80 : i32
    %mul3A_303 = arith.muli %add3A_301, %mul3A_302 : i32
    %lt3A_304 = arith.constant 125 : i32
    %lt3A_305 = arith.cmpi slt, %add3A_301, %lt3A_304 : i32
    %convert_element_type3A_306 = arith.extui %lt3A_305 : i1 to i32
    %cond3A_307 = arith.constant 0 : i32
    %cond3A_308 = arith.cmpi ne, %convert_element_type3A_306, %cond3A_307 : i32
    scf.if %cond3A_308 {
      %dma_start3A_444 = tpu.memref_slice %arg5[%mul3A_303, %multiple_of3A] : memref<10000x128xf32, #tpu.memory_space<hbm>> -> memref<80x64xf32, #tpu.memory_space<hbm>>
      %dma_start3A_445 = arith.constant 0 : i32
      %dma_start3A_446 = tpu.memref_slice %arg7[%mul3A_303, %dma_start3A_445] : memref<10240x64xf32, #tpu.memory_space<vmem_shared>> -> memref<80x64xf32, #tpu.memory_space<vmem_shared>>
      tpu.enqueue_dma source(%dma_start3A_446 : memref<80x64xf32, #tpu.memory_space<vmem_shared>>) target(%dma_start3A_444 : memref<80x64xf32, #tpu.memory_space<hbm>>) target_semaphore(%arg15 : memref<!tpu.dma_semaphore, #tpu.memory_space<semaphore_mem>>)
    } else {
    }
    %add3A_309 = arith.constant 16 : i32
    %add3A_310 = arith.addi %arg1, %add3A_309 : i32
    %mul3A_311 = arith.constant 80 : i32
    %mul3A_312 = arith.muli %add3A_310, %mul3A_311 : i32
    %lt3A_313 = arith.constant 125 : i32
    %lt3A_314 = arith.cmpi slt, %add3A_310, %lt3A_313 : i32
    %convert_element_type3A_315 = arith.extui %lt3A_314 : i1 to i32
    %cond3A_316 = arith.constant 0 : i32
    %cond3A_317 = arith.cmpi ne, %convert_element_type3A_315, %cond3A_316 : i32
    scf.if %cond3A_317 {
      %dma_start3A_444 = tpu.memref_slice %arg5[%mul3A_312, %multiple_of3A] : memref<10000x128xf32, #tpu.memory_space<hbm>> -> memref<80x64xf32, #tpu.memory_space<hbm>>
      %dma_start3A_445 = arith.constant 0 : i32
      %dma_start3A_446 = tpu.memref_slice %arg7[%mul3A_312, %dma_start3A_445] : memref<10240x64xf32, #tpu.memory_space<vmem_shared>> -> memref<80x64xf32, #tpu.memory_space<vmem_shared>>
      tpu.enqueue_dma source(%dma_start3A_446 : memref<80x64xf32, #tpu.memory_space<vmem_shared>>) target(%dma_start3A_444 : memref<80x64xf32, #tpu.memory_space<hbm>>) target_semaphore(%arg16 : memref<!tpu.dma_semaphore, #tpu.memory_space<semaphore_mem>>)
    } else {
    }
    %add3A_318 = arith.constant 32 : i32
    %add3A_319 = arith.addi %arg1, %add3A_318 : i32
    %mul3A_320 = arith.constant 80 : i32
    %mul3A_321 = arith.muli %add3A_319, %mul3A_320 : i32
    %lt3A_322 = arith.constant 125 : i32
    %lt3A_323 = arith.cmpi slt, %add3A_319, %lt3A_322 : i32
    %convert_element_type3A_324 = arith.extui %lt3A_323 : i1 to i32
    %cond3A_325 = arith.constant 0 : i32
    %cond3A_326 = arith.cmpi ne, %convert_element_type3A_324, %cond3A_325 : i32
    scf.if %cond3A_326 {
      %dma_start3A_444 = tpu.memref_slice %arg5[%mul3A_321, %multiple_of3A] : memref<10000x128xf32, #tpu.memory_space<hbm>> -> memref<80x64xf32, #tpu.memory_space<hbm>>
      %dma_start3A_445 = arith.constant 0 : i32
      %dma_start3A_446 = tpu.memref_slice %arg7[%mul3A_321, %dma_start3A_445] : memref<10240x64xf32, #tpu.memory_space<vmem_shared>> -> memref<80x64xf32, #tpu.memory_space<vmem_shared>>
      tpu.enqueue_dma source(%dma_start3A_446 : memref<80x64xf32, #tpu.memory_space<vmem_shared>>) target(%dma_start3A_444 : memref<80x64xf32, #tpu.memory_space<hbm>>) target_semaphore(%arg17 : memref<!tpu.dma_semaphore, #tpu.memory_space<semaphore_mem>>)
    } else {
    }
    %add3A_327 = arith.constant 48 : i32
    %add3A_328 = arith.addi %arg1, %add3A_327 : i32
    %mul3A_329 = arith.constant 80 : i32
    %mul3A_330 = arith.muli %add3A_328, %mul3A_329 : i32
    %lt3A_331 = arith.constant 125 : i32
    %lt3A_332 = arith.cmpi slt, %add3A_328, %lt3A_331 : i32
    %convert_element_type3A_333 = arith.extui %lt3A_332 : i1 to i32
    %cond3A_334 = arith.constant 0 : i32
    %cond3A_335 = arith.cmpi ne, %convert_element_type3A_333, %cond3A_334 : i32
    scf.if %cond3A_335 {
      %dma_start3A_444 = tpu.memref_slice %arg5[%mul3A_330, %multiple_of3A] : memref<10000x128xf32, #tpu.memory_space<hbm>> -> memref<80x64xf32, #tpu.memory_space<hbm>>
      %dma_start3A_445 = arith.constant 0 : i32
      %dma_start3A_446 = tpu.memref_slice %arg7[%mul3A_330, %dma_start3A_445] : memref<10240x64xf32, #tpu.memory_space<vmem_shared>> -> memref<80x64xf32, #tpu.memory_space<vmem_shared>>
      tpu.enqueue_dma source(%dma_start3A_446 : memref<80x64xf32, #tpu.memory_space<vmem_shared>>) target(%dma_start3A_444 : memref<80x64xf32, #tpu.memory_space<hbm>>) target_semaphore(%arg18 : memref<!tpu.dma_semaphore, #tpu.memory_space<semaphore_mem>>)
    } else {
    }
    %add3A_336 = arith.constant 64 : i32
    %add3A_337 = arith.addi %arg1, %add3A_336 : i32
    %mul3A_338 = arith.constant 80 : i32
    %mul3A_339 = arith.muli %add3A_337, %mul3A_338 : i32
    %lt3A_340 = arith.constant 125 : i32
    %lt3A_341 = arith.cmpi slt, %add3A_337, %lt3A_340 : i32
    %convert_element_type3A_342 = arith.extui %lt3A_341 : i1 to i32
    %cond3A_343 = arith.constant 0 : i32
    %cond3A_344 = arith.cmpi ne, %convert_element_type3A_342, %cond3A_343 : i32
    scf.if %cond3A_344 {
      %dma_start3A_444 = tpu.memref_slice %arg5[%mul3A_339, %multiple_of3A] : memref<10000x128xf32, #tpu.memory_space<hbm>> -> memref<80x64xf32, #tpu.memory_space<hbm>>
      %dma_start3A_445 = arith.constant 0 : i32
      %dma_start3A_446 = tpu.memref_slice %arg7[%mul3A_339, %dma_start3A_445] : memref<10240x64xf32, #tpu.memory_space<vmem_shared>> -> memref<80x64xf32, #tpu.memory_space<vmem_shared>>
      tpu.enqueue_dma source(%dma_start3A_446 : memref<80x64xf32, #tpu.memory_space<vmem_shared>>) target(%dma_start3A_444 : memref<80x64xf32, #tpu.memory_space<hbm>>) target_semaphore(%arg15 : memref<!tpu.dma_semaphore, #tpu.memory_space<semaphore_mem>>)
    } else {
    }
    %add3A_345 = arith.constant 80 : i32
    %add3A_346 = arith.addi %arg1, %add3A_345 : i32
    %mul3A_347 = arith.constant 80 : i32
    %mul3A_348 = arith.muli %add3A_346, %mul3A_347 : i32
    %lt3A_349 = arith.constant 125 : i32
    %lt3A_350 = arith.cmpi slt, %add3A_346, %lt3A_349 : i32
    %convert_element_type3A_351 = arith.extui %lt3A_350 : i1 to i32
    %cond3A_352 = arith.constant 0 : i32
    %cond3A_353 = arith.cmpi ne, %convert_element_type3A_351, %cond3A_352 : i32
    scf.if %cond3A_353 {
      %dma_start3A_444 = tpu.memref_slice %arg5[%mul3A_348, %multiple_of3A] : memref<10000x128xf32, #tpu.memory_space<hbm>> -> memref<80x64xf32, #tpu.memory_space<hbm>>
      %dma_start3A_445 = arith.constant 0 : i32
      %dma_start3A_446 = tpu.memref_slice %arg7[%mul3A_348, %dma_start3A_445] : memref<10240x64xf32, #tpu.memory_space<vmem_shared>> -> memref<80x64xf32, #tpu.memory_space<vmem_shared>>
      tpu.enqueue_dma source(%dma_start3A_446 : memref<80x64xf32, #tpu.memory_space<vmem_shared>>) target(%dma_start3A_444 : memref<80x64xf32, #tpu.memory_space<hbm>>) target_semaphore(%arg16 : memref<!tpu.dma_semaphore, #tpu.memory_space<semaphore_mem>>)
    } else {
    }
    %add3A_354 = arith.constant 96 : i32
    %add3A_355 = arith.addi %arg1, %add3A_354 : i32
    %mul3A_356 = arith.constant 80 : i32
    %mul3A_357 = arith.muli %add3A_355, %mul3A_356 : i32
    %lt3A_358 = arith.constant 125 : i32
    %lt3A_359 = arith.cmpi slt, %add3A_355, %lt3A_358 : i32
    %convert_element_type3A_360 = arith.extui %lt3A_359 : i1 to i32
    %cond3A_361 = arith.constant 0 : i32
    %cond3A_362 = arith.cmpi ne, %convert_element_type3A_360, %cond3A_361 : i32
    scf.if %cond3A_362 {
      %dma_start3A_444 = tpu.memref_slice %arg5[%mul3A_357, %multiple_of3A] : memref<10000x128xf32, #tpu.memory_space<hbm>> -> memref<80x64xf32, #tpu.memory_space<hbm>>
      %dma_start3A_445 = arith.constant 0 : i32
      %dma_start3A_446 = tpu.memref_slice %arg7[%mul3A_357, %dma_start3A_445] : memref<10240x64xf32, #tpu.memory_space<vmem_shared>> -> memref<80x64xf32, #tpu.memory_space<vmem_shared>>
      tpu.enqueue_dma source(%dma_start3A_446 : memref<80x64xf32, #tpu.memory_space<vmem_shared>>) target(%dma_start3A_444 : memref<80x64xf32, #tpu.memory_space<hbm>>) target_semaphore(%arg17 : memref<!tpu.dma_semaphore, #tpu.memory_space<semaphore_mem>>)
    } else {
    }
    %add3A_363 = arith.constant 112 : i32
    %add3A_364 = arith.addi %arg1, %add3A_363 : i32
    %mul3A_365 = arith.constant 80 : i32
    %mul3A_366 = arith.muli %add3A_364, %mul3A_365 : i32
    %lt3A_367 = arith.constant 125 : i32
    %lt3A_368 = arith.cmpi slt, %add3A_364, %lt3A_367 : i32
    %convert_element_type3A_369 = arith.extui %lt3A_368 : i1 to i32
    %cond3A_370 = arith.constant 0 : i32
    %cond3A_371 = arith.cmpi ne, %convert_element_type3A_369, %cond3A_370 : i32
    scf.if %cond3A_371 {
      %dma_start3A_444 = tpu.memref_slice %arg5[%mul3A_366, %multiple_of3A] : memref<10000x128xf32, #tpu.memory_space<hbm>> -> memref<80x64xf32, #tpu.memory_space<hbm>>
      %dma_start3A_445 = arith.constant 0 : i32
      %dma_start3A_446 = tpu.memref_slice %arg7[%mul3A_366, %dma_start3A_445] : memref<10240x64xf32, #tpu.memory_space<vmem_shared>> -> memref<80x64xf32, #tpu.memory_space<vmem_shared>>
      tpu.enqueue_dma source(%dma_start3A_446 : memref<80x64xf32, #tpu.memory_space<vmem_shared>>) target(%dma_start3A_444 : memref<80x64xf32, #tpu.memory_space<hbm>>) target_semaphore(%arg18 : memref<!tpu.dma_semaphore, #tpu.memory_space<semaphore_mem>>)
    } else {
    }
    %add3A_372 = arith.constant 0 : i32
    %add3A_373 = arith.addi %arg1, %add3A_372 : i32
    %mul3A_374 = arith.constant 80 : i32
    %mul3A_375 = arith.muli %add3A_373, %mul3A_374 : i32
    %lt3A_376 = arith.constant 125 : i32
    %lt3A_377 = arith.cmpi slt, %add3A_373, %lt3A_376 : i32
    %convert_element_type3A_378 = arith.extui %lt3A_377 : i1 to i32
    %cond3A_379 = arith.constant 0 : i32
    %cond3A_380 = arith.cmpi ne, %convert_element_type3A_378, %cond3A_379 : i32
    scf.if %cond3A_380 {
      %dma_wait3A_444 = tpu.memref_slice %arg5[%mul3A_375, %multiple_of3A] : memref<10000x128xf32, #tpu.memory_space<hbm>> -> memref<80x64xf32, #tpu.memory_space<hbm>>
      %dma_wait3A_445 = arith.constant 0 : i32
      %dma_wait3A_446 = tpu.memref_slice %arg7[%mul3A_375, %dma_wait3A_445] : memref<10240x64xf32, #tpu.memory_space<vmem_shared>> -> memref<80x64xf32, #tpu.memory_space<vmem_shared>>
      tpu.wait_dma2 semaphore(%arg15 : memref<!tpu.dma_semaphore, #tpu.memory_space<semaphore_mem>>) src(%dma_wait3A_446 : memref<80x64xf32, #tpu.memory_space<vmem_shared>>) dst(%dma_wait3A_444 : memref<80x64xf32, #tpu.memory_space<hbm>>)
    } else {
    }
    %add3A_381 = arith.constant 16 : i32
    %add3A_382 = arith.addi %arg1, %add3A_381 : i32
    %mul3A_383 = arith.constant 80 : i32
    %mul3A_384 = arith.muli %add3A_382, %mul3A_383 : i32
    %lt3A_385 = arith.constant 125 : i32
    %lt3A_386 = arith.cmpi slt, %add3A_382, %lt3A_385 : i32
    %convert_element_type3A_387 = arith.extui %lt3A_386 : i1 to i32
    %cond3A_388 = arith.constant 0 : i32
    %cond3A_389 = arith.cmpi ne, %convert_element_type3A_387, %cond3A_388 : i32
    scf.if %cond3A_389 {
      %dma_wait3A_444 = tpu.memref_slice %arg5[%mul3A_384, %multiple_of3A] : memref<10000x128xf32, #tpu.memory_space<hbm>> -> memref<80x64xf32, #tpu.memory_space<hbm>>
      %dma_wait3A_445 = arith.constant 0 : i32
      %dma_wait3A_446 = tpu.memref_slice %arg7[%mul3A_384, %dma_wait3A_445] : memref<10240x64xf32, #tpu.memory_space<vmem_shared>> -> memref<80x64xf32, #tpu.memory_space<vmem_shared>>
      tpu.wait_dma2 semaphore(%arg16 : memref<!tpu.dma_semaphore, #tpu.memory_space<semaphore_mem>>) src(%dma_wait3A_446 : memref<80x64xf32, #tpu.memory_space<vmem_shared>>) dst(%dma_wait3A_444 : memref<80x64xf32, #tpu.memory_space<hbm>>)
    } else {
    }
    %add3A_390 = arith.constant 32 : i32
    %add3A_391 = arith.addi %arg1, %add3A_390 : i32
    %mul3A_392 = arith.constant 80 : i32
    %mul3A_393 = arith.muli %add3A_391, %mul3A_392 : i32
    %lt3A_394 = arith.constant 125 : i32
    %lt3A_395 = arith.cmpi slt, %add3A_391, %lt3A_394 : i32
    %convert_element_type3A_396 = arith.extui %lt3A_395 : i1 to i32
    %cond3A_397 = arith.constant 0 : i32
    %cond3A_398 = arith.cmpi ne, %convert_element_type3A_396, %cond3A_397 : i32
    scf.if %cond3A_398 {
      %dma_wait3A_444 = tpu.memref_slice %arg5[%mul3A_393, %multiple_of3A] : memref<10000x128xf32, #tpu.memory_space<hbm>> -> memref<80x64xf32, #tpu.memory_space<hbm>>
      %dma_wait3A_445 = arith.constant 0 : i32
      %dma_wait3A_446 = tpu.memref_slice %arg7[%mul3A_393, %dma_wait3A_445] : memref<10240x64xf32, #tpu.memory_space<vmem_shared>> -> memref<80x64xf32, #tpu.memory_space<vmem_shared>>
      tpu.wait_dma2 semaphore(%arg17 : memref<!tpu.dma_semaphore, #tpu.memory_space<semaphore_mem>>) src(%dma_wait3A_446 : memref<80x64xf32, #tpu.memory_space<vmem_shared>>) dst(%dma_wait3A_444 : memref<80x64xf32, #tpu.memory_space<hbm>>)
    } else {
    }
    %add3A_399 = arith.constant 48 : i32
    %add3A_400 = arith.addi %arg1, %add3A_399 : i32
    %mul3A_401 = arith.constant 80 : i32
    %mul3A_402 = arith.muli %add3A_400, %mul3A_401 : i32
    %lt3A_403 = arith.constant 125 : i32
    %lt3A_404 = arith.cmpi slt, %add3A_400, %lt3A_403 : i32
    %convert_element_type3A_405 = arith.extui %lt3A_404 : i1 to i32
    %cond3A_406 = arith.constant 0 : i32
    %cond3A_407 = arith.cmpi ne, %convert_element_type3A_405, %cond3A_406 : i32
    scf.if %cond3A_407 {
      %dma_wait3A_444 = tpu.memref_slice %arg5[%mul3A_402, %multiple_of3A] : memref<10000x128xf32, #tpu.memory_space<hbm>> -> memref<80x64xf32, #tpu.memory_space<hbm>>
      %dma_wait3A_445 = arith.constant 0 : i32
      %dma_wait3A_446 = tpu.memref_slice %arg7[%mul3A_402, %dma_wait3A_445] : memref<10240x64xf32, #tpu.memory_space<vmem_shared>> -> memref<80x64xf32, #tpu.memory_space<vmem_shared>>
      tpu.wait_dma2 semaphore(%arg18 : memref<!tpu.dma_semaphore, #tpu.memory_space<semaphore_mem>>) src(%dma_wait3A_446 : memref<80x64xf32, #tpu.memory_space<vmem_shared>>) dst(%dma_wait3A_444 : memref<80x64xf32, #tpu.memory_space<hbm>>)
    } else {
    }
    %add3A_408 = arith.constant 64 : i32
    %add3A_409 = arith.addi %arg1, %add3A_408 : i32
    %mul3A_410 = arith.constant 80 : i32
    %mul3A_411 = arith.muli %add3A_409, %mul3A_410 : i32
    %lt3A_412 = arith.constant 125 : i32
    %lt3A_413 = arith.cmpi slt, %add3A_409, %lt3A_412 : i32
    %convert_element_type3A_414 = arith.extui %lt3A_413 : i1 to i32
    %cond3A_415 = arith.constant 0 : i32
    %cond3A_416 = arith.cmpi ne, %convert_element_type3A_414, %cond3A_415 : i32
    scf.if %cond3A_416 {
      %dma_wait3A_444 = tpu.memref_slice %arg5[%mul3A_411, %multiple_of3A] : memref<10000x128xf32, #tpu.memory_space<hbm>> -> memref<80x64xf32, #tpu.memory_space<hbm>>
      %dma_wait3A_445 = arith.constant 0 : i32
      %dma_wait3A_446 = tpu.memref_slice %arg7[%mul3A_411, %dma_wait3A_445] : memref<10240x64xf32, #tpu.memory_space<vmem_shared>> -> memref<80x64xf32, #tpu.memory_space<vmem_shared>>
      tpu.wait_dma2 semaphore(%arg15 : memref<!tpu.dma_semaphore, #tpu.memory_space<semaphore_mem>>) src(%dma_wait3A_446 : memref<80x64xf32, #tpu.memory_space<vmem_shared>>) dst(%dma_wait3A_444 : memref<80x64xf32, #tpu.memory_space<hbm>>)
    } else {
    }
    %add3A_417 = arith.constant 80 : i32
    %add3A_418 = arith.addi %arg1, %add3A_417 : i32
    %mul3A_419 = arith.constant 80 : i32
    %mul3A_420 = arith.muli %add3A_418, %mul3A_419 : i32
    %lt3A_421 = arith.constant 125 : i32
    %lt3A_422 = arith.cmpi slt, %add3A_418, %lt3A_421 : i32
    %convert_element_type3A_423 = arith.extui %lt3A_422 : i1 to i32
    %cond3A_424 = arith.constant 0 : i32
    %cond3A_425 = arith.cmpi ne, %convert_element_type3A_423, %cond3A_424 : i32
    scf.if %cond3A_425 {
      %dma_wait3A_444 = tpu.memref_slice %arg5[%mul3A_420, %multiple_of3A] : memref<10000x128xf32, #tpu.memory_space<hbm>> -> memref<80x64xf32, #tpu.memory_space<hbm>>
      %dma_wait3A_445 = arith.constant 0 : i32
      %dma_wait3A_446 = tpu.memref_slice %arg7[%mul3A_420, %dma_wait3A_445] : memref<10240x64xf32, #tpu.memory_space<vmem_shared>> -> memref<80x64xf32, #tpu.memory_space<vmem_shared>>
      tpu.wait_dma2 semaphore(%arg16 : memref<!tpu.dma_semaphore, #tpu.memory_space<semaphore_mem>>) src(%dma_wait3A_446 : memref<80x64xf32, #tpu.memory_space<vmem_shared>>) dst(%dma_wait3A_444 : memref<80x64xf32, #tpu.memory_space<hbm>>)
    } else {
    }
    %add3A_426 = arith.constant 96 : i32
    %add3A_427 = arith.addi %arg1, %add3A_426 : i32
    %mul3A_428 = arith.constant 80 : i32
    %mul3A_429 = arith.muli %add3A_427, %mul3A_428 : i32
    %lt3A_430 = arith.constant 125 : i32
    %lt3A_431 = arith.cmpi slt, %add3A_427, %lt3A_430 : i32
    %convert_element_type3A_432 = arith.extui %lt3A_431 : i1 to i32
    %cond3A_433 = arith.constant 0 : i32
    %cond3A_434 = arith.cmpi ne, %convert_element_type3A_432, %cond3A_433 : i32
    scf.if %cond3A_434 {
      %dma_wait3A_444 = tpu.memref_slice %arg5[%mul3A_429, %multiple_of3A] : memref<10000x128xf32, #tpu.memory_space<hbm>> -> memref<80x64xf32, #tpu.memory_space<hbm>>
      %dma_wait3A_445 = arith.constant 0 : i32
      %dma_wait3A_446 = tpu.memref_slice %arg7[%mul3A_429, %dma_wait3A_445] : memref<10240x64xf32, #tpu.memory_space<vmem_shared>> -> memref<80x64xf32, #tpu.memory_space<vmem_shared>>
      tpu.wait_dma2 semaphore(%arg17 : memref<!tpu.dma_semaphore, #tpu.memory_space<semaphore_mem>>) src(%dma_wait3A_446 : memref<80x64xf32, #tpu.memory_space<vmem_shared>>) dst(%dma_wait3A_444 : memref<80x64xf32, #tpu.memory_space<hbm>>)
    } else {
    }
    %add3A_435 = arith.constant 112 : i32
    %add3A_436 = arith.addi %arg1, %add3A_435 : i32
    %mul3A_437 = arith.constant 80 : i32
    %mul3A_438 = arith.muli %add3A_436, %mul3A_437 : i32
    %lt3A_439 = arith.constant 125 : i32
    %lt3A_440 = arith.cmpi slt, %add3A_436, %lt3A_439 : i32
    %convert_element_type3A_441 = arith.extui %lt3A_440 : i1 to i32
    %cond3A_442 = arith.constant 0 : i32
    %cond3A_443 = arith.cmpi ne, %convert_element_type3A_441, %cond3A_442 : i32
    scf.if %cond3A_443 {
      %dma_wait3A_444 = tpu.memref_slice %arg5[%mul3A_438, %multiple_of3A] : memref<10000x128xf32, #tpu.memory_space<hbm>> -> memref<80x64xf32, #tpu.memory_space<hbm>>
      %dma_wait3A_445 = arith.constant 0 : i32
      %dma_wait3A_446 = tpu.memref_slice %arg7[%mul3A_438, %dma_wait3A_445] : memref<10240x64xf32, #tpu.memory_space<vmem_shared>> -> memref<80x64xf32, #tpu.memory_space<vmem_shared>>
      tpu.wait_dma2 semaphore(%arg18 : memref<!tpu.dma_semaphore, #tpu.memory_space<semaphore_mem>>) src(%dma_wait3A_446 : memref<80x64xf32, #tpu.memory_space<vmem_shared>>) dst(%dma_wait3A_444 : memref<80x64xf32, #tpu.memory_space<hbm>>)
    } else {
    }
    return
  }
}

</mosaic_0001>

<sc_bundles>
// kernel: kernel.3.cloned.1.call-start
scs
__scs_entry_jumppad:
0x0: {  	(pc) =	sbr.rel $0x88, $3  }
0x1: {  	(tag) =	ssettag $0x0;
	lr =	simm.s32 $0x1  }
0x2: {  	[smem:$0x3F9E] =	sst lr;
	_ =	strace $0xD0000000  }
0x3: {  	_ = 	snop  }
0x4: {  	_ = 	snop  }
0x5: {  	_ = 	snop  }
0x6: {  	_ = 	snop  }
0x7: {  	_ = 	snop  }
__scs_overlays_trampoline_lowered:
0x8: {  	[smem:$0x3FAD] =	sst s0  }
0x9: {  	[smem:$0x3FAE] =	sst s1  }
0xa: {  	[smem:$0x3FAF] =	sst s2  }
0xb: {  	[smem:$0x3FB0] =	sst s3  }
0xc: {  	[smem:$0x3FB1] =	sst s4  }
0xd: {  	[smem:$0x3FB2] =	sst s5  }
0xe: {  	[smem:$0x3FB3] =	sst s6  }
0xf: {  	[smem:$0x3FB4] =	sst s7  }
0x10: {  	[smem:$0x3FB5] =	sst s8  }
0x11: {  	[smem:$0x3FB6] =	sst s9;
	s0 =	simm.s32 @!p0 $0x0  }
0x12: {  	s1 =	sld [smem:$0x3F9C];
	s0 =	simm.s32 @p0 $0x1  }
0x13: {  	[smem:$0x3FB7] =	sst s0;
	s0 =	simm.s32 @!p1 $0x0  }
0x14: {  	s2 =	sld [smem:$0x3F9B];
	s0 =	simm.s32 @p1 $0x1  }
0x15: {  	[smem:$0x3FB8] =	sst s0;
	s0 =	simm.s32 @!p2 $0x0  }
0x16: {  	s3 =	sld [smem:$0x3FDB];
	s0 =	simm.s32 @p2 $0x1  }
0x17: {  	s4 =	simm.s32 $0x1BF5;
	[smem:$0x3FBA] =	sst s0  }
0x18: {  	s0 =	sld [smem:$0x3F9D];
	_ =	swait.ge [sflag:s4], $0x0  }
0x19: {  	s7 =	sld [smem:$0x3F9E]  }
0x1a: {  	s8 =	sadd.s32 $0xFFFFE003, lr  }
0x1b: {  	s9 =	sadd.s32 $0xFFFFFEF7, lr;
	s5 =	simm.s32 $0xFFFFFFFF;
	p2 =	slt.u32 s8, $0xFFFFF086  }
0x1c: {  	p1 =	slt.u32 s9, $0xF7A;
	s5 =	simm.s32 @!p2 $0x0  }
0x1d: {  	s5 =	simm.s32 @p1 $0x1;
	p0 =	seq.s32 s7, s2  }
0x1e: {  	s7 =	smul.u32 @!p0 $0xF7A, s2;
	p2 =	seq.s32 @!p0 s5, $0x0  }
0x1f: {  	s9 =	smul.u32 $0xF7A, s1;
	s8 =	simm.s32 @!p0 $0x1BF5;
	p2 =	por !p2, p0  }
0x20: {  	[sflag:s8] =	ssyncset.s32 @!p0 $0xFFFFF086;
	s6 =	sadd.s32 @!p0 s3, s7;
	s7 =	simm.s32 @!p0 $0x108  }
0x21: {  	s3 =	sadd.s32 s3, s9;
	s6 =	sadd.s32 @!p0 $0x88, s6;
	s7 =	simm.s32 @p2 $0x1082  }
0x22: {  	[simem:s7], [sflag:s8] =	dma.local @!p0 [hbm:s6], $0xF7A  }
0x23: {  	s9 =	sor.u32 $0xD0000000, s2;
	s6 =	simm.s32 $0x108;
	_ =	swait.ge @!p0 [sflag:s8], $0x0  }
0x24: {  	s3 =	sadd.s32 $0x88, s3;
	s6 =	simm.s32 @!p1 $0x1082;
	[sflag:s4] =	ssyncset.s32 $0xFFFFF086  }
0x25: {  	[simem:s6], [sflag:s4] =	dma.local [hbm:s3], $0xF7A  }
0x26: {  	[smem:$0x3F9E] =	sst s1;
	(tag) =	ssettag s2;
	_ =	strace s9  }
0x27: {  	s1 =	sld [smem:$0x3FAE]  }
0x28: {  	s2 =	sld [smem:$0x3FAF]  }
0x29: {  	s4 =	sld [smem:$0x3FB1]  }
0x2a: {  	p0 =	seq.s32 s5, $0x0;
	s5 =	sld [smem:$0x3FB2]  }
0x2b: {  	s6 =	sld [smem:$0x3FB3]  }
0x2c: {  	s7 =	sld [smem:$0x3FB4]  }
0x2d: {  	s3 =	simm.s32 $0x108;
	s8 =	sld [smem:$0x3FB5]  }
0x2e: {  	s3 =	simm.s32 @!p0 $0x1082;
	s9 =	sld [smem:$0x3FB6]  }
0x2f: {  	lr =	sadd.s32 s0, s3;
	s0 =	sld [smem:$0x3FAD]  }
0x30: {  	s3 =	sld [smem:$0x3FB0]  }
0x31: {  	[smem:$0x3FB9] =	sst s10  }
0x32: {  	s10 =	sld [smem:$0x3FB7];
	_ =	sdelay $0x3  }
0x33: {  	p0 =	seq.s32 s10, $0x1;
	s10 =	sld [smem:$0x3FB9];
	_ =	sdelay $0x3  }
0x34: {  	[smem:$0x3FB9] =	sst s10  }
0x35: {  	s10 =	sld [smem:$0x3FB8];
	_ =	sdelay $0x3  }
0x36: {  	p1 =	seq.s32 s10, $0x1;
	s10 =	sld [smem:$0x3FB9];
	_ =	sdelay $0x3  }
0x37: {  	[smem:$0x3FB9] =	sst s10  }
0x38: {  	s10 =	sld [smem:$0x3FBA]  }
0x39: {  	_ = 	snop;
	(pc) =	sbr.ind lr, $3  }
0x3a: {  	_ = 	snop  }
0x3b: {  	_ = 	snop  }
0x3c: {  	p2 =	seq.s32 s10, $0x1;
	s10 =	sld [smem:$0x3FB9]  }
0x3d: {  	_ =	shalt  }
0x3e: {  	_ =	shalt  }
0x3f: {  	_ =	shalt  }
0x40: {  	_ =	shalt  }
0x41: {  	_ =	shalt  }
0x42: {  	_ =	shalt  }
0x43: {  	_ =	shalt  }
0x44: {  	_ =	shalt  }
0x45: {  	_ =	shalt  }
0x46: {  	_ =	shalt  }
0x47: {  	_ =	shalt  }
0x48: {  	_ =	shalt  }
0x49: {  	_ =	shalt  }
0x4a: {  	_ =	shalt  }
0x4b: {  	_ =	shalt  }
0x4c: {  	_ =	shalt  }
0x4d: {  	_ =	shalt  }
0x4e: {  	_ =	shalt  }
0x4f: {  	_ =	shalt  }
0x50: {  	_ =	shalt  }
0x51: {  	_ =	shalt  }
0x52: {  	_ =	shalt  }
0x53: {  	_ =	shalt  }
0x54: {  	_ =	shalt  }
0x55: {  	_ =	shalt  }
0x56: {  	_ =	shalt  }
0x57: {  	_ =	shalt  }
0x58: {  	_ =	shalt  }
0x59: {  	_ =	shalt  }
0x5a: {  	_ =	shalt  }
0x5b: {  	_ =	shalt  }
0x5c: {  	_ =	shalt  }
0x5d: {  	_ =	shalt  }
0x5e: {  	_ =	shalt  }
0x5f: {  	_ =	shalt  }
0x60: {  	_ =	shalt  }
0x61: {  	_ =	shalt  }
0x62: {  	_ =	shalt  }
0x63: {  	_ =	shalt  }
0x64: {  	_ =	shalt  }
0x65: {  	_ =	shalt  }
0x66: {  	_ =	shalt  }
0x67: {  	_ =	shalt  }
0x68: {  	_ =	shalt  }
0x69: {  	_ =	shalt  }
0x6a: {  	_ =	shalt  }
0x6b: {  	_ =	shalt  }
0x6c: {  	_ =	shalt  }
0x6d: {  	_ =	shalt  }
0x6e: {  	_ =	shalt  }
0x6f: {  	_ =	shalt  }
0x70: {  	_ =	shalt  }
0x71: {  	_ =	shalt  }
0x72: {  	_ =	shalt  }
0x73: {  	_ =	shalt  }
0x74: {  	_ =	shalt  }
0x75: {  	_ =	shalt  }
0x76: {  	_ =	shalt  }
0x77: {  	_ =	shalt  }
0x78: {  	_ =	shalt  }
0x79: {  	_ =	shalt  }
0x7a: {  	_ =	shalt  }
0x7b: {  	_ =	shalt  }
0x7c: {  	_ =	shalt  }
0x7d: {  	_ =	shalt  }
0x7e: {  	_ =	shalt  }
0x7f: {  	_ =	shalt  }
0x80: {  	_ =	shalt  }
0x81: {  	_ =	shalt  }
0x82: {  	_ =	shalt  }
0x83: {  	_ =	shalt  }
0x84: {  	_ =	shalt  }
0x85: {  	_ =	shalt  }
0x86: {  	_ =	shalt  }
0x87: {  	_ =	shalt  }
.Lfunc_end0:
.L_simem_size_0:
called_computation_lowered:
.L_overlay_start_0:
0x88: {  	s2 =	sld [smem:$0x3FD9]  }
0x89: {  	s3 =	sld [smem:$0x3FFE];
	_ =	sdelay $0x1  }
0x8a: {  	s1 =	srdreg.scid  }
0x8b: {  	s0 =	sand.u32 $0x1, s1  }
0x8c: {  	s17 =	sshll.u32 s0, $0xA;
	s2 =	sadd.s32 s3, s2  }
0x8d: {  	s2 =	sadd.s32 s2, s17  }
0x8e: {  	[smem:$0x3FC5] =	sst s2  }
0x8f: {  	_ = 	snop  }
0x90: {  	s2 =	sld [smem:$0x3FC9]  }
0x91: {  	s18 =	sld [smem:$0x3FD0];
	(tm) =	ssettm $0x1  }
0x92: {  	s4 =	sld [smem:$0x3FFB];
	_ =	sdelay $0x3  }
0x93: {  	_ =	strace s4  }
0x94: {  	s4 =	sld [smem:$0x3FFC];
	_ =	sdelay $0x3  }
0x95: {  	_ =	strace s4  }
0x96: {  	s4 =	sld [smem:$0x3FFD];
	_ =	sdelay $0x3  }
0x97: {  	_ =	strace s4  }
0x98: {  	_ =	strace $0x8FFFFFFF  }
0x99: {  	s19 =	sld [smem:$0x3FDB];
	_ =	sdelay $0x1  }
0x9a: {  	s5 =	simm.s32 $_scs_section_size  }
0x9b: {  	s6 =	simm.s32 $_size__tile_overlayer_lowered;
	s7 =	simm.s32 $_tile_overlayer_lowered  }
0x9c: {  	s22 =	simm.s32 $0x1BFF;
	s21 =	sshll.u32 s7, $0x1;
	s4 =	sadd.s32 s5, s19  }
0x9d: {  	s8 =	simm.s32 $0x0;
	s20 =	sshll.u32 s6, $0x1;
	s6 =	sadd.s32 s21, s4  }
0x9e: {  	[timem:s8], [sflag:s22] =	dma.local [hbm:s6], s20  }
0x9f: {  	_ =	swait.ge [sflag:s22], s20  }
0xa0: {  	s5 =	ssub.s32 $0x0, s20;
	[sflag:s22] =	ssyncset.done $0x0  }
0xa1: {  	[sflag:s22] =	ssyncadd.s32 s5;
	_ =	sdelay $0x1  }
0xa2: {  	s23 =	simm.s32 $0x1B8B  }
0xa3: {  	_ =	swait.ge [sflag:s23], $0x1  }
0xa4: {  	[sflag:s23] =	ssyncset.done $0x0  }
0xa5: {  	s25 =	simm.s32 $0x1B8E;
	s24 =	sld [smem:$0x3FFE];
	[sflag:s23] =	ssyncadd.s32 $0xFFFFFFFF  }
0xa6: {  	s26 =	simm.s32 $execute0_lowered;
	[smem:$0x3FD2] =	sst s25  }
0xa7: {  	s6 =	sshll.u32 s26, $0x1;
	_ =	strace $0x80000046;
	[dreg:$0x1] =	wrdreg $0xFFFFFFFF  }
0xa8: {  	s28 =	simm.s32 $_size_execute0_lowered;
	s4 =	sadd.s32 s4, s6;
	[dreg:$0x0] =	wrdreg $0x0  }
0xa9: {  	s6 =	sshll.u32 s28, $0x1;
	[dreg:$0x2] =	wrdreg s4  }
0xaa: {  	[dreg:$0x3] =	wrdreg s6  }
0xab: {  	[dreg:$0x4] =	wrdreg $0xC0  }
0xac: {  	_ =	task [dreg:s8], $0x5FFFF  }
0xad: {  	[dreg:$0x1] =	wrdreg $0xFFFFFFFF  }
0xae: {  	[dreg:$0x0] =	wrdreg $0x60  }
0xaf: {  	[dreg:$0x2] =	wrdreg s2  }
0xb0: {  	[dreg:$0x3] =	wrdreg s24  }
0xb1: {  	[dreg:$0x4] =	wrdreg s18  }
0xb2: {  	[dreg:$0x5] =	wrdreg $0x0  }
0xb3: {  	[dreg:$0x6] =	wrdreg $0xA0000  }
0xb4: {  	[dreg:$0x7] =	wrdreg $0x9  }
0xb5: {  	_ =	task.clear_ibuf [dreg:s8], $0x8FFFF;
	_ =	strace $0x90000046  }
0xb6: {  	s29 =	simm.s32 $0x9;
	_ =	strace $0x80000048  }
0xb7: {  	_ =	swait.ge [sflag:s29], $0x1  }
0xb8: {  	[sflag:s29] =	ssyncadd.s32 $0xFFFFFFFF  }
0xb9: {  	_ =	strace $0x90000048  }
0xba: {  	_ =	sfence  }
0xbb: {  	s30 =	sld [smem:$0x0];
	_ =	sdelay $0x2  }
0xbc: {  	s31 =	sshll.u32 s1, $0xD;
	s1 =	sshrl.u32 s1, $0x2  }
0xbd: {  	s3 =	sand.u32 $0x4000, s31;
	s1 =	sadd.s32 s1, s30  }
0xbe: {  	s0 =	sor.u32 s3, s0;
	s1 =	sshll.u32 s1, $0x11  }
0xbf: {  	s0 =	sor.u32 s1, s0  }
0xc0: {  	s0 =	sadd.s32 $0x8F2B, s0  }
0xc1: {  	[sflag:s0] =	ssyncadd.remote.s32 $0x1  }
0xc2: {  	_ =	sfence.sel $0xFFFF  }
0xc3: {  	[dreg:$0x0] =	wrdreg $0xFFFFFFFF;
	(pc) =	sbr.abs _section_cstart, $3  }
0xc4: {  	[dreg:$0x1] =	wrdreg $0xFFFFFFFF  }
0xc5: {  	_ =	task.clear_ibuf [dreg:s8], $0x2FFFF;
	_ =	strace $0x9FFFFFFF  }
0xc6: {  	(tm) =	ssettm $0x7FFFFFFF  }
0xc7: {  	_ =	shalt  }
tec
execute0_lowered:
.L_overlay_start_1:
0x0: {  	(tag) =	ssettag $0x1  }
0x1: {  	s1 =	rddreg [dreg:$0x0]  }
0x2: {  	s2 =	rddreg [dreg:$0x1]  }
0x3: {  	s0 =	rddreg [dreg:$0x2]  }
0x4: {  	s3 =	rddreg [dreg:$0x3]  }
0x5: {  	s4 =	rddreg [dreg:$0x4];
	s5 =	simm.s32 $0x0  }
0x6: {  	s8 =	simm.s32 $0x1C100;
	[smem:$0x7FF] =	sst s5  }
0x7: {  	s9 =	simm.s32 $0x1C080;
	_ =	strace $0x80000047;
	[dreg:$0x7] =	wrdreg s8  }
0x8: {  	s10 =	simm.s32 $0x1C300;
	[dreg:$0x8] =	wrdreg s9  }
0x9: {  	s11 =	simm.s32 $0x1C280;
	[dreg:$0x9] =	wrdreg s10  }
0xa: {  	s12 =	simm.s32 $0x1C400;
	[dreg:$0xa] =	wrdreg s11  }
0xb: {  	s13 =	simm.s32 $0x1C380;
	[dreg:$0xb] =	wrdreg s12  }
0xc: {  	s14 =	simm.s32 $0x1C500;
	[dreg:$0xc] =	wrdreg s13  }
0xd: {  	s15 =	simm.s32 $0x1C480;
	[dreg:$0xd] =	wrdreg s14  }
0xe: {  	s16 =	simm.s32 $0x1C600;
	[dreg:$0xe] =	wrdreg s15  }
0xf: {  	s17 =	simm.s32 $0x1C580;
	[dreg:$0xf] =	wrdreg s16  }
0x10: {  	s18 =	simm.s32 $0x1C700;
	[dreg:$0x10] =	wrdreg s17  }
0x11: {  	s19 =	simm.s32 $0x1C680;
	[dreg:$0x11] =	wrdreg s18  }
0x12: {  	s20 =	simm.s32 $0x1C800;
	[dreg:$0x12] =	wrdreg s19  }
0x13: {  	s21 =	simm.s32 $0x1C780;
	[dreg:$0x13] =	wrdreg s20  }
0x14: {  	s22 =	simm.s32 $0x1C900;
	[dreg:$0x14] =	wrdreg s21  }
0x15: {  	s23 =	simm.s32 $0x1C880;
	[dreg:$0x15] =	wrdreg s22  }
0x16: {  	s25 =	simm.s32 $0x1CA00;
	[dreg:$0x16] =	wrdreg s23  }
0x17: {  	s26 =	simm.s32 $0x1C980;
	[dreg:$0x17] =	wrdreg s25  }
0x18: {  	s7 =	simm.s32 $0x1CB00;
	[dreg:$0x18] =	wrdreg s26  }
0x19: {  	[dreg:$0x19] =	wrdreg s7;
	s8 =	simm.s32 $0x1CA80  }
0x1a: {  	s9 =	simm.s32 $0x1CC00;
	[dreg:$0x1a] =	wrdreg s8  }
0x1b: {  	s10 =	simm.s32 $0x1CB80;
	[dreg:$0x1b] =	wrdreg s9  }
0x1c: {  	s11 =	simm.s32 $0x1CD00;
	[dreg:$0x1c] =	wrdreg s10  }
0x1d: {  	s12 =	simm.s32 $0x1CC80;
	[dreg:$0x1d] =	wrdreg s11  }
0x1e: {  	s13 =	simm.s32 $0x1CE00;
	[dreg:$0x1e] =	wrdreg s12  }
0x1f: {  	s14 =	simm.s32 $0x1CD80;
	[dreg:$0x1f] =	wrdreg s13  }
0x20: {  	s15 =	simm.s32 $0x1CF00;
	[smem:$0x7AF] =	sst s14  }
0x21: {  	s16 =	simm.s32 $0x1CE80;
	[smem:$0x7B0] =	sst s15  }
0x22: {  	s17 =	simm.s32 $0x1D100;
	[smem:$0x7B1] =	sst s16  }
0x23: {  	s19 =	simm.s32 $0x1D080;
	[smem:$0x7B3] =	sst s17  }
0x24: {  	s20 =	simm.s32 $0x1D200;
	[smem:$0x7B4] =	sst s19  }
0x25: {  	s24 =	stileid.u32;
	s22 =	simm.s32 $0x1D180;
	[smem:$0x7B5] =	sst s20  }
0x26: {  	s6 =	smul.u32 $0xA0, s24;
	s23 =	simm.s32 $0x1D300;
	[smem:$0x7B6] =	sst s22  }
0x27: {  	s26 =	simm.s32 $0x1D280;
	[smem:$0x7B7] =	sst s23  }
0x28: {  	s6 =	sadd.s32 $0x20, s6;
	[smem:$0x7B8] =	sst s26  }
0x29: {  	s7 =	srdreg.scid;
	s10 =	simm.s32 $0x1CF80;
	[dreg:$0x6] =	wrdreg s6  }
0x2a: {  	s18 =	smul.u32 $0x2800, s24;
	s11 =	simm.s32 $0x1D400;
	[smem:$0x7B2] =	sst s10  }
0x2b: {  	s7 =	sand.u32 $0x1, s7;
	s12 =	simm.s32 $0x1D380;
	[smem:$0x7B9] =	sst s11  }
0x2c: {  	s13 =	simm.s32 $0x1D500;
	s19 =	simm.s32 $0x1D580;
	[smem:$0x7BA] =	sst s12  }
0x2d: {  	s20 =	simm.s32 $0x1D700;
	s22 =	simm.s32 $0x1D800;
	[smem:$0x7BB] =	sst s13  }
0x2e: {  	s26 =	simm.s32 $0x1D880;
	s8 =	ssub.s32 $0x2, s7;
	[smem:$0x7BE] =	sst s19  }
0x2f: {  	s15 =	sshll.u32 s7, $0x6;
	s10 =	sor.u32 $0x10, s24;
	[smem:$0x7BF] =	sst s20  }
0x30: {  	s7 =	sor.u32 $0x20, s24;
	s11 =	simm.s32 $0x1D480;
	[smem:$0x7C1] =	sst s22  }
0x31: {  	s13 =	simm.s32 $0x1D780;
	[smem:$0x7C4] =	sst s26;
	s22 =	simm.s32 $0x1D980  }
0x32: {  	s26 =	simm.s32 $0x1DB80;
	s9 =	sshrl.u32 s8, $0x1;
	s25 =	smul.u32 $0x2800, s10  }
0x33: {  	s21 =	sor.u32 s15, s18;
	s17 =	smul.u32 $0x2800, s7;
	[smem:$0x7BC] =	sst s11  }
0x34: {  	s18 =	simm.s32 $0x1D600;
	s11 =	sor.u32 $0x50, s24;
	[smem:$0x7C2] =	sst s13  }
0x35: {  	[smem:$0x7C6] =	sst s22;
	s22 =	simm.s32 $0x1DA80;
	s13 =	sor.u32 $0x70, s24  }
0x36: {  	[smem:$0x7CA] =	sst s26;
	s26 =	simm.s32 $0x1DC80;
	s6 =	ssub.s32 s8, s9  }
0x37: {  	s14 =	sshrl.u32 s21, $0x3;
	s8 =	sor.u32 $0x30, s24;
	[smem:$0x7BD] =	sst s18  }
0x38: {  	s21 =	simm.s32 $0x1D680;
	s9 =	sor.u32 $0x40, s24;
	[smem:$0x7C8] =	sst s22  }
0x39: {  	s19 =	smul.u32 $0x2800, s11;
	[smem:$0x7CD] =	sst s26;
	s22 =	simm.s32 $0x1DD80  }
0x3a: {  	s16 =	sor.u32 s15, s25;
	s12 =	smul.u32 $0x2800, s8;
	[smem:$0x7C0] =	sst s21  }
0x3b: {  	s17 =	sor.u32 s15, s17;
	s25 =	simm.s32 $0x1D900;
	[smem:$0x7DE] =	sst s22  }
0x3c: {  	s23 =	smul.u32 $0x2800, s9;
	s21 =	simm.s32 $0x1DA00;
	[smem:$0x7C3] =	sst s25  }
0x3d: {  	s6 =	smax.u32 s6, $0x1;
	s19 =	sor.u32 s15, s19;
	[smem:$0x7C5] =	sst s21  }
0x3e: {  	s25 =	simm.s32 $0x1DC00;
	s16 =	sshrl.u32 s16, $0x3;
	s17 =	sshrl.u32 s17, $0x3  }
0x3f: {  	[smem:$0x7F2] =	sst s6;
	s18 =	sor.u32 s15, s12;
	s20 =	sor.u32 s15, s23  }
0x40: {  	s12 =	sor.u32 $0x60, s24;
	s23 =	simm.s32 $0x1DB00;
	[smem:$0x7C9] =	sst s25  }
0x41: {  	s25 =	simm.s32 $0x1DD00;
	s21 =	smul.u32 $0x2800, s12;
	[smem:$0x7C7] =	sst s23  }
0x42: {  	s26 =	sadd.s32 s1, s16;
	s23 =	smul.u32 $0x2800, s13;
	[smem:$0x7CB] =	sst s25  }
0x43: {  	s25 =	sadd.s32 s1, s14;
	[smem:$0x7CE] =	sst s26;
	s18 =	sshrl.u32 s18, $0x3  }
0x44: {  	s20 =	sshrl.u32 s20, $0x3;
	[smem:$0x7CC] =	sst s25;
	s25 =	sadd.s32 s1, s18  }
0x45: {  	s26 =	sadd.s32 s1, s20;
	s21 =	sor.u32 s15, s21;
	[smem:$0x7D0] =	sst s25  }
0x46: {  	s15 =	sor.u32 s15, s23;
	s23 =	sadd.s32 s1, s17;
	[smem:$0x7D1] =	sst s26  }
0x47: {  	s26 =	sadd.s32 s0, s14;
	[smem:$0x7CF] =	sst s23  }
0x48: {  	s14 =	sadd.s32 s0, s16;
	[smem:$0x7D5] =	sst s26  }
0x49: {  	s16 =	sadd.s32 s0, s17;
	[smem:$0x7D6] =	sst s14  }
0x4a: {  	s28 =	simm.s32 $0x1;
	s17 =	sadd.s32 s0, s18;
	[smem:$0x7D7] =	sst s16  }
0x4b: {  	s19 =	sshrl.u32 s19, $0x3;
	s18 =	sadd.s32 s0, s20;
	[smem:$0x7D8] =	sst s17  }
0x4c: {  	s29 =	simm.s32 $0x16000;
	s23 =	sadd.s32 s1, s19;
	[smem:$0x7D9] =	sst s18  }
0x4d: {  	s30 =	simm.s32 $0x2;
	s19 =	sadd.s32 s0, s19;
	[smem:$0x7D2] =	sst s23  }
0x4e: {  	s21 =	sshrl.u32 s21, $0x3;
	s16 =	simm.s32 $0x1DF80;
	[smem:$0x7DA] =	sst s19  }
0x4f: {  	s15 =	sshrl.u32 s15, $0x3;
	s25 =	sadd.s32 s1, s21;
	[smem:$0x7E1] =	sst s16  }
0x50: {  	s31 =	simm.s32 $0x9;
	s1 =	sadd.s32 s1, s15;
	[smem:$0x7D3] =	sst s25  }
0x51: {  	p0 =	sgt.u32 s24, $0xC;
	s20 =	sadd.s32 s0, s21;
	[smem:$0x7D4] =	sst s1  }
0x52: {  	s6 =	simm.s32 $0x18000;
	s0 =	sadd.s32 s0, s15;
	[smem:$0x7DB] =	sst s20  }
0x53: {  	s26 =	smul.u32 $0x1400, s10;
	s21 =	simm.s32 $0x1DE00;
	[smem:$0x7DC] =	sst s0  }
0x54: {  	s10 =	smul.u32 $0x5000, s10;
	s15 =	simm.s32 $0x1DE80;
	[smem:$0x7DD] =	sst s21  }
0x55: {  	s17 =	smul.u32 $0x1400, s7;
	s25 =	simm.s32 $0x1DF00;
	[smem:$0x7E0] =	sst s15  }
0x56: {  	s23 =	smul.u32 $0x1400, s24;
	s20 =	sadd.s32 s26, s3;
	[smem:$0x7DF] =	sst s25  }
0x57: {  	s19 =	smul.u32 $0x1400, s8;
	s1 =	sadd.s32 s26, s4;
	[smem:$0x7E4] =	sst s20  }
0x58: {  	s8 =	smul.u32 $0x5000, s8;
	s22 =	sadd.s32 s17, s3;
	[smem:$0x7E5] =	sst s1  }
0x59: {  	s21 =	smul.u32 $0x1400, s9;
	s14 =	sadd.s32 s17, s4;
	[smem:$0x7E6] =	sst s22  }
0x5a: {  	s26 =	smul.u32 $0x1400, s12;
	s18 =	sadd.s32 s23, s3;
	[smem:$0x7E7] =	sst s14  }
0x5b: {  	s15 =	sadd.s32 s2, s23;
	s0 =	sadd.s32 s23, s4;
	[smem:$0x7E2] =	sst s18  }
0x5c: {  	s23 =	smul.u32 $0x1400, s11;
	s25 =	sadd.s32 s19, s3;
	[smem:$0x7E3] =	sst s0  }
0x5d: {  	s16 =	sshrl.u32 s10, $0x2;
	s20 =	smul.u32 $0x5000, s24;
	[smem:$0x7E8] =	sst s25  }
0x5e: {  	s22 =	smul.u32 $0x5000, s7;
	s0 =	sadd.s32 s19, s4;
	[smem:$0x7FC] =	sst s15  }
0x5f: {  	s8 =	sshrl.u32 s8, $0x2;
	s17 =	sadd.s32 s21, s3;
	[smem:$0x7E9] =	sst s0  }
0x60: {  	s1 =	sadd.s32 s21, s4;
	s18 =	smul.u32 $0x1400, s13;
	[smem:$0x7EA] =	sst s17  }
0x61: {  	s21 =	sadd.s32 s26, s3;
	s8 =	sadd.s32 s8, s4;
	[smem:$0x7EB] =	sst s1  }
0x62: {  	s19 =	sadd.s32 s23, s3;
	s14 =	sadd.s32 s23, s4;
	[smem:$0x7EE] =	sst s21  }
0x63: {  	s0 =	sadd.s32 s26, s4;
	s23 =	sshrl.u32 s20, $0x2;
	[smem:$0x7EC] =	sst s19  }
0x64: {  	s17 =	smul.u32 $0x5000, s11;
	s21 =	sshrl.u32 s8, $0x3;
	[smem:$0x7ED] =	sst s14  }
0x65: {  	s8 =	simm.s32 $0x1D000;
	[smem:$0x7EF] =	sst s0;
	s25 =	sadd.s32 s18, s3  }
0x66: {  	s1 =	sadd.s32 s18, s4;
	s26 =	sadd.s32 s23, s4;
	s14 =	smul.u32 $0x5000, s9  }
0x67: {  	s0 =	sshrl.u32 s22, $0x2;
	s18 =	smul.u32 $0x5000, s12;
	[smem:$0x7F6] =	sst s21  }
0x68: {  	s9 =	sadd.s32 s16, s4;
	s19 =	smul.u32 $0x5000, s13;
	[smem:$0x7F0] =	sst s25  }
0x69: {  	s21 =	simm.s32 $0x1C000;
	s16 =	simm.s32 $0x40;
	[smem:$0x7F1] =	sst s1  }
0x6a: {  	s0 =	sadd.s32 s0, s4;
	s10 =	sshrl.u32 s17, $0x2;
	s1 =	sshrl.u32 s26, $0x3  }
0x6b: {  	s20 =	sshrl.u32 s9, $0x3;
	s25 =	sadd.s32 $0x14000, s2;
	s26 =	sadd.s32 $0x200, s15  }
0x6c: {  	s9 =	simm.s32 $0x4;
	s7 =	sshrl.u32 s14, $0x2;
	[smem:$0x7F3] =	sst s1  }
0x6d: {  	s10 =	sadd.s32 s10, s4;
	s11 =	sshrl.u32 s18, $0x2;
	[smem:$0x7F4] =	sst s20  }
0x6e: {  	s12 =	sshrl.u32 s19, $0x2;
	s0 =	sshrl.u32 s0, $0x3;
	[smem:$0x7FB] =	sst s25  }
0x6f: {  	[smem:$0x7FD] =	sst s26;
	s25 =	simm.s32 $0x80;
	s26 =	simm.s32 $0x14000  }
0x70: {  	s1 =	simm.s32 $0x3;
	s14 =	simm.s32 $0x0;
	s7 =	sadd.s32 s7, s4  }
0x71: {  	s11 =	sadd.s32 s11, s4;
	s12 =	sadd.s32 s12, s4;
	[smem:$0x7F5] =	sst s0  }
0x72: {  	s23 =	sshrl.u32 s10, $0x3;
	s10 =	simm.s32 $0x6;
	s22 =	sshrl.u32 s7, $0x3  }
0x73: {  	[smem:$0x7F8] =	sst s23;
	s24 =	sshrl.u32 s11, $0x3;
	s0 =	sshrl.u32 @!p0 s12, $0x3  }
0x74: {  	s23 =	simm.s32 $0xB;
	s7 =	simm.s32 $0x5;
	[smem:$0x7F7] =	sst s22  }
0x75: {  	s11 =	simm.s32 $0x7;
	s12 =	simm.s32 $0x8;
	[smem:$0x7F9] =	sst s24  }
0x76: {  	[smem:$0x7FA] =	sst s0;
	s0 =	simm.s32 $0x1A000;
	s22 =	simm.s32 $0xA  }
.LBB2_1:
0x77: {  	s13 =	sld [smem:$0x7FC];
	_ =	sdelay $0x1  }
0x78: {  	s18 =	sld [smem:$0x7FB]  }
0x79: {  	[tilespmem:s21], [sflag:$0x9] =	stream.linear.gather [hbm4b:s13+s5], $0x1000, $0x38;
	[tilespmem:$0x1E010] =	vst v63  }
0x7a: {  	s15 =	simm.s32 $0x1E000  }
0x7b: {  	[tilespmem:s15], [sflag:$0xB] =	stream.linear.gather [hbm4b:s18+s5], $0x10, $0x38;
	[tilespmem:$0x1E010] =	vst v63  }
0x7c: {  	_ =	swait.ge [sflag:s23], $0x10  }
0x7d: {  	s19 =	sld [smem:$0x7CC]  }
0x7e: {  	[sflag:s23] =	ssyncset.done $0x0  }
0x7f: {  	[sflag:s23] =	ssyncadd.s32 $0xFFFFFFF0  }
0x80: {  	v0 =	vld [tilespmem:$0x1E000];
	[tilespmem:s26], [sflag:$0x1] =	stream.strided.gather [hbm4b:s19+s16], $0x1400, s25, s16, $0x38  }
0x81: {  	_ =	swait.ge [sflag:s28], $0x1400  }
0x82: {  	s20 =	sld [smem:$0x7CE]  }
0x83: {  	[sflag:s28] =	ssyncset.done $0x0  }
0x84: {  	s24 =	sld [smem:$0x7E2];
	[sflag:s28] =	ssyncadd.s32 $0xFFFFEC00  }
0x85: {  	[tilespmem:s29], [sflag:$0x2] =	stream.strided.gather [hbm4b:s20+s16], $0x1400, s25, s16, $0x38;
	[tilespmem:$0x1E010] =	vst v63  }
0x86: {  	_ = 	snop  }
0x87: {  	[spmem:s24] =	stream.linear.scatter [tilespmem:s26], [sflag:$0xB], $0x1400, $0x38;
	[tilespmem:$0x1E010] =	vst v63  }
0x88: {  	_ =	swait.ge [sflag:s23], $0x1400  }
0x89: {  	[sflag:s23] =	ssyncset.done $0x0  }
0x8a: {  	s15 =	simm.s32 $0x0;
	[sflag:s23] =	ssyncadd.s32 $0xFFFFEC00  }
0x8b: {  	v1 =	vld [tilespmem:s15+$0x14000]  }
0x8c: {  	v3 =	vld [tilespmem:s15+$0x14010]  }
0x8d: {  	s17 =	simm.s32 $0x100;
	v0 =	vadd.f32 $1.000000000e+00, v0;
	v2 =	vld [tilespmem:s15+$0x14020]  }
.LBB2_2:
0x8e: {  	p1 =	sne.s32 s17, $0x4F00;
	v4 =	vld [tilespmem:s15+$0x14030];
	_ =	sdelay $0x1  }
0x8f: {  	v1 =	vmul.f32 v1, v0  }
.Ltmp0:
0x90: {  	v3 =	vmul.f32 v3, v0;
	(pc) =	sbr.rel @p1 .LBB2_2-.Ltmp0, $4  }
0x91: {  	s18 =	sshra.s32 s17, $0x2;
	[tilespmem:s15+$0x14000] =	vst v1;
	v2 =	vmul.f32 v2, v0  }
0x92: {  	v1 =	vld [tilespmem:s18+$0x14000];
	[tilespmem:s15+$0x14010] =	vst v3;
	v4 =	vmul.f32 v4, v0  }
0x93: {  	v3 =	vld [tilespmem:s18+$0x14010];
	[tilespmem:s15+$0x14020] =	vst v2  }
0x94: {  	s17 =	sadd.s32 $0x100, s17;
	v2 =	vld [tilespmem:s18+$0x14020];
	[tilespmem:s15+$0x14030] =	vst v4;
	s15 =	smov.u32 s18  }
0x95: {  	v4 =	vld [tilespmem:s15+$0x14030];
	_ =	sdelay $0x1  }
0x96: {  	v1 =	vmul.f32 v1, v0  }
0x97: {  	v3 =	vmul.f32 v3, v0  }
0x98: {  	[tilespmem:s15+$0x14000] =	vst v1;
	v1 =	vmul.f32 v2, v0  }
0x99: {  	s13 =	sld [smem:$0x7E3];
	[tilespmem:s15+$0x14010] =	vst v3;
	v2 =	vmul.f32 v4, v0  }
0x9a: {  	[tilespmem:s15+$0x14020] =	vst v1  }
0x9b: {  	[tilespmem:s15+$0x14030] =	vst v2  }
0x9c: {  	[spmem:s13] =	stream.linear.scatter [tilespmem:s26], [sflag:$0xB], $0x1400, $0x38;
	[tilespmem:$0x1E010] =	vst v63  }
0x9d: {  	_ =	swait.ge [sflag:s23], $0x1400  }
0x9e: {  	[sflag:s23] =	ssyncset.done $0x0  }
0x9f: {  	[sflag:s23] =	ssyncadd.s32 $0xFFFFEC00  }
0xa0: {  	_ =	swait.ge [sflag:s30], $0x1400  }
0xa1: {  	s20 =	sld [smem:$0x7CF]  }
0xa2: {  	[sflag:s30] =	ssyncset.done $0x0  }
0xa3: {  	s24 =	sld [smem:$0x7E4];
	[sflag:s30] =	ssyncadd.s32 $0xFFFFEC00  }
0xa4: {  	[tilespmem:s26], [sflag:$0x1] =	stream.strided.gather [hbm4b:s20+s16], $0x1400, s25, s16, $0x38;
	[tilespmem:$0x1E010] =	vst v63  }
0xa5: {  	_ = 	snop  }
0xa6: {  	[spmem:s24] =	stream.linear.scatter [tilespmem:s29], [sflag:$0xB], $0x1400, $0x38;
	[tilespmem:$0x1E010] =	vst v63  }
0xa7: {  	_ =	swait.ge [sflag:s23], $0x1400  }
0xa8: {  	[sflag:s23] =	ssyncset.done $0x0  }
0xa9: {  	s15 =	simm.s32 $0x0;
	[sflag:s23] =	ssyncadd.s32 $0xFFFFEC00  }
0xaa: {  	v1 =	vld [tilespmem:s15+$0x16000]  }
0xab: {  	v3 =	vld [tilespmem:s15+$0x16010]  }
0xac: {  	s17 =	simm.s32 $0x100;
	v2 =	vld [tilespmem:s15+$0x16020]  }
.LBB2_4:
0xad: {  	p1 =	sne.s32 s17, $0x4F00;
	v4 =	vld [tilespmem:s15+$0x16030];
	_ =	sdelay $0x1  }
0xae: {  	v1 =	vmul.f32 v1, v0  }
.Ltmp1:
0xaf: {  	v3 =	vmul.f32 v3, v0;
	(pc) =	sbr.rel @p1 .LBB2_4-.Ltmp1, $4  }
0xb0: {  	s18 =	sshra.s32 s17, $0x2;
	[tilespmem:s15+$0x16000] =	vst v1;
	v2 =	vmul.f32 v2, v0  }
0xb1: {  	v1 =	vld [tilespmem:s18+$0x16000];
	[tilespmem:s15+$0x16010] =	vst v3;
	v4 =	vmul.f32 v4, v0  }
0xb2: {  	v3 =	vld [tilespmem:s18+$0x16010];
	[tilespmem:s15+$0x16020] =	vst v2  }
0xb3: {  	s17 =	sadd.s32 $0x100, s17;
	v2 =	vld [tilespmem:s18+$0x16020];
	[tilespmem:s15+$0x16030] =	vst v4;
	s15 =	smov.u32 s18  }
0xb4: {  	v4 =	vld [tilespmem:s15+$0x16030];
	_ =	sdelay $0x1  }
0xb5: {  	v1 =	vmul.f32 v1, v0  }
0xb6: {  	v3 =	vmul.f32 v3, v0  }
0xb7: {  	[tilespmem:s15+$0x16000] =	vst v1;
	v1 =	vmul.f32 v2, v0  }
0xb8: {  	s13 =	sld [smem:$0x7E5];
	[tilespmem:s15+$0x16010] =	vst v3;
	v2 =	vmul.f32 v4, v0  }
0xb9: {  	[tilespmem:s15+$0x16020] =	vst v1  }
0xba: {  	[tilespmem:s15+$0x16030] =	vst v2  }
0xbb: {  	[spmem:s13] =	stream.linear.scatter [tilespmem:s29], [sflag:$0xB], $0x1400, $0x38;
	[tilespmem:$0x1E010] =	vst v63  }
0xbc: {  	_ =	swait.ge [sflag:s23], $0x1400  }
0xbd: {  	[sflag:s23] =	ssyncset.done $0x0  }
0xbe: {  	[sflag:s23] =	ssyncadd.s32 $0xFFFFEC00  }
0xbf: {  	_ =	swait.ge [sflag:s28], $0x1400  }
0xc0: {  	s20 =	sld [smem:$0x7D0]  }
0xc1: {  	[sflag:s28] =	ssyncset.done $0x0  }
0xc2: {  	s24 =	sld [smem:$0x7E6];
	[sflag:s28] =	ssyncadd.s32 $0xFFFFEC00  }
0xc3: {  	[tilespmem:s29], [sflag:$0x2] =	stream.strided.gather [hbm4b:s20+s16], $0x1400, s25, s16, $0x38;
	[tilespmem:$0x1E010] =	vst v63  }
0xc4: {  	_ = 	snop  }
0xc5: {  	[spmem:s24] =	stream.linear.scatter [tilespmem:s26], [sflag:$0xB], $0x1400, $0x38;
	[tilespmem:$0x1E010] =	vst v63  }
0xc6: {  	_ =	swait.ge [sflag:s23], $0x1400  }
0xc7: {  	[sflag:s23] =	ssyncset.done $0x0  }
0xc8: {  	s15 =	simm.s32 $0x0;
	[sflag:s23] =	ssyncadd.s32 $0xFFFFEC00  }
0xc9: {  	v1 =	vld [tilespmem:s15+$0x14000]  }
0xca: {  	v3 =	vld [tilespmem:s15+$0x14010]  }
0xcb: {  	s17 =	simm.s32 $0x100;
	v2 =	vld [tilespmem:s15+$0x14020]  }
.LBB2_6:
0xcc: {  	p1 =	sne.s32 s17, $0x4F00;
	v4 =	vld [tilespmem:s15+$0x14030];
	_ =	sdelay $0x1  }
0xcd: {  	v1 =	vmul.f32 v1, v0  }
.Ltmp2:
0xce: {  	v3 =	vmul.f32 v3, v0;
	(pc) =	sbr.rel @p1 .LBB2_6-.Ltmp2, $4  }
0xcf: {  	s18 =	sshra.s32 s17, $0x2;
	[tilespmem:s15+$0x14000] =	vst v1;
	v2 =	vmul.f32 v2, v0  }
0xd0: {  	v1 =	vld [tilespmem:s18+$0x14000];
	[tilespmem:s15+$0x14010] =	vst v3;
	v4 =	vmul.f32 v4, v0  }
0xd1: {  	v3 =	vld [tilespmem:s18+$0x14010];
	[tilespmem:s15+$0x14020] =	vst v2  }
0xd2: {  	s17 =	sadd.s32 $0x100, s17;
	v2 =	vld [tilespmem:s18+$0x14020];
	[tilespmem:s15+$0x14030] =	vst v4;
	s15 =	smov.u32 s18  }
0xd3: {  	v4 =	vld [tilespmem:s15+$0x14030];
	_ =	sdelay $0x1  }
0xd4: {  	v1 =	vmul.f32 v1, v0  }
0xd5: {  	v3 =	vmul.f32 v3, v0  }
0xd6: {  	[tilespmem:s15+$0x14000] =	vst v1;
	v1 =	vmul.f32 v2, v0  }
0xd7: {  	s13 =	sld [smem:$0x7E7];
	[tilespmem:s15+$0x14010] =	vst v3;
	v2 =	vmul.f32 v4, v0  }
0xd8: {  	[tilespmem:s15+$0x14020] =	vst v1  }
0xd9: {  	[tilespmem:s15+$0x14030] =	vst v2  }
0xda: {  	[spmem:s13] =	stream.linear.scatter [tilespmem:s26], [sflag:$0xB], $0x1400, $0x38;
	[tilespmem:$0x1E010] =	vst v63  }
0xdb: {  	_ =	swait.ge [sflag:s23], $0x1400  }
0xdc: {  	[sflag:s23] =	ssyncset.done $0x0  }
0xdd: {  	[sflag:s23] =	ssyncadd.s32 $0xFFFFEC00  }
0xde: {  	_ =	swait.ge [sflag:s30], $0x1400  }
0xdf: {  	s20 =	sld [smem:$0x7D1]  }
0xe0: {  	[sflag:s30] =	ssyncset.done $0x0  }
0xe1: {  	s24 =	sld [smem:$0x7E8];
	[sflag:s30] =	ssyncadd.s32 $0xFFFFEC00  }
0xe2: {  	[tilespmem:s26], [sflag:$0x1] =	stream.strided.gather [hbm4b:s20+s16], $0x1400, s25, s16, $0x38;
	[tilespmem:$0x1E010] =	vst v63  }
0xe3: {  	_ = 	snop  }
0xe4: {  	[spmem:s24] =	stream.linear.scatter [tilespmem:s29], [sflag:$0xB], $0x1400, $0x38;
	[tilespmem:$0x1E010] =	vst v63  }
0xe5: {  	_ =	swait.ge [sflag:s23], $0x1400  }
0xe6: {  	[sflag:s23] =	ssyncset.done $0x0  }
0xe7: {  	s15 =	simm.s32 $0x0;
	[sflag:s23] =	ssyncadd.s32 $0xFFFFEC00  }
0xe8: {  	v1 =	vld [tilespmem:s15+$0x16000]  }
0xe9: {  	v3 =	vld [tilespmem:s15+$0x16010]  }
0xea: {  	s17 =	simm.s32 $0x100;
	v2 =	vld [tilespmem:s15+$0x16020]  }
.LBB2_8:
0xeb: {  	p1 =	sne.s32 s17, $0x4F00;
	v4 =	vld [tilespmem:s15+$0x16030];
	_ =	sdelay $0x1  }
0xec: {  	v1 =	vmul.f32 v1, v0  }
.Ltmp3:
0xed: {  	v3 =	vmul.f32 v3, v0;
	(pc) =	sbr.rel @p1 .LBB2_8-.Ltmp3, $4  }
0xee: {  	s18 =	sshra.s32 s17, $0x2;
	[tilespmem:s15+$0x16000] =	vst v1;
	v2 =	vmul.f32 v2, v0  }
0xef: {  	v1 =	vld [tilespmem:s18+$0x16000];
	[tilespmem:s15+$0x16010] =	vst v3;
	v4 =	vmul.f32 v4, v0  }
0xf0: {  	v3 =	vld [tilespmem:s18+$0x16010];
	[tilespmem:s15+$0x16020] =	vst v2  }
0xf1: {  	s17 =	sadd.s32 $0x100, s17;
	v2 =	vld [tilespmem:s18+$0x16020];
	[tilespmem:s15+$0x16030] =	vst v4;
	s15 =	smov.u32 s18  }
0xf2: {  	v4 =	vld [tilespmem:s15+$0x16030];
	_ =	sdelay $0x1  }
0xf3: {  	v1 =	vmul.f32 v1, v0  }
0xf4: {  	v3 =	vmul.f32 v3, v0  }
0xf5: {  	[tilespmem:s15+$0x16000] =	vst v1;
	v1 =	vmul.f32 v2, v0  }
0xf6: {  	s13 =	sld [smem:$0x7E9];
	[tilespmem:s15+$0x16010] =	vst v3;
	v2 =	vmul.f32 v4, v0  }
0xf7: {  	[tilespmem:s15+$0x16020] =	vst v1  }
0xf8: {  	[tilespmem:s15+$0x16030] =	vst v2  }
0xf9: {  	[spmem:s13] =	stream.linear.scatter [tilespmem:s29], [sflag:$0xB], $0x1400, $0x38;
	[tilespmem:$0x1E010] =	vst v63  }
0xfa: {  	_ =	swait.ge [sflag:s23], $0x1400  }
0xfb: {  	[sflag:s23] =	ssyncset.done $0x0  }
0xfc: {  	[sflag:s23] =	ssyncadd.s32 $0xFFFFEC00  }
0xfd: {  	_ =	swait.ge [sflag:s28], $0x1400  }
0xfe: {  	s20 =	sld [smem:$0x7D2]  }
0xff: {  	[sflag:s28] =	ssyncset.done $0x0  }
0x100: {  	s24 =	sld [smem:$0x7EA];
	[sflag:s28] =	ssyncadd.s32 $0xFFFFEC00  }
0x101: {  	[tilespmem:s29], [sflag:$0x2] =	stream.strided.gather [hbm4b:s20+s16], $0x1400, s25, s16, $0x38;
	[tilespmem:$0x1E010] =	vst v63  }
0x102: {  	_ = 	snop  }
0x103: {  	[spmem:s24] =	stream.linear.scatter [tilespmem:s26], [sflag:$0xB], $0x1400, $0x38;
	[tilespmem:$0x1E010] =	vst v63  }
0x104: {  	_ =	swait.ge [sflag:s23], $0x1400  }
0x105: {  	[sflag:s23] =	ssyncset.done $0x0  }
0x106: {  	s15 =	simm.s32 $0x0;
	[sflag:s23] =	ssyncadd.s32 $0xFFFFEC00  }
0x107: {  	v1 =	vld [tilespmem:s15+$0x14000]  }
0x108: {  	v3 =	vld [tilespmem:s15+$0x14010]  }
0x109: {  	s17 =	simm.s32 $0x100;
	v2 =	vld [tilespmem:s15+$0x14020]  }
.LBB2_10:
0x10a: {  	p1 =	sne.s32 s17, $0x4F00;
	v4 =	vld [tilespmem:s15+$0x14030];
	_ =	sdelay $0x1  }
0x10b: {  	v1 =	vmul.f32 v1, v0  }
.Ltmp4:
0x10c: {  	v3 =	vmul.f32 v3, v0;
	(pc) =	sbr.rel @p1 .LBB2_10-.Ltmp4, $4  }
0x10d: {  	s18 =	sshra.s32 s17, $0x2;
	[tilespmem:s15+$0x14000] =	vst v1;
	v2 =	vmul.f32 v2, v0  }
0x10e: {  	v1 =	vld [tilespmem:s18+$0x14000];
	[tilespmem:s15+$0x14010] =	vst v3;
	v4 =	vmul.f32 v4, v0  }
0x10f: {  	v3 =	vld [tilespmem:s18+$0x14010];
	[tilespmem:s15+$0x14020] =	vst v2  }
0x110: {  	s17 =	sadd.s32 $0x100, s17;
	v2 =	vld [tilespmem:s18+$0x14020];
	[tilespmem:s15+$0x14030] =	vst v4;
	s15 =	smov.u32 s18  }
0x111: {  	v4 =	vld [tilespmem:s15+$0x14030];
	_ =	sdelay $0x1  }
0x112: {  	v1 =	vmul.f32 v1, v0  }
0x113: {  	v3 =	vmul.f32 v3, v0  }
0x114: {  	[tilespmem:s15+$0x14000] =	vst v1;
	v1 =	vmul.f32 v2, v0  }
0x115: {  	s13 =	sld [smem:$0x7EB];
	[tilespmem:s15+$0x14010] =	vst v3;
	v2 =	vmul.f32 v4, v0  }
0x116: {  	[tilespmem:s15+$0x14020] =	vst v1  }
0x117: {  	[tilespmem:s15+$0x14030] =	vst v2  }
0x118: {  	[spmem:s13] =	stream.linear.scatter [tilespmem:s26], [sflag:$0xB], $0x1400, $0x38;
	[tilespmem:$0x1E010] =	vst v63  }
0x119: {  	_ =	swait.ge [sflag:s23], $0x1400  }
0x11a: {  	[sflag:s23] =	ssyncset.done $0x0  }
0x11b: {  	[sflag:s23] =	ssyncadd.s32 $0xFFFFEC00  }
0x11c: {  	_ =	swait.ge [sflag:s30], $0x1400  }
0x11d: {  	s20 =	sld [smem:$0x7D3]  }
0x11e: {  	[sflag:s30] =	ssyncset.done $0x0  }
0x11f: {  	s24 =	sld [smem:$0x7EC];
	[sflag:s30] =	ssyncadd.s32 $0xFFFFEC00  }
0x120: {  	[tilespmem:s26], [sflag:$0x1] =	stream.strided.gather [hbm4b:s20+s16], $0x1400, s25, s16, $0x38;
	[tilespmem:$0x1E010] =	vst v63  }
0x121: {  	_ = 	snop  }
0x122: {  	[spmem:s24] =	stream.linear.scatter [tilespmem:s29], [sflag:$0xB], $0x1400, $0x38;
	[tilespmem:$0x1E010] =	vst v63  }
0x123: {  	_ =	swait.ge [sflag:s23], $0x1400  }
0x124: {  	[sflag:s23] =	ssyncset.done $0x0  }
0x125: {  	s15 =	simm.s32 $0x0;
	[sflag:s23] =	ssyncadd.s32 $0xFFFFEC00  }
0x126: {  	v1 =	vld [tilespmem:s15+$0x16000]  }
0x127: {  	v3 =	vld [tilespmem:s15+$0x16010]  }
0x128: {  	s17 =	simm.s32 $0x100;
	v2 =	vld [tilespmem:s15+$0x16020]  }
.LBB2_12:
0x129: {  	p1 =	sne.s32 s17, $0x4F00;
	v4 =	vld [tilespmem:s15+$0x16030];
	_ =	sdelay $0x1  }
0x12a: {  	v1 =	vmul.f32 v1, v0  }
.Ltmp5:
0x12b: {  	v3 =	vmul.f32 v3, v0;
	(pc) =	sbr.rel @p1 .LBB2_12-.Ltmp5, $4  }
0x12c: {  	s18 =	sshra.s32 s17, $0x2;
	[tilespmem:s15+$0x16000] =	vst v1;
	v2 =	vmul.f32 v2, v0  }
0x12d: {  	v1 =	vld [tilespmem:s18+$0x16000];
	[tilespmem:s15+$0x16010] =	vst v3;
	v4 =	vmul.f32 v4, v0  }
0x12e: {  	v3 =	vld [tilespmem:s18+$0x16010];
	[tilespmem:s15+$0x16020] =	vst v2  }
0x12f: {  	s17 =	sadd.s32 $0x100, s17;
	v2 =	vld [tilespmem:s18+$0x16020];
	[tilespmem:s15+$0x16030] =	vst v4;
	s15 =	smov.u32 s18  }
0x130: {  	v4 =	vld [tilespmem:s15+$0x16030];
	_ =	sdelay $0x1  }
0x131: {  	v1 =	vmul.f32 v1, v0  }
0x132: {  	v3 =	vmul.f32 v3, v0  }
0x133: {  	[tilespmem:s15+$0x16000] =	vst v1;
	v1 =	vmul.f32 v2, v0  }
0x134: {  	s13 =	sld [smem:$0x7ED];
	[tilespmem:s15+$0x16010] =	vst v3;
	v2 =	vmul.f32 v4, v0  }
0x135: {  	[tilespmem:s15+$0x16020] =	vst v1  }
0x136: {  	[tilespmem:s15+$0x16030] =	vst v2  }
0x137: {  	[spmem:s13] =	stream.linear.scatter [tilespmem:s29], [sflag:$0xB], $0x1400, $0x38;
	[tilespmem:$0x1E010] =	vst v63  }
0x138: {  	_ =	swait.ge [sflag:s23], $0x1400  }
0x139: {  	[sflag:s23] =	ssyncset.done $0x0  }
0x13a: {  	[sflag:s23] =	ssyncadd.s32 $0xFFFFEC00  }
0x13b: {  	_ =	swait.ge [sflag:s28], $0x1400  }
0x13c: {  	s13 =	sld [smem:$0x7D4]  }
0x13d: {  	s17 =	simm.s32 @!p0 $0x80;
	s18 =	simm.s32 @!p0 $0x16000;
	[sflag:s28] =	ssyncset.done $0x0  }
0x13e: {  	s15 =	simm.s32 @!p0 $0x40;
	s24 =	sld [smem:$0x7EE];
	[sflag:s28] =	ssyncadd.s32 $0xFFFFEC00  }
0x13f: {  	[tilespmem:s18], [sflag:$0x2] =	stream.strided.gather @!p0 [hbm4b:s13+s15], $0x1400, s17, s15, $0x38;
	[tilespmem:$0x1E010] =	vst v63  }
0x140: {  	_ = 	snop  }
0x141: {  	[spmem:s24] =	stream.linear.scatter [tilespmem:s26], [sflag:$0xB], $0x1400, $0x38;
	[tilespmem:$0x1E010] =	vst v63  }
0x142: {  	_ =	swait.ge [sflag:s23], $0x1400  }
0x143: {  	[sflag:s23] =	ssyncset.done $0x0  }
0x144: {  	s15 =	simm.s32 $0x0;
	[sflag:s23] =	ssyncadd.s32 $0xFFFFEC00  }
0x145: {  	v1 =	vld [tilespmem:s15+$0x14000]  }
0x146: {  	v3 =	vld [tilespmem:s15+$0x14010]  }
0x147: {  	s17 =	simm.s32 $0x100;
	v2 =	vld [tilespmem:s15+$0x14020]  }
.LBB2_14:
0x148: {  	p1 =	sne.s32 s17, $0x4F00;
	v4 =	vld [tilespmem:s15+$0x14030];
	_ =	sdelay $0x1  }
0x149: {  	v1 =	vmul.f32 v1, v0  }
.Ltmp6:
0x14a: {  	v3 =	vmul.f32 v3, v0;
	(pc) =	sbr.rel @p1 .LBB2_14-.Ltmp6, $4  }
0x14b: {  	s18 =	sshra.s32 s17, $0x2;
	[tilespmem:s15+$0x14000] =	vst v1;
	v2 =	vmul.f32 v2, v0  }
0x14c: {  	v1 =	vld [tilespmem:s18+$0x14000];
	[tilespmem:s15+$0x14010] =	vst v3;
	v4 =	vmul.f32 v4, v0  }
0x14d: {  	v3 =	vld [tilespmem:s18+$0x14010];
	[tilespmem:s15+$0x14020] =	vst v2  }
0x14e: {  	s17 =	sadd.s32 $0x100, s17;
	v2 =	vld [tilespmem:s18+$0x14020];
	[tilespmem:s15+$0x14030] =	vst v4;
	s15 =	smov.u32 s18  }
0x14f: {  	v4 =	vld [tilespmem:s15+$0x14030];
	_ =	sdelay $0x1  }
0x150: {  	v1 =	vmul.f32 v1, v0  }
0x151: {  	v3 =	vmul.f32 v3, v0  }
0x152: {  	[tilespmem:s15+$0x14000] =	vst v1;
	v1 =	vmul.f32 v2, v0  }
0x153: {  	s13 =	sld [smem:$0x7EF];
	[tilespmem:s15+$0x14010] =	vst v3;
	v2 =	vmul.f32 v4, v0  }
0x154: {  	[tilespmem:s15+$0x14020] =	vst v1  }
.Ltmp7:
0x155: {  	[tilespmem:s15+$0x14030] =	vst v2;
	(pc) =	sbr.rel @p0 .LBB2_19-.Ltmp7, $4  }
0x156: {  	[spmem:s13] =	stream.linear.scatter [tilespmem:s26], [sflag:$0xB], $0x1400, $0x38;
	[tilespmem:$0x1E010] =	vst v63  }
0x157: {  	_ =	swait.ge [sflag:s23], $0x1400  }
0x158: {  	[sflag:s23] =	ssyncset.done $0x0  }
0x159: {  	[sflag:s23] =	ssyncadd.s32 $0xFFFFEC00  }
0x15a: {  	_ =	swait.ge [sflag:s30], $0x1400  }
0x15b: {  	s13 =	sld [smem:$0x7F0]  }
0x15c: {  	[sflag:s30] =	ssyncset.done $0x0  }
0x15d: {  	[sflag:s30] =	ssyncadd.s32 $0xFFFFEC00  }
0x15e: {  	[spmem:s13] =	stream.linear.scatter [tilespmem:s29], [sflag:$0xB], $0x1400, $0x38;
	[tilespmem:$0x1E010] =	vst v63  }
0x15f: {  	_ =	swait.ge [sflag:s23], $0x1400  }
0x160: {  	[sflag:s23] =	ssyncset.done $0x0  }
0x161: {  	s15 =	simm.s32 $0x0;
	[sflag:s23] =	ssyncadd.s32 $0xFFFFEC00  }
0x162: {  	v1 =	vld [tilespmem:s15+$0x16000]  }
0x163: {  	v3 =	vld [tilespmem:s15+$0x16010]  }
0x164: {  	s17 =	simm.s32 $0x100;
	v2 =	vld [tilespmem:s15+$0x16020]  }
.LBB2_17:
0x165: {  	p1 =	sne.s32 s17, $0x4F00;
	v4 =	vld [tilespmem:s15+$0x16030];
	_ =	sdelay $0x1  }
0x166: {  	v1 =	vmul.f32 v1, v0  }
.Ltmp8:
0x167: {  	v3 =	vmul.f32 v3, v0;
	(pc) =	sbr.rel @p1 .LBB2_17-.Ltmp8, $4  }
0x168: {  	s18 =	sshra.s32 s17, $0x2;
	[tilespmem:s15+$0x16000] =	vst v1;
	v2 =	vmul.f32 v2, v0  }
0x169: {  	v1 =	vld [tilespmem:s18+$0x16000];
	[tilespmem:s15+$0x16010] =	vst v3;
	v4 =	vmul.f32 v4, v0  }
0x16a: {  	v3 =	vld [tilespmem:s18+$0x16010];
	[tilespmem:s15+$0x16020] =	vst v2  }
0x16b: {  	s17 =	sadd.s32 $0x100, s17;
	v2 =	vld [tilespmem:s18+$0x16020];
	[tilespmem:s15+$0x16030] =	vst v4;
	s15 =	smov.u32 s18  }
0x16c: {  	v4 =	vld [tilespmem:s15+$0x16030];
	_ =	sdelay $0x1  }
0x16d: {  	v1 =	vmul.f32 v1, v0  }
0x16e: {  	v3 =	vmul.f32 v3, v0  }
0x16f: {  	[tilespmem:s15+$0x16000] =	vst v1;
	v62 =	vmul.f32 v2, v0  }
0x170: {  	s13 =	sld [smem:$0x7F1];
	[tilespmem:s15+$0x16010] =	vst v3;
	v63 =	vmul.f32 v4, v0  }
0x171: {  	[tilespmem:s15+$0x16020] =	vst v62  }
0x172: {  	[tilespmem:s15+$0x16030] =	vst v63  }
0x173: {  	[spmem:s13] =	stream.linear.scatter [tilespmem:s29], [sflag:$0xB], $0x1400, $0x38;
	[tilespmem:$0x1E010] =	vst v63  }
0x174: {  	_ =	swait.ge [sflag:s23], $0x1400  }
0x175: {  	[sflag:s23] =	ssyncset.done $0x0  }
0x176: {  	[sflag:s23] =	ssyncadd.s32 $0xFFFFEC00  }
.LBB2_19:
0x177: {  	[bflag:$0x0] =	sbarrier.arrive $0xFFFF  }
0x178: {  	p1 =	por $0x1, $0x1;
	_ =	swait.ge [sflag:s31], $0x1000  }
0x179: {  	s15 =	simm.s32 @p1 $0x80;
	s17 =	simm.s32 @p1 $0x1C000;
	[sflag:s31] =	ssyncset.done $0x0  }
0x17a: {  	s18 =	simm.s32 @p1 $0x14000;
	s20 =	simm.s32 @!p1 $0x5;
	[sflag:s31] =	ssyncadd.s32 $0xFFFFF000  }
0x17b: {  	[tilespmem:s18], [sflag:$0x1] =	stream.indirect.gather @p1 [spmem:s3], $0x40, s17, s15, $0xb8;
	[tilespmem:$0x1E010] =	vst v63  }
0x17c: {  	_ =	swait.ge @!p1 [sflag:s20], $0x2000  }
0x17d: {  	s17 =	simm.s32 @!p1 $0x14000;
	[sflag:s20] =	ssyncset.done @!p1 $0x0  }
0x17e: {  	s18 =	simm.s32 @!p1 $0x80;
	[sflag:s20] =	ssyncadd.s32 @!p1 $0xFFFFE000;
	s20 =	simm.s32 @!p1 $0x1C000  }
0x17f: {  	[tilespmem:s17], [sflag:$0x1] =	stream.indirect.gather @!p1 [spmem:s3], $0x40, s20, s18, $0xb8;
	[tilespmem:$0x1E010] =	vst v63  }
0x180: {  	s17 =	simm.s32 @!p1 $0x6  }
0x181: {  	_ =	swait.ge @!p1 [sflag:s17], $0x2000  }
0x182: {  	[sflag:s17] =	ssyncset.done @!p1 $0x0  }
0x183: {  	s24 =	rddreg [dreg:$0x7];
	[sflag:s17] =	ssyncadd.s32 @!p1 $0xFFFFE000  }
0x184: {  	[tilespmem:s29], [sflag:$0x2] =	stream.indirect.gather [spmem:s3], $0x40, s24, s25, $0xb8;
	[tilespmem:$0x1E010] =	vst v63  }
0x185: {  	_ =	swait.ge [sflag:s28], $0x2000  }
0x186: {  	[sflag:s28] =	ssyncset.done $0x0  }
0x187: {  	s13 =	rddreg [dreg:$0x8];
	[sflag:s28] =	ssyncadd.s32 $0xFFFFE000  }
0x188: {  	[spmem:s4] =	stream.indirect.scatter.add.f32 [tilespmem:s26], [sflag:$0x5], $0x40, s13, s25, $0xb8;
	[tilespmem:$0x1E010] =	vst v63  }
0x189: {  	s20 =	simm.s32 @p1 $0x18000;
	s17 =	simm.s32 @p1 $0x1C200  }
0x18a: {  	[tilespmem:s20], [sflag:$0x3] =	stream.indirect.gather @p1 [spmem:s3], $0x40, s17, s15, $0xb8;
	[tilespmem:$0x1E010] =	vst v63  }
0x18b: {  	s17 =	simm.s32 @p1 $0x2  }
0x18c: {  	_ =	swait.ge @p1 [sflag:s17], $0x2000  }
0x18d: {  	[sflag:s17] =	ssyncset.done @p1 $0x0  }
0x18e: {  	s20 =	simm.s32 @p1 $0x1C180;
	[sflag:s17] =	ssyncadd.s32 @p1 $0xFFFFE000;
	s17 =	simm.s32 @p1 $0x16000  }
0x18f: {  	[spmem:s4] =	stream.indirect.scatter.add.f32 @p1 [tilespmem:s17], [sflag:$0x6], $0x40, s20, s15, $0xb8;
	[tilespmem:$0x1E010] =	vst v63  }
0x190: {  	s15 =	simm.s32 @!p1 $0x7  }
0x191: {  	_ =	swait.ge @!p1 [sflag:s15], $0x2000  }
0x192: {  	[sflag:s15] =	ssyncset.done @!p1 $0x0  }
0x193: {  	s17 =	simm.s32 @!p1 $0x1C200;
	[sflag:s15] =	ssyncadd.s32 @!p1 $0xFFFFE000;
	s15 =	simm.s32 @!p1 $0x18000  }
0x194: {  	[tilespmem:s15], [sflag:$0x3] =	stream.indirect.gather @!p1 [spmem:s3], $0x40, s17, s18, $0xb8;
	[tilespmem:$0x1E010] =	vst v63  }
0x195: {  	s15 =	simm.s32 @!p1 $0x2  }
0x196: {  	_ =	swait.ge @!p1 [sflag:s15], $0x2000  }
0x197: {  	[sflag:s15] =	ssyncset.done @!p1 $0x0  }
0x198: {  	s17 =	simm.s32 @!p1 $0x1C180;
	[sflag:s15] =	ssyncadd.s32 @!p1 $0xFFFFE000;
	s15 =	simm.s32 @!p1 $0x16000  }
0x199: {  	[spmem:s4] =	stream.indirect.scatter.add.f32 @!p1 [tilespmem:s15], [sflag:$0x6], $0x40, s17, s18, $0xb8;
	[tilespmem:$0x1E010] =	vst v63  }
0x19a: {  	s15 =	simm.s32 @!p1 $0x8  }
0x19b: {  	_ =	swait.ge @!p1 [sflag:s15], $0x2000  }
0x19c: {  	[sflag:s15] =	ssyncset.done @!p1 $0x0  }
0x19d: {  	s16 =	rddreg [dreg:$0x9];
	[sflag:s15] =	ssyncadd.s32 @!p1 $0xFFFFE000  }
0x19e: {  	[tilespmem:s0], [sflag:$0x4] =	stream.indirect.gather [spmem:s3], $0x40, s16, s25, $0xb8;
	[tilespmem:$0x1E010] =	vst v63  }
0x19f: {  	_ =	swait.ge [sflag:s1], $0x2000  }
0x1a0: {  	[sflag:s1] =	ssyncset.done $0x0  }
0x1a1: {  	s18 =	rddreg [dreg:$0xa];
	[sflag:s1] =	ssyncadd.s32 $0xFFFFE000  }
0x1a2: {  	[spmem:s4] =	stream.indirect.scatter.add.f32 [tilespmem:s6], [sflag:$0x7], $0x40, s18, s25, $0xb8;
	[tilespmem:$0x1E010] =	vst v63  }
0x1a3: {  	_ =	swait.ge [sflag:s7], $0x2000  }
0x1a4: {  	s20 =	sld [smem:$0x7FD]  }
0x1a5: {  	[sflag:s7] =	ssyncset.done $0x0  }
0x1a6: {  	[sflag:s7] =	ssyncadd.s32 $0xFFFFE000  }
0x1a7: {  	[tilespmem:s8], [sflag:$0xA] =	stream.linear.gather [hbm4b:s20+s5], $0x1000, $0x38;
	[tilespmem:$0x1E010] =	vst v63  }
0x1a8: {  	s19 =	rddreg [dreg:$0xb]  }
0x1a9: {  	[tilespmem:s26], [sflag:$0x1] =	stream.indirect.gather [spmem:s3], $0x40, s19, s25, $0xb8;
	[tilespmem:$0x1E010] =	vst v63  }
0x1aa: {  	_ =	swait.ge [sflag:s9], $0x2000  }
0x1ab: {  	[sflag:s9] =	ssyncset.done $0x0  }
0x1ac: {  	s24 =	rddreg [dreg:$0xc];
	[sflag:s9] =	ssyncadd.s32 $0xFFFFE000  }
0x1ad: {  	[spmem:s4] =	stream.indirect.scatter.add.f32 [tilespmem:s0], [sflag:$0x8], $0x40, s24, s25, $0xb8;
	[tilespmem:$0x1E010] =	vst v63  }
0x1ae: {  	_ =	swait.ge [sflag:s10], $0x2000  }
0x1af: {  	[sflag:s10] =	ssyncset.done $0x0  }
0x1b0: {  	s13 =	rddreg [dreg:$0xd];
	[sflag:s10] =	ssyncadd.s32 $0xFFFFE000  }
0x1b1: {  	[tilespmem:s29], [sflag:$0x2] =	stream.indirect.gather [spmem:s3], $0x40, s13, s25, $0xb8;
	[tilespmem:$0x1E010] =	vst v63  }
0x1b2: {  	_ =	swait.ge [sflag:s28], $0x2000  }
0x1b3: {  	[sflag:s28] =	ssyncset.done $0x0  }
0x1b4: {  	s16 =	rddreg [dreg:$0xe];
	[sflag:s28] =	ssyncadd.s32 $0xFFFFE000  }
0x1b5: {  	[spmem:s4] =	stream.indirect.scatter.add.f32 [tilespmem:s26], [sflag:$0x5], $0x40, s16, s25, $0xb8;
	[tilespmem:$0x1E010] =	vst v63  }
0x1b6: {  	_ =	swait.ge [sflag:s11], $0x2000  }
0x1b7: {  	[sflag:s11] =	ssyncset.done $0x0  }
0x1b8: {  	s17 =	rddreg [dreg:$0xf];
	[sflag:s11] =	ssyncadd.s32 $0xFFFFE000  }
0x1b9: {  	[tilespmem:s6], [sflag:$0x3] =	stream.indirect.gather [spmem:s3], $0x40, s17, s25, $0xb8;
	[tilespmem:$0x1E010] =	vst v63  }
0x1ba: {  	_ =	swait.ge [sflag:s30], $0x2000  }
0x1bb: {  	[sflag:s30] =	ssyncset.done $0x0  }
0x1bc: {  	s18 =	rddreg [dreg:$0x10];
	[sflag:s30] =	ssyncadd.s32 $0xFFFFE000  }
0x1bd: {  	[spmem:s4] =	stream.indirect.scatter.add.f32 [tilespmem:s29], [sflag:$0x6], $0x40, s18, s25, $0xb8;
	[tilespmem:$0x1E010] =	vst v63  }
0x1be: {  	_ =	swait.ge [sflag:s12], $0x2000  }
0x1bf: {  	[sflag:s12] =	ssyncset.done $0x0  }
0x1c0: {  	s19 =	rddreg [dreg:$0x11];
	[sflag:s12] =	ssyncadd.s32 $0xFFFFE000  }
0x1c1: {  	[tilespmem:s0], [sflag:$0x4] =	stream.indirect.gather [spmem:s3], $0x40, s19, s25, $0xb8;
	[tilespmem:$0x1E010] =	vst v63  }
0x1c2: {  	_ =	swait.ge [sflag:s1], $0x2000  }
0x1c3: {  	[sflag:s1] =	ssyncset.done $0x0  }
0x1c4: {  	s24 =	rddreg [dreg:$0x12];
	[sflag:s1] =	ssyncadd.s32 $0xFFFFE000  }
0x1c5: {  	[spmem:s4] =	stream.indirect.scatter.add.f32 [tilespmem:s6], [sflag:$0x7], $0x40, s24, s25, $0xb8;
	[tilespmem:$0x1E010] =	vst v63  }
0x1c6: {  	_ =	swait.ge [sflag:s7], $0x2000  }
0x1c7: {  	[sflag:s7] =	ssyncset.done $0x0  }
0x1c8: {  	s13 =	rddreg [dreg:$0x13];
	[sflag:s7] =	ssyncadd.s32 $0xFFFFE000  }
0x1c9: {  	[tilespmem:s26], [sflag:$0x1] =	stream.indirect.gather [spmem:s3], $0x40, s13, s25, $0xb8;
	[tilespmem:$0x1E010] =	vst v63  }
0x1ca: {  	_ =	swait.ge [sflag:s9], $0x2000  }
0x1cb: {  	[sflag:s9] =	ssyncset.done $0x0  }
0x1cc: {  	s16 =	rddreg [dreg:$0x14];
	[sflag:s9] =	ssyncadd.s32 $0xFFFFE000  }
0x1cd: {  	[spmem:s4] =	stream.indirect.scatter.add.f32 [tilespmem:s0], [sflag:$0x8], $0x40, s16, s25, $0xb8;
	[tilespmem:$0x1E010] =	vst v63  }
0x1ce: {  	_ =	swait.ge [sflag:s10], $0x2000  }
0x1cf: {  	[sflag:s10] =	ssyncset.done $0x0  }
0x1d0: {  	s17 =	rddreg [dreg:$0x15];
	[sflag:s10] =	ssyncadd.s32 $0xFFFFE000  }
0x1d1: {  	[tilespmem:s29], [sflag:$0x2] =	stream.indirect.gather [spmem:s3], $0x40, s17, s25, $0xb8;
	[tilespmem:$0x1E010] =	vst v63  }
0x1d2: {  	_ =	swait.ge [sflag:s28], $0x2000  }
0x1d3: {  	[sflag:s28] =	ssyncset.done $0x0  }
0x1d4: {  	s18 =	rddreg [dreg:$0x16];
	[sflag:s28] =	ssyncadd.s32 $0xFFFFE000  }
0x1d5: {  	[spmem:s4] =	stream.indirect.scatter.add.f32 [tilespmem:s26], [sflag:$0x5], $0x40, s18, s25, $0xb8;
	[tilespmem:$0x1E010] =	vst v63  }
0x1d6: {  	_ =	swait.ge [sflag:s11], $0x2000  }
0x1d7: {  	[sflag:s11] =	ssyncset.done $0x0  }
0x1d8: {  	s19 =	rddreg [dreg:$0x17];
	[sflag:s11] =	ssyncadd.s32 $0xFFFFE000  }
0x1d9: {  	[tilespmem:s6], [sflag:$0x3] =	stream.indirect.gather [spmem:s3], $0x40, s19, s25, $0xb8;
	[tilespmem:$0x1E010] =	vst v63  }
0x1da: {  	_ =	swait.ge [sflag:s30], $0x2000  }
0x1db: {  	[sflag:s30] =	ssyncset.done $0x0  }
0x1dc: {  	s24 =	rddreg [dreg:$0x18];
	[sflag:s30] =	ssyncadd.s32 $0xFFFFE000  }
0x1dd: {  	[spmem:s4] =	stream.indirect.scatter.add.f32 [tilespmem:s29], [sflag:$0x6], $0x40, s24, s25, $0xb8;
	[tilespmem:$0x1E010] =	vst v63  }
0x1de: {  	_ =	swait.ge [sflag:s12], $0x2000  }
0x1df: {  	[sflag:s12] =	ssyncset.done $0x0  }
0x1e0: {  	s13 =	rddreg [dreg:$0x19];
	[sflag:s12] =	ssyncadd.s32 $0xFFFFE000  }
0x1e1: {  	[tilespmem:s0], [sflag:$0x4] =	stream.indirect.gather [spmem:s3], $0x40, s13, s25, $0xb8;
	[tilespmem:$0x1E010] =	vst v63  }
0x1e2: {  	_ =	swait.ge [sflag:s1], $0x2000  }
0x1e3: {  	[sflag:s1] =	ssyncset.done $0x0  }
0x1e4: {  	s16 =	rddreg [dreg:$0x1a];
	[sflag:s1] =	ssyncadd.s32 $0xFFFFE000  }
0x1e5: {  	[spmem:s4] =	stream.indirect.scatter.add.f32 [tilespmem:s6], [sflag:$0x7], $0x40, s16, s25, $0xb8;
	[tilespmem:$0x1E010] =	vst v63  }
0x1e6: {  	_ =	swait.ge [sflag:s7], $0x2000  }
0x1e7: {  	[sflag:s7] =	ssyncset.done $0x0  }
0x1e8: {  	s17 =	rddreg [dreg:$0x1b];
	[sflag:s7] =	ssyncadd.s32 $0xFFFFE000  }
0x1e9: {  	[tilespmem:s26], [sflag:$0x1] =	stream.indirect.gather [spmem:s3], $0x40, s17, s25, $0xb8;
	[tilespmem:$0x1E010] =	vst v63  }
0x1ea: {  	_ =	swait.ge [sflag:s9], $0x2000  }
0x1eb: {  	[sflag:s9] =	ssyncset.done $0x0  }
0x1ec: {  	s18 =	rddreg [dreg:$0x1c];
	[sflag:s9] =	ssyncadd.s32 $0xFFFFE000  }
0x1ed: {  	[spmem:s4] =	stream.indirect.scatter.add.f32 [tilespmem:s0], [sflag:$0x8], $0x40, s18, s25, $0xb8;
	[tilespmem:$0x1E010] =	vst v63  }
0x1ee: {  	_ =	swait.ge [sflag:s10], $0x2000  }
0x1ef: {  	[sflag:s10] =	ssyncset.done $0x0  }
0x1f0: {  	s19 =	rddreg [dreg:$0x1d];
	[sflag:s10] =	ssyncadd.s32 $0xFFFFE000  }
0x1f1: {  	[tilespmem:s29], [sflag:$0x2] =	stream.indirect.gather [spmem:s3], $0x40, s19, s25, $0xb8;
	[tilespmem:$0x1E010] =	vst v63  }
0x1f2: {  	_ =	swait.ge [sflag:s28], $0x2000  }
0x1f3: {  	[sflag:s28] =	ssyncset.done $0x0  }
0x1f4: {  	s24 =	rddreg [dreg:$0x1e];
	[sflag:s28] =	ssyncadd.s32 $0xFFFFE000  }
0x1f5: {  	[spmem:s4] =	stream.indirect.scatter.add.f32 [tilespmem:s26], [sflag:$0x5], $0x40, s24, s25, $0xb8;
	[tilespmem:$0x1E010] =	vst v63  }
0x1f6: {  	_ =	swait.ge [sflag:s11], $0x2000  }
0x1f7: {  	[sflag:s11] =	ssyncset.done $0x0  }
0x1f8: {  	s13 =	rddreg [dreg:$0x1f];
	[sflag:s11] =	ssyncadd.s32 $0xFFFFE000  }
0x1f9: {  	[tilespmem:s6], [sflag:$0x3] =	stream.indirect.gather [spmem:s3], $0x40, s13, s25, $0xb8;
	[tilespmem:$0x1E010] =	vst v63  }
0x1fa: {  	_ =	swait.ge [sflag:s30], $0x2000  }
0x1fb: {  	s16 =	sld [smem:$0x7AF]  }
0x1fc: {  	[sflag:s30] =	ssyncset.done $0x0  }
0x1fd: {  	[sflag:s30] =	ssyncadd.s32 $0xFFFFE000  }
0x1fe: {  	[spmem:s4] =	stream.indirect.scatter.add.f32 [tilespmem:s29], [sflag:$0x6], $0x40, s16, s25, $0xb8;
	[tilespmem:$0x1E010] =	vst v63  }
0x1ff: {  	_ =	swait.ge [sflag:s12], $0x2000  }
0x200: {  	s17 =	sld [smem:$0x7B0]  }
0x201: {  	[sflag:s12] =	ssyncset.done $0x0  }
0x202: {  	[sflag:s12] =	ssyncadd.s32 $0xFFFFE000  }
0x203: {  	[tilespmem:s0], [sflag:$0x4] =	stream.indirect.gather [spmem:s3], $0x40, s17, s25, $0xb8;
	[tilespmem:$0x1E010] =	vst v63  }
0x204: {  	_ =	swait.ge [sflag:s1], $0x2000  }
0x205: {  	s18 =	sld [smem:$0x7B1]  }
0x206: {  	[sflag:s1] =	ssyncset.done $0x0  }
0x207: {  	[sflag:s1] =	ssyncadd.s32 $0xFFFFE000  }
0x208: {  	[spmem:s4] =	stream.indirect.scatter.add.f32 [tilespmem:s6], [sflag:$0x7], $0x40, s18, s25, $0xb8;
	[tilespmem:$0x1E010] =	vst v63  }
0x209: {  	_ =	swait.ge [sflag:s9], $0x2000  }
0x20a: {  	s19 =	sld [smem:$0x7B2]  }
0x20b: {  	[sflag:s9] =	ssyncset.done $0x0  }
0x20c: {  	[sflag:s9] =	ssyncadd.s32 $0xFFFFE000  }
0x20d: {  	[spmem:s4] =	stream.indirect.scatter.add.f32 [tilespmem:s0], [sflag:$0x8], $0x40, s19, s25, $0xb8;
	[tilespmem:$0x1E010] =	vst v63  }
0x20e: {  	_ =	swait.ge [sflag:s22], $0x1000  }
0x20f: {  	[sflag:s22] =	ssyncset.done $0x0  }
0x210: {  	[sflag:s22] =	ssyncadd.s32 $0xFFFFF000  }
0x211: {  	_ =	swait.ge [sflag:s7], $0x2000  }
0x212: {  	[sflag:s7] =	ssyncset.done $0x0  }
0x213: {  	[sflag:s7] =	ssyncadd.s32 $0xFFFFE000  }
0x214: {  	[tilespmem:s26], [sflag:$0x1] =	stream.indirect.gather [spmem:s3], $0x40, s8, s25, $0xb8;
	[tilespmem:$0x1E010] =	vst v63  }
0x215: {  	_ =	swait.ge [sflag:s10], $0x2000  }
0x216: {  	s24 =	sld [smem:$0x7B3]  }
0x217: {  	[sflag:s10] =	ssyncset.done $0x0  }
0x218: {  	[sflag:s10] =	ssyncadd.s32 $0xFFFFE000  }
0x219: {  	[tilespmem:s29], [sflag:$0x2] =	stream.indirect.gather [spmem:s3], $0x40, s24, s25, $0xb8;
	[tilespmem:$0x1E010] =	vst v63  }
0x21a: {  	_ =	swait.ge [sflag:s28], $0x2000  }
0x21b: {  	s13 =	sld [smem:$0x7B4]  }
0x21c: {  	[sflag:s28] =	ssyncset.done $0x0  }
0x21d: {  	[sflag:s28] =	ssyncadd.s32 $0xFFFFE000  }
0x21e: {  	[spmem:s4] =	stream.indirect.scatter.add.f32 [tilespmem:s26], [sflag:$0x5], $0x40, s13, s25, $0xb8;
	[tilespmem:$0x1E010] =	vst v63  }
0x21f: {  	_ =	swait.ge [sflag:s11], $0x2000  }
0x220: {  	s16 =	sld [smem:$0x7B5]  }
0x221: {  	[sflag:s11] =	ssyncset.done $0x0  }
0x222: {  	[sflag:s11] =	ssyncadd.s32 $0xFFFFE000  }
0x223: {  	[tilespmem:s6], [sflag:$0x3] =	stream.indirect.gather [spmem:s3], $0x40, s16, s25, $0xb8;
	[tilespmem:$0x1E010] =	vst v63  }
0x224: {  	_ =	swait.ge [sflag:s30], $0x2000  }
0x225: {  	s17 =	sld [smem:$0x7B6]  }
0x226: {  	[sflag:s30] =	ssyncset.done $0x0  }
0x227: {  	[sflag:s30] =	ssyncadd.s32 $0xFFFFE000  }
0x228: {  	[spmem:s4] =	stream.indirect.scatter.add.f32 [tilespmem:s29], [sflag:$0x6], $0x40, s17, s25, $0xb8;
	[tilespmem:$0x1E010] =	vst v63  }
0x229: {  	_ =	swait.ge [sflag:s12], $0x2000  }
0x22a: {  	s18 =	sld [smem:$0x7B7]  }
0x22b: {  	[sflag:s12] =	ssyncset.done $0x0  }
0x22c: {  	[sflag:s12] =	ssyncadd.s32 $0xFFFFE000  }
0x22d: {  	[tilespmem:s0], [sflag:$0x4] =	stream.indirect.gather [spmem:s3], $0x40, s18, s25, $0xb8;
	[tilespmem:$0x1E010] =	vst v63  }
0x22e: {  	_ =	swait.ge [sflag:s1], $0x2000  }
0x22f: {  	s19 =	sld [smem:$0x7B8]  }
0x230: {  	[sflag:s1] =	ssyncset.done $0x0  }
0x231: {  	[sflag:s1] =	ssyncadd.s32 $0xFFFFE000  }
0x232: {  	[spmem:s4] =	stream.indirect.scatter.add.f32 [tilespmem:s6], [sflag:$0x7], $0x40, s19, s25, $0xb8;
	[tilespmem:$0x1E010] =	vst v63  }
0x233: {  	_ =	swait.ge [sflag:s7], $0x2000  }
0x234: {  	s24 =	rddreg [dreg:$0x6]  }
0x235: {  	s15 =	sadd.s32 $0x0, s24  }
0x236: {  	p1 =	slt.s32 s15, $0x9F0  }
0x237: {  	s15 =	simm.s32 @!p1 $0x9F0  }
0x238: {  	[sflag:s7] =	ssyncset.done $0x0;
	s15 =	sshll.u32 s15, $0x5  }
0x239: {  	s13 =	sld [smem:$0x7B9];
	[sflag:s7] =	ssyncadd.s32 $0xFFFFE000;
	s15 =	sadd.s32 s2, s15  }
0x23a: {  	[tilespmem:s21], [sflag:$0x9] =	stream.linear.gather [hbm4b:s15+s5], $0x1000, $0x38;
	[tilespmem:$0x1E010] =	vst v63  }
0x23b: {  	_ = 	snop  }
0x23c: {  	[tilespmem:s26], [sflag:$0x1] =	stream.indirect.gather [spmem:s3], $0x40, s13, s25, $0xb8;
	[tilespmem:$0x1E010] =	vst v63  }
0x23d: {  	_ =	swait.ge [sflag:s9], $0x2000  }
0x23e: {  	s16 =	sld [smem:$0x7BA]  }
0x23f: {  	[sflag:s9] =	ssyncset.done $0x0  }
0x240: {  	[sflag:s9] =	ssyncadd.s32 $0xFFFFE000  }
0x241: {  	[spmem:s4] =	stream.indirect.scatter.add.f32 [tilespmem:s0], [sflag:$0x8], $0x40, s16, s25, $0xb8;
	[tilespmem:$0x1E010] =	vst v63  }
0x242: {  	_ =	swait.ge [sflag:s10], $0x2000  }
0x243: {  	s17 =	sld [smem:$0x7BB]  }
0x244: {  	[sflag:s10] =	ssyncset.done $0x0  }
0x245: {  	[sflag:s10] =	ssyncadd.s32 $0xFFFFE000  }
0x246: {  	[tilespmem:s29], [sflag:$0x2] =	stream.indirect.gather [spmem:s3], $0x40, s17, s25, $0xb8;
	[tilespmem:$0x1E010] =	vst v63  }
0x247: {  	_ =	swait.ge [sflag:s28], $0x2000  }
0x248: {  	s18 =	sld [smem:$0x7BC]  }
0x249: {  	[sflag:s28] =	ssyncset.done $0x0  }
0x24a: {  	[sflag:s28] =	ssyncadd.s32 $0xFFFFE000  }
0x24b: {  	[spmem:s4] =	stream.indirect.scatter.add.f32 [tilespmem:s26], [sflag:$0x5], $0x40, s18, s25, $0xb8;
	[tilespmem:$0x1E010] =	vst v63  }
0x24c: {  	_ =	swait.ge [sflag:s11], $0x2000  }
0x24d: {  	s19 =	sld [smem:$0x7BD]  }
0x24e: {  	[sflag:s11] =	ssyncset.done $0x0  }
0x24f: {  	[sflag:s11] =	ssyncadd.s32 $0xFFFFE000  }
0x250: {  	[tilespmem:s6], [sflag:$0x3] =	stream.indirect.gather [spmem:s3], $0x40, s19, s25, $0xb8;
	[tilespmem:$0x1E010] =	vst v63  }
0x251: {  	_ =	swait.ge [sflag:s30], $0x2000  }
0x252: {  	s24 =	sld [smem:$0x7BE]  }
0x253: {  	[sflag:s30] =	ssyncset.done $0x0  }
0x254: {  	[sflag:s30] =	ssyncadd.s32 $0xFFFFE000  }
0x255: {  	[spmem:s4] =	stream.indirect.scatter.add.f32 [tilespmem:s29], [sflag:$0x6], $0x40, s24, s25, $0xb8;
	[tilespmem:$0x1E010] =	vst v63  }
0x256: {  	_ =	swait.ge [sflag:s12], $0x2000  }
0x257: {  	s13 =	sld [smem:$0x7BF]  }
0x258: {  	[sflag:s12] =	ssyncset.done $0x0  }
0x259: {  	[sflag:s12] =	ssyncadd.s32 $0xFFFFE000  }
0x25a: {  	[tilespmem:s0], [sflag:$0x4] =	stream.indirect.gather [spmem:s3], $0x40, s13, s25, $0xb8;
	[tilespmem:$0x1E010] =	vst v63  }
0x25b: {  	_ =	swait.ge [sflag:s1], $0x2000  }
0x25c: {  	s16 =	sld [smem:$0x7C0]  }
0x25d: {  	[sflag:s1] =	ssyncset.done $0x0  }
0x25e: {  	[sflag:s1] =	ssyncadd.s32 $0xFFFFE000  }
0x25f: {  	[spmem:s4] =	stream.indirect.scatter.add.f32 [tilespmem:s6], [sflag:$0x7], $0x40, s16, s25, $0xb8;
	[tilespmem:$0x1E010] =	vst v63  }
0x260: {  	_ =	swait.ge [sflag:s7], $0x2000  }
0x261: {  	s17 =	sld [smem:$0x7C1]  }
0x262: {  	[sflag:s7] =	ssyncset.done $0x0  }
0x263: {  	[sflag:s7] =	ssyncadd.s32 $0xFFFFE000  }
0x264: {  	[tilespmem:s26], [sflag:$0x1] =	stream.indirect.gather [spmem:s3], $0x40, s17, s25, $0xb8;
	[tilespmem:$0x1E010] =	vst v63  }
0x265: {  	_ =	swait.ge [sflag:s9], $0x2000  }
0x266: {  	s18 =	sld [smem:$0x7C2]  }
0x267: {  	[sflag:s9] =	ssyncset.done $0x0  }
0x268: {  	[sflag:s9] =	ssyncadd.s32 $0xFFFFE000  }
0x269: {  	[spmem:s4] =	stream.indirect.scatter.add.f32 [tilespmem:s0], [sflag:$0x8], $0x40, s18, s25, $0xb8;
	[tilespmem:$0x1E010] =	vst v63  }
0x26a: {  	_ =	swait.ge [sflag:s10], $0x2000  }
0x26b: {  	s19 =	sld [smem:$0x7C3]  }
0x26c: {  	[sflag:s10] =	ssyncset.done $0x0  }
0x26d: {  	[sflag:s10] =	ssyncadd.s32 $0xFFFFE000  }
0x26e: {  	[tilespmem:s29], [sflag:$0x2] =	stream.indirect.gather [spmem:s3], $0x40, s19, s25, $0xb8;
	[tilespmem:$0x1E010] =	vst v63  }
0x26f: {  	_ =	swait.ge [sflag:s28], $0x2000  }
0x270: {  	s24 =	sld [smem:$0x7C4]  }
0x271: {  	[sflag:s28] =	ssyncset.done $0x0  }
0x272: {  	[sflag:s28] =	ssyncadd.s32 $0xFFFFE000  }
0x273: {  	[spmem:s4] =	stream.indirect.scatter.add.f32 [tilespmem:s26], [sflag:$0x5], $0x40, s24, s25, $0xb8;
	[tilespmem:$0x1E010] =	vst v63  }
0x274: {  	_ =	swait.ge [sflag:s11], $0x2000  }
0x275: {  	s13 =	sld [smem:$0x7C5]  }
0x276: {  	[sflag:s11] =	ssyncset.done $0x0  }
0x277: {  	[sflag:s11] =	ssyncadd.s32 $0xFFFFE000  }
0x278: {  	[tilespmem:s6], [sflag:$0x3] =	stream.indirect.gather [spmem:s3], $0x40, s13, s25, $0xb8;
	[tilespmem:$0x1E010] =	vst v63  }
0x279: {  	_ =	swait.ge [sflag:s30], $0x2000  }
0x27a: {  	s16 =	sld [smem:$0x7C6]  }
0x27b: {  	[sflag:s30] =	ssyncset.done $0x0  }
0x27c: {  	[sflag:s30] =	ssyncadd.s32 $0xFFFFE000  }
0x27d: {  	[spmem:s4] =	stream.indirect.scatter.add.f32 [tilespmem:s29], [sflag:$0x6], $0x40, s16, s25, $0xb8;
	[tilespmem:$0x1E010] =	vst v63  }
0x27e: {  	_ =	swait.ge [sflag:s12], $0x2000  }
0x27f: {  	s17 =	sld [smem:$0x7C7]  }
0x280: {  	[sflag:s12] =	ssyncset.done $0x0  }
0x281: {  	[sflag:s12] =	ssyncadd.s32 $0xFFFFE000  }
0x282: {  	[tilespmem:s0], [sflag:$0x4] =	stream.indirect.gather [spmem:s3], $0x40, s17, s25, $0xb8;
	[tilespmem:$0x1E010] =	vst v63  }
0x283: {  	_ =	swait.ge [sflag:s1], $0x2000  }
0x284: {  	s18 =	sld [smem:$0x7C8]  }
0x285: {  	[sflag:s1] =	ssyncset.done $0x0  }
0x286: {  	[sflag:s1] =	ssyncadd.s32 $0xFFFFE000  }
0x287: {  	[spmem:s4] =	stream.indirect.scatter.add.f32 [tilespmem:s6], [sflag:$0x7], $0x40, s18, s25, $0xb8;
	[tilespmem:$0x1E010] =	vst v63  }
0x288: {  	_ =	swait.ge [sflag:s7], $0x2000  }
0x289: {  	s19 =	sld [smem:$0x7C9]  }
0x28a: {  	[sflag:s7] =	ssyncset.done $0x0  }
0x28b: {  	[sflag:s7] =	ssyncadd.s32 $0xFFFFE000  }
0x28c: {  	[tilespmem:s26], [sflag:$0x1] =	stream.indirect.gather [spmem:s3], $0x40, s19, s25, $0xb8;
	[tilespmem:$0x1E010] =	vst v63  }
0x28d: {  	_ =	swait.ge [sflag:s9], $0x2000  }
0x28e: {  	s24 =	sld [smem:$0x7CA]  }
0x28f: {  	[sflag:s9] =	ssyncset.done $0x0  }
0x290: {  	[sflag:s9] =	ssyncadd.s32 $0xFFFFE000  }
0x291: {  	[spmem:s4] =	stream.indirect.scatter.add.f32 [tilespmem:s0], [sflag:$0x8], $0x40, s24, s25, $0xb8;
	[tilespmem:$0x1E010] =	vst v63  }
0x292: {  	_ =	swait.ge [sflag:s10], $0x2000  }
0x293: {  	s13 =	sld [smem:$0x7CB]  }
0x294: {  	[sflag:s10] =	ssyncset.done $0x0  }
0x295: {  	[sflag:s10] =	ssyncadd.s32 $0xFFFFE000  }
0x296: {  	[tilespmem:s29], [sflag:$0x2] =	stream.indirect.gather [spmem:s3], $0x40, s13, s25, $0xb8;
	[tilespmem:$0x1E010] =	vst v63  }
0x297: {  	_ =	swait.ge [sflag:s28], $0x2000  }
0x298: {  	s16 =	sld [smem:$0x7CD]  }
0x299: {  	[sflag:s28] =	ssyncset.done $0x0  }
0x29a: {  	[sflag:s28] =	ssyncadd.s32 $0xFFFFE000  }
0x29b: {  	[spmem:s4] =	stream.indirect.scatter.add.f32 [tilespmem:s26], [sflag:$0x5], $0x40, s16, s25, $0xb8;
	[tilespmem:$0x1E010] =	vst v63  }
0x29c: {  	_ =	swait.ge [sflag:s11], $0x2000  }
0x29d: {  	s17 =	sld [smem:$0x7DD]  }
0x29e: {  	[sflag:s11] =	ssyncset.done $0x0  }
0x29f: {  	[sflag:s11] =	ssyncadd.s32 $0xFFFFE000  }
0x2a0: {  	[tilespmem:s6], [sflag:$0x3] =	stream.indirect.gather [spmem:s3], $0x40, s17, s25, $0xb8;
	[tilespmem:$0x1E010] =	vst v63  }
0x2a1: {  	_ =	swait.ge [sflag:s30], $0x2000  }
0x2a2: {  	s18 =	sld [smem:$0x7DE]  }
0x2a3: {  	[sflag:s30] =	ssyncset.done $0x0  }
0x2a4: {  	[sflag:s30] =	ssyncadd.s32 $0xFFFFE000  }
0x2a5: {  	[spmem:s4] =	stream.indirect.scatter.add.f32 [tilespmem:s29], [sflag:$0x6], $0x40, s18, s25, $0xb8;
	[tilespmem:$0x1E010] =	vst v63  }
0x2a6: {  	_ =	swait.ge [sflag:s12], $0x2000  }
0x2a7: {  	s19 =	sld [smem:$0x7DF]  }
0x2a8: {  	[sflag:s12] =	ssyncset.done $0x0  }
0x2a9: {  	[sflag:s12] =	ssyncadd.s32 $0xFFFFE000  }
0x2aa: {  	[tilespmem:s0], [sflag:$0x4] =	stream.indirect.gather [spmem:s3], $0x40, s19, s25, $0xb8;
	[tilespmem:$0x1E010] =	vst v63  }
0x2ab: {  	_ =	swait.ge [sflag:s1], $0x2000  }
0x2ac: {  	s24 =	sld [smem:$0x7E0]  }
0x2ad: {  	[sflag:s1] =	ssyncset.done $0x0  }
0x2ae: {  	[sflag:s1] =	ssyncadd.s32 $0xFFFFE000  }
0x2af: {  	[spmem:s4] =	stream.indirect.scatter.add.f32 [tilespmem:s6], [sflag:$0x7], $0x40, s24, s25, $0xb8;
	[tilespmem:$0x1E010] =	vst v63  }
0x2b0: {  	_ =	swait.ge [sflag:s9], $0x2000  }
0x2b1: {  	[sflag:s9] =	ssyncset.done $0x0  }
0x2b2: {  	s15 =	simm.s32 $0x20;
	s18 =	sld [smem:$0x7E1];
	[sflag:s9] =	ssyncadd.s32 $0xFFFFE000  }
.LBB2_20:
0x2b3: {  	_ = 	snop  }
0x2b4: {  	s17 =	smov.u32 s15  }
0x2b5: {  	[spmem:s4] =	stream.indirect.scatter.add.f32 [tilespmem:s0], [sflag:$0x8], $0x40, s18, s25, $0xb8;
	[tilespmem:$0x1E010] =	vst v63  }
0x2b6: {  	p2 =	seq.s32 s17, $0x0;
	_ =	swait.ge [sflag:s31], $0x1000  }
0x2b7: {  	s19 =	simm.s32 @p2 $0x80;
	s18 =	simm.s32 @p2 $0x1C000;
	[sflag:s31] =	ssyncset.done $0x0  }
0x2b8: {  	s16 =	simm.s32 @p2 $0x14000;
	s24 =	simm.s32 @!p2 $0x5;
	[sflag:s31] =	ssyncadd.s32 $0xFFFFF000  }
0x2b9: {  	[tilespmem:s16], [sflag:$0x1] =	stream.indirect.gather @p2 [spmem:s3], $0x40, s18, s19, $0xb8;
	[tilespmem:$0x1E010] =	vst v63  }
0x2ba: {  	_ =	swait.ge @!p2 [sflag:s24], $0x2000  }
0x2bb: {  	s13 =	simm.s32 @!p2 $0x1C000;
	s16 =	simm.s32 @!p2 $0x14000;
	[sflag:s24] =	ssyncset.done @!p2 $0x0  }
0x2bc: {  	s18 =	simm.s32 @!p2 $0x80;
	[sflag:s24] =	ssyncadd.s32 @!p2 $0xFFFFE000;
	s24 =	simm.s32 @!p2 $0x6  }
0x2bd: {  	[tilespmem:s16], [sflag:$0x1] =	stream.indirect.gather @!p2 [spmem:s3], $0x40, s13, s18, $0xb8;
	[tilespmem:$0x1E010] =	vst v63  }
0x2be: {  	_ =	swait.ge @!p2 [sflag:s24], $0x2000  }
0x2bf: {  	[sflag:s24] =	ssyncset.done @!p2 $0x0  }
0x2c0: {  	s16 =	rddreg [dreg:$0x7];
	[sflag:s24] =	ssyncadd.s32 @!p2 $0xFFFFE000  }
0x2c1: {  	[tilespmem:s29], [sflag:$0x2] =	stream.indirect.gather [spmem:s3], $0x40, s16, s25, $0xb8;
	[tilespmem:$0x1E010] =	vst v63  }
0x2c2: {  	_ =	swait.ge [sflag:s28], $0x2000  }
0x2c3: {  	[sflag:s28] =	ssyncset.done $0x0  }
0x2c4: {  	s13 =	rddreg [dreg:$0x8];
	[sflag:s28] =	ssyncadd.s32 $0xFFFFE000  }
0x2c5: {  	[spmem:s4] =	stream.indirect.scatter.add.f32 [tilespmem:s26], [sflag:$0x5], $0x40, s13, s25, $0xb8;
	[tilespmem:$0x1E010] =	vst v63  }
0x2c6: {  	s24 =	simm.s32 @p2 $0x18000;
	s16 =	simm.s32 @p2 $0x1C200;
	s13 =	simm.s32 @p2 $0x2  }
0x2c7: {  	[tilespmem:s24], [sflag:$0x3] =	stream.indirect.gather @p2 [spmem:s3], $0x40, s16, s19, $0xb8;
	[tilespmem:$0x1E010] =	vst v63  }
0x2c8: {  	_ =	swait.ge @p2 [sflag:s13], $0x2000  }
0x2c9: {  	s16 =	simm.s32 @p2 $0x1C180;
	[sflag:s13] =	ssyncset.done @p2 $0x0  }
0x2ca: {  	s24 =	simm.s32 @p2 $0x16000;
	[sflag:s13] =	ssyncadd.s32 @p2 $0xFFFFE000;
	s13 =	simm.s32 @!p2 $0x7  }
0x2cb: {  	[spmem:s4] =	stream.indirect.scatter.add.f32 @p2 [tilespmem:s24], [sflag:$0x6], $0x40, s16, s19, $0xb8;
	[tilespmem:$0x1E010] =	vst v63  }
0x2cc: {  	_ =	swait.ge @!p2 [sflag:s13], $0x2000  }
0x2cd: {  	s16 =	simm.s32 @!p2 $0x1C200;
	[sflag:s13] =	ssyncset.done @!p2 $0x0  }
0x2ce: {  	s19 =	simm.s32 @!p2 $0x18000;
	[sflag:s13] =	ssyncadd.s32 @!p2 $0xFFFFE000;
	s13 =	simm.s32 @!p2 $0x2  }
0x2cf: {  	[tilespmem:s19], [sflag:$0x3] =	stream.indirect.gather @!p2 [spmem:s3], $0x40, s16, s18, $0xb8;
	[tilespmem:$0x1E010] =	vst v63  }
0x2d0: {  	_ =	swait.ge @!p2 [sflag:s13], $0x2000  }
0x2d1: {  	s16 =	simm.s32 @!p2 $0x1C180;
	[sflag:s13] =	ssyncset.done @!p2 $0x0  }
0x2d2: {  	s19 =	simm.s32 @!p2 $0x16000;
	[sflag:s13] =	ssyncadd.s32 @!p2 $0xFFFFE000;
	s13 =	simm.s32 @!p2 $0x8  }
0x2d3: {  	[spmem:s4] =	stream.indirect.scatter.add.f32 @!p2 [tilespmem:s19], [sflag:$0x6], $0x40, s16, s18, $0xb8;
	[tilespmem:$0x1E010] =	vst v63  }
0x2d4: {  	_ =	swait.ge @!p2 [sflag:s13], $0x2000  }
0x2d5: {  	[sflag:s13] =	ssyncset.done @!p2 $0x0  }
0x2d6: {  	s24 =	rddreg [dreg:$0x9];
	[sflag:s13] =	ssyncadd.s32 @!p2 $0xFFFFE000  }
0x2d7: {  	[tilespmem:s0], [sflag:$0x4] =	stream.indirect.gather [spmem:s3], $0x40, s24, s25, $0xb8;
	[tilespmem:$0x1E010] =	vst v63  }
0x2d8: {  	_ =	swait.ge [sflag:s1], $0x2000  }
0x2d9: {  	[sflag:s1] =	ssyncset.done $0x0  }
0x2da: {  	s16 =	rddreg [dreg:$0xa];
	[sflag:s1] =	ssyncadd.s32 $0xFFFFE000  }
0x2db: {  	[spmem:s4] =	stream.indirect.scatter.add.f32 [tilespmem:s6], [sflag:$0x7], $0x40, s16, s25, $0xb8;
	[tilespmem:$0x1E010] =	vst v63  }
0x2dc: {  	_ =	swait.ge [sflag:s7], $0x2000  }
0x2dd: {  	[sflag:s7] =	ssyncset.done $0x0  }
0x2de: {  	s20 =	sadd.s32 $0x400, s20;
	[sflag:s7] =	ssyncadd.s32 $0xFFFFE000  }
0x2df: {  	[tilespmem:s8], [sflag:$0xA] =	stream.linear.gather [hbm4b:s20+s5], $0x1000, $0x38;
	[tilespmem:$0x1E010] =	vst v63  }
0x2e0: {  	s18 =	rddreg [dreg:$0xb]  }
0x2e1: {  	[tilespmem:s26], [sflag:$0x1] =	stream.indirect.gather [spmem:s3], $0x40, s18, s25, $0xb8;
	[tilespmem:$0x1E010] =	vst v63  }
0x2e2: {  	_ =	swait.ge [sflag:s9], $0x2000  }
0x2e3: {  	[sflag:s9] =	ssyncset.done $0x0  }
0x2e4: {  	s19 =	rddreg [dreg:$0xc];
	[sflag:s9] =	ssyncadd.s32 $0xFFFFE000  }
0x2e5: {  	[spmem:s4] =	stream.indirect.scatter.add.f32 [tilespmem:s0], [sflag:$0x8], $0x40, s19, s25, $0xb8;
	[tilespmem:$0x1E010] =	vst v63  }
0x2e6: {  	_ =	swait.ge [sflag:s10], $0x2000  }
0x2e7: {  	[sflag:s10] =	ssyncset.done $0x0  }
0x2e8: {  	s24 =	rddreg [dreg:$0xd];
	[sflag:s10] =	ssyncadd.s32 $0xFFFFE000  }
0x2e9: {  	[tilespmem:s29], [sflag:$0x2] =	stream.indirect.gather [spmem:s3], $0x40, s24, s25, $0xb8;
	[tilespmem:$0x1E010] =	vst v63  }
0x2ea: {  	_ =	swait.ge [sflag:s28], $0x2000  }
0x2eb: {  	[sflag:s28] =	ssyncset.done $0x0  }
0x2ec: {  	s16 =	rddreg [dreg:$0xe];
	[sflag:s28] =	ssyncadd.s32 $0xFFFFE000  }
0x2ed: {  	[spmem:s4] =	stream.indirect.scatter.add.f32 [tilespmem:s26], [sflag:$0x5], $0x40, s16, s25, $0xb8;
	[tilespmem:$0x1E010] =	vst v63  }
0x2ee: {  	_ =	swait.ge [sflag:s11], $0x2000  }
0x2ef: {  	[sflag:s11] =	ssyncset.done $0x0  }
0x2f0: {  	s18 =	rddreg [dreg:$0xf];
	[sflag:s11] =	ssyncadd.s32 $0xFFFFE000  }
0x2f1: {  	[tilespmem:s6], [sflag:$0x3] =	stream.indirect.gather [spmem:s3], $0x40, s18, s25, $0xb8;
	[tilespmem:$0x1E010] =	vst v63  }
0x2f2: {  	_ =	swait.ge [sflag:s30], $0x2000  }
0x2f3: {  	[sflag:s30] =	ssyncset.done $0x0  }
0x2f4: {  	s19 =	rddreg [dreg:$0x10];
	[sflag:s30] =	ssyncadd.s32 $0xFFFFE000  }
0x2f5: {  	[spmem:s4] =	stream.indirect.scatter.add.f32 [tilespmem:s29], [sflag:$0x6], $0x40, s19, s25, $0xb8;
	[tilespmem:$0x1E010] =	vst v63  }
0x2f6: {  	_ =	swait.ge [sflag:s12], $0x2000  }
0x2f7: {  	[sflag:s12] =	ssyncset.done $0x0  }
0x2f8: {  	s24 =	rddreg [dreg:$0x11];
	[sflag:s12] =	ssyncadd.s32 $0xFFFFE000  }
0x2f9: {  	[tilespmem:s0], [sflag:$0x4] =	stream.indirect.gather [spmem:s3], $0x40, s24, s25, $0xb8;
	[tilespmem:$0x1E010] =	vst v63  }
0x2fa: {  	_ =	swait.ge [sflag:s1], $0x2000  }
0x2fb: {  	[sflag:s1] =	ssyncset.done $0x0  }
0x2fc: {  	s16 =	rddreg [dreg:$0x12];
	[sflag:s1] =	ssyncadd.s32 $0xFFFFE000  }
0x2fd: {  	[spmem:s4] =	stream.indirect.scatter.add.f32 [tilespmem:s6], [sflag:$0x7], $0x40, s16, s25, $0xb8;
	[tilespmem:$0x1E010] =	vst v63  }
0x2fe: {  	_ =	swait.ge [sflag:s7], $0x2000  }
0x2ff: {  	[sflag:s7] =	ssyncset.done $0x0  }
0x300: {  	s18 =	rddreg [dreg:$0x13];
	[sflag:s7] =	ssyncadd.s32 $0xFFFFE000  }
0x301: {  	[tilespmem:s26], [sflag:$0x1] =	stream.indirect.gather [spmem:s3], $0x40, s18, s25, $0xb8;
	[tilespmem:$0x1E010] =	vst v63  }
0x302: {  	_ =	swait.ge [sflag:s9], $0x2000  }
0x303: {  	[sflag:s9] =	ssyncset.done $0x0  }
0x304: {  	s19 =	rddreg [dreg:$0x14];
	[sflag:s9] =	ssyncadd.s32 $0xFFFFE000  }
0x305: {  	[spmem:s4] =	stream.indirect.scatter.add.f32 [tilespmem:s0], [sflag:$0x8], $0x40, s19, s25, $0xb8;
	[tilespmem:$0x1E010] =	vst v63  }
0x306: {  	_ =	swait.ge [sflag:s10], $0x2000  }
0x307: {  	[sflag:s10] =	ssyncset.done $0x0  }
0x308: {  	s24 =	rddreg [dreg:$0x15];
	[sflag:s10] =	ssyncadd.s32 $0xFFFFE000  }
0x309: {  	[tilespmem:s29], [sflag:$0x2] =	stream.indirect.gather [spmem:s3], $0x40, s24, s25, $0xb8;
	[tilespmem:$0x1E010] =	vst v63  }
0x30a: {  	_ =	swait.ge [sflag:s28], $0x2000  }
0x30b: {  	[sflag:s28] =	ssyncset.done $0x0  }
0x30c: {  	s16 =	rddreg [dreg:$0x16];
	[sflag:s28] =	ssyncadd.s32 $0xFFFFE000  }
0x30d: {  	[spmem:s4] =	stream.indirect.scatter.add.f32 [tilespmem:s26], [sflag:$0x5], $0x40, s16, s25, $0xb8;
	[tilespmem:$0x1E010] =	vst v63  }
0x30e: {  	_ =	swait.ge [sflag:s11], $0x2000  }
0x30f: {  	[sflag:s11] =	ssyncset.done $0x0  }
0x310: {  	s18 =	rddreg [dreg:$0x17];
	[sflag:s11] =	ssyncadd.s32 $0xFFFFE000  }
0x311: {  	[tilespmem:s6], [sflag:$0x3] =	stream.indirect.gather [spmem:s3], $0x40, s18, s25, $0xb8;
	[tilespmem:$0x1E010] =	vst v63  }
0x312: {  	_ =	swait.ge [sflag:s30], $0x2000  }
0x313: {  	[sflag:s30] =	ssyncset.done $0x0  }
0x314: {  	s19 =	rddreg [dreg:$0x18];
	[sflag:s30] =	ssyncadd.s32 $0xFFFFE000  }
0x315: {  	[spmem:s4] =	stream.indirect.scatter.add.f32 [tilespmem:s29], [sflag:$0x6], $0x40, s19, s25, $0xb8;
	[tilespmem:$0x1E010] =	vst v63  }
0x316: {  	_ =	swait.ge [sflag:s12], $0x2000  }
0x317: {  	[sflag:s12] =	ssyncset.done $0x0  }
0x318: {  	s24 =	rddreg [dreg:$0x19];
	[sflag:s12] =	ssyncadd.s32 $0xFFFFE000  }
0x319: {  	[tilespmem:s0], [sflag:$0x4] =	stream.indirect.gather [spmem:s3], $0x40, s24, s25, $0xb8;
	[tilespmem:$0x1E010] =	vst v63  }
0x31a: {  	_ =	swait.ge [sflag:s1], $0x2000  }
0x31b: {  	[sflag:s1] =	ssyncset.done $0x0  }
0x31c: {  	s16 =	rddreg [dreg:$0x1a];
	[sflag:s1] =	ssyncadd.s32 $0xFFFFE000  }
0x31d: {  	[spmem:s4] =	stream.indirect.scatter.add.f32 [tilespmem:s6], [sflag:$0x7], $0x40, s16, s25, $0xb8;
	[tilespmem:$0x1E010] =	vst v63  }
0x31e: {  	_ =	swait.ge [sflag:s7], $0x2000  }
0x31f: {  	[sflag:s7] =	ssyncset.done $0x0  }
0x320: {  	s18 =	rddreg [dreg:$0x1b];
	[sflag:s7] =	ssyncadd.s32 $0xFFFFE000  }
0x321: {  	[tilespmem:s26], [sflag:$0x1] =	stream.indirect.gather [spmem:s3], $0x40, s18, s25, $0xb8;
	[tilespmem:$0x1E010] =	vst v63  }
0x322: {  	_ =	swait.ge [sflag:s9], $0x2000  }
0x323: {  	[sflag:s9] =	ssyncset.done $0x0  }
0x324: {  	s19 =	rddreg [dreg:$0x1c];
	[sflag:s9] =	ssyncadd.s32 $0xFFFFE000  }
0x325: {  	[spmem:s4] =	stream.indirect.scatter.add.f32 [tilespmem:s0], [sflag:$0x8], $0x40, s19, s25, $0xb8;
	[tilespmem:$0x1E010] =	vst v63  }
0x326: {  	_ =	swait.ge [sflag:s10], $0x2000  }
0x327: {  	[sflag:s10] =	ssyncset.done $0x0  }
0x328: {  	s24 =	rddreg [dreg:$0x1d];
	[sflag:s10] =	ssyncadd.s32 $0xFFFFE000  }
0x329: {  	[tilespmem:s29], [sflag:$0x2] =	stream.indirect.gather [spmem:s3], $0x40, s24, s25, $0xb8;
	[tilespmem:$0x1E010] =	vst v63  }
0x32a: {  	_ =	swait.ge [sflag:s28], $0x2000  }
0x32b: {  	[sflag:s28] =	ssyncset.done $0x0  }
0x32c: {  	s16 =	rddreg [dreg:$0x1e];
	[sflag:s28] =	ssyncadd.s32 $0xFFFFE000  }
0x32d: {  	[spmem:s4] =	stream.indirect.scatter.add.f32 [tilespmem:s26], [sflag:$0x5], $0x40, s16, s25, $0xb8;
	[tilespmem:$0x1E010] =	vst v63  }
0x32e: {  	_ =	swait.ge [sflag:s11], $0x2000  }
0x32f: {  	[sflag:s11] =	ssyncset.done $0x0  }
0x330: {  	s18 =	rddreg [dreg:$0x1f];
	[sflag:s11] =	ssyncadd.s32 $0xFFFFE000  }
0x331: {  	[tilespmem:s6], [sflag:$0x3] =	stream.indirect.gather [spmem:s3], $0x40, s18, s25, $0xb8;
	[tilespmem:$0x1E010] =	vst v63  }
0x332: {  	_ =	swait.ge [sflag:s30], $0x2000  }
0x333: {  	s19 =	sld [smem:$0x7AF]  }
0x334: {  	[sflag:s30] =	ssyncset.done $0x0  }
0x335: {  	[sflag:s30] =	ssyncadd.s32 $0xFFFFE000  }
0x336: {  	[spmem:s4] =	stream.indirect.scatter.add.f32 [tilespmem:s29], [sflag:$0x6], $0x40, s19, s25, $0xb8;
	[tilespmem:$0x1E010] =	vst v63  }
0x337: {  	_ =	swait.ge [sflag:s12], $0x2000  }
0x338: {  	s24 =	sld [smem:$0x7B0]  }
0x339: {  	[sflag:s12] =	ssyncset.done $0x0  }
0x33a: {  	[sflag:s12] =	ssyncadd.s32 $0xFFFFE000  }
0x33b: {  	[tilespmem:s0], [sflag:$0x4] =	stream.indirect.gather [spmem:s3], $0x40, s24, s25, $0xb8;
	[tilespmem:$0x1E010] =	vst v63  }
0x33c: {  	_ =	swait.ge [sflag:s1], $0x2000  }
0x33d: {  	s16 =	sld [smem:$0x7B1]  }
0x33e: {  	[sflag:s1] =	ssyncset.done $0x0  }
0x33f: {  	[sflag:s1] =	ssyncadd.s32 $0xFFFFE000  }
0x340: {  	[spmem:s4] =	stream.indirect.scatter.add.f32 [tilespmem:s6], [sflag:$0x7], $0x40, s16, s25, $0xb8;
	[tilespmem:$0x1E010] =	vst v63  }
0x341: {  	_ =	swait.ge [sflag:s9], $0x2000  }
0x342: {  	s18 =	sld [smem:$0x7B2]  }
0x343: {  	[sflag:s9] =	ssyncset.done $0x0  }
0x344: {  	[sflag:s9] =	ssyncadd.s32 $0xFFFFE000  }
0x345: {  	[spmem:s4] =	stream.indirect.scatter.add.f32 [tilespmem:s0], [sflag:$0x8], $0x40, s18, s25, $0xb8;
	[tilespmem:$0x1E010] =	vst v63  }
0x346: {  	_ =	swait.ge [sflag:s22], $0x1000  }
0x347: {  	[sflag:s22] =	ssyncset.done $0x0  }
0x348: {  	[sflag:s22] =	ssyncadd.s32 $0xFFFFF000  }
0x349: {  	_ =	swait.ge [sflag:s7], $0x2000  }
0x34a: {  	[sflag:s7] =	ssyncset.done $0x0  }
0x34b: {  	[sflag:s7] =	ssyncadd.s32 $0xFFFFE000  }
0x34c: {  	[tilespmem:s26], [sflag:$0x1] =	stream.indirect.gather [spmem:s3], $0x40, s8, s25, $0xb8;
	[tilespmem:$0x1E010] =	vst v63  }
0x34d: {  	_ =	swait.ge [sflag:s10], $0x2000  }
0x34e: {  	s19 =	sld [smem:$0x7B3]  }
0x34f: {  	[sflag:s10] =	ssyncset.done $0x0  }
0x350: {  	[sflag:s10] =	ssyncadd.s32 $0xFFFFE000  }
0x351: {  	[tilespmem:s29], [sflag:$0x2] =	stream.indirect.gather [spmem:s3], $0x40, s19, s25, $0xb8;
	[tilespmem:$0x1E010] =	vst v63  }
0x352: {  	_ =	swait.ge [sflag:s28], $0x2000  }
0x353: {  	s24 =	sld [smem:$0x7B4]  }
0x354: {  	[sflag:s28] =	ssyncset.done $0x0  }
0x355: {  	[sflag:s28] =	ssyncadd.s32 $0xFFFFE000  }
0x356: {  	[spmem:s4] =	stream.indirect.scatter.add.f32 [tilespmem:s26], [sflag:$0x5], $0x40, s24, s25, $0xb8;
	[tilespmem:$0x1E010] =	vst v63  }
0x357: {  	_ =	swait.ge [sflag:s11], $0x2000  }
0x358: {  	s16 =	sld [smem:$0x7B5]  }
0x359: {  	[sflag:s11] =	ssyncset.done $0x0  }
0x35a: {  	[sflag:s11] =	ssyncadd.s32 $0xFFFFE000  }
0x35b: {  	[tilespmem:s6], [sflag:$0x3] =	stream.indirect.gather [spmem:s3], $0x40, s16, s25, $0xb8;
	[tilespmem:$0x1E010] =	vst v63  }
0x35c: {  	_ =	swait.ge [sflag:s30], $0x2000  }
0x35d: {  	s18 =	sld [smem:$0x7B6]  }
0x35e: {  	[sflag:s30] =	ssyncset.done $0x0  }
0x35f: {  	[sflag:s30] =	ssyncadd.s32 $0xFFFFE000  }
0x360: {  	[spmem:s4] =	stream.indirect.scatter.add.f32 [tilespmem:s29], [sflag:$0x6], $0x40, s18, s25, $0xb8;
	[tilespmem:$0x1E010] =	vst v63  }
0x361: {  	_ =	swait.ge [sflag:s12], $0x2000  }
0x362: {  	s19 =	sld [smem:$0x7B7]  }
0x363: {  	[sflag:s12] =	ssyncset.done $0x0  }
0x364: {  	[sflag:s12] =	ssyncadd.s32 $0xFFFFE000  }
0x365: {  	[tilespmem:s0], [sflag:$0x4] =	stream.indirect.gather [spmem:s3], $0x40, s19, s25, $0xb8;
	[tilespmem:$0x1E010] =	vst v63  }
0x366: {  	_ =	swait.ge [sflag:s1], $0x2000  }
0x367: {  	s24 =	sld [smem:$0x7B8]  }
0x368: {  	[sflag:s1] =	ssyncset.done $0x0  }
0x369: {  	[sflag:s1] =	ssyncadd.s32 $0xFFFFE000  }
0x36a: {  	[spmem:s4] =	stream.indirect.scatter.add.f32 [tilespmem:s6], [sflag:$0x7], $0x40, s24, s25, $0xb8;
	[tilespmem:$0x1E010] =	vst v63  }
0x36b: {  	_ =	swait.ge [sflag:s7], $0x2000  }
0x36c: {  	s16 =	rddreg [dreg:$0x6]  }
0x36d: {  	s13 =	sadd.s32 s17, s16  }
0x36e: {  	p2 =	slt.s32 s13, $0x9F0  }
0x36f: {  	s13 =	simm.s32 @!p2 $0x9F0  }
0x370: {  	[sflag:s7] =	ssyncset.done $0x0;
	s13 =	sshll.u32 s13, $0x5  }
0x371: {  	[sflag:s7] =	ssyncadd.s32 $0xFFFFE000;
	s17 =	sld [smem:$0x7B9];
	s13 =	sadd.s32 s2, s13  }
0x372: {  	[tilespmem:s21], [sflag:$0x9] =	stream.linear.gather [hbm4b:s13+s5], $0x1000, $0x38;
	[tilespmem:$0x1E010] =	vst v63  }
0x373: {  	_ = 	snop  }
0x374: {  	[tilespmem:s26], [sflag:$0x1] =	stream.indirect.gather [spmem:s3], $0x40, s17, s25, $0xb8;
	[tilespmem:$0x1E010] =	vst v63  }
0x375: {  	_ =	swait.ge [sflag:s9], $0x2000  }
0x376: {  	s18 =	sld [smem:$0x7BA]  }
0x377: {  	[sflag:s9] =	ssyncset.done $0x0  }
0x378: {  	[sflag:s9] =	ssyncadd.s32 $0xFFFFE000  }
0x379: {  	[spmem:s4] =	stream.indirect.scatter.add.f32 [tilespmem:s0], [sflag:$0x8], $0x40, s18, s25, $0xb8;
	[tilespmem:$0x1E010] =	vst v63  }
0x37a: {  	_ =	swait.ge [sflag:s10], $0x2000  }
0x37b: {  	s19 =	sld [smem:$0x7BB]  }
0x37c: {  	[sflag:s10] =	ssyncset.done $0x0  }
0x37d: {  	[sflag:s10] =	ssyncadd.s32 $0xFFFFE000  }
0x37e: {  	[tilespmem:s29], [sflag:$0x2] =	stream.indirect.gather [spmem:s3], $0x40, s19, s25, $0xb8;
	[tilespmem:$0x1E010] =	vst v63  }
0x37f: {  	_ =	swait.ge [sflag:s28], $0x2000  }
0x380: {  	s24 =	sld [smem:$0x7BC]  }
0x381: {  	[sflag:s28] =	ssyncset.done $0x0  }
0x382: {  	[sflag:s28] =	ssyncadd.s32 $0xFFFFE000  }
0x383: {  	[spmem:s4] =	stream.indirect.scatter.add.f32 [tilespmem:s26], [sflag:$0x5], $0x40, s24, s25, $0xb8;
	[tilespmem:$0x1E010] =	vst v63  }
0x384: {  	_ =	swait.ge [sflag:s11], $0x2000  }
0x385: {  	s16 =	sld [smem:$0x7BD]  }
0x386: {  	[sflag:s11] =	ssyncset.done $0x0  }
0x387: {  	[sflag:s11] =	ssyncadd.s32 $0xFFFFE000  }
0x388: {  	[tilespmem:s6], [sflag:$0x3] =	stream.indirect.gather [spmem:s3], $0x40, s16, s25, $0xb8;
	[tilespmem:$0x1E010] =	vst v63  }
0x389: {  	_ =	swait.ge [sflag:s30], $0x2000  }
0x38a: {  	s17 =	sld [smem:$0x7BE]  }
0x38b: {  	[sflag:s30] =	ssyncset.done $0x0  }
0x38c: {  	[sflag:s30] =	ssyncadd.s32 $0xFFFFE000  }
0x38d: {  	[spmem:s4] =	stream.indirect.scatter.add.f32 [tilespmem:s29], [sflag:$0x6], $0x40, s17, s25, $0xb8;
	[tilespmem:$0x1E010] =	vst v63  }
0x38e: {  	_ =	swait.ge [sflag:s12], $0x2000  }
0x38f: {  	s18 =	sld [smem:$0x7BF]  }
0x390: {  	[sflag:s12] =	ssyncset.done $0x0  }
0x391: {  	[sflag:s12] =	ssyncadd.s32 $0xFFFFE000  }
0x392: {  	[tilespmem:s0], [sflag:$0x4] =	stream.indirect.gather [spmem:s3], $0x40, s18, s25, $0xb8;
	[tilespmem:$0x1E010] =	vst v63  }
0x393: {  	_ =	swait.ge [sflag:s1], $0x2000  }
0x394: {  	s19 =	sld [smem:$0x7C0]  }
0x395: {  	[sflag:s1] =	ssyncset.done $0x0  }
0x396: {  	[sflag:s1] =	ssyncadd.s32 $0xFFFFE000  }
0x397: {  	[spmem:s4] =	stream.indirect.scatter.add.f32 [tilespmem:s6], [sflag:$0x7], $0x40, s19, s25, $0xb8;
	[tilespmem:$0x1E010] =	vst v63  }
0x398: {  	_ =	swait.ge [sflag:s7], $0x2000  }
0x399: {  	s24 =	sld [smem:$0x7C1]  }
0x39a: {  	[sflag:s7] =	ssyncset.done $0x0  }
0x39b: {  	[sflag:s7] =	ssyncadd.s32 $0xFFFFE000  }
0x39c: {  	[tilespmem:s26], [sflag:$0x1] =	stream.indirect.gather [spmem:s3], $0x40, s24, s25, $0xb8;
	[tilespmem:$0x1E010] =	vst v63  }
0x39d: {  	_ =	swait.ge [sflag:s9], $0x2000  }
0x39e: {  	s16 =	sld [smem:$0x7C2]  }
0x39f: {  	[sflag:s9] =	ssyncset.done $0x0  }
0x3a0: {  	[sflag:s9] =	ssyncadd.s32 $0xFFFFE000  }
0x3a1: {  	[spmem:s4] =	stream.indirect.scatter.add.f32 [tilespmem:s0], [sflag:$0x8], $0x40, s16, s25, $0xb8;
	[tilespmem:$0x1E010] =	vst v63  }
0x3a2: {  	_ =	swait.ge [sflag:s10], $0x2000  }
0x3a3: {  	s17 =	sld [smem:$0x7C3]  }
0x3a4: {  	[sflag:s10] =	ssyncset.done $0x0  }
0x3a5: {  	[sflag:s10] =	ssyncadd.s32 $0xFFFFE000  }
0x3a6: {  	[tilespmem:s29], [sflag:$0x2] =	stream.indirect.gather [spmem:s3], $0x40, s17, s25, $0xb8;
	[tilespmem:$0x1E010] =	vst v63  }
0x3a7: {  	_ =	swait.ge [sflag:s28], $0x2000  }
0x3a8: {  	s18 =	sld [smem:$0x7C4]  }
0x3a9: {  	[sflag:s28] =	ssyncset.done $0x0  }
0x3aa: {  	[sflag:s28] =	ssyncadd.s32 $0xFFFFE000  }
0x3ab: {  	[spmem:s4] =	stream.indirect.scatter.add.f32 [tilespmem:s26], [sflag:$0x5], $0x40, s18, s25, $0xb8;
	[tilespmem:$0x1E010] =	vst v63  }
0x3ac: {  	_ =	swait.ge [sflag:s11], $0x2000  }
0x3ad: {  	s19 =	sld [smem:$0x7C5]  }
0x3ae: {  	[sflag:s11] =	ssyncset.done $0x0  }
0x3af: {  	[sflag:s11] =	ssyncadd.s32 $0xFFFFE000  }
0x3b0: {  	[tilespmem:s6], [sflag:$0x3] =	stream.indirect.gather [spmem:s3], $0x40, s19, s25, $0xb8;
	[tilespmem:$0x1E010] =	vst v63  }
0x3b1: {  	_ =	swait.ge [sflag:s30], $0x2000  }
0x3b2: {  	s24 =	sld [smem:$0x7C6]  }
0x3b3: {  	[sflag:s30] =	ssyncset.done $0x0  }
0x3b4: {  	[sflag:s30] =	ssyncadd.s32 $0xFFFFE000  }
0x3b5: {  	[spmem:s4] =	stream.indirect.scatter.add.f32 [tilespmem:s29], [sflag:$0x6], $0x40, s24, s25, $0xb8;
	[tilespmem:$0x1E010] =	vst v63  }
0x3b6: {  	_ =	swait.ge [sflag:s12], $0x2000  }
0x3b7: {  	s16 =	sld [smem:$0x7C7]  }
0x3b8: {  	[sflag:s12] =	ssyncset.done $0x0  }
0x3b9: {  	[sflag:s12] =	ssyncadd.s32 $0xFFFFE000  }
0x3ba: {  	[tilespmem:s0], [sflag:$0x4] =	stream.indirect.gather [spmem:s3], $0x40, s16, s25, $0xb8;
	[tilespmem:$0x1E010] =	vst v63  }
0x3bb: {  	_ =	swait.ge [sflag:s1], $0x2000  }
0x3bc: {  	s17 =	sld [smem:$0x7C8]  }
0x3bd: {  	[sflag:s1] =	ssyncset.done $0x0  }
0x3be: {  	[sflag:s1] =	ssyncadd.s32 $0xFFFFE000  }
0x3bf: {  	[spmem:s4] =	stream.indirect.scatter.add.f32 [tilespmem:s6], [sflag:$0x7], $0x40, s17, s25, $0xb8;
	[tilespmem:$0x1E010] =	vst v63  }
0x3c0: {  	_ =	swait.ge [sflag:s7], $0x2000  }
0x3c1: {  	s18 =	sld [smem:$0x7C9]  }
0x3c2: {  	[sflag:s7] =	ssyncset.done $0x0  }
0x3c3: {  	[sflag:s7] =	ssyncadd.s32 $0xFFFFE000  }
0x3c4: {  	[tilespmem:s26], [sflag:$0x1] =	stream.indirect.gather [spmem:s3], $0x40, s18, s25, $0xb8;
	[tilespmem:$0x1E010] =	vst v63  }
0x3c5: {  	_ =	swait.ge [sflag:s9], $0x2000  }
0x3c6: {  	s19 =	sld [smem:$0x7CA]  }
0x3c7: {  	[sflag:s9] =	ssyncset.done $0x0  }
0x3c8: {  	[sflag:s9] =	ssyncadd.s32 $0xFFFFE000  }
0x3c9: {  	[spmem:s4] =	stream.indirect.scatter.add.f32 [tilespmem:s0], [sflag:$0x8], $0x40, s19, s25, $0xb8;
	[tilespmem:$0x1E010] =	vst v63  }
0x3ca: {  	_ =	swait.ge [sflag:s10], $0x2000  }
0x3cb: {  	s24 =	sld [smem:$0x7CB]  }
0x3cc: {  	[sflag:s10] =	ssyncset.done $0x0  }
0x3cd: {  	[sflag:s10] =	ssyncadd.s32 $0xFFFFE000  }
0x3ce: {  	[tilespmem:s29], [sflag:$0x2] =	stream.indirect.gather [spmem:s3], $0x40, s24, s25, $0xb8;
	[tilespmem:$0x1E010] =	vst v63  }
0x3cf: {  	_ =	swait.ge [sflag:s28], $0x2000  }
0x3d0: {  	s16 =	sld [smem:$0x7CD]  }
0x3d1: {  	[sflag:s28] =	ssyncset.done $0x0  }
0x3d2: {  	[sflag:s28] =	ssyncadd.s32 $0xFFFFE000  }
0x3d3: {  	[spmem:s4] =	stream.indirect.scatter.add.f32 [tilespmem:s26], [sflag:$0x5], $0x40, s16, s25, $0xb8;
	[tilespmem:$0x1E010] =	vst v63  }
0x3d4: {  	_ =	swait.ge [sflag:s11], $0x2000  }
0x3d5: {  	s17 =	sld [smem:$0x7DD]  }
0x3d6: {  	[sflag:s11] =	ssyncset.done $0x0  }
0x3d7: {  	[sflag:s11] =	ssyncadd.s32 $0xFFFFE000  }
0x3d8: {  	[tilespmem:s6], [sflag:$0x3] =	stream.indirect.gather [spmem:s3], $0x40, s17, s25, $0xb8;
	[tilespmem:$0x1E010] =	vst v63  }
0x3d9: {  	_ =	swait.ge [sflag:s30], $0x2000  }
0x3da: {  	s18 =	sld [smem:$0x7DE]  }
0x3db: {  	[sflag:s30] =	ssyncset.done $0x0  }
0x3dc: {  	[sflag:s30] =	ssyncadd.s32 $0xFFFFE000  }
0x3dd: {  	[spmem:s4] =	stream.indirect.scatter.add.f32 [tilespmem:s29], [sflag:$0x6], $0x40, s18, s25, $0xb8;
	[tilespmem:$0x1E010] =	vst v63  }
0x3de: {  	_ =	swait.ge [sflag:s12], $0x2000  }
0x3df: {  	s19 =	sld [smem:$0x7DF]  }
0x3e0: {  	[sflag:s12] =	ssyncset.done $0x0  }
0x3e1: {  	[sflag:s12] =	ssyncadd.s32 $0xFFFFE000  }
0x3e2: {  	[tilespmem:s0], [sflag:$0x4] =	stream.indirect.gather [spmem:s3], $0x40, s19, s25, $0xb8;
	[tilespmem:$0x1E010] =	vst v63  }
0x3e3: {  	_ =	swait.ge [sflag:s1], $0x2000  }
0x3e4: {  	s15 =	sadd.s32 $0x20, s15;
	s24 =	sld [smem:$0x7E0]  }
0x3e5: {  	p1 =	sne.s32 s15, $0xA0;
	[sflag:s1] =	ssyncset.done $0x0  }
.Ltmp9:
0x3e6: {  	[sflag:s1] =	ssyncadd.s32 $0xFFFFE000;
	(pc) =	sbr.rel @p1 .LBB2_20-.Ltmp9, $4  }
0x3e7: {  	[spmem:s4] =	stream.indirect.scatter.add.f32 [tilespmem:s6], [sflag:$0x7], $0x40, s24, s25, $0xb8;
	[tilespmem:$0x1E010] =	vst v63  }
0x3e8: {  	_ =	swait.ge [sflag:s9], $0x2000  }
0x3e9: {  	[sflag:s9] =	ssyncset.done $0x0  }
0x3ea: {  	s18 =	sld [smem:$0x7E1];
	[sflag:s9] =	ssyncadd.s32 $0xFFFFE000  }
0x3eb: {  	_ =	sdelay $0x1  }
0x3ec: {  	[spmem:s4] =	stream.indirect.scatter.add.f32 [tilespmem:s0], [sflag:$0x8], $0x40, s18, s25, $0xb8;
	[tilespmem:$0x1E010] =	vst v63  }
0x3ed: {  	_ =	swait.ge [sflag:s7], $0x2000  }
0x3ee: {  	[sflag:s7] =	ssyncset.done $0x0  }
0x3ef: {  	[sflag:s7] =	ssyncadd.s32 $0xFFFFE000  }
0x3f0: {  	_ =	swait.ge [sflag:s10], $0x2000  }
0x3f1: {  	[sflag:s10] =	ssyncset.done $0x0  }
0x3f2: {  	[sflag:s10] =	ssyncadd.s32 $0xFFFFE000  }
0x3f3: {  	_ =	swait.ge [sflag:s11], $0x2000  }
0x3f4: {  	[sflag:s11] =	ssyncset.done $0x0  }
0x3f5: {  	[sflag:s11] =	ssyncadd.s32 $0xFFFFE000  }
0x3f6: {  	_ =	swait.ge [sflag:s12], $0x2000  }
0x3f7: {  	[sflag:s12] =	ssyncset.done $0x0  }
0x3f8: {  	[sflag:s12] =	ssyncadd.s32 $0xFFFFE000  }
0x3f9: {  	_ =	swait.ge [sflag:s31], $0x1000  }
0x3fa: {  	[sflag:s31] =	ssyncset.done $0x0  }
0x3fb: {  	[sflag:s31] =	ssyncadd.s32 $0xFFFFF000  }
0x3fc: {  	[bflag:$0x0] =	sbarrier.arrive $0xFFFF  }
0x3fd: {  	s16 =	sld [smem:$0x7D5]  }
0x3fe: {  	s13 =	stileid.u32;
	s17 =	sld [smem:$0x7F3]  }
0x3ff: {  	s13 =	sshll.u32 s13, $0x6  }
0x400: {  	s20 =	simm.s32 $0x10;
	s15 =	sor.u32 $0x1C05, s13  }
0x401: {  	[hbm:s16@s20], [sflag:s15] =	dma.strided [spmem:s17@s12], $0x280, s28, $0x8   }
0x402: {  	s17 =	sld [smem:$0x7D6]  }
0x403: {  	s19 =	sld [smem:$0x7F4];
	_ =	sdelay $0x1  }
0x404: {  	s16 =	sor.u32 $0x1C06, s13  }
0x405: {  	[hbm:s17@s20], [sflag:s16] =	dma.strided [spmem:s19@s12], $0x280, s28, $0x8   }
0x406: {  	s18 =	sld [smem:$0x7D7]  }
0x407: {  	s19 =	sld [smem:$0x7F5];
	_ =	sdelay $0x1  }
0x408: {  	s24 =	sor.u32 $0x1C07, s13  }
0x409: {  	[hbm:s18@s20], [sflag:s24] =	dma.strided [spmem:s19@s12], $0x280, s28, $0x8   }
0x40a: {  	s18 =	sld [smem:$0x7D8]  }
0x40b: {  	s19 =	sld [smem:$0x7F6];
	_ =	sdelay $0x1  }
0x40c: {  	s13 =	sor.u32 $0x1C08, s13  }
0x40d: {  	[hbm:s18@s20], [sflag:s13] =	dma.strided [spmem:s19@s12], $0x280, s28, $0x8   }
0x40e: {  	s18 =	sld [smem:$0x7D9]  }
0x40f: {  	s19 =	sld [smem:$0x7F7];
	_ =	sdelay $0x2  }
0x410: {  	[hbm:s18@s20], [sflag:s15] =	dma.strided [spmem:s19@s12], $0x280, s28, $0x8   }
0x411: {  	s15 =	sld [smem:$0x7DA]  }
0x412: {  	s18 =	sld [smem:$0x7F8];
	_ =	sdelay $0x2  }
0x413: {  	[hbm:s15@s20], [sflag:s16] =	dma.strided [spmem:s18@s12], $0x280, s28, $0x8   }
0x414: {  	s15 =	sld [smem:$0x7DB]  }
0x415: {  	s16 =	sld [smem:$0x7F9];
	_ =	sdelay $0x2  }
0x416: {  	[hbm:s15@s20], [sflag:s24] =	dma.strided [spmem:s16@s12], $0x280, s28, $0x8   }
0x417: {  	s18 =	sld [smem:$0x7DC]  }
0x418: {  	s19 =	sld [smem:$0x7FA];
	_ =	sdelay $0x1  }
0x419: {  	s17 =	simm.s32 @!p0 $0x8;
	s15 =	simm.s32 @!p0 $0x1;
	s16 =	simm.s32 @!p0 $0x10  }
0x41a: {  	[hbm:s18@s16], [sflag:s13] =	dma.strided @!p0 [spmem:s19@s17], $0x280, s15, $0x8   }
0x41b: {  	_ =	swait.ge [sflag:s7], $0x280  }
0x41c: {  	[sflag:s7] =	ssyncset.done $0x0  }
0x41d: {  	[sflag:s7] =	ssyncadd.s32 $0xFFFFFD80  }
0x41e: {  	_ =	swait.ge [sflag:s10], $0x280  }
0x41f: {  	[sflag:s10] =	ssyncset.done $0x0  }
0x420: {  	[sflag:s10] =	ssyncadd.s32 $0xFFFFFD80  }
0x421: {  	_ =	swait.ge [sflag:s11], $0x280  }
0x422: {  	[sflag:s11] =	ssyncset.done $0x0  }
0x423: {  	[sflag:s11] =	ssyncadd.s32 $0xFFFFFD80  }
0x424: {  	_ =	swait.ge [sflag:s12], $0x280  }
0x425: {  	[sflag:s12] =	ssyncset.done $0x0  }
0x426: {  	[sflag:s12] =	ssyncadd.s32 $0xFFFFFD80  }
0x427: {  	_ =	swait.ge [sflag:s7], $0x280  }
0x428: {  	[sflag:s7] =	ssyncset.done $0x0  }
0x429: {  	[sflag:s7] =	ssyncadd.s32 $0xFFFFFD80  }
0x42a: {  	_ =	swait.ge [sflag:s10], $0x280  }
0x42b: {  	[sflag:s10] =	ssyncset.done $0x0  }
0x42c: {  	[sflag:s10] =	ssyncadd.s32 $0xFFFFFD80  }
0x42d: {  	_ =	swait.ge [sflag:s11], $0x280  }
0x42e: {  	[sflag:s11] =	ssyncset.done $0x0  }
0x42f: {  	[sflag:s11] =	ssyncadd.s32 $0xFFFFFD80  }
0x430: {  	_ =	swait.ge @!p0 [sflag:s17], $0x280  }
0x431: {  	s24 =	sld [smem:$0x7F2];
	_ =	sdelay $0x1  }
0x432: {  	s14 =	sadd.s32 $0x1, s14  }
0x433: {  	p1 =	sne.s32 s14, s24  }
.Ltmp10:
0x434: {  	_ = 	snop;
	(pc) =	sbr.rel @p1 .LBB2_1-.Ltmp10, $3  }
0x435: {  	_ =	sdelay $0x1  }
0x436: {  	[sflag:s17] =	ssyncset.done @!p0 $0x0  }
0x437: {  	s16 =	simm.s32 $0x40;
	[sflag:s17] =	ssyncadd.s32 @!p0 $0xFFFFFD80  }
0x438: {  	_ =	sfence.sel $0x180000  }
0x439: {  	[bflag:$0x0] =	sbarrier.arrive $0xFFFF  }
0x43a: {  	_ =	strace $0x90000047  }
0x43b: {  	s0 =	stileid.u32;
	[bflag:$0x2] =	sbarrier.arrive $0xFFFF  }
0x43c: {  	p0 =	sne.s32 s0, $0x0;
	s0 =	rddreg [dreg:$0x5]  }
0x43d: {  	s0 =	sadd.s32 @!p0 $0x100000, s0  }
0x43e: {  	[sflag:s0] =	ssyncadd.tile.s32 @!p0 $0x1;
	_ =	shalt  }
.Lfunc_end2:
_tile_overlayer_lowered:
.L_overlay_start_2:
0x43f: {  	(tag) =	ssettag $0x2  }
0x440: {  	s0 =	rddreg [dreg:$0x0];
	s2 =	stileid.u32  }
0x441: {  	s1 =	rddreg [dreg:$0x1];
	p0 =	sne.s32 s2, $0x0  }
0x442: {  	s3 =	rddreg [dreg:$0x2];
	[bflag:$0x3] =	sbarrier.arrive $0xFFFF;
	s2 =	simm.s32 @!p0 $0x1C0B  }
0x443: {  	[timem:s3], [sflag:s2] =	dma.local @!p0 [hbm:s0], s1  }
0x444: {  	s0 =	simm.s32 @!p0 $0xB  }
0x445: {  	_ =	swait.ge @!p0 [sflag:s0], s1  }
0x446: {  	s1 =	ssub.s32 @!p0 $0x0, s1;
	[sflag:s0] =	ssyncset.done @!p0 $0x0  }
0x447: {  	[sflag:s0] =	ssyncadd.s32 @!p0 s1  }
0x448: {  	[bflag:$0x3] =	sbarrier.arrive $0xFFFF  }
0x449: {  	_ =	shalt  }

</sc_bundles>
